<compile_context>
chip_gen: v7x
topology: tpu7x:2x2x1
jax: 0.10.2.dev20260603
libtpu: 0.0.44.dev20260713+nightly
codegen_flags: <defaults>
</compile_context>

<pallas_src>
import functools
import math

import jax
import jax.numpy as jnp
from jax import lax
from jax.experimental import pallas as pl
from jax.experimental.pallas import tpu as pltpu
from jax.experimental.pallas import tpu_sc as plsc

_GAMMA = 12.0
_ER = (_GAMMA + 2.0) / 128.0
_HEADS = 8
_HD = 32
_L = 26
_D = 256
_NE = 512
_SA = 20
_SNODE = 6
_BE = 16
_R = _BE * _L
_BS = 512

_NC, _NS = 2, 16
_NW = _NC * _NS


def _sc_gather(anchor_emb, aidx, node_emb, nidx):
    a_per = aidx.shape[0] // _NW
    n_per = nidx.shape[0] // _NW
    da = anchor_emb.shape[1]
    dn = node_emb.shape[1]
    mesh = plsc.VectorSubcoreMesh(core_axis_name="c", subcore_axis_name="s")

    @functools.partial(
        pl.kernel,
        out_type=(jax.ShapeDtypeStruct((aidx.shape[0], da), jnp.float32),
                  jax.ShapeDtypeStruct((nidx.shape[0], dn), jnp.float32)),
        mesh=mesh,
        scratch_types=[
            pltpu.VMEM((a_per,), jnp.int32),
            pltpu.VMEM((a_per, da), jnp.float32),
            pltpu.VMEM((n_per,), jnp.int32),
            pltpu.VMEM((n_per, dn), jnp.float32),
            pltpu.SemaphoreType.DMA,
            pltpu.SemaphoreType.DMA,
        ],
    )
    def k(anchor_hbm, aidx_hbm, node_hbm, nidx_hbm, outa_hbm, outn_hbm,
          aidx_v, arows_v, nidx_v, nrows_v, sem_a, sem_n):
        wid = lax.axis_index("s") * _NC + lax.axis_index("c")
        abase = wid * a_per
        nbase = wid * n_per
        pltpu.sync_copy(aidx_hbm.at[pl.ds(abase, a_per)], aidx_v)
        pltpu.sync_copy(nidx_hbm.at[pl.ds(nbase, n_per)], nidx_v)
        acps = []
        for c in range(0, a_per, 128):
            w = min(128, a_per - c)
            acps.append(pltpu.async_copy(
                anchor_hbm.at[aidx_v.at[pl.ds(c, w)]],
                arows_v.at[pl.ds(c, w)], sem_a))
        for c in range(0, n_per, 16):
            idxs = nidx_v[pl.ds(c, 16)]
            ncps = [pltpu.async_copy(node_hbm.at[pl.ds(idxs[i], 1)],
                                     nrows_v.at[pl.ds(c + i, 1)], sem_n)
                    for i in range(16)]
            for cp in ncps:
                cp.wait()
        pltpu.sync_copy(nrows_v, outn_hbm.at[pl.ds(nbase, n_per)])
        for cp in acps:
            cp.wait()
        pltpu.sync_copy(arows_v, outa_hbm.at[pl.ds(abase, a_per)])

    return k(anchor_emb, aidx, node_emb, nidx)


def _ln0(x):
    m = jnp.mean(x, axis=-1, keepdims=True)
    c = x - m
    v = jnp.mean(c * c, axis=-1, keepdims=True)
    return c * lax.rsqrt(v + 1e-5)


def _encode_body(anc_ref, nd_ref, te_ref, seln_ref, sela_ref, mask_ref,
                 pool_ref, wp_ref, wq_ref, wk_ref, wv_ref, wo_ref, w1_ref,
                 w2_ref, out_ref):
    f32 = jnp.float32
    bf16 = jnp.bfloat16
    dot = functools.partial(jnp.dot, preferred_element_type=f32)

    nd = dot(nd_ref[...], wp_ref[...])
    seq = (dot(seln_ref[...], nd) + dot(sela_ref[...], anc_ref[...])
           + te_ref[...])

    sb = seq.astype(bf16)
    qb = dot(sb, wq_ref[...]).astype(bf16)
    kb = dot(sb, wk_ref[...]).astype(bf16)
    vb = dot(sb, wv_ref[...]).astype(bf16)

    mask16 = mask_ref[...]
    ones_col = jnp.ones((_R, 1), bf16)
    heads = []
    for h in range(_HEADS):
        sl = slice(h * _HD, (h + 1) * _HD)
        s = (lax.dot_general(qb[:, sl], kb[:, sl], (((1,), (1,)), ((), ())),
                             preferred_element_type=f32).astype(bf16)
             + mask16)
        m = jnp.max(s, axis=-1, keepdims=True)
        e = jnp.exp(s - m)
        vh1 = jnp.concatenate([vb[:, sl], ones_col], axis=1)
        num = dot(e, vh1)
        heads.append(num[:, :_HD] * lax.reciprocal(num[:, _HD:]))
    attn = jnp.concatenate(heads, axis=1).astype(bf16)

    x = _ln0(seq + dot(attn, wo_ref[...]))
    h1 = jnp.maximum(dot(x.astype(bf16), w1_ref[...]), 0.0).astype(bf16)
    ffn = dot(h1, w2_ref[...])
    x = _ln0(x + ffn)

    out_ref[...] = dot(pool_ref[...], x)


def _tc_encode(anc, ndrows, te_r, seln, sela, maskadd, pool, wp, wq, wk,
               wv, wo, w1, w2):
    nblk = _NE // _BE
    full = lambda s: pl.BlockSpec(s, lambda i: (0, 0))
    return pl.pallas_call(
        _encode_body,
        grid=(nblk,),
        in_specs=[
            pl.BlockSpec((_BE * _SA, _D), lambda i: (i, 0)),
            pl.BlockSpec((_BE * _SNODE, 32), lambda i: (i, 0)),
            full((_R, _D)),
            full((_R, _BE * _SNODE)),
            full((_R, _BE * _SA)),
            full((_R, _R)),
            full((_BE, _R)),
            full((32, _D)),
            full((_D, _D)),
            full((_D, _D)),
            full((_D, _D)),
            full((_D, _D)),
            full((_D, 4 * _D)),
            full((4 * _D, _D)),
        ],
        out_specs=pl.BlockSpec((_BE, _D), lambda i: (i, 0)),
        out_shape=jax.ShapeDtypeStruct((_NE, _D), jnp.float32),
    )(anc, ndrows, te_r, seln, sela, maskadd, pool, wp, wq, wk, wv, wo,
      w1, w2)


def _score_body(hi_ref, ti_ref, ri_ref, enc_ref, rel_ref, out_ref):
    f32 = jnp.float32
    dot = functools.partial(jnp.dot, preferred_element_type=f32)
    ids = lax.broadcasted_iota(jnp.int32, (_BS, _NE), 1)
    h = dot(jnp.where(hi_ref[...] == ids, 1.0, 0.0), enc_ref[...])
    t = dot(jnp.where(ti_ref[...] == ids, 1.0, 0.0), enc_ref[...])
    r = dot(jnp.where(ri_ref[...] == ids, 1.0, 0.0), rel_ref[...])
    ph = r * (math.pi / _ER)
    re_r, im_r = jnp.cos(ph), jnp.sin(ph)
    re_h, im_h = h[:, :128], h[:, 128:]
    re_t, im_t = t[:, :128], t[:, 128:]
    re_s = re_h * re_r - im_h * im_r - re_t
    im_s = re_h * im_r + im_h * re_r - im_t
    d = jnp.sum(jnp.sqrt(re_s ** 2 + im_s ** 2 + 1e-12), axis=1, keepdims=True)
    out_ref[...] = _GAMMA - d


def _tc_score(hi, ti, ri, enc, rel_pad):
    nblk = hi.shape[0] // _BS
    idx_spec = pl.BlockSpec((_BS, 1), lambda i: (i, 0))
    return pl.pallas_call(
        _score_body,
        grid=(nblk,),
        in_specs=[
            idx_spec, idx_spec, idx_spec,
            pl.BlockSpec((_NE, _D), lambda i: (0, 0)),
            pl.BlockSpec((_NE, 128), lambda i: (0, 0)),
        ],
        out_specs=pl.BlockSpec((_BS, 1), lambda i: (i, 0)),
        out_shape=jax.ShapeDtypeStruct((hi.shape[0], 1), jnp.float32),
    )(hi, ti, ri, enc, rel_pad)


def _const_mats():
    import numpy as np
    r = np.arange(_R)
    e, t = r // _L, r % _L
    seln = np.zeros((_R, _BE * _SNODE), np.float32)
    sel_rows = t < _SNODE
    seln[r[sel_rows], (e * _SNODE + t)[sel_rows]] = 1.0
    sela = np.zeros((_R, _BE * _SA), np.float32)
    sel_rows = t >= _SNODE
    sela[r[sel_rows], (e * _SA + t - _SNODE)[sel_rows]] = 1.0
    mask = np.where(e[:, None] == e[None, :], 0.0, -1e30)
    pool = np.where(np.arange(_BE)[:, None] == e[None, :], 1.0 / _L,
                    0.0).astype(np.float32)
    return (jnp.asarray(seln), jnp.asarray(sela),
            jnp.asarray(mask, dtype=jnp.bfloat16), jnp.asarray(pool))


def kernel(sample, hashes, nodes, type_ids, anchor_emb, node_emb, Wp, bp,
           type_emb, rel_emb, Wq, bq, Wk, bk, Wv, bv, Wo, bo, ln1_g, ln1_b,
           W1, bb1, W2, bb2, ln2_g, ln2_b):
    aidx = hashes[:_NE].reshape(-1)
    nidx = nodes[:_NE].reshape(-1)
    anc, ndrows = _sc_gather(anchor_emb, aidx, node_emb, nidx)

    te_r = jnp.tile(type_emb[type_ids], (_BE, 1))
    seln, sela, maskadd, pool = _const_mats()
    b16 = lambda w: w.astype(jnp.bfloat16)
    wq_s = Wq * (1.0 / math.sqrt(float(_HD)))
    enc = _tc_encode(anc, ndrows, te_r, seln, sela, maskadd, pool,
                     Wp, b16(wq_s), b16(Wk), b16(Wv), b16(Wo), b16(W1),
                     b16(W2))

    rel_pad = jnp.pad(rel_emb, ((0, _NE - rel_emb.shape[0]), (0, 0)))
    score = _tc_score(sample[:, 0:1], sample[:, 2:3], sample[:, 1:2],
                      enc, rel_pad)
    return score

# --- scband reference (transcript-rebuilt; emitter-appended) ---
"""Pipeline reference for scband-kgemodel-47261820125521 (READ-ONLY COPY).

The authoritative reference and input builder live on the scoring server;
editing this copy changes nothing except your own understanding.
"""

import jax, jax.numpy as jnp
import numpy as np

NENTITY = 100000
NREL = 500
HIDDEN = 128
ENT_DIM = 256
REL_DIM = 128
GAMMA = 12.0
ER = (GAMMA + 2.0) / HIDDEN
SA = 20
SN = 5
NODE_DIM = 32
NANCH = 20000
HEADS = 8
B = 4096


def setup_inputs(seed: int = 0):
    key = jax.random.key(seed)
    ks = jax.random.split(key, 30)
    u = lambda k, s: jax.random.uniform(k, s, jnp.float32, -ER, ER)
    g = lambda k, s: jax.random.normal(k, s, jnp.float32) * 0.05
    d = ENT_DIM
    nodes = jnp.concatenate([
        jnp.arange(NENTITY, dtype=jnp.int32)[:, None],
        jax.random.randint(ks[2], (NENTITY, SN), 0, NENTITY + 1, dtype=jnp.int32),
    ], axis=1)
    inp = {
        'sample': jax.random.randint(ks[0], (B, 3), 0, NREL, dtype=jnp.int32),
        'hashes': jax.random.randint(ks[1], (NENTITY, SA), 0, NANCH + 1, dtype=jnp.int32),
        'nodes': nodes,
        'type_ids': jnp.array([0] + [1] * SN + [2] * SA, dtype=jnp.int32),
        'anchor_emb': u(ks[3], (NANCH + 1, d)),
        'node_emb': u(ks[4], (NENTITY + 1, NODE_DIM)),
        'Wp': g(ks[5], (NODE_DIM, d)), 'bp': jnp.zeros((d,), jnp.float32),
        'type_emb': u(ks[6], (3, d)),
        'rel_emb': u(ks[7], (NREL, REL_DIM)),
        'Wq': g(ks[8], (d, d)), 'bq': jnp.zeros((d,), jnp.float32),
        'Wk': g(ks[9], (d, d)), 'bk': jnp.zeros((d,), jnp.float32),
        'Wv': g(ks[10], (d, d)), 'bv': jnp.zeros((d,), jnp.float32),
        'Wo': g(ks[11], (d, d)), 'bo': jnp.zeros((d,), jnp.float32),
        'ln1_g': jnp.ones((d,), jnp.float32), 'ln1_b': jnp.zeros((d,), jnp.float32),
        'W1': g(ks[12], (d, 4 * d)), 'bb1': jnp.zeros((4 * d,), jnp.float32),
        'W2': g(ks[13], (4 * d, d)), 'bb2': jnp.zeros((d,), jnp.float32),
        'ln2_g': jnp.ones((d,), jnp.float32), 'ln2_b': jnp.zeros((d,), jnp.float32),
    }
    return inp


def _ln(x, gm, bt):
    m = x.mean(-1, keepdims=True)
    v = ((x - m) ** 2).mean(-1, keepdims=True)
    return (x - m) / jnp.sqrt(v + 1e-5) * gm + bt


def _encode(ent, hashes, nodes, type_ids, p):
    (anchor_emb, node_emb, Wp, bp, type_emb, Wq, bq, Wk, bk, Wv, bv, Wo, bo,
     ln1_g, ln1_b, W1, bb1, W2, bb2, ln2_g, ln2_b) = p
    anc = anchor_emb[hashes[ent]]
    nd = node_emb[nodes[ent]] @ Wp + bp
    seq = jnp.concatenate([nd, anc], axis=1) + type_emb[type_ids]
    Bn, L, D = seq.shape
    hd = D // HEADS
    def mh(x, W, b):
        return (x @ W + b).reshape(Bn, L, HEADS, hd).transpose(0, 2, 1, 3)
    q = mh(seq, Wq, bq)
    k = mh(seq, Wk, bk)
    v = mh(seq, Wv, bv)
    a = jax.nn.softmax(jnp.einsum('bhid,bhjd->bhij', q, k) / jnp.sqrt(float(hd)), axis=-1)
    o = jnp.einsum('bhij,bhjd->bhid', a, v).transpose(0, 2, 1, 3).reshape(Bn, L, D) @ Wo + bo
    seq = _ln(seq + o, ln1_g, ln1_b)
    m = jax.nn.relu(seq @ W1 + bb1) @ W2 + bb2
    seq = _ln(seq + m, ln2_g, ln2_b)
    return seq.mean(axis=1)


def reference(sample, hashes, nodes, type_ids, anchor_emb, node_emb, Wp, bp, type_emb, rel_emb,
              Wq, bq, Wk, bk, Wv, bv, Wo, bo, ln1_g, ln1_b, W1, bb1, W2, bb2, ln2_g, ln2_b):
    p = (anchor_emb, node_emb, Wp, bp, type_emb, Wq, bq, Wk, bk, Wv, bv, Wo, bo,
         ln1_g, ln1_b, W1, bb1, W2, bb2, ln2_g, ln2_b)
    h = _encode(sample[:, 0], hashes, nodes, type_ids, p)[:, None, :]
    t = _encode(sample[:, 2], hashes, nodes, type_ids, p)[:, None, :]
    r = rel_emb[sample[:, 1]][:, None, :]
    re_h, im_h = jnp.split(h, 2, axis=2)
    re_t, im_t = jnp.split(t, 2, axis=2)
    ph = r / (ER / jnp.pi)
    re_r, im_r = jnp.cos(ph), jnp.sin(ph)
    re_s = re_h * re_r - im_h * im_r - re_t
    im_s = re_h * im_r + im_h * re_r - im_t
    return GAMMA - jnp.sqrt(re_s ** 2 + im_s ** 2 + 1e-12).sum(axis=2)

if __name__ == "__main__":
    import jax
    _d = setup_inputs()
    print(jax.jit(kernel)(*tuple(_d.values())))

</pallas_src>

<mosaic_0001>
#map = affine_map<(d0, d1) -> (0, 0)>
#map1 = affine_map<(d0, d1) -> (0)>
module attributes {stable_mosaic.version = 14 : i64} {
  func.func @k(%arg0: i32, %arg1: i32, %arg2: memref<20001x256xf32, #tpu.memory_space<hbm>>, %arg3: memref<10240xi32, #tpu.memory_space<hbm>>, %arg4: memref<100001x32xf32, #tpu.memory_space<hbm>>, %arg5: memref<3072xi32, #tpu.memory_space<hbm>>, %arg6: memref<10240x256xf32, #tpu.memory_space<hbm>>, %arg7: memref<3072x32xf32, #tpu.memory_space<hbm>>, %arg8: memref<320xi32, #tpu.memory_space<vmem>>, %arg9: memref<320x256xf32, #tpu.memory_space<vmem>>, %arg10: memref<96xi32, #tpu.memory_space<vmem>>, %arg11: memref<96x32xf32, #tpu.memory_space<vmem>>, %arg12: memref<!tpu.dma_semaphore, #tpu.memory_space<semaphore_mem>>, %arg13: memref<!tpu.dma_semaphore, #tpu.memory_space<semaphore_mem>>) attributes {dimension_semantics = [#tpu.dimension_semantics<core_parallel>, #tpu.dimension_semantics<subcore_parallel>], iteration_bounds = array<i64: 2, 16>, scalar_prefetch = 0 : i64, scratch_operands = 6 : i64, tpu.core_type = #tpu.core_type<sc_vector_subcore>, window_params = [{transform_indices = #map}, {transform_indices = #map1}, {transform_indices = #map}, {transform_indices = #map1}, {transform_indices = #map}, {transform_indices = #map}]} {
    %mul3A = arith.constant 2 : i32
    %mul3A_0 = arith.muli %arg1, %mul3A : i32
    %add3A = arith.addi %mul3A_0, %arg0 : i32
    %mul3A_1 = arith.constant 320 : i32
    %mul3A_2 = arith.muli %add3A, %mul3A_1 : i32
    %mul3A_3 = arith.constant 96 : i32
    %mul3A_4 = arith.muli %add3A, %mul3A_3 : i32
    "tpu.region"() ({
      %run_scoped3A = tpu.sem_alloc : memref<!tpu.dma_semaphore, #tpu.memory_space<semaphore_mem>>
      %dma_start3A_2178 = tpu.memref_slice %arg3[%mul3A_2] : memref<10240xi32, #tpu.memory_space<hbm>> -> memref<320xi32, #tpu.memory_space<hbm>>
      %dma_start3A_2179 = tpu.memref_slice %arg3[%mul3A_2] : memref<10240xi32, #tpu.memory_space<hbm>> -> memref<320xi32, #tpu.memory_space<hbm>>
      tpu.enqueue_dma source(%dma_start3A_2179 : memref<320xi32, #tpu.memory_space<hbm>>) target(%arg8 : memref<320xi32, #tpu.memory_space<vmem>>) target_semaphore(%run_scoped3A : memref<!tpu.dma_semaphore, #tpu.memory_space<semaphore_mem>>)
      %dma_wait3A_2180 = tpu.memref_slice %arg3[%mul3A_2] : memref<10240xi32, #tpu.memory_space<hbm>> -> memref<320xi32, #tpu.memory_space<hbm>>
      %dma_wait3A_2181 = tpu.memref_slice %arg3[%mul3A_2] : memref<10240xi32, #tpu.memory_space<hbm>> -> memref<320xi32, #tpu.memory_space<hbm>>
      tpu.wait_dma2 semaphore(%run_scoped3A : memref<!tpu.dma_semaphore, #tpu.memory_space<semaphore_mem>>) src(%dma_wait3A_2181 : memref<320xi32, #tpu.memory_space<hbm>>) dst(%arg8 : memref<320xi32, #tpu.memory_space<vmem>>)
      tpu.yield
    }) : () -> ()
    "tpu.region"() ({
      %run_scoped3A = tpu.sem_alloc : memref<!tpu.dma_semaphore, #tpu.memory_space<semaphore_mem>>
      %dma_start3A_2178 = tpu.memref_slice %arg5[%mul3A_4] : memref<3072xi32, #tpu.memory_space<hbm>> -> memref<96xi32, #tpu.memory_space<hbm>>
      %dma_start3A_2179 = tpu.memref_slice %arg5[%mul3A_4] : memref<3072xi32, #tpu.memory_space<hbm>> -> memref<96xi32, #tpu.memory_space<hbm>>
      tpu.enqueue_dma source(%dma_start3A_2179 : memref<96xi32, #tpu.memory_space<hbm>>) target(%arg10 : memref<96xi32, #tpu.memory_space<vmem>>) target_semaphore(%run_scoped3A : memref<!tpu.dma_semaphore, #tpu.memory_space<semaphore_mem>>)
      %dma_wait3A_2180 = tpu.memref_slice %arg5[%mul3A_4] : memref<3072xi32, #tpu.memory_space<hbm>> -> memref<96xi32, #tpu.memory_space<hbm>>
      %dma_wait3A_2181 = tpu.memref_slice %arg5[%mul3A_4] : memref<3072xi32, #tpu.memory_space<hbm>> -> memref<96xi32, #tpu.memory_space<hbm>>
      tpu.wait_dma2 semaphore(%run_scoped3A : memref<!tpu.dma_semaphore, #tpu.memory_space<semaphore_mem>>) src(%dma_wait3A_2181 : memref<96xi32, #tpu.memory_space<hbm>>) dst(%arg10 : memref<96xi32, #tpu.memory_space<vmem>>)
      tpu.yield
    }) : () -> ()
    %dma_start3A = arith.constant 0 : i32
    %dma_start3A_5 = arith.constant 0 : i32
    %dma_start3A_6 = tpu.memref_slice %arg9[%dma_start3A, %dma_start3A_5] : memref<320x256xf32, #tpu.memory_space<vmem>> -> memref<128x256xf32, #tpu.memory_space<vmem>>
    %dma_start3A_7 = arith.constant 0 : i32
    %dma_start3A_8 = tpu.memref_slice %arg8[%dma_start3A_7] : memref<320xi32, #tpu.memory_space<vmem>> -> memref<128xi32, #tpu.memory_space<vmem>>
    %dma_start3A_9 = arith.constant 0 : i32
    %dma_start3A_10 = arith.constant 0 : i32
    %dma_start3A_11 = tpu.memref_slice %arg2[%dma_start3A_9, %dma_start3A_10] : memref<20001x256xf32, #tpu.memory_space<hbm>> -> memref<20001x256xf32, #tpu.memory_space<hbm>>
    tpu.enqueue_indirect_dma source(%dma_start3A_11 : memref<20001x256xf32, #tpu.memory_space<hbm>>) target(%dma_start3A_6 : memref<128x256xf32, #tpu.memory_space<vmem>>) offsets(%dma_start3A_8 : memref<128xi32, #tpu.memory_space<vmem>>) semaphore(%arg12 : memref<!tpu.dma_semaphore, #tpu.memory_space<semaphore_mem>>)
    %dma_start3A_12 = arith.constant 128 : i32
    %dma_start3A_13 = arith.constant 0 : i32
    %dma_start3A_14 = tpu.memref_slice %arg9[%dma_start3A_12, %dma_start3A_13] : memref<320x256xf32, #tpu.memory_space<vmem>> -> memref<128x256xf32, #tpu.memory_space<vmem>>
    %dma_start3A_15 = arith.constant 128 : i32
    %dma_start3A_16 = tpu.memref_slice %arg8[%dma_start3A_15] : memref<320xi32, #tpu.memory_space<vmem>> -> memref<128xi32, #tpu.memory_space<vmem>>
    %dma_start3A_17 = arith.constant 0 : i32
    %dma_start3A_18 = arith.constant 0 : i32
    %dma_start3A_19 = tpu.memref_slice %arg2[%dma_start3A_17, %dma_start3A_18] : memref<20001x256xf32, #tpu.memory_space<hbm>> -> memref<20001x256xf32, #tpu.memory_space<hbm>>
    tpu.enqueue_indirect_dma source(%dma_start3A_19 : memref<20001x256xf32, #tpu.memory_space<hbm>>) target(%dma_start3A_14 : memref<128x256xf32, #tpu.memory_space<vmem>>) offsets(%dma_start3A_16 : memref<128xi32, #tpu.memory_space<vmem>>) semaphore(%arg12 : memref<!tpu.dma_semaphore, #tpu.memory_space<semaphore_mem>>)
    %dma_start3A_20 = arith.constant 256 : i32
    %dma_start3A_21 = arith.constant 0 : i32
    %dma_start3A_22 = tpu.memref_slice %arg9[%dma_start3A_20, %dma_start3A_21] : memref<320x256xf32, #tpu.memory_space<vmem>> -> memref<64x256xf32, #tpu.memory_space<vmem>>
    %dma_start3A_23 = arith.constant 256 : i32
    %dma_start3A_24 = tpu.memref_slice %arg8[%dma_start3A_23] : memref<320xi32, #tpu.memory_space<vmem>> -> memref<64xi32, #tpu.memory_space<vmem>>
    %dma_start3A_25 = arith.constant 0 : i32
    %dma_start3A_26 = arith.constant 0 : i32
    %dma_start3A_27 = tpu.memref_slice %arg2[%dma_start3A_25, %dma_start3A_26] : memref<20001x256xf32, #tpu.memory_space<hbm>> -> memref<20001x256xf32, #tpu.memory_space<hbm>>
    tpu.enqueue_indirect_dma source(%dma_start3A_27 : memref<20001x256xf32, #tpu.memory_space<hbm>>) target(%dma_start3A_22 : memref<64x256xf32, #tpu.memory_space<vmem>>) offsets(%dma_start3A_24 : memref<64xi32, #tpu.memory_space<vmem>>) semaphore(%arg12 : memref<!tpu.dma_semaphore, #tpu.memory_space<semaphore_mem>>)
    %get3A = arith.constant 0 : index
    %get3A_28 = tpu.vector_load %arg10[%get3A] {strides = array<i32>} : memref<96xi32, #tpu.memory_space<vmem>>, vector<16xi32>,
    %get3A_29 = vector.shape_cast %get3A_28 : vector<16xi32> to vector<16xi32>
    %slice3A = vector.extract_strided_slice %get3A_29 {offsets = [0], sizes = [1], strides = [1]} : vector<16xi32> to vector<1xi32>
    %squeeze3A = vector.extract %slice3A[0] : i32 from vector<1xi32>
    %dma_start3A_30 = arith.constant 0 : i32
    %dma_start3A_31 = arith.constant 0 : i32
    %dma_start3A_32 = tpu.memref_slice %arg11[%dma_start3A_30, %dma_start3A_31] : memref<96x32xf32, #tpu.memory_space<vmem>> -> memref<1x32xf32, #tpu.memory_space<vmem>>
    %dma_start3A_33 = arith.constant 0 : i32
    %dma_start3A_34 = tpu.memref_slice %arg4[%squeeze3A, %dma_start3A_33] : memref<100001x32xf32, #tpu.memory_space<hbm>> -> memref<1x32xf32, #tpu.memory_space<hbm>>
    %dma_start3A_35 = arith.constant 0 : i32
    %dma_start3A_36 = arith.constant 0 : i32
    %dma_start3A_37 = tpu.memref_slice %arg11[%dma_start3A_35, %dma_start3A_36] : memref<96x32xf32, #tpu.memory_space<vmem>> -> memref<1x32xf32, #tpu.memory_space<vmem>>
    %dma_start3A_38 = arith.constant 0 : i32
    %dma_start3A_39 = tpu.memref_slice %arg4[%squeeze3A, %dma_start3A_38] : memref<100001x32xf32, #tpu.memory_space<hbm>> -> memref<1x32xf32, #tpu.memory_space<hbm>>
    tpu.enqueue_dma source(%dma_start3A_39 : memref<1x32xf32, #tpu.memory_space<hbm>>) target(%dma_start3A_37 : memref<1x32xf32, #tpu.memory_space<vmem>>) target_semaphore(%arg13 : memref<!tpu.dma_semaphore, #tpu.memory_space<semaphore_mem>>)
    %slice3A_40 = vector.extract_strided_slice %get3A_29 {offsets = [1], sizes = [1], strides = [1]} : vector<16xi32> to vector<1xi32>
    %squeeze3A_41 = vector.extract %slice3A_40[0] : i32 from vector<1xi32>
    %dma_start3A_42 = arith.constant 1 : i32
    %dma_start3A_43 = arith.constant 0 : i32
    %dma_start3A_44 = tpu.memref_slice %arg11[%dma_start3A_42, %dma_start3A_43] : memref<96x32xf32, #tpu.memory_space<vmem>> -> memref<1x32xf32, #tpu.memory_space<vmem>>
    %dma_start3A_45 = arith.constant 0 : i32
    %dma_start3A_46 = tpu.memref_slice %arg4[%squeeze3A_41, %dma_start3A_45] : memref<100001x32xf32, #tpu.memory_space<hbm>> -> memref<1x32xf32, #tpu.memory_space<hbm>>
    %dma_start3A_47 = arith.constant 1 : i32
    %dma_start3A_48 = arith.constant 0 : i32
    %dma_start3A_49 = tpu.memref_slice %arg11[%dma_start3A_47, %dma_start3A_48] : memref<96x32xf32, #tpu.memory_space<vmem>> -> memref<1x32xf32, #tpu.memory_space<vmem>>
    %dma_start3A_50 = arith.constant 0 : i32
    %dma_start3A_51 = tpu.memref_slice %arg4[%squeeze3A_41, %dma_start3A_50] : memref<100001x32xf32, #tpu.memory_space<hbm>> -> memref<1x32xf32, #tpu.memory_space<hbm>>
    tpu.enqueue_dma source(%dma_start3A_51 : memref<1x32xf32, #tpu.memory_space<hbm>>) target(%dma_start3A_49 : memref<1x32xf32, #tpu.memory_space<vmem>>) target_semaphore(%arg13 : memref<!tpu.dma_semaphore, #tpu.memory_space<semaphore_mem>>)
    %slice3A_52 = vector.extract_strided_slice %get3A_29 {offsets = [2], sizes = [1], strides = [1]} : vector<16xi32> to vector<1xi32>
    %squeeze3A_53 = vector.extract %slice3A_52[0] : i32 from vector<1xi32>
    %dma_start3A_54 = arith.constant 2 : i32
    %dma_start3A_55 = arith.constant 0 : i32
    %dma_start3A_56 = tpu.memref_slice %arg11[%dma_start3A_54, %dma_start3A_55] : memref<96x32xf32, #tpu.memory_space<vmem>> -> memref<1x32xf32, #tpu.memory_space<vmem>>
    %dma_start3A_57 = arith.constant 0 : i32
    %dma_start3A_58 = tpu.memref_slice %arg4[%squeeze3A_53, %dma_start3A_57] : memref<100001x32xf32, #tpu.memory_space<hbm>> -> memref<1x32xf32, #tpu.memory_space<hbm>>
    %dma_start3A_59 = arith.constant 2 : i32
    %dma_start3A_60 = arith.constant 0 : i32
    %dma_start3A_61 = tpu.memref_slice %arg11[%dma_start3A_59, %dma_start3A_60] : memref<96x32xf32, #tpu.memory_space<vmem>> -> memref<1x32xf32, #tpu.memory_space<vmem>>
    %dma_start3A_62 = arith.constant 0 : i32
    %dma_start3A_63 = tpu.memref_slice %arg4[%squeeze3A_53, %dma_start3A_62] : memref<100001x32xf32, #tpu.memory_space<hbm>> -> memref<1x32xf32, #tpu.memory_space<hbm>>
    tpu.enqueue_dma source(%dma_start3A_63 : memref<1x32xf32, #tpu.memory_space<hbm>>) target(%dma_start3A_61 : memref<1x32xf32, #tpu.memory_space<vmem>>) target_semaphore(%arg13 : memref<!tpu.dma_semaphore, #tpu.memory_space<semaphore_mem>>)
    %slice3A_64 = vector.extract_strided_slice %get3A_29 {offsets = [3], sizes = [1], strides = [1]} : vector<16xi32> to vector<1xi32>
    %squeeze3A_65 = vector.extract %slice3A_64[0] : i32 from vector<1xi32>
    %dma_start3A_66 = arith.constant 3 : i32
    %dma_start3A_67 = arith.constant 0 : i32
    %dma_start3A_68 = tpu.memref_slice %arg11[%dma_start3A_66, %dma_start3A_67] : memref<96x32xf32, #tpu.memory_space<vmem>> -> memref<1x32xf32, #tpu.memory_space<vmem>>
    %dma_start3A_69 = arith.constant 0 : i32
    %dma_start3A_70 = tpu.memref_slice %arg4[%squeeze3A_65, %dma_start3A_69] : memref<100001x32xf32, #tpu.memory_space<hbm>> -> memref<1x32xf32, #tpu.memory_space<hbm>>
    %dma_start3A_71 = arith.constant 3 : i32
    %dma_start3A_72 = arith.constant 0 : i32
    %dma_start3A_73 = tpu.memref_slice %arg11[%dma_start3A_71, %dma_start3A_72] : memref<96x32xf32, #tpu.memory_space<vmem>> -> memref<1x32xf32, #tpu.memory_space<vmem>>
    %dma_start3A_74 = arith.constant 0 : i32
    %dma_start3A_75 = tpu.memref_slice %arg4[%squeeze3A_65, %dma_start3A_74] : memref<100001x32xf32, #tpu.memory_space<hbm>> -> memref<1x32xf32, #tpu.memory_space<hbm>>
    tpu.enqueue_dma source(%dma_start3A_75 : memref<1x32xf32, #tpu.memory_space<hbm>>) target(%dma_start3A_73 : memref<1x32xf32, #tpu.memory_space<vmem>>) target_semaphore(%arg13 : memref<!tpu.dma_semaphore, #tpu.memory_space<semaphore_mem>>)
    %slice3A_76 = vector.extract_strided_slice %get3A_29 {offsets = [4], sizes = [1], strides = [1]} : vector<16xi32> to vector<1xi32>
    %squeeze3A_77 = vector.extract %slice3A_76[0] : i32 from vector<1xi32>
    %dma_start3A_78 = arith.constant 4 : i32
    %dma_start3A_79 = arith.constant 0 : i32
    %dma_start3A_80 = tpu.memref_slice %arg11[%dma_start3A_78, %dma_start3A_79] : memref<96x32xf32, #tpu.memory_space<vmem>> -> memref<1x32xf32, #tpu.memory_space<vmem>>
    %dma_start3A_81 = arith.constant 0 : i32
    %dma_start3A_82 = tpu.memref_slice %arg4[%squeeze3A_77, %dma_start3A_81] : memref<100001x32xf32, #tpu.memory_space<hbm>> -> memref<1x32xf32, #tpu.memory_space<hbm>>
    %dma_start3A_83 = arith.constant 4 : i32
    %dma_start3A_84 = arith.constant 0 : i32
    %dma_start3A_85 = tpu.memref_slice %arg11[%dma_start3A_83, %dma_start3A_84] : memref<96x32xf32, #tpu.memory_space<vmem>> -> memref<1x32xf32, #tpu.memory_space<vmem>>
    %dma_start3A_86 = arith.constant 0 : i32
    %dma_start3A_87 = tpu.memref_slice %arg4[%squeeze3A_77, %dma_start3A_86] : memref<100001x32xf32, #tpu.memory_space<hbm>> -> memref<1x32xf32, #tpu.memory_space<hbm>>
    tpu.enqueue_dma source(%dma_start3A_87 : memref<1x32xf32, #tpu.memory_space<hbm>>) target(%dma_start3A_85 : memref<1x32xf32, #tpu.memory_space<vmem>>) target_semaphore(%arg13 : memref<!tpu.dma_semaphore, #tpu.memory_space<semaphore_mem>>)
    %slice3A_88 = vector.extract_strided_slice %get3A_29 {offsets = [5], sizes = [1], strides = [1]} : vector<16xi32> to vector<1xi32>
    %squeeze3A_89 = vector.extract %slice3A_88[0] : i32 from vector<1xi32>
    %dma_start3A_90 = arith.constant 5 : i32
    %dma_start3A_91 = arith.constant 0 : i32
    %dma_start3A_92 = tpu.memref_slice %arg11[%dma_start3A_90, %dma_start3A_91] : memref<96x32xf32, #tpu.memory_space<vmem>> -> memref<1x32xf32, #tpu.memory_space<vmem>>
    %dma_start3A_93 = arith.constant 0 : i32
    %dma_start3A_94 = tpu.memref_slice %arg4[%squeeze3A_89, %dma_start3A_93] : memref<100001x32xf32, #tpu.memory_space<hbm>> -> memref<1x32xf32, #tpu.memory_space<hbm>>
    %dma_start3A_95 = arith.constant 5 : i32
    %dma_start3A_96 = arith.constant 0 : i32
    %dma_start3A_97 = tpu.memref_slice %arg11[%dma_start3A_95, %dma_start3A_96] : memref<96x32xf32, #tpu.memory_space<vmem>> -> memref<1x32xf32, #tpu.memory_space<vmem>>
    %dma_start3A_98 = arith.constant 0 : i32
    %dma_start3A_99 = tpu.memref_slice %arg4[%squeeze3A_89, %dma_start3A_98] : memref<100001x32xf32, #tpu.memory_space<hbm>> -> memref<1x32xf32, #tpu.memory_space<hbm>>
    tpu.enqueue_dma source(%dma_start3A_99 : memref<1x32xf32, #tpu.memory_space<hbm>>) target(%dma_start3A_97 : memref<1x32xf32, #tpu.memory_space<vmem>>) target_semaphore(%arg13 : memref<!tpu.dma_semaphore, #tpu.memory_space<semaphore_mem>>)
    %slice3A_100 = vector.extract_strided_slice %get3A_29 {offsets = [6], sizes = [1], strides = [1]} : vector<16xi32> to vector<1xi32>
    %squeeze3A_101 = vector.extract %slice3A_100[0] : i32 from vector<1xi32>
    %dma_start3A_102 = arith.constant 6 : i32
    %dma_start3A_103 = arith.constant 0 : i32
    %dma_start3A_104 = tpu.memref_slice %arg11[%dma_start3A_102, %dma_start3A_103] : memref<96x32xf32, #tpu.memory_space<vmem>> -> memref<1x32xf32, #tpu.memory_space<vmem>>
    %dma_start3A_105 = arith.constant 0 : i32
    %dma_start3A_106 = tpu.memref_slice %arg4[%squeeze3A_101, %dma_start3A_105] : memref<100001x32xf32, #tpu.memory_space<hbm>> -> memref<1x32xf32, #tpu.memory_space<hbm>>
    %dma_start3A_107 = arith.constant 6 : i32
    %dma_start3A_108 = arith.constant 0 : i32
    %dma_start3A_109 = tpu.memref_slice %arg11[%dma_start3A_107, %dma_start3A_108] : memref<96x32xf32, #tpu.memory_space<vmem>> -> memref<1x32xf32, #tpu.memory_space<vmem>>
    %dma_start3A_110 = arith.constant 0 : i32
    %dma_start3A_111 = tpu.memref_slice %arg4[%squeeze3A_101, %dma_start3A_110] : memref<100001x32xf32, #tpu.memory_space<hbm>> -> memref<1x32xf32, #tpu.memory_space<hbm>>
    tpu.enqueue_dma source(%dma_start3A_111 : memref<1x32xf32, #tpu.memory_space<hbm>>) target(%dma_start3A_109 : memref<1x32xf32, #tpu.memory_space<vmem>>) target_semaphore(%arg13 : memref<!tpu.dma_semaphore, #tpu.memory_space<semaphore_mem>>)
    %slice3A_112 = vector.extract_strided_slice %get3A_29 {offsets = [7], sizes = [1], strides = [1]} : vector<16xi32> to vector<1xi32>
    %squeeze3A_113 = vector.extract %slice3A_112[0] : i32 from vector<1xi32>
    %dma_start3A_114 = arith.constant 7 : i32
    %dma_start3A_115 = arith.constant 0 : i32
    %dma_start3A_116 = tpu.memref_slice %arg11[%dma_start3A_114, %dma_start3A_115] : memref<96x32xf32, #tpu.memory_space<vmem>> -> memref<1x32xf32, #tpu.memory_space<vmem>>
    %dma_start3A_117 = arith.constant 0 : i32
    %dma_start3A_118 = tpu.memref_slice %arg4[%squeeze3A_113, %dma_start3A_117] : memref<100001x32xf32, #tpu.memory_space<hbm>> -> memref<1x32xf32, #tpu.memory_space<hbm>>
    %dma_start3A_119 = arith.constant 7 : i32
    %dma_start3A_120 = arith.constant 0 : i32
    %dma_start3A_121 = tpu.memref_slice %arg11[%dma_start3A_119, %dma_start3A_120] : memref<96x32xf32, #tpu.memory_space<vmem>> -> memref<1x32xf32, #tpu.memory_space<vmem>>
    %dma_start3A_122 = arith.constant 0 : i32
    %dma_start3A_123 = tpu.memref_slice %arg4[%squeeze3A_113, %dma_start3A_122] : memref<100001x32xf32, #tpu.memory_space<hbm>> -> memref<1x32xf32, #tpu.memory_space<hbm>>
    tpu.enqueue_dma source(%dma_start3A_123 : memref<1x32xf32, #tpu.memory_space<hbm>>) target(%dma_start3A_121 : memref<1x32xf32, #tpu.memory_space<vmem>>) target_semaphore(%arg13 : memref<!tpu.dma_semaphore, #tpu.memory_space<semaphore_mem>>)
    %slice3A_124 = vector.extract_strided_slice %get3A_29 {offsets = [8], sizes = [1], strides = [1]} : vector<16xi32> to vector<1xi32>
    %squeeze3A_125 = vector.extract %slice3A_124[0] : i32 from vector<1xi32>
    %dma_start3A_126 = arith.constant 8 : i32
    %dma_start3A_127 = arith.constant 0 : i32
    %dma_start3A_128 = tpu.memref_slice %arg11[%dma_start3A_126, %dma_start3A_127] : memref<96x32xf32, #tpu.memory_space<vmem>> -> memref<1x32xf32, #tpu.memory_space<vmem>>
    %dma_start3A_129 = arith.constant 0 : i32
    %dma_start3A_130 = tpu.memref_slice %arg4[%squeeze3A_125, %dma_start3A_129] : memref<100001x32xf32, #tpu.memory_space<hbm>> -> memref<1x32xf32, #tpu.memory_space<hbm>>
    %dma_start3A_131 = arith.constant 8 : i32
    %dma_start3A_132 = arith.constant 0 : i32
    %dma_start3A_133 = tpu.memref_slice %arg11[%dma_start3A_131, %dma_start3A_132] : memref<96x32xf32, #tpu.memory_space<vmem>> -> memref<1x32xf32, #tpu.memory_space<vmem>>
    %dma_start3A_134 = arith.constant 0 : i32
    %dma_start3A_135 = tpu.memref_slice %arg4[%squeeze3A_125, %dma_start3A_134] : memref<100001x32xf32, #tpu.memory_space<hbm>> -> memref<1x32xf32, #tpu.memory_space<hbm>>
    tpu.enqueue_dma source(%dma_start3A_135 : memref<1x32xf32, #tpu.memory_space<hbm>>) target(%dma_start3A_133 : memref<1x32xf32, #tpu.memory_space<vmem>>) target_semaphore(%arg13 : memref<!tpu.dma_semaphore, #tpu.memory_space<semaphore_mem>>)
    %slice3A_136 = vector.extract_strided_slice %get3A_29 {offsets = [9], sizes = [1], strides = [1]} : vector<16xi32> to vector<1xi32>
    %squeeze3A_137 = vector.extract %slice3A_136[0] : i32 from vector<1xi32>
    %dma_start3A_138 = arith.constant 9 : i32
    %dma_start3A_139 = arith.constant 0 : i32
    %dma_start3A_140 = tpu.memref_slice %arg11[%dma_start3A_138, %dma_start3A_139] : memref<96x32xf32, #tpu.memory_space<vmem>> -> memref<1x32xf32, #tpu.memory_space<vmem>>
    %dma_start3A_141 = arith.constant 0 : i32
    %dma_start3A_142 = tpu.memref_slice %arg4[%squeeze3A_137, %dma_start3A_141] : memref<100001x32xf32, #tpu.memory_space<hbm>> -> memref<1x32xf32, #tpu.memory_space<hbm>>
    %dma_start3A_143 = arith.constant 9 : i32
    %dma_start3A_144 = arith.constant 0 : i32
    %dma_start3A_145 = tpu.memref_slice %arg11[%dma_start3A_143, %dma_start3A_144] : memref<96x32xf32, #tpu.memory_space<vmem>> -> memref<1x32xf32, #tpu.memory_space<vmem>>
    %dma_start3A_146 = arith.constant 0 : i32
    %dma_start3A_147 = tpu.memref_slice %arg4[%squeeze3A_137, %dma_start3A_146] : memref<100001x32xf32, #tpu.memory_space<hbm>> -> memref<1x32xf32, #tpu.memory_space<hbm>>
    tpu.enqueue_dma source(%dma_start3A_147 : memref<1x32xf32, #tpu.memory_space<hbm>>) target(%dma_start3A_145 : memref<1x32xf32, #tpu.memory_space<vmem>>) target_semaphore(%arg13 : memref<!tpu.dma_semaphore, #tpu.memory_space<semaphore_mem>>)
    %slice3A_148 = vector.extract_strided_slice %get3A_29 {offsets = [10], sizes = [1], strides = [1]} : vector<16xi32> to vector<1xi32>
    %squeeze3A_149 = vector.extract %slice3A_148[0] : i32 from vector<1xi32>
    %dma_start3A_150 = arith.constant 10 : i32
    %dma_start3A_151 = arith.constant 0 : i32
    %dma_start3A_152 = tpu.memref_slice %arg11[%dma_start3A_150, %dma_start3A_151] : memref<96x32xf32, #tpu.memory_space<vmem>> -> memref<1x32xf32, #tpu.memory_space<vmem>>
    %dma_start3A_153 = arith.constant 0 : i32
    %dma_start3A_154 = tpu.memref_slice %arg4[%squeeze3A_149, %dma_start3A_153] : memref<100001x32xf32, #tpu.memory_space<hbm>> -> memref<1x32xf32, #tpu.memory_space<hbm>>
    %dma_start3A_155 = arith.constant 10 : i32
    %dma_start3A_156 = arith.constant 0 : i32
    %dma_start3A_157 = tpu.memref_slice %arg11[%dma_start3A_155, %dma_start3A_156] : memref<96x32xf32, #tpu.memory_space<vmem>> -> memref<1x32xf32, #tpu.memory_space<vmem>>
    %dma_start3A_158 = arith.constant 0 : i32
    %dma_start3A_159 = tpu.memref_slice %arg4[%squeeze3A_149, %dma_start3A_158] : memref<100001x32xf32, #tpu.memory_space<hbm>> -> memref<1x32xf32, #tpu.memory_space<hbm>>
    tpu.enqueue_dma source(%dma_start3A_159 : memref<1x32xf32, #tpu.memory_space<hbm>>) target(%dma_start3A_157 : memref<1x32xf32, #tpu.memory_space<vmem>>) target_semaphore(%arg13 : memref<!tpu.dma_semaphore, #tpu.memory_space<semaphore_mem>>)
    %slice3A_160 = vector.extract_strided_slice %get3A_29 {offsets = [11], sizes = [1], strides = [1]} : vector<16xi32> to vector<1xi32>
    %squeeze3A_161 = vector.extract %slice3A_160[0] : i32 from vector<1xi32>
    %dma_start3A_162 = arith.constant 11 : i32
    %dma_start3A_163 = arith.constant 0 : i32
    %dma_start3A_164 = tpu.memref_slice %arg11[%dma_start3A_162, %dma_start3A_163] : memref<96x32xf32, #tpu.memory_space<vmem>> -> memref<1x32xf32, #tpu.memory_space<vmem>>
    %dma_start3A_165 = arith.constant 0 : i32
    %dma_start3A_166 = tpu.memref_slice %arg4[%squeeze3A_161, %dma_start3A_165] : memref<100001x32xf32, #tpu.memory_space<hbm>> -> memref<1x32xf32, #tpu.memory_space<hbm>>
    %dma_start3A_167 = arith.constant 11 : i32
    %dma_start3A_168 = arith.constant 0 : i32
    %dma_start3A_169 = tpu.memref_slice %arg11[%dma_start3A_167, %dma_start3A_168] : memref<96x32xf32, #tpu.memory_space<vmem>> -> memref<1x32xf32, #tpu.memory_space<vmem>>
    %dma_start3A_170 = arith.constant 0 : i32
    %dma_start3A_171 = tpu.memref_slice %arg4[%squeeze3A_161, %dma_start3A_170] : memref<100001x32xf32, #tpu.memory_space<hbm>> -> memref<1x32xf32, #tpu.memory_space<hbm>>
    tpu.enqueue_dma source(%dma_start3A_171 : memref<1x32xf32, #tpu.memory_space<hbm>>) target(%dma_start3A_169 : memref<1x32xf32, #tpu.memory_space<vmem>>) target_semaphore(%arg13 : memref<!tpu.dma_semaphore, #tpu.memory_space<semaphore_mem>>)
    %slice3A_172 = vector.extract_strided_slice %get3A_29 {offsets = [12], sizes = [1], strides = [1]} : vector<16xi32> to vector<1xi32>
    %squeeze3A_173 = vector.extract %slice3A_172[0] : i32 from vector<1xi32>
    %dma_start3A_174 = arith.constant 12 : i32
    %dma_start3A_175 = arith.constant 0 : i32
    %dma_start3A_176 = tpu.memref_slice %arg11[%dma_start3A_174, %dma_start3A_175] : memref<96x32xf32, #tpu.memory_space<vmem>> -> memref<1x32xf32, #tpu.memory_space<vmem>>
    %dma_start3A_177 = arith.constant 0 : i32
    %dma_start3A_178 = tpu.memref_slice %arg4[%squeeze3A_173, %dma_start3A_177] : memref<100001x32xf32, #tpu.memory_space<hbm>> -> memref<1x32xf32, #tpu.memory_space<hbm>>
    %dma_start3A_179 = arith.constant 12 : i32
    %dma_start3A_180 = arith.constant 0 : i32
    %dma_start3A_181 = tpu.memref_slice %arg11[%dma_start3A_179, %dma_start3A_180] : memref<96x32xf32, #tpu.memory_space<vmem>> -> memref<1x32xf32, #tpu.memory_space<vmem>>
    %dma_start3A_182 = arith.constant 0 : i32
    %dma_start3A_183 = tpu.memref_slice %arg4[%squeeze3A_173, %dma_start3A_182] : memref<100001x32xf32, #tpu.memory_space<hbm>> -> memref<1x32xf32, #tpu.memory_space<hbm>>
    tpu.enqueue_dma source(%dma_start3A_183 : memref<1x32xf32, #tpu.memory_space<hbm>>) target(%dma_start3A_181 : memref<1x32xf32, #tpu.memory_space<vmem>>) target_semaphore(%arg13 : memref<!tpu.dma_semaphore, #tpu.memory_space<semaphore_mem>>)
    %slice3A_184 = vector.extract_strided_slice %get3A_29 {offsets = [13], sizes = [1], strides = [1]} : vector<16xi32> to vector<1xi32>
    %squeeze3A_185 = vector.extract %slice3A_184[0] : i32 from vector<1xi32>
    %dma_start3A_186 = arith.constant 13 : i32
    %dma_start3A_187 = arith.constant 0 : i32
    %dma_start3A_188 = tpu.memref_slice %arg11[%dma_start3A_186, %dma_start3A_187] : memref<96x32xf32, #tpu.memory_space<vmem>> -> memref<1x32xf32, #tpu.memory_space<vmem>>
    %dma_start3A_189 = arith.constant 0 : i32
    %dma_start3A_190 = tpu.memref_slice %arg4[%squeeze3A_185, %dma_start3A_189] : memref<100001x32xf32, #tpu.memory_space<hbm>> -> memref<1x32xf32, #tpu.memory_space<hbm>>
    %dma_start3A_191 = arith.constant 13 : i32
    %dma_start3A_192 = arith.constant 0 : i32
    %dma_start3A_193 = tpu.memref_slice %arg11[%dma_start3A_191, %dma_start3A_192] : memref<96x32xf32, #tpu.memory_space<vmem>> -> memref<1x32xf32, #tpu.memory_space<vmem>>
    %dma_start3A_194 = arith.constant 0 : i32
    %dma_start3A_195 = tpu.memref_slice %arg4[%squeeze3A_185, %dma_start3A_194] : memref<100001x32xf32, #tpu.memory_space<hbm>> -> memref<1x32xf32, #tpu.memory_space<hbm>>
    tpu.enqueue_dma source(%dma_start3A_195 : memref<1x32xf32, #tpu.memory_space<hbm>>) target(%dma_start3A_193 : memref<1x32xf32, #tpu.memory_space<vmem>>) target_semaphore(%arg13 : memref<!tpu.dma_semaphore, #tpu.memory_space<semaphore_mem>>)
    %slice3A_196 = vector.extract_strided_slice %get3A_29 {offsets = [14], sizes = [1], strides = [1]} : vector<16xi32> to vector<1xi32>
    %squeeze3A_197 = vector.extract %slice3A_196[0] : i32 from vector<1xi32>
    %dma_start3A_198 = arith.constant 14 : i32
    %dma_start3A_199 = arith.constant 0 : i32
    %dma_start3A_200 = tpu.memref_slice %arg11[%dma_start3A_198, %dma_start3A_199] : memref<96x32xf32, #tpu.memory_space<vmem>> -> memref<1x32xf32, #tpu.memory_space<vmem>>
    %dma_start3A_201 = arith.constant 0 : i32
    %dma_start3A_202 = tpu.memref_slice %arg4[%squeeze3A_197, %dma_start3A_201] : memref<100001x32xf32, #tpu.memory_space<hbm>> -> memref<1x32xf32, #tpu.memory_space<hbm>>
    %dma_start3A_203 = arith.constant 14 : i32
    %dma_start3A_204 = arith.constant 0 : i32
    %dma_start3A_205 = tpu.memref_slice %arg11[%dma_start3A_203, %dma_start3A_204] : memref<96x32xf32, #tpu.memory_space<vmem>> -> memref<1x32xf32, #tpu.memory_space<vmem>>
    %dma_start3A_206 = arith.constant 0 : i32
    %dma_start3A_207 = tpu.memref_slice %arg4[%squeeze3A_197, %dma_start3A_206] : memref<100001x32xf32, #tpu.memory_space<hbm>> -> memref<1x32xf32, #tpu.memory_space<hbm>>
    tpu.enqueue_dma source(%dma_start3A_207 : memref<1x32xf32, #tpu.memory_space<hbm>>) target(%dma_start3A_205 : memref<1x32xf32, #tpu.memory_space<vmem>>) target_semaphore(%arg13 : memref<!tpu.dma_semaphore, #tpu.memory_space<semaphore_mem>>)
    %slice3A_208 = vector.extract_strided_slice %get3A_29 {offsets = [15], sizes = [1], strides = [1]} : vector<16xi32> to vector<1xi32>
    %squeeze3A_209 = vector.extract %slice3A_208[0] : i32 from vector<1xi32>
    %dma_start3A_210 = arith.constant 15 : i32
    %dma_start3A_211 = arith.constant 0 : i32
    %dma_start3A_212 = tpu.memref_slice %arg11[%dma_start3A_210, %dma_start3A_211] : memref<96x32xf32, #tpu.memory_space<vmem>> -> memref<1x32xf32, #tpu.memory_space<vmem>>
    %dma_start3A_213 = arith.constant 0 : i32
    %dma_start3A_214 = tpu.memref_slice %arg4[%squeeze3A_209, %dma_start3A_213] : memref<100001x32xf32, #tpu.memory_space<hbm>> -> memref<1x32xf32, #tpu.memory_space<hbm>>
    %dma_start3A_215 = arith.constant 15 : i32
    %dma_start3A_216 = arith.constant 0 : i32
    %dma_start3A_217 = tpu.memref_slice %arg11[%dma_start3A_215, %dma_start3A_216] : memref<96x32xf32, #tpu.memory_space<vmem>> -> memref<1x32xf32, #tpu.memory_space<vmem>>
    %dma_start3A_218 = arith.constant 0 : i32
    %dma_start3A_219 = tpu.memref_slice %arg4[%squeeze3A_209, %dma_start3A_218] : memref<100001x32xf32, #tpu.memory_space<hbm>> -> memref<1x32xf32, #tpu.memory_space<hbm>>
    tpu.enqueue_dma source(%dma_start3A_219 : memref<1x32xf32, #tpu.memory_space<hbm>>) target(%dma_start3A_217 : memref<1x32xf32, #tpu.memory_space<vmem>>) target_semaphore(%arg13 : memref<!tpu.dma_semaphore, #tpu.memory_space<semaphore_mem>>)
    %dma_wait3A = arith.constant 0 : i32
    %dma_wait3A_220 = arith.constant 0 : i32
    %dma_wait3A_221 = tpu.memref_slice %arg11[%dma_wait3A, %dma_wait3A_220] : memref<96x32xf32, #tpu.memory_space<vmem>> -> memref<1x32xf32, #tpu.memory_space<vmem>>
    %dma_wait3A_222 = arith.constant 0 : i32
    %dma_wait3A_223 = tpu.memref_slice %arg4[%squeeze3A, %dma_wait3A_222] : memref<100001x32xf32, #tpu.memory_space<hbm>> -> memref<1x32xf32, #tpu.memory_space<hbm>>
    %dma_wait3A_224 = arith.constant 0 : i32
    %dma_wait3A_225 = arith.constant 0 : i32
    %dma_wait3A_226 = tpu.memref_slice %arg11[%dma_wait3A_224, %dma_wait3A_225] : memref<96x32xf32, #tpu.memory_space<vmem>> -> memref<1x32xf32, #tpu.memory_space<vmem>>
    %dma_wait3A_227 = arith.constant 0 : i32
    %dma_wait3A_228 = tpu.memref_slice %arg4[%squeeze3A, %dma_wait3A_227] : memref<100001x32xf32, #tpu.memory_space<hbm>> -> memref<1x32xf32, #tpu.memory_space<hbm>>
    tpu.wait_dma2 semaphore(%arg13 : memref<!tpu.dma_semaphore, #tpu.memory_space<semaphore_mem>>) src(%dma_wait3A_228 : memref<1x32xf32, #tpu.memory_space<hbm>>) dst(%dma_wait3A_226 : memref<1x32xf32, #tpu.memory_space<vmem>>)
    %dma_wait3A_229 = arith.constant 1 : i32
    %dma_wait3A_230 = arith.constant 0 : i32
    %dma_wait3A_231 = tpu.memref_slice %arg11[%dma_wait3A_229, %dma_wait3A_230] : memref<96x32xf32, #tpu.memory_space<vmem>> -> memref<1x32xf32, #tpu.memory_space<vmem>>
    %dma_wait3A_232 = arith.constant 0 : i32
    %dma_wait3A_233 = tpu.memref_slice %arg4[%squeeze3A_41, %dma_wait3A_232] : memref<100001x32xf32, #tpu.memory_space<hbm>> -> memref<1x32xf32, #tpu.memory_space<hbm>>
    %dma_wait3A_234 = arith.constant 1 : i32
    %dma_wait3A_235 = arith.constant 0 : i32
    %dma_wait3A_236 = tpu.memref_slice %arg11[%dma_wait3A_234, %dma_wait3A_235] : memref<96x32xf32, #tpu.memory_space<vmem>> -> memref<1x32xf32, #tpu.memory_space<vmem>>
    %dma_wait3A_237 = arith.constant 0 : i32
    %dma_wait3A_238 = tpu.memref_slice %arg4[%squeeze3A_41, %dma_wait3A_237] : memref<100001x32xf32, #tpu.memory_space<hbm>> -> memref<1x32xf32, #tpu.memory_space<hbm>>
    tpu.wait_dma2 semaphore(%arg13 : memref<!tpu.dma_semaphore, #tpu.memory_space<semaphore_mem>>) src(%dma_wait3A_238 : memref<1x32xf32, #tpu.memory_space<hbm>>) dst(%dma_wait3A_236 : memref<1x32xf32, #tpu.memory_space<vmem>>)
    %dma_wait3A_239 = arith.constant 2 : i32
    %dma_wait3A_240 = arith.constant 0 : i32
    %dma_wait3A_241 = tpu.memref_slice %arg11[%dma_wait3A_239, %dma_wait3A_240] : memref<96x32xf32, #tpu.memory_space<vmem>> -> memref<1x32xf32, #tpu.memory_space<vmem>>
    %dma_wait3A_242 = arith.constant 0 : i32
    %dma_wait3A_243 = tpu.memref_slice %arg4[%squeeze3A_53, %dma_wait3A_242] : memref<100001x32xf32, #tpu.memory_space<hbm>> -> memref<1x32xf32, #tpu.memory_space<hbm>>
    %dma_wait3A_244 = arith.constant 2 : i32
    %dma_wait3A_245 = arith.constant 0 : i32
    %dma_wait3A_246 = tpu.memref_slice %arg11[%dma_wait3A_244, %dma_wait3A_245] : memref<96x32xf32, #tpu.memory_space<vmem>> -> memref<1x32xf32, #tpu.memory_space<vmem>>
    %dma_wait3A_247 = arith.constant 0 : i32
    %dma_wait3A_248 = tpu.memref_slice %arg4[%squeeze3A_53, %dma_wait3A_247] : memref<100001x32xf32, #tpu.memory_space<hbm>> -> memref<1x32xf32, #tpu.memory_space<hbm>>
    tpu.wait_dma2 semaphore(%arg13 : memref<!tpu.dma_semaphore, #tpu.memory_space<semaphore_mem>>) src(%dma_wait3A_248 : memref<1x32xf32, #tpu.memory_space<hbm>>) dst(%dma_wait3A_246 : memref<1x32xf32, #tpu.memory_space<vmem>>)
    %dma_wait3A_249 = arith.constant 3 : i32
    %dma_wait3A_250 = arith.constant 0 : i32
    %dma_wait3A_251 = tpu.memref_slice %arg11[%dma_wait3A_249, %dma_wait3A_250] : memref<96x32xf32, #tpu.memory_space<vmem>> -> memref<1x32xf32, #tpu.memory_space<vmem>>
    %dma_wait3A_252 = arith.constant 0 : i32
    %dma_wait3A_253 = tpu.memref_slice %arg4[%squeeze3A_65, %dma_wait3A_252] : memref<100001x32xf32, #tpu.memory_space<hbm>> -> memref<1x32xf32, #tpu.memory_space<hbm>>
    %dma_wait3A_254 = arith.constant 3 : i32
    %dma_wait3A_255 = arith.constant 0 : i32
    %dma_wait3A_256 = tpu.memref_slice %arg11[%dma_wait3A_254, %dma_wait3A_255] : memref<96x32xf32, #tpu.memory_space<vmem>> -> memref<1x32xf32, #tpu.memory_space<vmem>>
    %dma_wait3A_257 = arith.constant 0 : i32
    %dma_wait3A_258 = tpu.memref_slice %arg4[%squeeze3A_65, %dma_wait3A_257] : memref<100001x32xf32, #tpu.memory_space<hbm>> -> memref<1x32xf32, #tpu.memory_space<hbm>>
    tpu.wait_dma2 semaphore(%arg13 : memref<!tpu.dma_semaphore, #tpu.memory_space<semaphore_mem>>) src(%dma_wait3A_258 : memref<1x32xf32, #tpu.memory_space<hbm>>) dst(%dma_wait3A_256 : memref<1x32xf32, #tpu.memory_space<vmem>>)
    %dma_wait3A_259 = arith.constant 4 : i32
    %dma_wait3A_260 = arith.constant 0 : i32
    %dma_wait3A_261 = tpu.memref_slice %arg11[%dma_wait3A_259, %dma_wait3A_260] : memref<96x32xf32, #tpu.memory_space<vmem>> -> memref<1x32xf32, #tpu.memory_space<vmem>>
    %dma_wait3A_262 = arith.constant 0 : i32
    %dma_wait3A_263 = tpu.memref_slice %arg4[%squeeze3A_77, %dma_wait3A_262] : memref<100001x32xf32, #tpu.memory_space<hbm>> -> memref<1x32xf32, #tpu.memory_space<hbm>>
    %dma_wait3A_264 = arith.constant 4 : i32
    %dma_wait3A_265 = arith.constant 0 : i32
    %dma_wait3A_266 = tpu.memref_slice %arg11[%dma_wait3A_264, %dma_wait3A_265] : memref<96x32xf32, #tpu.memory_space<vmem>> -> memref<1x32xf32, #tpu.memory_space<vmem>>
    %dma_wait3A_267 = arith.constant 0 : i32
    %dma_wait3A_268 = tpu.memref_slice %arg4[%squeeze3A_77, %dma_wait3A_267] : memref<100001x32xf32, #tpu.memory_space<hbm>> -> memref<1x32xf32, #tpu.memory_space<hbm>>
    tpu.wait_dma2 semaphore(%arg13 : memref<!tpu.dma_semaphore, #tpu.memory_space<semaphore_mem>>) src(%dma_wait3A_268 : memref<1x32xf32, #tpu.memory_space<hbm>>) dst(%dma_wait3A_266 : memref<1x32xf32, #tpu.memory_space<vmem>>)
    %dma_wait3A_269 = arith.constant 5 : i32
    %dma_wait3A_270 = arith.constant 0 : i32
    %dma_wait3A_271 = tpu.memref_slice %arg11[%dma_wait3A_269, %dma_wait3A_270] : memref<96x32xf32, #tpu.memory_space<vmem>> -> memref<1x32xf32, #tpu.memory_space<vmem>>
    %dma_wait3A_272 = arith.constant 0 : i32
    %dma_wait3A_273 = tpu.memref_slice %arg4[%squeeze3A_89, %dma_wait3A_272] : memref<100001x32xf32, #tpu.memory_space<hbm>> -> memref<1x32xf32, #tpu.memory_space<hbm>>
    %dma_wait3A_274 = arith.constant 5 : i32
    %dma_wait3A_275 = arith.constant 0 : i32
    %dma_wait3A_276 = tpu.memref_slice %arg11[%dma_wait3A_274, %dma_wait3A_275] : memref<96x32xf32, #tpu.memory_space<vmem>> -> memref<1x32xf32, #tpu.memory_space<vmem>>
    %dma_wait3A_277 = arith.constant 0 : i32
    %dma_wait3A_278 = tpu.memref_slice %arg4[%squeeze3A_89, %dma_wait3A_277] : memref<100001x32xf32, #tpu.memory_space<hbm>> -> memref<1x32xf32, #tpu.memory_space<hbm>>
    tpu.wait_dma2 semaphore(%arg13 : memref<!tpu.dma_semaphore, #tpu.memory_space<semaphore_mem>>) src(%dma_wait3A_278 : memref<1x32xf32, #tpu.memory_space<hbm>>) dst(%dma_wait3A_276 : memref<1x32xf32, #tpu.memory_space<vmem>>)
    %dma_wait3A_279 = arith.constant 6 : i32
    %dma_wait3A_280 = arith.constant 0 : i32
    %dma_wait3A_281 = tpu.memref_slice %arg11[%dma_wait3A_279, %dma_wait3A_280] : memref<96x32xf32, #tpu.memory_space<vmem>> -> memref<1x32xf32, #tpu.memory_space<vmem>>
    %dma_wait3A_282 = arith.constant 0 : i32
    %dma_wait3A_283 = tpu.memref_slice %arg4[%squeeze3A_101, %dma_wait3A_282] : memref<100001x32xf32, #tpu.memory_space<hbm>> -> memref<1x32xf32, #tpu.memory_space<hbm>>
    %dma_wait3A_284 = arith.constant 6 : i32
    %dma_wait3A_285 = arith.constant 0 : i32
    %dma_wait3A_286 = tpu.memref_slice %arg11[%dma_wait3A_284, %dma_wait3A_285] : memref<96x32xf32, #tpu.memory_space<vmem>> -> memref<1x32xf32, #tpu.memory_space<vmem>>
    %dma_wait3A_287 = arith.constant 0 : i32
    %dma_wait3A_288 = tpu.memref_slice %arg4[%squeeze3A_101, %dma_wait3A_287] : memref<100001x32xf32, #tpu.memory_space<hbm>> -> memref<1x32xf32, #tpu.memory_space<hbm>>
    tpu.wait_dma2 semaphore(%arg13 : memref<!tpu.dma_semaphore, #tpu.memory_space<semaphore_mem>>) src(%dma_wait3A_288 : memref<1x32xf32, #tpu.memory_space<hbm>>) dst(%dma_wait3A_286 : memref<1x32xf32, #tpu.memory_space<vmem>>)
    %dma_wait3A_289 = arith.constant 7 : i32
    %dma_wait3A_290 = arith.constant 0 : i32
    %dma_wait3A_291 = tpu.memref_slice %arg11[%dma_wait3A_289, %dma_wait3A_290] : memref<96x32xf32, #tpu.memory_space<vmem>> -> memref<1x32xf32, #tpu.memory_space<vmem>>
    %dma_wait3A_292 = arith.constant 0 : i32
    %dma_wait3A_293 = tpu.memref_slice %arg4[%squeeze3A_113, %dma_wait3A_292] : memref<100001x32xf32, #tpu.memory_space<hbm>> -> memref<1x32xf32, #tpu.memory_space<hbm>>
    %dma_wait3A_294 = arith.constant 7 : i32
    %dma_wait3A_295 = arith.constant 0 : i32
    %dma_wait3A_296 = tpu.memref_slice %arg11[%dma_wait3A_294, %dma_wait3A_295] : memref<96x32xf32, #tpu.memory_space<vmem>> -> memref<1x32xf32, #tpu.memory_space<vmem>>
    %dma_wait3A_297 = arith.constant 0 : i32
    %dma_wait3A_298 = tpu.memref_slice %arg4[%squeeze3A_113, %dma_wait3A_297] : memref<100001x32xf32, #tpu.memory_space<hbm>> -> memref<1x32xf32, #tpu.memory_space<hbm>>
    tpu.wait_dma2 semaphore(%arg13 : memref<!tpu.dma_semaphore, #tpu.memory_space<semaphore_mem>>) src(%dma_wait3A_298 : memref<1x32xf32, #tpu.memory_space<hbm>>) dst(%dma_wait3A_296 : memref<1x32xf32, #tpu.memory_space<vmem>>)
    %dma_wait3A_299 = arith.constant 8 : i32
    %dma_wait3A_300 = arith.constant 0 : i32
    %dma_wait3A_301 = tpu.memref_slice %arg11[%dma_wait3A_299, %dma_wait3A_300] : memref<96x32xf32, #tpu.memory_space<vmem>> -> memref<1x32xf32, #tpu.memory_space<vmem>>
    %dma_wait3A_302 = arith.constant 0 : i32
    %dma_wait3A_303 = tpu.memref_slice %arg4[%squeeze3A_125, %dma_wait3A_302] : memref<100001x32xf32, #tpu.memory_space<hbm>> -> memref<1x32xf32, #tpu.memory_space<hbm>>
    %dma_wait3A_304 = arith.constant 8 : i32
    %dma_wait3A_305 = arith.constant 0 : i32
    %dma_wait3A_306 = tpu.memref_slice %arg11[%dma_wait3A_304, %dma_wait3A_305] : memref<96x32xf32, #tpu.memory_space<vmem>> -> memref<1x32xf32, #tpu.memory_space<vmem>>
    %dma_wait3A_307 = arith.constant 0 : i32
    %dma_wait3A_308 = tpu.memref_slice %arg4[%squeeze3A_125, %dma_wait3A_307] : memref<100001x32xf32, #tpu.memory_space<hbm>> -> memref<1x32xf32, #tpu.memory_space<hbm>>
    tpu.wait_dma2 semaphore(%arg13 : memref<!tpu.dma_semaphore, #tpu.memory_space<semaphore_mem>>) src(%dma_wait3A_308 : memref<1x32xf32, #tpu.memory_space<hbm>>) dst(%dma_wait3A_306 : memref<1x32xf32, #tpu.memory_space<vmem>>)
    %dma_wait3A_309 = arith.constant 9 : i32
    %dma_wait3A_310 = arith.constant 0 : i32
    %dma_wait3A_311 = tpu.memref_slice %arg11[%dma_wait3A_309, %dma_wait3A_310] : memref<96x32xf32, #tpu.memory_space<vmem>> -> memref<1x32xf32, #tpu.memory_space<vmem>>
    %dma_wait3A_312 = arith.constant 0 : i32
    %dma_wait3A_313 = tpu.memref_slice %arg4[%squeeze3A_137, %dma_wait3A_312] : memref<100001x32xf32, #tpu.memory_space<hbm>> -> memref<1x32xf32, #tpu.memory_space<hbm>>
    %dma_wait3A_314 = arith.constant 9 : i32
    %dma_wait3A_315 = arith.constant 0 : i32
    %dma_wait3A_316 = tpu.memref_slice %arg11[%dma_wait3A_314, %dma_wait3A_315] : memref<96x32xf32, #tpu.memory_space<vmem>> -> memref<1x32xf32, #tpu.memory_space<vmem>>
    %dma_wait3A_317 = arith.constant 0 : i32
    %dma_wait3A_318 = tpu.memref_slice %arg4[%squeeze3A_137, %dma_wait3A_317] : memref<100001x32xf32, #tpu.memory_space<hbm>> -> memref<1x32xf32, #tpu.memory_space<hbm>>
    tpu.wait_dma2 semaphore(%arg13 : memref<!tpu.dma_semaphore, #tpu.memory_space<semaphore_mem>>) src(%dma_wait3A_318 : memref<1x32xf32, #tpu.memory_space<hbm>>) dst(%dma_wait3A_316 : memref<1x32xf32, #tpu.memory_space<vmem>>)
    %dma_wait3A_319 = arith.constant 10 : i32
    %dma_wait3A_320 = arith.constant 0 : i32
    %dma_wait3A_321 = tpu.memref_slice %arg11[%dma_wait3A_319, %dma_wait3A_320] : memref<96x32xf32, #tpu.memory_space<vmem>> -> memref<1x32xf32, #tpu.memory_space<vmem>>
    %dma_wait3A_322 = arith.constant 0 : i32
    %dma_wait3A_323 = tpu.memref_slice %arg4[%squeeze3A_149, %dma_wait3A_322] : memref<100001x32xf32, #tpu.memory_space<hbm>> -> memref<1x32xf32, #tpu.memory_space<hbm>>
    %dma_wait3A_324 = arith.constant 10 : i32
    %dma_wait3A_325 = arith.constant 0 : i32
    %dma_wait3A_326 = tpu.memref_slice %arg11[%dma_wait3A_324, %dma_wait3A_325] : memref<96x32xf32, #tpu.memory_space<vmem>> -> memref<1x32xf32, #tpu.memory_space<vmem>>
    %dma_wait3A_327 = arith.constant 0 : i32
    %dma_wait3A_328 = tpu.memref_slice %arg4[%squeeze3A_149, %dma_wait3A_327] : memref<100001x32xf32, #tpu.memory_space<hbm>> -> memref<1x32xf32, #tpu.memory_space<hbm>>
    tpu.wait_dma2 semaphore(%arg13 : memref<!tpu.dma_semaphore, #tpu.memory_space<semaphore_mem>>) src(%dma_wait3A_328 : memref<1x32xf32, #tpu.memory_space<hbm>>) dst(%dma_wait3A_326 : memref<1x32xf32, #tpu.memory_space<vmem>>)
    %dma_wait3A_329 = arith.constant 11 : i32
    %dma_wait3A_330 = arith.constant 0 : i32
    %dma_wait3A_331 = tpu.memref_slice %arg11[%dma_wait3A_329, %dma_wait3A_330] : memref<96x32xf32, #tpu.memory_space<vmem>> -> memref<1x32xf32, #tpu.memory_space<vmem>>
    %dma_wait3A_332 = arith.constant 0 : i32
    %dma_wait3A_333 = tpu.memref_slice %arg4[%squeeze3A_161, %dma_wait3A_332] : memref<100001x32xf32, #tpu.memory_space<hbm>> -> memref<1x32xf32, #tpu.memory_space<hbm>>
    %dma_wait3A_334 = arith.constant 11 : i32
    %dma_wait3A_335 = arith.constant 0 : i32
    %dma_wait3A_336 = tpu.memref_slice %arg11[%dma_wait3A_334, %dma_wait3A_335] : memref<96x32xf32, #tpu.memory_space<vmem>> -> memref<1x32xf32, #tpu.memory_space<vmem>>
    %dma_wait3A_337 = arith.constant 0 : i32
    %dma_wait3A_338 = tpu.memref_slice %arg4[%squeeze3A_161, %dma_wait3A_337] : memref<100001x32xf32, #tpu.memory_space<hbm>> -> memref<1x32xf32, #tpu.memory_space<hbm>>
    tpu.wait_dma2 semaphore(%arg13 : memref<!tpu.dma_semaphore, #tpu.memory_space<semaphore_mem>>) src(%dma_wait3A_338 : memref<1x32xf32, #tpu.memory_space<hbm>>) dst(%dma_wait3A_336 : memref<1x32xf32, #tpu.memory_space<vmem>>)
    %dma_wait3A_339 = arith.constant 12 : i32
    %dma_wait3A_340 = arith.constant 0 : i32
    %dma_wait3A_341 = tpu.memref_slice %arg11[%dma_wait3A_339, %dma_wait3A_340] : memref<96x32xf32, #tpu.memory_space<vmem>> -> memref<1x32xf32, #tpu.memory_space<vmem>>
    %dma_wait3A_342 = arith.constant 0 : i32
    %dma_wait3A_343 = tpu.memref_slice %arg4[%squeeze3A_173, %dma_wait3A_342] : memref<100001x32xf32, #tpu.memory_space<hbm>> -> memref<1x32xf32, #tpu.memory_space<hbm>>
    %dma_wait3A_344 = arith.constant 12 : i32
    %dma_wait3A_345 = arith.constant 0 : i32
    %dma_wait3A_346 = tpu.memref_slice %arg11[%dma_wait3A_344, %dma_wait3A_345] : memref<96x32xf32, #tpu.memory_space<vmem>> -> memref<1x32xf32, #tpu.memory_space<vmem>>
    %dma_wait3A_347 = arith.constant 0 : i32
    %dma_wait3A_348 = tpu.memref_slice %arg4[%squeeze3A_173, %dma_wait3A_347] : memref<100001x32xf32, #tpu.memory_space<hbm>> -> memref<1x32xf32, #tpu.memory_space<hbm>>
    tpu.wait_dma2 semaphore(%arg13 : memref<!tpu.dma_semaphore, #tpu.memory_space<semaphore_mem>>) src(%dma_wait3A_348 : memref<1x32xf32, #tpu.memory_space<hbm>>) dst(%dma_wait3A_346 : memref<1x32xf32, #tpu.memory_space<vmem>>)
    %dma_wait3A_349 = arith.constant 13 : i32
    %dma_wait3A_350 = arith.constant 0 : i32
    %dma_wait3A_351 = tpu.memref_slice %arg11[%dma_wait3A_349, %dma_wait3A_350] : memref<96x32xf32, #tpu.memory_space<vmem>> -> memref<1x32xf32, #tpu.memory_space<vmem>>
    %dma_wait3A_352 = arith.constant 0 : i32
    %dma_wait3A_353 = tpu.memref_slice %arg4[%squeeze3A_185, %dma_wait3A_352] : memref<100001x32xf32, #tpu.memory_space<hbm>> -> memref<1x32xf32, #tpu.memory_space<hbm>>
    %dma_wait3A_354 = arith.constant 13 : i32
    %dma_wait3A_355 = arith.constant 0 : i32
    %dma_wait3A_356 = tpu.memref_slice %arg11[%dma_wait3A_354, %dma_wait3A_355] : memref<96x32xf32, #tpu.memory_space<vmem>> -> memref<1x32xf32, #tpu.memory_space<vmem>>
    %dma_wait3A_357 = arith.constant 0 : i32
    %dma_wait3A_358 = tpu.memref_slice %arg4[%squeeze3A_185, %dma_wait3A_357] : memref<100001x32xf32, #tpu.memory_space<hbm>> -> memref<1x32xf32, #tpu.memory_space<hbm>>
    tpu.wait_dma2 semaphore(%arg13 : memref<!tpu.dma_semaphore, #tpu.memory_space<semaphore_mem>>) src(%dma_wait3A_358 : memref<1x32xf32, #tpu.memory_space<hbm>>) dst(%dma_wait3A_356 : memref<1x32xf32, #tpu.memory_space<vmem>>)
    %dma_wait3A_359 = arith.constant 14 : i32
    %dma_wait3A_360 = arith.constant 0 : i32
    %dma_wait3A_361 = tpu.memref_slice %arg11[%dma_wait3A_359, %dma_wait3A_360] : memref<96x32xf32, #tpu.memory_space<vmem>> -> memref<1x32xf32, #tpu.memory_space<vmem>>
    %dma_wait3A_362 = arith.constant 0 : i32
    %dma_wait3A_363 = tpu.memref_slice %arg4[%squeeze3A_197, %dma_wait3A_362] : memref<100001x32xf32, #tpu.memory_space<hbm>> -> memref<1x32xf32, #tpu.memory_space<hbm>>
    %dma_wait3A_364 = arith.constant 14 : i32
    %dma_wait3A_365 = arith.constant 0 : i32
    %dma_wait3A_366 = tpu.memref_slice %arg11[%dma_wait3A_364, %dma_wait3A_365] : memref<96x32xf32, #tpu.memory_space<vmem>> -> memref<1x32xf32, #tpu.memory_space<vmem>>
    %dma_wait3A_367 = arith.constant 0 : i32
    %dma_wait3A_368 = tpu.memref_slice %arg4[%squeeze3A_197, %dma_wait3A_367] : memref<100001x32xf32, #tpu.memory_space<hbm>> -> memref<1x32xf32, #tpu.memory_space<hbm>>
    tpu.wait_dma2 semaphore(%arg13 : memref<!tpu.dma_semaphore, #tpu.memory_space<semaphore_mem>>) src(%dma_wait3A_368 : memref<1x32xf32, #tpu.memory_space<hbm>>) dst(%dma_wait3A_366 : memref<1x32xf32, #tpu.memory_space<vmem>>)
    %dma_wait3A_369 = arith.constant 15 : i32
    %dma_wait3A_370 = arith.constant 0 : i32
    %dma_wait3A_371 = tpu.memref_slice %arg11[%dma_wait3A_369, %dma_wait3A_370] : memref<96x32xf32, #tpu.memory_space<vmem>> -> memref<1x32xf32, #tpu.memory_space<vmem>>
    %dma_wait3A_372 = arith.constant 0 : i32
    %dma_wait3A_373 = tpu.memref_slice %arg4[%squeeze3A_209, %dma_wait3A_372] : memref<100001x32xf32, #tpu.memory_space<hbm>> -> memref<1x32xf32, #tpu.memory_space<hbm>>
    %dma_wait3A_374 = arith.constant 15 : i32
    %dma_wait3A_375 = arith.constant 0 : i32
    %dma_wait3A_376 = tpu.memref_slice %arg11[%dma_wait3A_374, %dma_wait3A_375] : memref<96x32xf32, #tpu.memory_space<vmem>> -> memref<1x32xf32, #tpu.memory_space<vmem>>
    %dma_wait3A_377 = arith.constant 0 : i32
    %dma_wait3A_378 = tpu.memref_slice %arg4[%squeeze3A_209, %dma_wait3A_377] : memref<100001x32xf32, #tpu.memory_space<hbm>> -> memref<1x32xf32, #tpu.memory_space<hbm>>
    tpu.wait_dma2 semaphore(%arg13 : memref<!tpu.dma_semaphore, #tpu.memory_space<semaphore_mem>>) src(%dma_wait3A_378 : memref<1x32xf32, #tpu.memory_space<hbm>>) dst(%dma_wait3A_376 : memref<1x32xf32, #tpu.memory_space<vmem>>)
    %get3A_379 = arith.constant 16 : index
    %get3A_380 = tpu.vector_load %arg10[%get3A_379] {strides = array<i32>} : memref<96xi32, #tpu.memory_space<vmem>>, vector<16xi32>,
    %get3A_381 = vector.shape_cast %get3A_380 : vector<16xi32> to vector<16xi32>
    %slice3A_382 = vector.extract_strided_slice %get3A_381 {offsets = [0], sizes = [1], strides = [1]} : vector<16xi32> to vector<1xi32>
    %squeeze3A_383 = vector.extract %slice3A_382[0] : i32 from vector<1xi32>
    %dma_start3A_384 = arith.constant 16 : i32
    %dma_start3A_385 = arith.constant 0 : i32
    %dma_start3A_386 = tpu.memref_slice %arg11[%dma_start3A_384, %dma_start3A_385] : memref<96x32xf32, #tpu.memory_space<vmem>> -> memref<1x32xf32, #tpu.memory_space<vmem>>
    %dma_start3A_387 = arith.constant 0 : i32
    %dma_start3A_388 = tpu.memref_slice %arg4[%squeeze3A_383, %dma_start3A_387] : memref<100001x32xf32, #tpu.memory_space<hbm>> -> memref<1x32xf32, #tpu.memory_space<hbm>>
    %dma_start3A_389 = arith.constant 16 : i32
    %dma_start3A_390 = arith.constant 0 : i32
    %dma_start3A_391 = tpu.memref_slice %arg11[%dma_start3A_389, %dma_start3A_390] : memref<96x32xf32, #tpu.memory_space<vmem>> -> memref<1x32xf32, #tpu.memory_space<vmem>>
    %dma_start3A_392 = arith.constant 0 : i32
    %dma_start3A_393 = tpu.memref_slice %arg4[%squeeze3A_383, %dma_start3A_392] : memref<100001x32xf32, #tpu.memory_space<hbm>> -> memref<1x32xf32, #tpu.memory_space<hbm>>
    tpu.enqueue_dma source(%dma_start3A_393 : memref<1x32xf32, #tpu.memory_space<hbm>>) target(%dma_start3A_391 : memref<1x32xf32, #tpu.memory_space<vmem>>) target_semaphore(%arg13 : memref<!tpu.dma_semaphore, #tpu.memory_space<semaphore_mem>>)
    %slice3A_394 = vector.extract_strided_slice %get3A_381 {offsets = [1], sizes = [1], strides = [1]} : vector<16xi32> to vector<1xi32>
    %squeeze3A_395 = vector.extract %slice3A_394[0] : i32 from vector<1xi32>
    %dma_start3A_396 = arith.constant 17 : i32
    %dma_start3A_397 = arith.constant 0 : i32
    %dma_start3A_398 = tpu.memref_slice %arg11[%dma_start3A_396, %dma_start3A_397] : memref<96x32xf32, #tpu.memory_space<vmem>> -> memref<1x32xf32, #tpu.memory_space<vmem>>
    %dma_start3A_399 = arith.constant 0 : i32
    %dma_start3A_400 = tpu.memref_slice %arg4[%squeeze3A_395, %dma_start3A_399] : memref<100001x32xf32, #tpu.memory_space<hbm>> -> memref<1x32xf32, #tpu.memory_space<hbm>>
    %dma_start3A_401 = arith.constant 17 : i32
    %dma_start3A_402 = arith.constant 0 : i32
    %dma_start3A_403 = tpu.memref_slice %arg11[%dma_start3A_401, %dma_start3A_402] : memref<96x32xf32, #tpu.memory_space<vmem>> -> memref<1x32xf32, #tpu.memory_space<vmem>>
    %dma_start3A_404 = arith.constant 0 : i32
    %dma_start3A_405 = tpu.memref_slice %arg4[%squeeze3A_395, %dma_start3A_404] : memref<100001x32xf32, #tpu.memory_space<hbm>> -> memref<1x32xf32, #tpu.memory_space<hbm>>
    tpu.enqueue_dma source(%dma_start3A_405 : memref<1x32xf32, #tpu.memory_space<hbm>>) target(%dma_start3A_403 : memref<1x32xf32, #tpu.memory_space<vmem>>) target_semaphore(%arg13 : memref<!tpu.dma_semaphore, #tpu.memory_space<semaphore_mem>>)
    %slice3A_406 = vector.extract_strided_slice %get3A_381 {offsets = [2], sizes = [1], strides = [1]} : vector<16xi32> to vector<1xi32>
    %squeeze3A_407 = vector.extract %slice3A_406[0] : i32 from vector<1xi32>
    %dma_start3A_408 = arith.constant 18 : i32
    %dma_start3A_409 = arith.constant 0 : i32
    %dma_start3A_410 = tpu.memref_slice %arg11[%dma_start3A_408, %dma_start3A_409] : memref<96x32xf32, #tpu.memory_space<vmem>> -> memref<1x32xf32, #tpu.memory_space<vmem>>
    %dma_start3A_411 = arith.constant 0 : i32
    %dma_start3A_412 = tpu.memref_slice %arg4[%squeeze3A_407, %dma_start3A_411] : memref<100001x32xf32, #tpu.memory_space<hbm>> -> memref<1x32xf32, #tpu.memory_space<hbm>>
    %dma_start3A_413 = arith.constant 18 : i32
    %dma_start3A_414 = arith.constant 0 : i32
    %dma_start3A_415 = tpu.memref_slice %arg11[%dma_start3A_413, %dma_start3A_414] : memref<96x32xf32, #tpu.memory_space<vmem>> -> memref<1x32xf32, #tpu.memory_space<vmem>>
    %dma_start3A_416 = arith.constant 0 : i32
    %dma_start3A_417 = tpu.memref_slice %arg4[%squeeze3A_407, %dma_start3A_416] : memref<100001x32xf32, #tpu.memory_space<hbm>> -> memref<1x32xf32, #tpu.memory_space<hbm>>
    tpu.enqueue_dma source(%dma_start3A_417 : memref<1x32xf32, #tpu.memory_space<hbm>>) target(%dma_start3A_415 : memref<1x32xf32, #tpu.memory_space<vmem>>) target_semaphore(%arg13 : memref<!tpu.dma_semaphore, #tpu.memory_space<semaphore_mem>>)
    %slice3A_418 = vector.extract_strided_slice %get3A_381 {offsets = [3], sizes = [1], strides = [1]} : vector<16xi32> to vector<1xi32>
    %squeeze3A_419 = vector.extract %slice3A_418[0] : i32 from vector<1xi32>
    %dma_start3A_420 = arith.constant 19 : i32
    %dma_start3A_421 = arith.constant 0 : i32
    %dma_start3A_422 = tpu.memref_slice %arg11[%dma_start3A_420, %dma_start3A_421] : memref<96x32xf32, #tpu.memory_space<vmem>> -> memref<1x32xf32, #tpu.memory_space<vmem>>
    %dma_start3A_423 = arith.constant 0 : i32
    %dma_start3A_424 = tpu.memref_slice %arg4[%squeeze3A_419, %dma_start3A_423] : memref<100001x32xf32, #tpu.memory_space<hbm>> -> memref<1x32xf32, #tpu.memory_space<hbm>>
    %dma_start3A_425 = arith.constant 19 : i32
    %dma_start3A_426 = arith.constant 0 : i32
    %dma_start3A_427 = tpu.memref_slice %arg11[%dma_start3A_425, %dma_start3A_426] : memref<96x32xf32, #tpu.memory_space<vmem>> -> memref<1x32xf32, #tpu.memory_space<vmem>>
    %dma_start3A_428 = arith.constant 0 : i32
    %dma_start3A_429 = tpu.memref_slice %arg4[%squeeze3A_419, %dma_start3A_428] : memref<100001x32xf32, #tpu.memory_space<hbm>> -> memref<1x32xf32, #tpu.memory_space<hbm>>
    tpu.enqueue_dma source(%dma_start3A_429 : memref<1x32xf32, #tpu.memory_space<hbm>>) target(%dma_start3A_427 : memref<1x32xf32, #tpu.memory_space<vmem>>) target_semaphore(%arg13 : memref<!tpu.dma_semaphore, #tpu.memory_space<semaphore_mem>>)
    %slice3A_430 = vector.extract_strided_slice %get3A_381 {offsets = [4], sizes = [1], strides = [1]} : vector<16xi32> to vector<1xi32>
    %squeeze3A_431 = vector.extract %slice3A_430[0] : i32 from vector<1xi32>
    %dma_start3A_432 = arith.constant 20 : i32
    %dma_start3A_433 = arith.constant 0 : i32
    %dma_start3A_434 = tpu.memref_slice %arg11[%dma_start3A_432, %dma_start3A_433] : memref<96x32xf32, #tpu.memory_space<vmem>> -> memref<1x32xf32, #tpu.memory_space<vmem>>
    %dma_start3A_435 = arith.constant 0 : i32
    %dma_start3A_436 = tpu.memref_slice %arg4[%squeeze3A_431, %dma_start3A_435] : memref<100001x32xf32, #tpu.memory_space<hbm>> -> memref<1x32xf32, #tpu.memory_space<hbm>>
    %dma_start3A_437 = arith.constant 20 : i32
    %dma_start3A_438 = arith.constant 0 : i32
    %dma_start3A_439 = tpu.memref_slice %arg11[%dma_start3A_437, %dma_start3A_438] : memref<96x32xf32, #tpu.memory_space<vmem>> -> memref<1x32xf32, #tpu.memory_space<vmem>>
    %dma_start3A_440 = arith.constant 0 : i32
    %dma_start3A_441 = tpu.memref_slice %arg4[%squeeze3A_431, %dma_start3A_440] : memref<100001x32xf32, #tpu.memory_space<hbm>> -> memref<1x32xf32, #tpu.memory_space<hbm>>
    tpu.enqueue_dma source(%dma_start3A_441 : memref<1x32xf32, #tpu.memory_space<hbm>>) target(%dma_start3A_439 : memref<1x32xf32, #tpu.memory_space<vmem>>) target_semaphore(%arg13 : memref<!tpu.dma_semaphore, #tpu.memory_space<semaphore_mem>>)
    %slice3A_442 = vector.extract_strided_slice %get3A_381 {offsets = [5], sizes = [1], strides = [1]} : vector<16xi32> to vector<1xi32>
    %squeeze3A_443 = vector.extract %slice3A_442[0] : i32 from vector<1xi32>
    %dma_start3A_444 = arith.constant 21 : i32
    %dma_start3A_445 = arith.constant 0 : i32
    %dma_start3A_446 = tpu.memref_slice %arg11[%dma_start3A_444, %dma_start3A_445] : memref<96x32xf32, #tpu.memory_space<vmem>> -> memref<1x32xf32, #tpu.memory_space<vmem>>
    %dma_start3A_447 = arith.constant 0 : i32
    %dma_start3A_448 = tpu.memref_slice %arg4[%squeeze3A_443, %dma_start3A_447] : memref<100001x32xf32, #tpu.memory_space<hbm>> -> memref<1x32xf32, #tpu.memory_space<hbm>>
    %dma_start3A_449 = arith.constant 21 : i32
    %dma_start3A_450 = arith.constant 0 : i32
    %dma_start3A_451 = tpu.memref_slice %arg11[%dma_start3A_449, %dma_start3A_450] : memref<96x32xf32, #tpu.memory_space<vmem>> -> memref<1x32xf32, #tpu.memory_space<vmem>>
    %dma_start3A_452 = arith.constant 0 : i32
    %dma_start3A_453 = tpu.memref_slice %arg4[%squeeze3A_443, %dma_start3A_452] : memref<100001x32xf32, #tpu.memory_space<hbm>> -> memref<1x32xf32, #tpu.memory_space<hbm>>
    tpu.enqueue_dma source(%dma_start3A_453 : memref<1x32xf32, #tpu.memory_space<hbm>>) target(%dma_start3A_451 : memref<1x32xf32, #tpu.memory_space<vmem>>) target_semaphore(%arg13 : memref<!tpu.dma_semaphore, #tpu.memory_space<semaphore_mem>>)
    %slice3A_454 = vector.extract_strided_slice %get3A_381 {offsets = [6], sizes = [1], strides = [1]} : vector<16xi32> to vector<1xi32>
    %squeeze3A_455 = vector.extract %slice3A_454[0] : i32 from vector<1xi32>
    %dma_start3A_456 = arith.constant 22 : i32
    %dma_start3A_457 = arith.constant 0 : i32
    %dma_start3A_458 = tpu.memref_slice %arg11[%dma_start3A_456, %dma_start3A_457] : memref<96x32xf32, #tpu.memory_space<vmem>> -> memref<1x32xf32, #tpu.memory_space<vmem>>
    %dma_start3A_459 = arith.constant 0 : i32
    %dma_start3A_460 = tpu.memref_slice %arg4[%squeeze3A_455, %dma_start3A_459] : memref<100001x32xf32, #tpu.memory_space<hbm>> -> memref<1x32xf32, #tpu.memory_space<hbm>>
    %dma_start3A_461 = arith.constant 22 : i32
    %dma_start3A_462 = arith.constant 0 : i32
    %dma_start3A_463 = tpu.memref_slice %arg11[%dma_start3A_461, %dma_start3A_462] : memref<96x32xf32, #tpu.memory_space<vmem>> -> memref<1x32xf32, #tpu.memory_space<vmem>>
    %dma_start3A_464 = arith.constant 0 : i32
    %dma_start3A_465 = tpu.memref_slice %arg4[%squeeze3A_455, %dma_start3A_464] : memref<100001x32xf32, #tpu.memory_space<hbm>> -> memref<1x32xf32, #tpu.memory_space<hbm>>
    tpu.enqueue_dma source(%dma_start3A_465 : memref<1x32xf32, #tpu.memory_space<hbm>>) target(%dma_start3A_463 : memref<1x32xf32, #tpu.memory_space<vmem>>) target_semaphore(%arg13 : memref<!tpu.dma_semaphore, #tpu.memory_space<semaphore_mem>>)
    %slice3A_466 = vector.extract_strided_slice %get3A_381 {offsets = [7], sizes = [1], strides = [1]} : vector<16xi32> to vector<1xi32>
    %squeeze3A_467 = vector.extract %slice3A_466[0] : i32 from vector<1xi32>
    %dma_start3A_468 = arith.constant 23 : i32
    %dma_start3A_469 = arith.constant 0 : i32
    %dma_start3A_470 = tpu.memref_slice %arg11[%dma_start3A_468, %dma_start3A_469] : memref<96x32xf32, #tpu.memory_space<vmem>> -> memref<1x32xf32, #tpu.memory_space<vmem>>
    %dma_start3A_471 = arith.constant 0 : i32
    %dma_start3A_472 = tpu.memref_slice %arg4[%squeeze3A_467, %dma_start3A_471] : memref<100001x32xf32, #tpu.memory_space<hbm>> -> memref<1x32xf32, #tpu.memory_space<hbm>>
    %dma_start3A_473 = arith.constant 23 : i32
    %dma_start3A_474 = arith.constant 0 : i32
    %dma_start3A_475 = tpu.memref_slice %arg11[%dma_start3A_473, %dma_start3A_474] : memref<96x32xf32, #tpu.memory_space<vmem>> -> memref<1x32xf32, #tpu.memory_space<vmem>>
    %dma_start3A_476 = arith.constant 0 : i32
    %dma_start3A_477 = tpu.memref_slice %arg4[%squeeze3A_467, %dma_start3A_476] : memref<100001x32xf32, #tpu.memory_space<hbm>> -> memref<1x32xf32, #tpu.memory_space<hbm>>
    tpu.enqueue_dma source(%dma_start3A_477 : memref<1x32xf32, #tpu.memory_space<hbm>>) target(%dma_start3A_475 : memref<1x32xf32, #tpu.memory_space<vmem>>) target_semaphore(%arg13 : memref<!tpu.dma_semaphore, #tpu.memory_space<semaphore_mem>>)
    %slice3A_478 = vector.extract_strided_slice %get3A_381 {offsets = [8], sizes = [1], strides = [1]} : vector<16xi32> to vector<1xi32>
    %squeeze3A_479 = vector.extract %slice3A_478[0] : i32 from vector<1xi32>
    %dma_start3A_480 = arith.constant 24 : i32
    %dma_start3A_481 = arith.constant 0 : i32
    %dma_start3A_482 = tpu.memref_slice %arg11[%dma_start3A_480, %dma_start3A_481] : memref<96x32xf32, #tpu.memory_space<vmem>> -> memref<1x32xf32, #tpu.memory_space<vmem>>
    %dma_start3A_483 = arith.constant 0 : i32
    %dma_start3A_484 = tpu.memref_slice %arg4[%squeeze3A_479, %dma_start3A_483] : memref<100001x32xf32, #tpu.memory_space<hbm>> -> memref<1x32xf32, #tpu.memory_space<hbm>>
    %dma_start3A_485 = arith.constant 24 : i32
    %dma_start3A_486 = arith.constant 0 : i32
    %dma_start3A_487 = tpu.memref_slice %arg11[%dma_start3A_485, %dma_start3A_486] : memref<96x32xf32, #tpu.memory_space<vmem>> -> memref<1x32xf32, #tpu.memory_space<vmem>>
    %dma_start3A_488 = arith.constant 0 : i32
    %dma_start3A_489 = tpu.memref_slice %arg4[%squeeze3A_479, %dma_start3A_488] : memref<100001x32xf32, #tpu.memory_space<hbm>> -> memref<1x32xf32, #tpu.memory_space<hbm>>
    tpu.enqueue_dma source(%dma_start3A_489 : memref<1x32xf32, #tpu.memory_space<hbm>>) target(%dma_start3A_487 : memref<1x32xf32, #tpu.memory_space<vmem>>) target_semaphore(%arg13 : memref<!tpu.dma_semaphore, #tpu.memory_space<semaphore_mem>>)
    %slice3A_490 = vector.extract_strided_slice %get3A_381 {offsets = [9], sizes = [1], strides = [1]} : vector<16xi32> to vector<1xi32>
    %squeeze3A_491 = vector.extract %slice3A_490[0] : i32 from vector<1xi32>
    %dma_start3A_492 = arith.constant 25 : i32
    %dma_start3A_493 = arith.constant 0 : i32
    %dma_start3A_494 = tpu.memref_slice %arg11[%dma_start3A_492, %dma_start3A_493] : memref<96x32xf32, #tpu.memory_space<vmem>> -> memref<1x32xf32, #tpu.memory_space<vmem>>
    %dma_start3A_495 = arith.constant 0 : i32
    %dma_start3A_496 = tpu.memref_slice %arg4[%squeeze3A_491, %dma_start3A_495] : memref<100001x32xf32, #tpu.memory_space<hbm>> -> memref<1x32xf32, #tpu.memory_space<hbm>>
    %dma_start3A_497 = arith.constant 25 : i32
    %dma_start3A_498 = arith.constant 0 : i32
    %dma_start3A_499 = tpu.memref_slice %arg11[%dma_start3A_497, %dma_start3A_498] : memref<96x32xf32, #tpu.memory_space<vmem>> -> memref<1x32xf32, #tpu.memory_space<vmem>>
    %dma_start3A_500 = arith.constant 0 : i32
    %dma_start3A_501 = tpu.memref_slice %arg4[%squeeze3A_491, %dma_start3A_500] : memref<100001x32xf32, #tpu.memory_space<hbm>> -> memref<1x32xf32, #tpu.memory_space<hbm>>
    tpu.enqueue_dma source(%dma_start3A_501 : memref<1x32xf32, #tpu.memory_space<hbm>>) target(%dma_start3A_499 : memref<1x32xf32, #tpu.memory_space<vmem>>) target_semaphore(%arg13 : memref<!tpu.dma_semaphore, #tpu.memory_space<semaphore_mem>>)
    %slice3A_502 = vector.extract_strided_slice %get3A_381 {offsets = [10], sizes = [1], strides = [1]} : vector<16xi32> to vector<1xi32>
    %squeeze3A_503 = vector.extract %slice3A_502[0] : i32 from vector<1xi32>
    %dma_start3A_504 = arith.constant 26 : i32
    %dma_start3A_505 = arith.constant 0 : i32
    %dma_start3A_506 = tpu.memref_slice %arg11[%dma_start3A_504, %dma_start3A_505] : memref<96x32xf32, #tpu.memory_space<vmem>> -> memref<1x32xf32, #tpu.memory_space<vmem>>
    %dma_start3A_507 = arith.constant 0 : i32
    %dma_start3A_508 = tpu.memref_slice %arg4[%squeeze3A_503, %dma_start3A_507] : memref<100001x32xf32, #tpu.memory_space<hbm>> -> memref<1x32xf32, #tpu.memory_space<hbm>>
    %dma_start3A_509 = arith.constant 26 : i32
    %dma_start3A_510 = arith.constant 0 : i32
    %dma_start3A_511 = tpu.memref_slice %arg11[%dma_start3A_509, %dma_start3A_510] : memref<96x32xf32, #tpu.memory_space<vmem>> -> memref<1x32xf32, #tpu.memory_space<vmem>>
    %dma_start3A_512 = arith.constant 0 : i32
    %dma_start3A_513 = tpu.memref_slice %arg4[%squeeze3A_503, %dma_start3A_512] : memref<100001x32xf32, #tpu.memory_space<hbm>> -> memref<1x32xf32, #tpu.memory_space<hbm>>
    tpu.enqueue_dma source(%dma_start3A_513 : memref<1x32xf32, #tpu.memory_space<hbm>>) target(%dma_start3A_511 : memref<1x32xf32, #tpu.memory_space<vmem>>) target_semaphore(%arg13 : memref<!tpu.dma_semaphore, #tpu.memory_space<semaphore_mem>>)
    %slice3A_514 = vector.extract_strided_slice %get3A_381 {offsets = [11], sizes = [1], strides = [1]} : vector<16xi32> to vector<1xi32>
    %squeeze3A_515 = vector.extract %slice3A_514[0] : i32 from vector<1xi32>
    %dma_start3A_516 = arith.constant 27 : i32
    %dma_start3A_517 = arith.constant 0 : i32
    %dma_start3A_518 = tpu.memref_slice %arg11[%dma_start3A_516, %dma_start3A_517] : memref<96x32xf32, #tpu.memory_space<vmem>> -> memref<1x32xf32, #tpu.memory_space<vmem>>
    %dma_start3A_519 = arith.constant 0 : i32
    %dma_start3A_520 = tpu.memref_slice %arg4[%squeeze3A_515, %dma_start3A_519] : memref<100001x32xf32, #tpu.memory_space<hbm>> -> memref<1x32xf32, #tpu.memory_space<hbm>>
    %dma_start3A_521 = arith.constant 27 : i32
    %dma_start3A_522 = arith.constant 0 : i32
    %dma_start3A_523 = tpu.memref_slice %arg11[%dma_start3A_521, %dma_start3A_522] : memref<96x32xf32, #tpu.memory_space<vmem>> -> memref<1x32xf32, #tpu.memory_space<vmem>>
    %dma_start3A_524 = arith.constant 0 : i32
    %dma_start3A_525 = tpu.memref_slice %arg4[%squeeze3A_515, %dma_start3A_524] : memref<100001x32xf32, #tpu.memory_space<hbm>> -> memref<1x32xf32, #tpu.memory_space<hbm>>
    tpu.enqueue_dma source(%dma_start3A_525 : memref<1x32xf32, #tpu.memory_space<hbm>>) target(%dma_start3A_523 : memref<1x32xf32, #tpu.memory_space<vmem>>) target_semaphore(%arg13 : memref<!tpu.dma_semaphore, #tpu.memory_space<semaphore_mem>>)
    %slice3A_526 = vector.extract_strided_slice %get3A_381 {offsets = [12], sizes = [1], strides = [1]} : vector<16xi32> to vector<1xi32>
    %squeeze3A_527 = vector.extract %slice3A_526[0] : i32 from vector<1xi32>
    %dma_start3A_528 = arith.constant 28 : i32
    %dma_start3A_529 = arith.constant 0 : i32
    %dma_start3A_530 = tpu.memref_slice %arg11[%dma_start3A_528, %dma_start3A_529] : memref<96x32xf32, #tpu.memory_space<vmem>> -> memref<1x32xf32, #tpu.memory_space<vmem>>
    %dma_start3A_531 = arith.constant 0 : i32
    %dma_start3A_532 = tpu.memref_slice %arg4[%squeeze3A_527, %dma_start3A_531] : memref<100001x32xf32, #tpu.memory_space<hbm>> -> memref<1x32xf32, #tpu.memory_space<hbm>>
    %dma_start3A_533 = arith.constant 28 : i32
    %dma_start3A_534 = arith.constant 0 : i32
    %dma_start3A_535 = tpu.memref_slice %arg11[%dma_start3A_533, %dma_start3A_534] : memref<96x32xf32, #tpu.memory_space<vmem>> -> memref<1x32xf32, #tpu.memory_space<vmem>>
    %dma_start3A_536 = arith.constant 0 : i32
    %dma_start3A_537 = tpu.memref_slice %arg4[%squeeze3A_527, %dma_start3A_536] : memref<100001x32xf32, #tpu.memory_space<hbm>> -> memref<1x32xf32, #tpu.memory_space<hbm>>
    tpu.enqueue_dma source(%dma_start3A_537 : memref<1x32xf32, #tpu.memory_space<hbm>>) target(%dma_start3A_535 : memref<1x32xf32, #tpu.memory_space<vmem>>) target_semaphore(%arg13 : memref<!tpu.dma_semaphore, #tpu.memory_space<semaphore_mem>>)
    %slice3A_538 = vector.extract_strided_slice %get3A_381 {offsets = [13], sizes = [1], strides = [1]} : vector<16xi32> to vector<1xi32>
    %squeeze3A_539 = vector.extract %slice3A_538[0] : i32 from vector<1xi32>
    %dma_start3A_540 = arith.constant 29 : i32
    %dma_start3A_541 = arith.constant 0 : i32
    %dma_start3A_542 = tpu.memref_slice %arg11[%dma_start3A_540, %dma_start3A_541] : memref<96x32xf32, #tpu.memory_space<vmem>> -> memref<1x32xf32, #tpu.memory_space<vmem>>
    %dma_start3A_543 = arith.constant 0 : i32
    %dma_start3A_544 = tpu.memref_slice %arg4[%squeeze3A_539, %dma_start3A_543] : memref<100001x32xf32, #tpu.memory_space<hbm>> -> memref<1x32xf32, #tpu.memory_space<hbm>>
    %dma_start3A_545 = arith.constant 29 : i32
    %dma_start3A_546 = arith.constant 0 : i32
    %dma_start3A_547 = tpu.memref_slice %arg11[%dma_start3A_545, %dma_start3A_546] : memref<96x32xf32, #tpu.memory_space<vmem>> -> memref<1x32xf32, #tpu.memory_space<vmem>>
    %dma_start3A_548 = arith.constant 0 : i32
    %dma_start3A_549 = tpu.memref_slice %arg4[%squeeze3A_539, %dma_start3A_548] : memref<100001x32xf32, #tpu.memory_space<hbm>> -> memref<1x32xf32, #tpu.memory_space<hbm>>
    tpu.enqueue_dma source(%dma_start3A_549 : memref<1x32xf32, #tpu.memory_space<hbm>>) target(%dma_start3A_547 : memref<1x32xf32, #tpu.memory_space<vmem>>) target_semaphore(%arg13 : memref<!tpu.dma_semaphore, #tpu.memory_space<semaphore_mem>>)
    %slice3A_550 = vector.extract_strided_slice %get3A_381 {offsets = [14], sizes = [1], strides = [1]} : vector<16xi32> to vector<1xi32>
    %squeeze3A_551 = vector.extract %slice3A_550[0] : i32 from vector<1xi32>
    %dma_start3A_552 = arith.constant 30 : i32
    %dma_start3A_553 = arith.constant 0 : i32
    %dma_start3A_554 = tpu.memref_slice %arg11[%dma_start3A_552, %dma_start3A_553] : memref<96x32xf32, #tpu.memory_space<vmem>> -> memref<1x32xf32, #tpu.memory_space<vmem>>
    %dma_start3A_555 = arith.constant 0 : i32
    %dma_start3A_556 = tpu.memref_slice %arg4[%squeeze3A_551, %dma_start3A_555] : memref<100001x32xf32, #tpu.memory_space<hbm>> -> memref<1x32xf32, #tpu.memory_space<hbm>>
    %dma_start3A_557 = arith.constant 30 : i32
    %dma_start3A_558 = arith.constant 0 : i32
    %dma_start3A_559 = tpu.memref_slice %arg11[%dma_start3A_557, %dma_start3A_558] : memref<96x32xf32, #tpu.memory_space<vmem>> -> memref<1x32xf32, #tpu.memory_space<vmem>>
    %dma_start3A_560 = arith.constant 0 : i32
    %dma_start3A_561 = tpu.memref_slice %arg4[%squeeze3A_551, %dma_start3A_560] : memref<100001x32xf32, #tpu.memory_space<hbm>> -> memref<1x32xf32, #tpu.memory_space<hbm>>
    tpu.enqueue_dma source(%dma_start3A_561 : memref<1x32xf32, #tpu.memory_space<hbm>>) target(%dma_start3A_559 : memref<1x32xf32, #tpu.memory_space<vmem>>) target_semaphore(%arg13 : memref<!tpu.dma_semaphore, #tpu.memory_space<semaphore_mem>>)
    %slice3A_562 = vector.extract_strided_slice %get3A_381 {offsets = [15], sizes = [1], strides = [1]} : vector<16xi32> to vector<1xi32>
    %squeeze3A_563 = vector.extract %slice3A_562[0] : i32 from vector<1xi32>
    %dma_start3A_564 = arith.constant 31 : i32
    %dma_start3A_565 = arith.constant 0 : i32
    %dma_start3A_566 = tpu.memref_slice %arg11[%dma_start3A_564, %dma_start3A_565] : memref<96x32xf32, #tpu.memory_space<vmem>> -> memref<1x32xf32, #tpu.memory_space<vmem>>
    %dma_start3A_567 = arith.constant 0 : i32
    %dma_start3A_568 = tpu.memref_slice %arg4[%squeeze3A_563, %dma_start3A_567] : memref<100001x32xf32, #tpu.memory_space<hbm>> -> memref<1x32xf32, #tpu.memory_space<hbm>>
    %dma_start3A_569 = arith.constant 31 : i32
    %dma_start3A_570 = arith.constant 0 : i32
    %dma_start3A_571 = tpu.memref_slice %arg11[%dma_start3A_569, %dma_start3A_570] : memref<96x32xf32, #tpu.memory_space<vmem>> -> memref<1x32xf32, #tpu.memory_space<vmem>>
    %dma_start3A_572 = arith.constant 0 : i32
    %dma_start3A_573 = tpu.memref_slice %arg4[%squeeze3A_563, %dma_start3A_572] : memref<100001x32xf32, #tpu.memory_space<hbm>> -> memref<1x32xf32, #tpu.memory_space<hbm>>
    tpu.enqueue_dma source(%dma_start3A_573 : memref<1x32xf32, #tpu.memory_space<hbm>>) target(%dma_start3A_571 : memref<1x32xf32, #tpu.memory_space<vmem>>) target_semaphore(%arg13 : memref<!tpu.dma_semaphore, #tpu.memory_space<semaphore_mem>>)
    %dma_wait3A_574 = arith.constant 16 : i32
    %dma_wait3A_575 = arith.constant 0 : i32
    %dma_wait3A_576 = tpu.memref_slice %arg11[%dma_wait3A_574, %dma_wait3A_575] : memref<96x32xf32, #tpu.memory_space<vmem>> -> memref<1x32xf32, #tpu.memory_space<vmem>>
    %dma_wait3A_577 = arith.constant 0 : i32
    %dma_wait3A_578 = tpu.memref_slice %arg4[%squeeze3A_383, %dma_wait3A_577] : memref<100001x32xf32, #tpu.memory_space<hbm>> -> memref<1x32xf32, #tpu.memory_space<hbm>>
    %dma_wait3A_579 = arith.constant 16 : i32
    %dma_wait3A_580 = arith.constant 0 : i32
    %dma_wait3A_581 = tpu.memref_slice %arg11[%dma_wait3A_579, %dma_wait3A_580] : memref<96x32xf32, #tpu.memory_space<vmem>> -> memref<1x32xf32, #tpu.memory_space<vmem>>
    %dma_wait3A_582 = arith.constant 0 : i32
    %dma_wait3A_583 = tpu.memref_slice %arg4[%squeeze3A_383, %dma_wait3A_582] : memref<100001x32xf32, #tpu.memory_space<hbm>> -> memref<1x32xf32, #tpu.memory_space<hbm>>
    tpu.wait_dma2 semaphore(%arg13 : memref<!tpu.dma_semaphore, #tpu.memory_space<semaphore_mem>>) src(%dma_wait3A_583 : memref<1x32xf32, #tpu.memory_space<hbm>>) dst(%dma_wait3A_581 : memref<1x32xf32, #tpu.memory_space<vmem>>)
    %dma_wait3A_584 = arith.constant 17 : i32
    %dma_wait3A_585 = arith.constant 0 : i32
    %dma_wait3A_586 = tpu.memref_slice %arg11[%dma_wait3A_584, %dma_wait3A_585] : memref<96x32xf32, #tpu.memory_space<vmem>> -> memref<1x32xf32, #tpu.memory_space<vmem>>
    %dma_wait3A_587 = arith.constant 0 : i32
    %dma_wait3A_588 = tpu.memref_slice %arg4[%squeeze3A_395, %dma_wait3A_587] : memref<100001x32xf32, #tpu.memory_space<hbm>> -> memref<1x32xf32, #tpu.memory_space<hbm>>
    %dma_wait3A_589 = arith.constant 17 : i32
    %dma_wait3A_590 = arith.constant 0 : i32
    %dma_wait3A_591 = tpu.memref_slice %arg11[%dma_wait3A_589, %dma_wait3A_590] : memref<96x32xf32, #tpu.memory_space<vmem>> -> memref<1x32xf32, #tpu.memory_space<vmem>>
    %dma_wait3A_592 = arith.constant 0 : i32
    %dma_wait3A_593 = tpu.memref_slice %arg4[%squeeze3A_395, %dma_wait3A_592] : memref<100001x32xf32, #tpu.memory_space<hbm>> -> memref<1x32xf32, #tpu.memory_space<hbm>>
    tpu.wait_dma2 semaphore(%arg13 : memref<!tpu.dma_semaphore, #tpu.memory_space<semaphore_mem>>) src(%dma_wait3A_593 : memref<1x32xf32, #tpu.memory_space<hbm>>) dst(%dma_wait3A_591 : memref<1x32xf32, #tpu.memory_space<vmem>>)
    %dma_wait3A_594 = arith.constant 18 : i32
    %dma_wait3A_595 = arith.constant 0 : i32
    %dma_wait3A_596 = tpu.memref_slice %arg11[%dma_wait3A_594, %dma_wait3A_595] : memref<96x32xf32, #tpu.memory_space<vmem>> -> memref<1x32xf32, #tpu.memory_space<vmem>>
    %dma_wait3A_597 = arith.constant 0 : i32
    %dma_wait3A_598 = tpu.memref_slice %arg4[%squeeze3A_407, %dma_wait3A_597] : memref<100001x32xf32, #tpu.memory_space<hbm>> -> memref<1x32xf32, #tpu.memory_space<hbm>>
    %dma_wait3A_599 = arith.constant 18 : i32
    %dma_wait3A_600 = arith.constant 0 : i32
    %dma_wait3A_601 = tpu.memref_slice %arg11[%dma_wait3A_599, %dma_wait3A_600] : memref<96x32xf32, #tpu.memory_space<vmem>> -> memref<1x32xf32, #tpu.memory_space<vmem>>
    %dma_wait3A_602 = arith.constant 0 : i32
    %dma_wait3A_603 = tpu.memref_slice %arg4[%squeeze3A_407, %dma_wait3A_602] : memref<100001x32xf32, #tpu.memory_space<hbm>> -> memref<1x32xf32, #tpu.memory_space<hbm>>
    tpu.wait_dma2 semaphore(%arg13 : memref<!tpu.dma_semaphore, #tpu.memory_space<semaphore_mem>>) src(%dma_wait3A_603 : memref<1x32xf32, #tpu.memory_space<hbm>>) dst(%dma_wait3A_601 : memref<1x32xf32, #tpu.memory_space<vmem>>)
    %dma_wait3A_604 = arith.constant 19 : i32
    %dma_wait3A_605 = arith.constant 0 : i32
    %dma_wait3A_606 = tpu.memref_slice %arg11[%dma_wait3A_604, %dma_wait3A_605] : memref<96x32xf32, #tpu.memory_space<vmem>> -> memref<1x32xf32, #tpu.memory_space<vmem>>
    %dma_wait3A_607 = arith.constant 0 : i32
    %dma_wait3A_608 = tpu.memref_slice %arg4[%squeeze3A_419, %dma_wait3A_607] : memref<100001x32xf32, #tpu.memory_space<hbm>> -> memref<1x32xf32, #tpu.memory_space<hbm>>
    %dma_wait3A_609 = arith.constant 19 : i32
    %dma_wait3A_610 = arith.constant 0 : i32
    %dma_wait3A_611 = tpu.memref_slice %arg11[%dma_wait3A_609, %dma_wait3A_610] : memref<96x32xf32, #tpu.memory_space<vmem>> -> memref<1x32xf32, #tpu.memory_space<vmem>>
    %dma_wait3A_612 = arith.constant 0 : i32
    %dma_wait3A_613 = tpu.memref_slice %arg4[%squeeze3A_419, %dma_wait3A_612] : memref<100001x32xf32, #tpu.memory_space<hbm>> -> memref<1x32xf32, #tpu.memory_space<hbm>>
    tpu.wait_dma2 semaphore(%arg13 : memref<!tpu.dma_semaphore, #tpu.memory_space<semaphore_mem>>) src(%dma_wait3A_613 : memref<1x32xf32, #tpu.memory_space<hbm>>) dst(%dma_wait3A_611 : memref<1x32xf32, #tpu.memory_space<vmem>>)
    %dma_wait3A_614 = arith.constant 20 : i32
    %dma_wait3A_615 = arith.constant 0 : i32
    %dma_wait3A_616 = tpu.memref_slice %arg11[%dma_wait3A_614, %dma_wait3A_615] : memref<96x32xf32, #tpu.memory_space<vmem>> -> memref<1x32xf32, #tpu.memory_space<vmem>>
    %dma_wait3A_617 = arith.constant 0 : i32
    %dma_wait3A_618 = tpu.memref_slice %arg4[%squeeze3A_431, %dma_wait3A_617] : memref<100001x32xf32, #tpu.memory_space<hbm>> -> memref<1x32xf32, #tpu.memory_space<hbm>>
    %dma_wait3A_619 = arith.constant 20 : i32
    %dma_wait3A_620 = arith.constant 0 : i32
    %dma_wait3A_621 = tpu.memref_slice %arg11[%dma_wait3A_619, %dma_wait3A_620] : memref<96x32xf32, #tpu.memory_space<vmem>> -> memref<1x32xf32, #tpu.memory_space<vmem>>
    %dma_wait3A_622 = arith.constant 0 : i32
    %dma_wait3A_623 = tpu.memref_slice %arg4[%squeeze3A_431, %dma_wait3A_622] : memref<100001x32xf32, #tpu.memory_space<hbm>> -> memref<1x32xf32, #tpu.memory_space<hbm>>
    tpu.wait_dma2 semaphore(%arg13 : memref<!tpu.dma_semaphore, #tpu.memory_space<semaphore_mem>>) src(%dma_wait3A_623 : memref<1x32xf32, #tpu.memory_space<hbm>>) dst(%dma_wait3A_621 : memref<1x32xf32, #tpu.memory_space<vmem>>)
    %dma_wait3A_624 = arith.constant 21 : i32
    %dma_wait3A_625 = arith.constant 0 : i32
    %dma_wait3A_626 = tpu.memref_slice %arg11[%dma_wait3A_624, %dma_wait3A_625] : memref<96x32xf32, #tpu.memory_space<vmem>> -> memref<1x32xf32, #tpu.memory_space<vmem>>
    %dma_wait3A_627 = arith.constant 0 : i32
    %dma_wait3A_628 = tpu.memref_slice %arg4[%squeeze3A_443, %dma_wait3A_627] : memref<100001x32xf32, #tpu.memory_space<hbm>> -> memref<1x32xf32, #tpu.memory_space<hbm>>
    %dma_wait3A_629 = arith.constant 21 : i32
    %dma_wait3A_630 = arith.constant 0 : i32
    %dma_wait3A_631 = tpu.memref_slice %arg11[%dma_wait3A_629, %dma_wait3A_630] : memref<96x32xf32, #tpu.memory_space<vmem>> -> memref<1x32xf32, #tpu.memory_space<vmem>>
    %dma_wait3A_632 = arith.constant 0 : i32
    %dma_wait3A_633 = tpu.memref_slice %arg4[%squeeze3A_443, %dma_wait3A_632] : memref<100001x32xf32, #tpu.memory_space<hbm>> -> memref<1x32xf32, #tpu.memory_space<hbm>>
    tpu.wait_dma2 semaphore(%arg13 : memref<!tpu.dma_semaphore, #tpu.memory_space<semaphore_mem>>) src(%dma_wait3A_633 : memref<1x32xf32, #tpu.memory_space<hbm>>) dst(%dma_wait3A_631 : memref<1x32xf32, #tpu.memory_space<vmem>>)
    %dma_wait3A_634 = arith.constant 22 : i32
    %dma_wait3A_635 = arith.constant 0 : i32
    %dma_wait3A_636 = tpu.memref_slice %arg11[%dma_wait3A_634, %dma_wait3A_635] : memref<96x32xf32, #tpu.memory_space<vmem>> -> memref<1x32xf32, #tpu.memory_space<vmem>>
    %dma_wait3A_637 = arith.constant 0 : i32
    %dma_wait3A_638 = tpu.memref_slice %arg4[%squeeze3A_455, %dma_wait3A_637] : memref<100001x32xf32, #tpu.memory_space<hbm>> -> memref<1x32xf32, #tpu.memory_space<hbm>>
    %dma_wait3A_639 = arith.constant 22 : i32
    %dma_wait3A_640 = arith.constant 0 : i32
    %dma_wait3A_641 = tpu.memref_slice %arg11[%dma_wait3A_639, %dma_wait3A_640] : memref<96x32xf32, #tpu.memory_space<vmem>> -> memref<1x32xf32, #tpu.memory_space<vmem>>
    %dma_wait3A_642 = arith.constant 0 : i32
    %dma_wait3A_643 = tpu.memref_slice %arg4[%squeeze3A_455, %dma_wait3A_642] : memref<100001x32xf32, #tpu.memory_space<hbm>> -> memref<1x32xf32, #tpu.memory_space<hbm>>
    tpu.wait_dma2 semaphore(%arg13 : memref<!tpu.dma_semaphore, #tpu.memory_space<semaphore_mem>>) src(%dma_wait3A_643 : memref<1x32xf32, #tpu.memory_space<hbm>>) dst(%dma_wait3A_641 : memref<1x32xf32, #tpu.memory_space<vmem>>)
    %dma_wait3A_644 = arith.constant 23 : i32
    %dma_wait3A_645 = arith.constant 0 : i32
    %dma_wait3A_646 = tpu.memref_slice %arg11[%dma_wait3A_644, %dma_wait3A_645] : memref<96x32xf32, #tpu.memory_space<vmem>> -> memref<1x32xf32, #tpu.memory_space<vmem>>
    %dma_wait3A_647 = arith.constant 0 : i32
    %dma_wait3A_648 = tpu.memref_slice %arg4[%squeeze3A_467, %dma_wait3A_647] : memref<100001x32xf32, #tpu.memory_space<hbm>> -> memref<1x32xf32, #tpu.memory_space<hbm>>
    %dma_wait3A_649 = arith.constant 23 : i32
    %dma_wait3A_650 = arith.constant 0 : i32
    %dma_wait3A_651 = tpu.memref_slice %arg11[%dma_wait3A_649, %dma_wait3A_650] : memref<96x32xf32, #tpu.memory_space<vmem>> -> memref<1x32xf32, #tpu.memory_space<vmem>>
    %dma_wait3A_652 = arith.constant 0 : i32
    %dma_wait3A_653 = tpu.memref_slice %arg4[%squeeze3A_467, %dma_wait3A_652] : memref<100001x32xf32, #tpu.memory_space<hbm>> -> memref<1x32xf32, #tpu.memory_space<hbm>>
    tpu.wait_dma2 semaphore(%arg13 : memref<!tpu.dma_semaphore, #tpu.memory_space<semaphore_mem>>) src(%dma_wait3A_653 : memref<1x32xf32, #tpu.memory_space<hbm>>) dst(%dma_wait3A_651 : memref<1x32xf32, #tpu.memory_space<vmem>>)
    %dma_wait3A_654 = arith.constant 24 : i32
    %dma_wait3A_655 = arith.constant 0 : i32
    %dma_wait3A_656 = tpu.memref_slice %arg11[%dma_wait3A_654, %dma_wait3A_655] : memref<96x32xf32, #tpu.memory_space<vmem>> -> memref<1x32xf32, #tpu.memory_space<vmem>>
    %dma_wait3A_657 = arith.constant 0 : i32
    %dma_wait3A_658 = tpu.memref_slice %arg4[%squeeze3A_479, %dma_wait3A_657] : memref<100001x32xf32, #tpu.memory_space<hbm>> -> memref<1x32xf32, #tpu.memory_space<hbm>>
    %dma_wait3A_659 = arith.constant 24 : i32
    %dma_wait3A_660 = arith.constant 0 : i32
    %dma_wait3A_661 = tpu.memref_slice %arg11[%dma_wait3A_659, %dma_wait3A_660] : memref<96x32xf32, #tpu.memory_space<vmem>> -> memref<1x32xf32, #tpu.memory_space<vmem>>
    %dma_wait3A_662 = arith.constant 0 : i32
    %dma_wait3A_663 = tpu.memref_slice %arg4[%squeeze3A_479, %dma_wait3A_662] : memref<100001x32xf32, #tpu.memory_space<hbm>> -> memref<1x32xf32, #tpu.memory_space<hbm>>
    tpu.wait_dma2 semaphore(%arg13 : memref<!tpu.dma_semaphore, #tpu.memory_space<semaphore_mem>>) src(%dma_wait3A_663 : memref<1x32xf32, #tpu.memory_space<hbm>>) dst(%dma_wait3A_661 : memref<1x32xf32, #tpu.memory_space<vmem>>)
    %dma_wait3A_664 = arith.constant 25 : i32
    %dma_wait3A_665 = arith.constant 0 : i32
    %dma_wait3A_666 = tpu.memref_slice %arg11[%dma_wait3A_664, %dma_wait3A_665] : memref<96x32xf32, #tpu.memory_space<vmem>> -> memref<1x32xf32, #tpu.memory_space<vmem>>
    %dma_wait3A_667 = arith.constant 0 : i32
    %dma_wait3A_668 = tpu.memref_slice %arg4[%squeeze3A_491, %dma_wait3A_667] : memref<100001x32xf32, #tpu.memory_space<hbm>> -> memref<1x32xf32, #tpu.memory_space<hbm>>
    %dma_wait3A_669 = arith.constant 25 : i32
    %dma_wait3A_670 = arith.constant 0 : i32
    %dma_wait3A_671 = tpu.memref_slice %arg11[%dma_wait3A_669, %dma_wait3A_670] : memref<96x32xf32, #tpu.memory_space<vmem>> -> memref<1x32xf32, #tpu.memory_space<vmem>>
    %dma_wait3A_672 = arith.constant 0 : i32
    %dma_wait3A_673 = tpu.memref_slice %arg4[%squeeze3A_491, %dma_wait3A_672] : memref<100001x32xf32, #tpu.memory_space<hbm>> -> memref<1x32xf32, #tpu.memory_space<hbm>>
    tpu.wait_dma2 semaphore(%arg13 : memref<!tpu.dma_semaphore, #tpu.memory_space<semaphore_mem>>) src(%dma_wait3A_673 : memref<1x32xf32, #tpu.memory_space<hbm>>) dst(%dma_wait3A_671 : memref<1x32xf32, #tpu.memory_space<vmem>>)
    %dma_wait3A_674 = arith.constant 26 : i32
    %dma_wait3A_675 = arith.constant 0 : i32
    %dma_wait3A_676 = tpu.memref_slice %arg11[%dma_wait3A_674, %dma_wait3A_675] : memref<96x32xf32, #tpu.memory_space<vmem>> -> memref<1x32xf32, #tpu.memory_space<vmem>>
    %dma_wait3A_677 = arith.constant 0 : i32
    %dma_wait3A_678 = tpu.memref_slice %arg4[%squeeze3A_503, %dma_wait3A_677] : memref<100001x32xf32, #tpu.memory_space<hbm>> -> memref<1x32xf32, #tpu.memory_space<hbm>>
    %dma_wait3A_679 = arith.constant 26 : i32
    %dma_wait3A_680 = arith.constant 0 : i32
    %dma_wait3A_681 = tpu.memref_slice %arg11[%dma_wait3A_679, %dma_wait3A_680] : memref<96x32xf32, #tpu.memory_space<vmem>> -> memref<1x32xf32, #tpu.memory_space<vmem>>
    %dma_wait3A_682 = arith.constant 0 : i32
    %dma_wait3A_683 = tpu.memref_slice %arg4[%squeeze3A_503, %dma_wait3A_682] : memref<100001x32xf32, #tpu.memory_space<hbm>> -> memref<1x32xf32, #tpu.memory_space<hbm>>
    tpu.wait_dma2 semaphore(%arg13 : memref<!tpu.dma_semaphore, #tpu.memory_space<semaphore_mem>>) src(%dma_wait3A_683 : memref<1x32xf32, #tpu.memory_space<hbm>>) dst(%dma_wait3A_681 : memref<1x32xf32, #tpu.memory_space<vmem>>)
    %dma_wait3A_684 = arith.constant 27 : i32
    %dma_wait3A_685 = arith.constant 0 : i32
    %dma_wait3A_686 = tpu.memref_slice %arg11[%dma_wait3A_684, %dma_wait3A_685] : memref<96x32xf32, #tpu.memory_space<vmem>> -> memref<1x32xf32, #tpu.memory_space<vmem>>
    %dma_wait3A_687 = arith.constant 0 : i32
    %dma_wait3A_688 = tpu.memref_slice %arg4[%squeeze3A_515, %dma_wait3A_687] : memref<100001x32xf32, #tpu.memory_space<hbm>> -> memref<1x32xf32, #tpu.memory_space<hbm>>
    %dma_wait3A_689 = arith.constant 27 : i32
    %dma_wait3A_690 = arith.constant 0 : i32
    %dma_wait3A_691 = tpu.memref_slice %arg11[%dma_wait3A_689, %dma_wait3A_690] : memref<96x32xf32, #tpu.memory_space<vmem>> -> memref<1x32xf32, #tpu.memory_space<vmem>>
    %dma_wait3A_692 = arith.constant 0 : i32
    %dma_wait3A_693 = tpu.memref_slice %arg4[%squeeze3A_515, %dma_wait3A_692] : memref<100001x32xf32, #tpu.memory_space<hbm>> -> memref<1x32xf32, #tpu.memory_space<hbm>>
    tpu.wait_dma2 semaphore(%arg13 : memref<!tpu.dma_semaphore, #tpu.memory_space<semaphore_mem>>) src(%dma_wait3A_693 : memref<1x32xf32, #tpu.memory_space<hbm>>) dst(%dma_wait3A_691 : memref<1x32xf32, #tpu.memory_space<vmem>>)
    %dma_wait3A_694 = arith.constant 28 : i32
    %dma_wait3A_695 = arith.constant 0 : i32
    %dma_wait3A_696 = tpu.memref_slice %arg11[%dma_wait3A_694, %dma_wait3A_695] : memref<96x32xf32, #tpu.memory_space<vmem>> -> memref<1x32xf32, #tpu.memory_space<vmem>>
    %dma_wait3A_697 = arith.constant 0 : i32
    %dma_wait3A_698 = tpu.memref_slice %arg4[%squeeze3A_527, %dma_wait3A_697] : memref<100001x32xf32, #tpu.memory_space<hbm>> -> memref<1x32xf32, #tpu.memory_space<hbm>>
    %dma_wait3A_699 = arith.constant 28 : i32
    %dma_wait3A_700 = arith.constant 0 : i32
    %dma_wait3A_701 = tpu.memref_slice %arg11[%dma_wait3A_699, %dma_wait3A_700] : memref<96x32xf32, #tpu.memory_space<vmem>> -> memref<1x32xf32, #tpu.memory_space<vmem>>
    %dma_wait3A_702 = arith.constant 0 : i32
    %dma_wait3A_703 = tpu.memref_slice %arg4[%squeeze3A_527, %dma_wait3A_702] : memref<100001x32xf32, #tpu.memory_space<hbm>> -> memref<1x32xf32, #tpu.memory_space<hbm>>
    tpu.wait_dma2 semaphore(%arg13 : memref<!tpu.dma_semaphore, #tpu.memory_space<semaphore_mem>>) src(%dma_wait3A_703 : memref<1x32xf32, #tpu.memory_space<hbm>>) dst(%dma_wait3A_701 : memref<1x32xf32, #tpu.memory_space<vmem>>)
    %dma_wait3A_704 = arith.constant 29 : i32
    %dma_wait3A_705 = arith.constant 0 : i32
    %dma_wait3A_706 = tpu.memref_slice %arg11[%dma_wait3A_704, %dma_wait3A_705] : memref<96x32xf32, #tpu.memory_space<vmem>> -> memref<1x32xf32, #tpu.memory_space<vmem>>
    %dma_wait3A_707 = arith.constant 0 : i32
    %dma_wait3A_708 = tpu.memref_slice %arg4[%squeeze3A_539, %dma_wait3A_707] : memref<100001x32xf32, #tpu.memory_space<hbm>> -> memref<1x32xf32, #tpu.memory_space<hbm>>
    %dma_wait3A_709 = arith.constant 29 : i32
    %dma_wait3A_710 = arith.constant 0 : i32
    %dma_wait3A_711 = tpu.memref_slice %arg11[%dma_wait3A_709, %dma_wait3A_710] : memref<96x32xf32, #tpu.memory_space<vmem>> -> memref<1x32xf32, #tpu.memory_space<vmem>>
    %dma_wait3A_712 = arith.constant 0 : i32
    %dma_wait3A_713 = tpu.memref_slice %arg4[%squeeze3A_539, %dma_wait3A_712] : memref<100001x32xf32, #tpu.memory_space<hbm>> -> memref<1x32xf32, #tpu.memory_space<hbm>>
    tpu.wait_dma2 semaphore(%arg13 : memref<!tpu.dma_semaphore, #tpu.memory_space<semaphore_mem>>) src(%dma_wait3A_713 : memref<1x32xf32, #tpu.memory_space<hbm>>) dst(%dma_wait3A_711 : memref<1x32xf32, #tpu.memory_space<vmem>>)
    %dma_wait3A_714 = arith.constant 30 : i32
    %dma_wait3A_715 = arith.constant 0 : i32
    %dma_wait3A_716 = tpu.memref_slice %arg11[%dma_wait3A_714, %dma_wait3A_715] : memref<96x32xf32, #tpu.memory_space<vmem>> -> memref<1x32xf32, #tpu.memory_space<vmem>>
    %dma_wait3A_717 = arith.constant 0 : i32
    %dma_wait3A_718 = tpu.memref_slice %arg4[%squeeze3A_551, %dma_wait3A_717] : memref<100001x32xf32, #tpu.memory_space<hbm>> -> memref<1x32xf32, #tpu.memory_space<hbm>>
    %dma_wait3A_719 = arith.constant 30 : i32
    %dma_wait3A_720 = arith.constant 0 : i32
    %dma_wait3A_721 = tpu.memref_slice %arg11[%dma_wait3A_719, %dma_wait3A_720] : memref<96x32xf32, #tpu.memory_space<vmem>> -> memref<1x32xf32, #tpu.memory_space<vmem>>
    %dma_wait3A_722 = arith.constant 0 : i32
    %dma_wait3A_723 = tpu.memref_slice %arg4[%squeeze3A_551, %dma_wait3A_722] : memref<100001x32xf32, #tpu.memory_space<hbm>> -> memref<1x32xf32, #tpu.memory_space<hbm>>
    tpu.wait_dma2 semaphore(%arg13 : memref<!tpu.dma_semaphore, #tpu.memory_space<semaphore_mem>>) src(%dma_wait3A_723 : memref<1x32xf32, #tpu.memory_space<hbm>>) dst(%dma_wait3A_721 : memref<1x32xf32, #tpu.memory_space<vmem>>)
    %dma_wait3A_724 = arith.constant 31 : i32
    %dma_wait3A_725 = arith.constant 0 : i32
    %dma_wait3A_726 = tpu.memref_slice %arg11[%dma_wait3A_724, %dma_wait3A_725] : memref<96x32xf32, #tpu.memory_space<vmem>> -> memref<1x32xf32, #tpu.memory_space<vmem>>
    %dma_wait3A_727 = arith.constant 0 : i32
    %dma_wait3A_728 = tpu.memref_slice %arg4[%squeeze3A_563, %dma_wait3A_727] : memref<100001x32xf32, #tpu.memory_space<hbm>> -> memref<1x32xf32, #tpu.memory_space<hbm>>
    %dma_wait3A_729 = arith.constant 31 : i32
    %dma_wait3A_730 = arith.constant 0 : i32
    %dma_wait3A_731 = tpu.memref_slice %arg11[%dma_wait3A_729, %dma_wait3A_730] : memref<96x32xf32, #tpu.memory_space<vmem>> -> memref<1x32xf32, #tpu.memory_space<vmem>>
    %dma_wait3A_732 = arith.constant 0 : i32
    %dma_wait3A_733 = tpu.memref_slice %arg4[%squeeze3A_563, %dma_wait3A_732] : memref<100001x32xf32, #tpu.memory_space<hbm>> -> memref<1x32xf32, #tpu.memory_space<hbm>>
    tpu.wait_dma2 semaphore(%arg13 : memref<!tpu.dma_semaphore, #tpu.memory_space<semaphore_mem>>) src(%dma_wait3A_733 : memref<1x32xf32, #tpu.memory_space<hbm>>) dst(%dma_wait3A_731 : memref<1x32xf32, #tpu.memory_space<vmem>>)
    %get3A_734 = arith.constant 32 : index
    %get3A_735 = tpu.vector_load %arg10[%get3A_734] {strides = array<i32>} : memref<96xi32, #tpu.memory_space<vmem>>, vector<16xi32>,
    %get3A_736 = vector.shape_cast %get3A_735 : vector<16xi32> to vector<16xi32>
    %slice3A_737 = vector.extract_strided_slice %get3A_736 {offsets = [0], sizes = [1], strides = [1]} : vector<16xi32> to vector<1xi32>
    %squeeze3A_738 = vector.extract %slice3A_737[0] : i32 from vector<1xi32>
    %dma_start3A_739 = arith.constant 32 : i32
    %dma_start3A_740 = arith.constant 0 : i32
    %dma_start3A_741 = tpu.memref_slice %arg11[%dma_start3A_739, %dma_start3A_740] : memref<96x32xf32, #tpu.memory_space<vmem>> -> memref<1x32xf32, #tpu.memory_space<vmem>>
    %dma_start3A_742 = arith.constant 0 : i32
    %dma_start3A_743 = tpu.memref_slice %arg4[%squeeze3A_738, %dma_start3A_742] : memref<100001x32xf32, #tpu.memory_space<hbm>> -> memref<1x32xf32, #tpu.memory_space<hbm>>
    %dma_start3A_744 = arith.constant 32 : i32
    %dma_start3A_745 = arith.constant 0 : i32
    %dma_start3A_746 = tpu.memref_slice %arg11[%dma_start3A_744, %dma_start3A_745] : memref<96x32xf32, #tpu.memory_space<vmem>> -> memref<1x32xf32, #tpu.memory_space<vmem>>
    %dma_start3A_747 = arith.constant 0 : i32
    %dma_start3A_748 = tpu.memref_slice %arg4[%squeeze3A_738, %dma_start3A_747] : memref<100001x32xf32, #tpu.memory_space<hbm>> -> memref<1x32xf32, #tpu.memory_space<hbm>>
    tpu.enqueue_dma source(%dma_start3A_748 : memref<1x32xf32, #tpu.memory_space<hbm>>) target(%dma_start3A_746 : memref<1x32xf32, #tpu.memory_space<vmem>>) target_semaphore(%arg13 : memref<!tpu.dma_semaphore, #tpu.memory_space<semaphore_mem>>)
    %slice3A_749 = vector.extract_strided_slice %get3A_736 {offsets = [1], sizes = [1], strides = [1]} : vector<16xi32> to vector<1xi32>
    %squeeze3A_750 = vector.extract %slice3A_749[0] : i32 from vector<1xi32>
    %dma_start3A_751 = arith.constant 33 : i32
    %dma_start3A_752 = arith.constant 0 : i32
    %dma_start3A_753 = tpu.memref_slice %arg11[%dma_start3A_751, %dma_start3A_752] : memref<96x32xf32, #tpu.memory_space<vmem>> -> memref<1x32xf32, #tpu.memory_space<vmem>>
    %dma_start3A_754 = arith.constant 0 : i32
    %dma_start3A_755 = tpu.memref_slice %arg4[%squeeze3A_750, %dma_start3A_754] : memref<100001x32xf32, #tpu.memory_space<hbm>> -> memref<1x32xf32, #tpu.memory_space<hbm>>
    %dma_start3A_756 = arith.constant 33 : i32
    %dma_start3A_757 = arith.constant 0 : i32
    %dma_start3A_758 = tpu.memref_slice %arg11[%dma_start3A_756, %dma_start3A_757] : memref<96x32xf32, #tpu.memory_space<vmem>> -> memref<1x32xf32, #tpu.memory_space<vmem>>
    %dma_start3A_759 = arith.constant 0 : i32
    %dma_start3A_760 = tpu.memref_slice %arg4[%squeeze3A_750, %dma_start3A_759] : memref<100001x32xf32, #tpu.memory_space<hbm>> -> memref<1x32xf32, #tpu.memory_space<hbm>>
    tpu.enqueue_dma source(%dma_start3A_760 : memref<1x32xf32, #tpu.memory_space<hbm>>) target(%dma_start3A_758 : memref<1x32xf32, #tpu.memory_space<vmem>>) target_semaphore(%arg13 : memref<!tpu.dma_semaphore, #tpu.memory_space<semaphore_mem>>)
    %slice3A_761 = vector.extract_strided_slice %get3A_736 {offsets = [2], sizes = [1], strides = [1]} : vector<16xi32> to vector<1xi32>
    %squeeze3A_762 = vector.extract %slice3A_761[0] : i32 from vector<1xi32>
    %dma_start3A_763 = arith.constant 34 : i32
    %dma_start3A_764 = arith.constant 0 : i32
    %dma_start3A_765 = tpu.memref_slice %arg11[%dma_start3A_763, %dma_start3A_764] : memref<96x32xf32, #tpu.memory_space<vmem>> -> memref<1x32xf32, #tpu.memory_space<vmem>>
    %dma_start3A_766 = arith.constant 0 : i32
    %dma_start3A_767 = tpu.memref_slice %arg4[%squeeze3A_762, %dma_start3A_766] : memref<100001x32xf32, #tpu.memory_space<hbm>> -> memref<1x32xf32, #tpu.memory_space<hbm>>
    %dma_start3A_768 = arith.constant 34 : i32
    %dma_start3A_769 = arith.constant 0 : i32
    %dma_start3A_770 = tpu.memref_slice %arg11[%dma_start3A_768, %dma_start3A_769] : memref<96x32xf32, #tpu.memory_space<vmem>> -> memref<1x32xf32, #tpu.memory_space<vmem>>
    %dma_start3A_771 = arith.constant 0 : i32
    %dma_start3A_772 = tpu.memref_slice %arg4[%squeeze3A_762, %dma_start3A_771] : memref<100001x32xf32, #tpu.memory_space<hbm>> -> memref<1x32xf32, #tpu.memory_space<hbm>>
    tpu.enqueue_dma source(%dma_start3A_772 : memref<1x32xf32, #tpu.memory_space<hbm>>) target(%dma_start3A_770 : memref<1x32xf32, #tpu.memory_space<vmem>>) target_semaphore(%arg13 : memref<!tpu.dma_semaphore, #tpu.memory_space<semaphore_mem>>)
    %slice3A_773 = vector.extract_strided_slice %get3A_736 {offsets = [3], sizes = [1], strides = [1]} : vector<16xi32> to vector<1xi32>
    %squeeze3A_774 = vector.extract %slice3A_773[0] : i32 from vector<1xi32>
    %dma_start3A_775 = arith.constant 35 : i32
    %dma_start3A_776 = arith.constant 0 : i32
    %dma_start3A_777 = tpu.memref_slice %arg11[%dma_start3A_775, %dma_start3A_776] : memref<96x32xf32, #tpu.memory_space<vmem>> -> memref<1x32xf32, #tpu.memory_space<vmem>>
    %dma_start3A_778 = arith.constant 0 : i32
    %dma_start3A_779 = tpu.memref_slice %arg4[%squeeze3A_774, %dma_start3A_778] : memref<100001x32xf32, #tpu.memory_space<hbm>> -> memref<1x32xf32, #tpu.memory_space<hbm>>
    %dma_start3A_780 = arith.constant 35 : i32
    %dma_start3A_781 = arith.constant 0 : i32
    %dma_start3A_782 = tpu.memref_slice %arg11[%dma_start3A_780, %dma_start3A_781] : memref<96x32xf32, #tpu.memory_space<vmem>> -> memref<1x32xf32, #tpu.memory_space<vmem>>
    %dma_start3A_783 = arith.constant 0 : i32
    %dma_start3A_784 = tpu.memref_slice %arg4[%squeeze3A_774, %dma_start3A_783] : memref<100001x32xf32, #tpu.memory_space<hbm>> -> memref<1x32xf32, #tpu.memory_space<hbm>>
    tpu.enqueue_dma source(%dma_start3A_784 : memref<1x32xf32, #tpu.memory_space<hbm>>) target(%dma_start3A_782 : memref<1x32xf32, #tpu.memory_space<vmem>>) target_semaphore(%arg13 : memref<!tpu.dma_semaphore, #tpu.memory_space<semaphore_mem>>)
    %slice3A_785 = vector.extract_strided_slice %get3A_736 {offsets = [4], sizes = [1], strides = [1]} : vector<16xi32> to vector<1xi32>
    %squeeze3A_786 = vector.extract %slice3A_785[0] : i32 from vector<1xi32>
    %dma_start3A_787 = arith.constant 36 : i32
    %dma_start3A_788 = arith.constant 0 : i32
    %dma_start3A_789 = tpu.memref_slice %arg11[%dma_start3A_787, %dma_start3A_788] : memref<96x32xf32, #tpu.memory_space<vmem>> -> memref<1x32xf32, #tpu.memory_space<vmem>>
    %dma_start3A_790 = arith.constant 0 : i32
    %dma_start3A_791 = tpu.memref_slice %arg4[%squeeze3A_786, %dma_start3A_790] : memref<100001x32xf32, #tpu.memory_space<hbm>> -> memref<1x32xf32, #tpu.memory_space<hbm>>
    %dma_start3A_792 = arith.constant 36 : i32
    %dma_start3A_793 = arith.constant 0 : i32
    %dma_start3A_794 = tpu.memref_slice %arg11[%dma_start3A_792, %dma_start3A_793] : memref<96x32xf32, #tpu.memory_space<vmem>> -> memref<1x32xf32, #tpu.memory_space<vmem>>
    %dma_start3A_795 = arith.constant 0 : i32
    %dma_start3A_796 = tpu.memref_slice %arg4[%squeeze3A_786, %dma_start3A_795] : memref<100001x32xf32, #tpu.memory_space<hbm>> -> memref<1x32xf32, #tpu.memory_space<hbm>>
    tpu.enqueue_dma source(%dma_start3A_796 : memref<1x32xf32, #tpu.memory_space<hbm>>) target(%dma_start3A_794 : memref<1x32xf32, #tpu.memory_space<vmem>>) target_semaphore(%arg13 : memref<!tpu.dma_semaphore, #tpu.memory_space<semaphore_mem>>)
    %slice3A_797 = vector.extract_strided_slice %get3A_736 {offsets = [5], sizes = [1], strides = [1]} : vector<16xi32> to vector<1xi32>
    %squeeze3A_798 = vector.extract %slice3A_797[0] : i32 from vector<1xi32>
    %dma_start3A_799 = arith.constant 37 : i32
    %dma_start3A_800 = arith.constant 0 : i32
    %dma_start3A_801 = tpu.memref_slice %arg11[%dma_start3A_799, %dma_start3A_800] : memref<96x32xf32, #tpu.memory_space<vmem>> -> memref<1x32xf32, #tpu.memory_space<vmem>>
    %dma_start3A_802 = arith.constant 0 : i32
    %dma_start3A_803 = tpu.memref_slice %arg4[%squeeze3A_798, %dma_start3A_802] : memref<100001x32xf32, #tpu.memory_space<hbm>> -> memref<1x32xf32, #tpu.memory_space<hbm>>
    %dma_start3A_804 = arith.constant 37 : i32
    %dma_start3A_805 = arith.constant 0 : i32
    %dma_start3A_806 = tpu.memref_slice %arg11[%dma_start3A_804, %dma_start3A_805] : memref<96x32xf32, #tpu.memory_space<vmem>> -> memref<1x32xf32, #tpu.memory_space<vmem>>
    %dma_start3A_807 = arith.constant 0 : i32
    %dma_start3A_808 = tpu.memref_slice %arg4[%squeeze3A_798, %dma_start3A_807] : memref<100001x32xf32, #tpu.memory_space<hbm>> -> memref<1x32xf32, #tpu.memory_space<hbm>>
    tpu.enqueue_dma source(%dma_start3A_808 : memref<1x32xf32, #tpu.memory_space<hbm>>) target(%dma_start3A_806 : memref<1x32xf32, #tpu.memory_space<vmem>>) target_semaphore(%arg13 : memref<!tpu.dma_semaphore, #tpu.memory_space<semaphore_mem>>)
    %slice3A_809 = vector.extract_strided_slice %get3A_736 {offsets = [6], sizes = [1], strides = [1]} : vector<16xi32> to vector<1xi32>
    %squeeze3A_810 = vector.extract %slice3A_809[0] : i32 from vector<1xi32>
    %dma_start3A_811 = arith.constant 38 : i32
    %dma_start3A_812 = arith.constant 0 : i32
    %dma_start3A_813 = tpu.memref_slice %arg11[%dma_start3A_811, %dma_start3A_812] : memref<96x32xf32, #tpu.memory_space<vmem>> -> memref<1x32xf32, #tpu.memory_space<vmem>>
    %dma_start3A_814 = arith.constant 0 : i32
    %dma_start3A_815 = tpu.memref_slice %arg4[%squeeze3A_810, %dma_start3A_814] : memref<100001x32xf32, #tpu.memory_space<hbm>> -> memref<1x32xf32, #tpu.memory_space<hbm>>
    %dma_start3A_816 = arith.constant 38 : i32
    %dma_start3A_817 = arith.constant 0 : i32
    %dma_start3A_818 = tpu.memref_slice %arg11[%dma_start3A_816, %dma_start3A_817] : memref<96x32xf32, #tpu.memory_space<vmem>> -> memref<1x32xf32, #tpu.memory_space<vmem>>
    %dma_start3A_819 = arith.constant 0 : i32
    %dma_start3A_820 = tpu.memref_slice %arg4[%squeeze3A_810, %dma_start3A_819] : memref<100001x32xf32, #tpu.memory_space<hbm>> -> memref<1x32xf32, #tpu.memory_space<hbm>>
    tpu.enqueue_dma source(%dma_start3A_820 : memref<1x32xf32, #tpu.memory_space<hbm>>) target(%dma_start3A_818 : memref<1x32xf32, #tpu.memory_space<vmem>>) target_semaphore(%arg13 : memref<!tpu.dma_semaphore, #tpu.memory_space<semaphore_mem>>)
    %slice3A_821 = vector.extract_strided_slice %get3A_736 {offsets = [7], sizes = [1], strides = [1]} : vector<16xi32> to vector<1xi32>
    %squeeze3A_822 = vector.extract %slice3A_821[0] : i32 from vector<1xi32>
    %dma_start3A_823 = arith.constant 39 : i32
    %dma_start3A_824 = arith.constant 0 : i32
    %dma_start3A_825 = tpu.memref_slice %arg11[%dma_start3A_823, %dma_start3A_824] : memref<96x32xf32, #tpu.memory_space<vmem>> -> memref<1x32xf32, #tpu.memory_space<vmem>>
    %dma_start3A_826 = arith.constant 0 : i32
    %dma_start3A_827 = tpu.memref_slice %arg4[%squeeze3A_822, %dma_start3A_826] : memref<100001x32xf32, #tpu.memory_space<hbm>> -> memref<1x32xf32, #tpu.memory_space<hbm>>
    %dma_start3A_828 = arith.constant 39 : i32
    %dma_start3A_829 = arith.constant 0 : i32
    %dma_start3A_830 = tpu.memref_slice %arg11[%dma_start3A_828, %dma_start3A_829] : memref<96x32xf32, #tpu.memory_space<vmem>> -> memref<1x32xf32, #tpu.memory_space<vmem>>
    %dma_start3A_831 = arith.constant 0 : i32
    %dma_start3A_832 = tpu.memref_slice %arg4[%squeeze3A_822, %dma_start3A_831] : memref<100001x32xf32, #tpu.memory_space<hbm>> -> memref<1x32xf32, #tpu.memory_space<hbm>>
    tpu.enqueue_dma source(%dma_start3A_832 : memref<1x32xf32, #tpu.memory_space<hbm>>) target(%dma_start3A_830 : memref<1x32xf32, #tpu.memory_space<vmem>>) target_semaphore(%arg13 : memref<!tpu.dma_semaphore, #tpu.memory_space<semaphore_mem>>)
    %slice3A_833 = vector.extract_strided_slice %get3A_736 {offsets = [8], sizes = [1], strides = [1]} : vector<16xi32> to vector<1xi32>
    %squeeze3A_834 = vector.extract %slice3A_833[0] : i32 from vector<1xi32>
    %dma_start3A_835 = arith.constant 40 : i32
    %dma_start3A_836 = arith.constant 0 : i32
    %dma_start3A_837 = tpu.memref_slice %arg11[%dma_start3A_835, %dma_start3A_836] : memref<96x32xf32, #tpu.memory_space<vmem>> -> memref<1x32xf32, #tpu.memory_space<vmem>>
    %dma_start3A_838 = arith.constant 0 : i32
    %dma_start3A_839 = tpu.memref_slice %arg4[%squeeze3A_834, %dma_start3A_838] : memref<100001x32xf32, #tpu.memory_space<hbm>> -> memref<1x32xf32, #tpu.memory_space<hbm>>
    %dma_start3A_840 = arith.constant 40 : i32
    %dma_start3A_841 = arith.constant 0 : i32
    %dma_start3A_842 = tpu.memref_slice %arg11[%dma_start3A_840, %dma_start3A_841] : memref<96x32xf32, #tpu.memory_space<vmem>> -> memref<1x32xf32, #tpu.memory_space<vmem>>
    %dma_start3A_843 = arith.constant 0 : i32
    %dma_start3A_844 = tpu.memref_slice %arg4[%squeeze3A_834, %dma_start3A_843] : memref<100001x32xf32, #tpu.memory_space<hbm>> -> memref<1x32xf32, #tpu.memory_space<hbm>>
    tpu.enqueue_dma source(%dma_start3A_844 : memref<1x32xf32, #tpu.memory_space<hbm>>) target(%dma_start3A_842 : memref<1x32xf32, #tpu.memory_space<vmem>>) target_semaphore(%arg13 : memref<!tpu.dma_semaphore, #tpu.memory_space<semaphore_mem>>)
    %slice3A_845 = vector.extract_strided_slice %get3A_736 {offsets = [9], sizes = [1], strides = [1]} : vector<16xi32> to vector<1xi32>
    %squeeze3A_846 = vector.extract %slice3A_845[0] : i32 from vector<1xi32>
    %dma_start3A_847 = arith.constant 41 : i32
    %dma_start3A_848 = arith.constant 0 : i32
    %dma_start3A_849 = tpu.memref_slice %arg11[%dma_start3A_847, %dma_start3A_848] : memref<96x32xf32, #tpu.memory_space<vmem>> -> memref<1x32xf32, #tpu.memory_space<vmem>>
    %dma_start3A_850 = arith.constant 0 : i32
    %dma_start3A_851 = tpu.memref_slice %arg4[%squeeze3A_846, %dma_start3A_850] : memref<100001x32xf32, #tpu.memory_space<hbm>> -> memref<1x32xf32, #tpu.memory_space<hbm>>
    %dma_start3A_852 = arith.constant 41 : i32
    %dma_start3A_853 = arith.constant 0 : i32
    %dma_start3A_854 = tpu.memref_slice %arg11[%dma_start3A_852, %dma_start3A_853] : memref<96x32xf32, #tpu.memory_space<vmem>> -> memref<1x32xf32, #tpu.memory_space<vmem>>
    %dma_start3A_855 = arith.constant 0 : i32
    %dma_start3A_856 = tpu.memref_slice %arg4[%squeeze3A_846, %dma_start3A_855] : memref<100001x32xf32, #tpu.memory_space<hbm>> -> memref<1x32xf32, #tpu.memory_space<hbm>>
    tpu.enqueue_dma source(%dma_start3A_856 : memref<1x32xf32, #tpu.memory_space<hbm>>) target(%dma_start3A_854 : memref<1x32xf32, #tpu.memory_space<vmem>>) target_semaphore(%arg13 : memref<!tpu.dma_semaphore, #tpu.memory_space<semaphore_mem>>)
    %slice3A_857 = vector.extract_strided_slice %get3A_736 {offsets = [10], sizes = [1], strides = [1]} : vector<16xi32> to vector<1xi32>
    %squeeze3A_858 = vector.extract %slice3A_857[0] : i32 from vector<1xi32>
    %dma_start3A_859 = arith.constant 42 : i32
    %dma_start3A_860 = arith.constant 0 : i32
    %dma_start3A_861 = tpu.memref_slice %arg11[%dma_start3A_859, %dma_start3A_860] : memref<96x32xf32, #tpu.memory_space<vmem>> -> memref<1x32xf32, #tpu.memory_space<vmem>>
    %dma_start3A_862 = arith.constant 0 : i32
    %dma_start3A_863 = tpu.memref_slice %arg4[%squeeze3A_858, %dma_start3A_862] : memref<100001x32xf32, #tpu.memory_space<hbm>> -> memref<1x32xf32, #tpu.memory_space<hbm>>
    %dma_start3A_864 = arith.constant 42 : i32
    %dma_start3A_865 = arith.constant 0 : i32
    %dma_start3A_866 = tpu.memref_slice %arg11[%dma_start3A_864, %dma_start3A_865] : memref<96x32xf32, #tpu.memory_space<vmem>> -> memref<1x32xf32, #tpu.memory_space<vmem>>
    %dma_start3A_867 = arith.constant 0 : i32
    %dma_start3A_868 = tpu.memref_slice %arg4[%squeeze3A_858, %dma_start3A_867] : memref<100001x32xf32, #tpu.memory_space<hbm>> -> memref<1x32xf32, #tpu.memory_space<hbm>>
    tpu.enqueue_dma source(%dma_start3A_868 : memref<1x32xf32, #tpu.memory_space<hbm>>) target(%dma_start3A_866 : memref<1x32xf32, #tpu.memory_space<vmem>>) target_semaphore(%arg13 : memref<!tpu.dma_semaphore, #tpu.memory_space<semaphore_mem>>)
    %slice3A_869 = vector.extract_strided_slice %get3A_736 {offsets = [11], sizes = [1], strides = [1]} : vector<16xi32> to vector<1xi32>
    %squeeze3A_870 = vector.extract %slice3A_869[0] : i32 from vector<1xi32>
    %dma_start3A_871 = arith.constant 43 : i32
    %dma_start3A_872 = arith.constant 0 : i32
    %dma_start3A_873 = tpu.memref_slice %arg11[%dma_start3A_871, %dma_start3A_872] : memref<96x32xf32, #tpu.memory_space<vmem>> -> memref<1x32xf32, #tpu.memory_space<vmem>>
    %dma_start3A_874 = arith.constant 0 : i32
    %dma_start3A_875 = tpu.memref_slice %arg4[%squeeze3A_870, %dma_start3A_874] : memref<100001x32xf32, #tpu.memory_space<hbm>> -> memref<1x32xf32, #tpu.memory_space<hbm>>
    %dma_start3A_876 = arith.constant 43 : i32
    %dma_start3A_877 = arith.constant 0 : i32
    %dma_start3A_878 = tpu.memref_slice %arg11[%dma_start3A_876, %dma_start3A_877] : memref<96x32xf32, #tpu.memory_space<vmem>> -> memref<1x32xf32, #tpu.memory_space<vmem>>
    %dma_start3A_879 = arith.constant 0 : i32
    %dma_start3A_880 = tpu.memref_slice %arg4[%squeeze3A_870, %dma_start3A_879] : memref<100001x32xf32, #tpu.memory_space<hbm>> -> memref<1x32xf32, #tpu.memory_space<hbm>>
    tpu.enqueue_dma source(%dma_start3A_880 : memref<1x32xf32, #tpu.memory_space<hbm>>) target(%dma_start3A_878 : memref<1x32xf32, #tpu.memory_space<vmem>>) target_semaphore(%arg13 : memref<!tpu.dma_semaphore, #tpu.memory_space<semaphore_mem>>)
    %slice3A_881 = vector.extract_strided_slice %get3A_736 {offsets = [12], sizes = [1], strides = [1]} : vector<16xi32> to vector<1xi32>
    %squeeze3A_882 = vector.extract %slice3A_881[0] : i32 from vector<1xi32>
    %dma_start3A_883 = arith.constant 44 : i32
    %dma_start3A_884 = arith.constant 0 : i32
    %dma_start3A_885 = tpu.memref_slice %arg11[%dma_start3A_883, %dma_start3A_884] : memref<96x32xf32, #tpu.memory_space<vmem>> -> memref<1x32xf32, #tpu.memory_space<vmem>>
    %dma_start3A_886 = arith.constant 0 : i32
    %dma_start3A_887 = tpu.memref_slice %arg4[%squeeze3A_882, %dma_start3A_886] : memref<100001x32xf32, #tpu.memory_space<hbm>> -> memref<1x32xf32, #tpu.memory_space<hbm>>
    %dma_start3A_888 = arith.constant 44 : i32
    %dma_start3A_889 = arith.constant 0 : i32
    %dma_start3A_890 = tpu.memref_slice %arg11[%dma_start3A_888, %dma_start3A_889] : memref<96x32xf32, #tpu.memory_space<vmem>> -> memref<1x32xf32, #tpu.memory_space<vmem>>
    %dma_start3A_891 = arith.constant 0 : i32
    %dma_start3A_892 = tpu.memref_slice %arg4[%squeeze3A_882, %dma_start3A_891] : memref<100001x32xf32, #tpu.memory_space<hbm>> -> memref<1x32xf32, #tpu.memory_space<hbm>>
    tpu.enqueue_dma source(%dma_start3A_892 : memref<1x32xf32, #tpu.memory_space<hbm>>) target(%dma_start3A_890 : memref<1x32xf32, #tpu.memory_space<vmem>>) target_semaphore(%arg13 : memref<!tpu.dma_semaphore, #tpu.memory_space<semaphore_mem>>)
    %slice3A_893 = vector.extract_strided_slice %get3A_736 {offsets = [13], sizes = [1], strides = [1]} : vector<16xi32> to vector<1xi32>
    %squeeze3A_894 = vector.extract %slice3A_893[0] : i32 from vector<1xi32>
    %dma_start3A_895 = arith.constant 45 : i32
    %dma_start3A_896 = arith.constant 0 : i32
    %dma_start3A_897 = tpu.memref_slice %arg11[%dma_start3A_895, %dma_start3A_896] : memref<96x32xf32, #tpu.memory_space<vmem>> -> memref<1x32xf32, #tpu.memory_space<vmem>>
    %dma_start3A_898 = arith.constant 0 : i32
    %dma_start3A_899 = tpu.memref_slice %arg4[%squeeze3A_894, %dma_start3A_898] : memref<100001x32xf32, #tpu.memory_space<hbm>> -> memref<1x32xf32, #tpu.memory_space<hbm>>
    %dma_start3A_900 = arith.constant 45 : i32
    %dma_start3A_901 = arith.constant 0 : i32
    %dma_start3A_902 = tpu.memref_slice %arg11[%dma_start3A_900, %dma_start3A_901] : memref<96x32xf32, #tpu.memory_space<vmem>> -> memref<1x32xf32, #tpu.memory_space<vmem>>
    %dma_start3A_903 = arith.constant 0 : i32
    %dma_start3A_904 = tpu.memref_slice %arg4[%squeeze3A_894, %dma_start3A_903] : memref<100001x32xf32, #tpu.memory_space<hbm>> -> memref<1x32xf32, #tpu.memory_space<hbm>>
    tpu.enqueue_dma source(%dma_start3A_904 : memref<1x32xf32, #tpu.memory_space<hbm>>) target(%dma_start3A_902 : memref<1x32xf32, #tpu.memory_space<vmem>>) target_semaphore(%arg13 : memref<!tpu.dma_semaphore, #tpu.memory_space<semaphore_mem>>)
    %slice3A_905 = vector.extract_strided_slice %get3A_736 {offsets = [14], sizes = [1], strides = [1]} : vector<16xi32> to vector<1xi32>
    %squeeze3A_906 = vector.extract %slice3A_905[0] : i32 from vector<1xi32>
    %dma_start3A_907 = arith.constant 46 : i32
    %dma_start3A_908 = arith.constant 0 : i32
    %dma_start3A_909 = tpu.memref_slice %arg11[%dma_start3A_907, %dma_start3A_908] : memref<96x32xf32, #tpu.memory_space<vmem>> -> memref<1x32xf32, #tpu.memory_space<vmem>>
    %dma_start3A_910 = arith.constant 0 : i32
    %dma_start3A_911 = tpu.memref_slice %arg4[%squeeze3A_906, %dma_start3A_910] : memref<100001x32xf32, #tpu.memory_space<hbm>> -> memref<1x32xf32, #tpu.memory_space<hbm>>
    %dma_start3A_912 = arith.constant 46 : i32
    %dma_start3A_913 = arith.constant 0 : i32
    %dma_start3A_914 = tpu.memref_slice %arg11[%dma_start3A_912, %dma_start3A_913] : memref<96x32xf32, #tpu.memory_space<vmem>> -> memref<1x32xf32, #tpu.memory_space<vmem>>
    %dma_start3A_915 = arith.constant 0 : i32
    %dma_start3A_916 = tpu.memref_slice %arg4[%squeeze3A_906, %dma_start3A_915] : memref<100001x32xf32, #tpu.memory_space<hbm>> -> memref<1x32xf32, #tpu.memory_space<hbm>>
    tpu.enqueue_dma source(%dma_start3A_916 : memref<1x32xf32, #tpu.memory_space<hbm>>) target(%dma_start3A_914 : memref<1x32xf32, #tpu.memory_space<vmem>>) target_semaphore(%arg13 : memref<!tpu.dma_semaphore, #tpu.memory_space<semaphore_mem>>)
    %slice3A_917 = vector.extract_strided_slice %get3A_736 {offsets = [15], sizes = [1], strides = [1]} : vector<16xi32> to vector<1xi32>
    %squeeze3A_918 = vector.extract %slice3A_917[0] : i32 from vector<1xi32>
    %dma_start3A_919 = arith.constant 47 : i32
    %dma_start3A_920 = arith.constant 0 : i32
    %dma_start3A_921 = tpu.memref_slice %arg11[%dma_start3A_919, %dma_start3A_920] : memref<96x32xf32, #tpu.memory_space<vmem>> -> memref<1x32xf32, #tpu.memory_space<vmem>>
    %dma_start3A_922 = arith.constant 0 : i32
    %dma_start3A_923 = tpu.memref_slice %arg4[%squeeze3A_918, %dma_start3A_922] : memref<100001x32xf32, #tpu.memory_space<hbm>> -> memref<1x32xf32, #tpu.memory_space<hbm>>
    %dma_start3A_924 = arith.constant 47 : i32
    %dma_start3A_925 = arith.constant 0 : i32
    %dma_start3A_926 = tpu.memref_slice %arg11[%dma_start3A_924, %dma_start3A_925] : memref<96x32xf32, #tpu.memory_space<vmem>> -> memref<1x32xf32, #tpu.memory_space<vmem>>
    %dma_start3A_927 = arith.constant 0 : i32
    %dma_start3A_928 = tpu.memref_slice %arg4[%squeeze3A_918, %dma_start3A_927] : memref<100001x32xf32, #tpu.memory_space<hbm>> -> memref<1x32xf32, #tpu.memory_space<hbm>>
    tpu.enqueue_dma source(%dma_start3A_928 : memref<1x32xf32, #tpu.memory_space<hbm>>) target(%dma_start3A_926 : memref<1x32xf32, #tpu.memory_space<vmem>>) target_semaphore(%arg13 : memref<!tpu.dma_semaphore, #tpu.memory_space<semaphore_mem>>)
    %dma_wait3A_929 = arith.constant 32 : i32
    %dma_wait3A_930 = arith.constant 0 : i32
    %dma_wait3A_931 = tpu.memref_slice %arg11[%dma_wait3A_929, %dma_wait3A_930] : memref<96x32xf32, #tpu.memory_space<vmem>> -> memref<1x32xf32, #tpu.memory_space<vmem>>
    %dma_wait3A_932 = arith.constant 0 : i32
    %dma_wait3A_933 = tpu.memref_slice %arg4[%squeeze3A_738, %dma_wait3A_932] : memref<100001x32xf32, #tpu.memory_space<hbm>> -> memref<1x32xf32, #tpu.memory_space<hbm>>
    %dma_wait3A_934 = arith.constant 32 : i32
    %dma_wait3A_935 = arith.constant 0 : i32
    %dma_wait3A_936 = tpu.memref_slice %arg11[%dma_wait3A_934, %dma_wait3A_935] : memref<96x32xf32, #tpu.memory_space<vmem>> -> memref<1x32xf32, #tpu.memory_space<vmem>>
    %dma_wait3A_937 = arith.constant 0 : i32
    %dma_wait3A_938 = tpu.memref_slice %arg4[%squeeze3A_738, %dma_wait3A_937] : memref<100001x32xf32, #tpu.memory_space<hbm>> -> memref<1x32xf32, #tpu.memory_space<hbm>>
    tpu.wait_dma2 semaphore(%arg13 : memref<!tpu.dma_semaphore, #tpu.memory_space<semaphore_mem>>) src(%dma_wait3A_938 : memref<1x32xf32, #tpu.memory_space<hbm>>) dst(%dma_wait3A_936 : memref<1x32xf32, #tpu.memory_space<vmem>>)
    %dma_wait3A_939 = arith.constant 33 : i32
    %dma_wait3A_940 = arith.constant 0 : i32
    %dma_wait3A_941 = tpu.memref_slice %arg11[%dma_wait3A_939, %dma_wait3A_940] : memref<96x32xf32, #tpu.memory_space<vmem>> -> memref<1x32xf32, #tpu.memory_space<vmem>>
    %dma_wait3A_942 = arith.constant 0 : i32
    %dma_wait3A_943 = tpu.memref_slice %arg4[%squeeze3A_750, %dma_wait3A_942] : memref<100001x32xf32, #tpu.memory_space<hbm>> -> memref<1x32xf32, #tpu.memory_space<hbm>>
    %dma_wait3A_944 = arith.constant 33 : i32
    %dma_wait3A_945 = arith.constant 0 : i32
    %dma_wait3A_946 = tpu.memref_slice %arg11[%dma_wait3A_944, %dma_wait3A_945] : memref<96x32xf32, #tpu.memory_space<vmem>> -> memref<1x32xf32, #tpu.memory_space<vmem>>
    %dma_wait3A_947 = arith.constant 0 : i32
    %dma_wait3A_948 = tpu.memref_slice %arg4[%squeeze3A_750, %dma_wait3A_947] : memref<100001x32xf32, #tpu.memory_space<hbm>> -> memref<1x32xf32, #tpu.memory_space<hbm>>
    tpu.wait_dma2 semaphore(%arg13 : memref<!tpu.dma_semaphore, #tpu.memory_space<semaphore_mem>>) src(%dma_wait3A_948 : memref<1x32xf32, #tpu.memory_space<hbm>>) dst(%dma_wait3A_946 : memref<1x32xf32, #tpu.memory_space<vmem>>)
    %dma_wait3A_949 = arith.constant 34 : i32
    %dma_wait3A_950 = arith.constant 0 : i32
    %dma_wait3A_951 = tpu.memref_slice %arg11[%dma_wait3A_949, %dma_wait3A_950] : memref<96x32xf32, #tpu.memory_space<vmem>> -> memref<1x32xf32, #tpu.memory_space<vmem>>
    %dma_wait3A_952 = arith.constant 0 : i32
    %dma_wait3A_953 = tpu.memref_slice %arg4[%squeeze3A_762, %dma_wait3A_952] : memref<100001x32xf32, #tpu.memory_space<hbm>> -> memref<1x32xf32, #tpu.memory_space<hbm>>
    %dma_wait3A_954 = arith.constant 34 : i32
    %dma_wait3A_955 = arith.constant 0 : i32
    %dma_wait3A_956 = tpu.memref_slice %arg11[%dma_wait3A_954, %dma_wait3A_955] : memref<96x32xf32, #tpu.memory_space<vmem>> -> memref<1x32xf32, #tpu.memory_space<vmem>>
    %dma_wait3A_957 = arith.constant 0 : i32
    %dma_wait3A_958 = tpu.memref_slice %arg4[%squeeze3A_762, %dma_wait3A_957] : memref<100001x32xf32, #tpu.memory_space<hbm>> -> memref<1x32xf32, #tpu.memory_space<hbm>>
    tpu.wait_dma2 semaphore(%arg13 : memref<!tpu.dma_semaphore, #tpu.memory_space<semaphore_mem>>) src(%dma_wait3A_958 : memref<1x32xf32, #tpu.memory_space<hbm>>) dst(%dma_wait3A_956 : memref<1x32xf32, #tpu.memory_space<vmem>>)
    %dma_wait3A_959 = arith.constant 35 : i32
    %dma_wait3A_960 = arith.constant 0 : i32
    %dma_wait3A_961 = tpu.memref_slice %arg11[%dma_wait3A_959, %dma_wait3A_960] : memref<96x32xf32, #tpu.memory_space<vmem>> -> memref<1x32xf32, #tpu.memory_space<vmem>>
    %dma_wait3A_962 = arith.constant 0 : i32
    %dma_wait3A_963 = tpu.memref_slice %arg4[%squeeze3A_774, %dma_wait3A_962] : memref<100001x32xf32, #tpu.memory_space<hbm>> -> memref<1x32xf32, #tpu.memory_space<hbm>>
    %dma_wait3A_964 = arith.constant 35 : i32
    %dma_wait3A_965 = arith.constant 0 : i32
    %dma_wait3A_966 = tpu.memref_slice %arg11[%dma_wait3A_964, %dma_wait3A_965] : memref<96x32xf32, #tpu.memory_space<vmem>> -> memref<1x32xf32, #tpu.memory_space<vmem>>
    %dma_wait3A_967 = arith.constant 0 : i32
    %dma_wait3A_968 = tpu.memref_slice %arg4[%squeeze3A_774, %dma_wait3A_967] : memref<100001x32xf32, #tpu.memory_space<hbm>> -> memref<1x32xf32, #tpu.memory_space<hbm>>
    tpu.wait_dma2 semaphore(%arg13 : memref<!tpu.dma_semaphore, #tpu.memory_space<semaphore_mem>>) src(%dma_wait3A_968 : memref<1x32xf32, #tpu.memory_space<hbm>>) dst(%dma_wait3A_966 : memref<1x32xf32, #tpu.memory_space<vmem>>)
    %dma_wait3A_969 = arith.constant 36 : i32
    %dma_wait3A_970 = arith.constant 0 : i32
    %dma_wait3A_971 = tpu.memref_slice %arg11[%dma_wait3A_969, %dma_wait3A_970] : memref<96x32xf32, #tpu.memory_space<vmem>> -> memref<1x32xf32, #tpu.memory_space<vmem>>
    %dma_wait3A_972 = arith.constant 0 : i32
    %dma_wait3A_973 = tpu.memref_slice %arg4[%squeeze3A_786, %dma_wait3A_972] : memref<100001x32xf32, #tpu.memory_space<hbm>> -> memref<1x32xf32, #tpu.memory_space<hbm>>
    %dma_wait3A_974 = arith.constant 36 : i32
    %dma_wait3A_975 = arith.constant 0 : i32
    %dma_wait3A_976 = tpu.memref_slice %arg11[%dma_wait3A_974, %dma_wait3A_975] : memref<96x32xf32, #tpu.memory_space<vmem>> -> memref<1x32xf32, #tpu.memory_space<vmem>>
    %dma_wait3A_977 = arith.constant 0 : i32
    %dma_wait3A_978 = tpu.memref_slice %arg4[%squeeze3A_786, %dma_wait3A_977] : memref<100001x32xf32, #tpu.memory_space<hbm>> -> memref<1x32xf32, #tpu.memory_space<hbm>>
    tpu.wait_dma2 semaphore(%arg13 : memref<!tpu.dma_semaphore, #tpu.memory_space<semaphore_mem>>) src(%dma_wait3A_978 : memref<1x32xf32, #tpu.memory_space<hbm>>) dst(%dma_wait3A_976 : memref<1x32xf32, #tpu.memory_space<vmem>>)
    %dma_wait3A_979 = arith.constant 37 : i32
    %dma_wait3A_980 = arith.constant 0 : i32
    %dma_wait3A_981 = tpu.memref_slice %arg11[%dma_wait3A_979, %dma_wait3A_980] : memref<96x32xf32, #tpu.memory_space<vmem>> -> memref<1x32xf32, #tpu.memory_space<vmem>>
    %dma_wait3A_982 = arith.constant 0 : i32
    %dma_wait3A_983 = tpu.memref_slice %arg4[%squeeze3A_798, %dma_wait3A_982] : memref<100001x32xf32, #tpu.memory_space<hbm>> -> memref<1x32xf32, #tpu.memory_space<hbm>>
    %dma_wait3A_984 = arith.constant 37 : i32
    %dma_wait3A_985 = arith.constant 0 : i32
    %dma_wait3A_986 = tpu.memref_slice %arg11[%dma_wait3A_984, %dma_wait3A_985] : memref<96x32xf32, #tpu.memory_space<vmem>> -> memref<1x32xf32, #tpu.memory_space<vmem>>
    %dma_wait3A_987 = arith.constant 0 : i32
    %dma_wait3A_988 = tpu.memref_slice %arg4[%squeeze3A_798, %dma_wait3A_987] : memref<100001x32xf32, #tpu.memory_space<hbm>> -> memref<1x32xf32, #tpu.memory_space<hbm>>
    tpu.wait_dma2 semaphore(%arg13 : memref<!tpu.dma_semaphore, #tpu.memory_space<semaphore_mem>>) src(%dma_wait3A_988 : memref<1x32xf32, #tpu.memory_space<hbm>>) dst(%dma_wait3A_986 : memref<1x32xf32, #tpu.memory_space<vmem>>)
    %dma_wait3A_989 = arith.constant 38 : i32
    %dma_wait3A_990 = arith.constant 0 : i32
    %dma_wait3A_991 = tpu.memref_slice %arg11[%dma_wait3A_989, %dma_wait3A_990] : memref<96x32xf32, #tpu.memory_space<vmem>> -> memref<1x32xf32, #tpu.memory_space<vmem>>
    %dma_wait3A_992 = arith.constant 0 : i32
    %dma_wait3A_993 = tpu.memref_slice %arg4[%squeeze3A_810, %dma_wait3A_992] : memref<100001x32xf32, #tpu.memory_space<hbm>> -> memref<1x32xf32, #tpu.memory_space<hbm>>
    %dma_wait3A_994 = arith.constant 38 : i32
    %dma_wait3A_995 = arith.constant 0 : i32
    %dma_wait3A_996 = tpu.memref_slice %arg11[%dma_wait3A_994, %dma_wait3A_995] : memref<96x32xf32, #tpu.memory_space<vmem>> -> memref<1x32xf32, #tpu.memory_space<vmem>>
    %dma_wait3A_997 = arith.constant 0 : i32
    %dma_wait3A_998 = tpu.memref_slice %arg4[%squeeze3A_810, %dma_wait3A_997] : memref<100001x32xf32, #tpu.memory_space<hbm>> -> memref<1x32xf32, #tpu.memory_space<hbm>>
    tpu.wait_dma2 semaphore(%arg13 : memref<!tpu.dma_semaphore, #tpu.memory_space<semaphore_mem>>) src(%dma_wait3A_998 : memref<1x32xf32, #tpu.memory_space<hbm>>) dst(%dma_wait3A_996 : memref<1x32xf32, #tpu.memory_space<vmem>>)
    %dma_wait3A_999 = arith.constant 39 : i32
    %dma_wait3A_1000 = arith.constant 0 : i32
    %dma_wait3A_1001 = tpu.memref_slice %arg11[%dma_wait3A_999, %dma_wait3A_1000] : memref<96x32xf32, #tpu.memory_space<vmem>> -> memref<1x32xf32, #tpu.memory_space<vmem>>
    %dma_wait3A_1002 = arith.constant 0 : i32
    %dma_wait3A_1003 = tpu.memref_slice %arg4[%squeeze3A_822, %dma_wait3A_1002] : memref<100001x32xf32, #tpu.memory_space<hbm>> -> memref<1x32xf32, #tpu.memory_space<hbm>>
    %dma_wait3A_1004 = arith.constant 39 : i32
    %dma_wait3A_1005 = arith.constant 0 : i32
    %dma_wait3A_1006 = tpu.memref_slice %arg11[%dma_wait3A_1004, %dma_wait3A_1005] : memref<96x32xf32, #tpu.memory_space<vmem>> -> memref<1x32xf32, #tpu.memory_space<vmem>>
    %dma_wait3A_1007 = arith.constant 0 : i32
    %dma_wait3A_1008 = tpu.memref_slice %arg4[%squeeze3A_822, %dma_wait3A_1007] : memref<100001x32xf32, #tpu.memory_space<hbm>> -> memref<1x32xf32, #tpu.memory_space<hbm>>
    tpu.wait_dma2 semaphore(%arg13 : memref<!tpu.dma_semaphore, #tpu.memory_space<semaphore_mem>>) src(%dma_wait3A_1008 : memref<1x32xf32, #tpu.memory_space<hbm>>) dst(%dma_wait3A_1006 : memref<1x32xf32, #tpu.memory_space<vmem>>)
    %dma_wait3A_1009 = arith.constant 40 : i32
    %dma_wait3A_1010 = arith.constant 0 : i32
    %dma_wait3A_1011 = tpu.memref_slice %arg11[%dma_wait3A_1009, %dma_wait3A_1010] : memref<96x32xf32, #tpu.memory_space<vmem>> -> memref<1x32xf32, #tpu.memory_space<vmem>>
    %dma_wait3A_1012 = arith.constant 0 : i32
    %dma_wait3A_1013 = tpu.memref_slice %arg4[%squeeze3A_834, %dma_wait3A_1012] : memref<100001x32xf32, #tpu.memory_space<hbm>> -> memref<1x32xf32, #tpu.memory_space<hbm>>
    %dma_wait3A_1014 = arith.constant 40 : i32
    %dma_wait3A_1015 = arith.constant 0 : i32
    %dma_wait3A_1016 = tpu.memref_slice %arg11[%dma_wait3A_1014, %dma_wait3A_1015] : memref<96x32xf32, #tpu.memory_space<vmem>> -> memref<1x32xf32, #tpu.memory_space<vmem>>
    %dma_wait3A_1017 = arith.constant 0 : i32
    %dma_wait3A_1018 = tpu.memref_slice %arg4[%squeeze3A_834, %dma_wait3A_1017] : memref<100001x32xf32, #tpu.memory_space<hbm>> -> memref<1x32xf32, #tpu.memory_space<hbm>>
    tpu.wait_dma2 semaphore(%arg13 : memref<!tpu.dma_semaphore, #tpu.memory_space<semaphore_mem>>) src(%dma_wait3A_1018 : memref<1x32xf32, #tpu.memory_space<hbm>>) dst(%dma_wait3A_1016 : memref<1x32xf32, #tpu.memory_space<vmem>>)
    %dma_wait3A_1019 = arith.constant 41 : i32
    %dma_wait3A_1020 = arith.constant 0 : i32
    %dma_wait3A_1021 = tpu.memref_slice %arg11[%dma_wait3A_1019, %dma_wait3A_1020] : memref<96x32xf32, #tpu.memory_space<vmem>> -> memref<1x32xf32, #tpu.memory_space<vmem>>
    %dma_wait3A_1022 = arith.constant 0 : i32
    %dma_wait3A_1023 = tpu.memref_slice %arg4[%squeeze3A_846, %dma_wait3A_1022] : memref<100001x32xf32, #tpu.memory_space<hbm>> -> memref<1x32xf32, #tpu.memory_space<hbm>>
    %dma_wait3A_1024 = arith.constant 41 : i32
    %dma_wait3A_1025 = arith.constant 0 : i32
    %dma_wait3A_1026 = tpu.memref_slice %arg11[%dma_wait3A_1024, %dma_wait3A_1025] : memref<96x32xf32, #tpu.memory_space<vmem>> -> memref<1x32xf32, #tpu.memory_space<vmem>>
    %dma_wait3A_1027 = arith.constant 0 : i32
    %dma_wait3A_1028 = tpu.memref_slice %arg4[%squeeze3A_846, %dma_wait3A_1027] : memref<100001x32xf32, #tpu.memory_space<hbm>> -> memref<1x32xf32, #tpu.memory_space<hbm>>
    tpu.wait_dma2 semaphore(%arg13 : memref<!tpu.dma_semaphore, #tpu.memory_space<semaphore_mem>>) src(%dma_wait3A_1028 : memref<1x32xf32, #tpu.memory_space<hbm>>) dst(%dma_wait3A_1026 : memref<1x32xf32, #tpu.memory_space<vmem>>)
    %dma_wait3A_1029 = arith.constant 42 : i32
    %dma_wait3A_1030 = arith.constant 0 : i32
    %dma_wait3A_1031 = tpu.memref_slice %arg11[%dma_wait3A_1029, %dma_wait3A_1030] : memref<96x32xf32, #tpu.memory_space<vmem>> -> memref<1x32xf32, #tpu.memory_space<vmem>>
    %dma_wait3A_1032 = arith.constant 0 : i32
    %dma_wait3A_1033 = tpu.memref_slice %arg4[%squeeze3A_858, %dma_wait3A_1032] : memref<100001x32xf32, #tpu.memory_space<hbm>> -> memref<1x32xf32, #tpu.memory_space<hbm>>
    %dma_wait3A_1034 = arith.constant 42 : i32
    %dma_wait3A_1035 = arith.constant 0 : i32
    %dma_wait3A_1036 = tpu.memref_slice %arg11[%dma_wait3A_1034, %dma_wait3A_1035] : memref<96x32xf32, #tpu.memory_space<vmem>> -> memref<1x32xf32, #tpu.memory_space<vmem>>
    %dma_wait3A_1037 = arith.constant 0 : i32
    %dma_wait3A_1038 = tpu.memref_slice %arg4[%squeeze3A_858, %dma_wait3A_1037] : memref<100001x32xf32, #tpu.memory_space<hbm>> -> memref<1x32xf32, #tpu.memory_space<hbm>>
    tpu.wait_dma2 semaphore(%arg13 : memref<!tpu.dma_semaphore, #tpu.memory_space<semaphore_mem>>) src(%dma_wait3A_1038 : memref<1x32xf32, #tpu.memory_space<hbm>>) dst(%dma_wait3A_1036 : memref<1x32xf32, #tpu.memory_space<vmem>>)
    %dma_wait3A_1039 = arith.constant 43 : i32
    %dma_wait3A_1040 = arith.constant 0 : i32
    %dma_wait3A_1041 = tpu.memref_slice %arg11[%dma_wait3A_1039, %dma_wait3A_1040] : memref<96x32xf32, #tpu.memory_space<vmem>> -> memref<1x32xf32, #tpu.memory_space<vmem>>
    %dma_wait3A_1042 = arith.constant 0 : i32
    %dma_wait3A_1043 = tpu.memref_slice %arg4[%squeeze3A_870, %dma_wait3A_1042] : memref<100001x32xf32, #tpu.memory_space<hbm>> -> memref<1x32xf32, #tpu.memory_space<hbm>>
    %dma_wait3A_1044 = arith.constant 43 : i32
    %dma_wait3A_1045 = arith.constant 0 : i32
    %dma_wait3A_1046 = tpu.memref_slice %arg11[%dma_wait3A_1044, %dma_wait3A_1045] : memref<96x32xf32, #tpu.memory_space<vmem>> -> memref<1x32xf32, #tpu.memory_space<vmem>>
    %dma_wait3A_1047 = arith.constant 0 : i32
    %dma_wait3A_1048 = tpu.memref_slice %arg4[%squeeze3A_870, %dma_wait3A_1047] : memref<100001x32xf32, #tpu.memory_space<hbm>> -> memref<1x32xf32, #tpu.memory_space<hbm>>
    tpu.wait_dma2 semaphore(%arg13 : memref<!tpu.dma_semaphore, #tpu.memory_space<semaphore_mem>>) src(%dma_wait3A_1048 : memref<1x32xf32, #tpu.memory_space<hbm>>) dst(%dma_wait3A_1046 : memref<1x32xf32, #tpu.memory_space<vmem>>)
    %dma_wait3A_1049 = arith.constant 44 : i32
    %dma_wait3A_1050 = arith.constant 0 : i32
    %dma_wait3A_1051 = tpu.memref_slice %arg11[%dma_wait3A_1049, %dma_wait3A_1050] : memref<96x32xf32, #tpu.memory_space<vmem>> -> memref<1x32xf32, #tpu.memory_space<vmem>>
    %dma_wait3A_1052 = arith.constant 0 : i32
    %dma_wait3A_1053 = tpu.memref_slice %arg4[%squeeze3A_882, %dma_wait3A_1052] : memref<100001x32xf32, #tpu.memory_space<hbm>> -> memref<1x32xf32, #tpu.memory_space<hbm>>
    %dma_wait3A_1054 = arith.constant 44 : i32
    %dma_wait3A_1055 = arith.constant 0 : i32
    %dma_wait3A_1056 = tpu.memref_slice %arg11[%dma_wait3A_1054, %dma_wait3A_1055] : memref<96x32xf32, #tpu.memory_space<vmem>> -> memref<1x32xf32, #tpu.memory_space<vmem>>
    %dma_wait3A_1057 = arith.constant 0 : i32
    %dma_wait3A_1058 = tpu.memref_slice %arg4[%squeeze3A_882, %dma_wait3A_1057] : memref<100001x32xf32, #tpu.memory_space<hbm>> -> memref<1x32xf32, #tpu.memory_space<hbm>>
    tpu.wait_dma2 semaphore(%arg13 : memref<!tpu.dma_semaphore, #tpu.memory_space<semaphore_mem>>) src(%dma_wait3A_1058 : memref<1x32xf32, #tpu.memory_space<hbm>>) dst(%dma_wait3A_1056 : memref<1x32xf32, #tpu.memory_space<vmem>>)
    %dma_wait3A_1059 = arith.constant 45 : i32
    %dma_wait3A_1060 = arith.constant 0 : i32
    %dma_wait3A_1061 = tpu.memref_slice %arg11[%dma_wait3A_1059, %dma_wait3A_1060] : memref<96x32xf32, #tpu.memory_space<vmem>> -> memref<1x32xf32, #tpu.memory_space<vmem>>
    %dma_wait3A_1062 = arith.constant 0 : i32
    %dma_wait3A_1063 = tpu.memref_slice %arg4[%squeeze3A_894, %dma_wait3A_1062] : memref<100001x32xf32, #tpu.memory_space<hbm>> -> memref<1x32xf32, #tpu.memory_space<hbm>>
    %dma_wait3A_1064 = arith.constant 45 : i32
    %dma_wait3A_1065 = arith.constant 0 : i32
    %dma_wait3A_1066 = tpu.memref_slice %arg11[%dma_wait3A_1064, %dma_wait3A_1065] : memref<96x32xf32, #tpu.memory_space<vmem>> -> memref<1x32xf32, #tpu.memory_space<vmem>>
    %dma_wait3A_1067 = arith.constant 0 : i32
    %dma_wait3A_1068 = tpu.memref_slice %arg4[%squeeze3A_894, %dma_wait3A_1067] : memref<100001x32xf32, #tpu.memory_space<hbm>> -> memref<1x32xf32, #tpu.memory_space<hbm>>
    tpu.wait_dma2 semaphore(%arg13 : memref<!tpu.dma_semaphore, #tpu.memory_space<semaphore_mem>>) src(%dma_wait3A_1068 : memref<1x32xf32, #tpu.memory_space<hbm>>) dst(%dma_wait3A_1066 : memref<1x32xf32, #tpu.memory_space<vmem>>)
    %dma_wait3A_1069 = arith.constant 46 : i32
    %dma_wait3A_1070 = arith.constant 0 : i32
    %dma_wait3A_1071 = tpu.memref_slice %arg11[%dma_wait3A_1069, %dma_wait3A_1070] : memref<96x32xf32, #tpu.memory_space<vmem>> -> memref<1x32xf32, #tpu.memory_space<vmem>>
    %dma_wait3A_1072 = arith.constant 0 : i32
    %dma_wait3A_1073 = tpu.memref_slice %arg4[%squeeze3A_906, %dma_wait3A_1072] : memref<100001x32xf32, #tpu.memory_space<hbm>> -> memref<1x32xf32, #tpu.memory_space<hbm>>
    %dma_wait3A_1074 = arith.constant 46 : i32
    %dma_wait3A_1075 = arith.constant 0 : i32
    %dma_wait3A_1076 = tpu.memref_slice %arg11[%dma_wait3A_1074, %dma_wait3A_1075] : memref<96x32xf32, #tpu.memory_space<vmem>> -> memref<1x32xf32, #tpu.memory_space<vmem>>
    %dma_wait3A_1077 = arith.constant 0 : i32
    %dma_wait3A_1078 = tpu.memref_slice %arg4[%squeeze3A_906, %dma_wait3A_1077] : memref<100001x32xf32, #tpu.memory_space<hbm>> -> memref<1x32xf32, #tpu.memory_space<hbm>>
    tpu.wait_dma2 semaphore(%arg13 : memref<!tpu.dma_semaphore, #tpu.memory_space<semaphore_mem>>) src(%dma_wait3A_1078 : memref<1x32xf32, #tpu.memory_space<hbm>>) dst(%dma_wait3A_1076 : memref<1x32xf32, #tpu.memory_space<vmem>>)
    %dma_wait3A_1079 = arith.constant 47 : i32
    %dma_wait3A_1080 = arith.constant 0 : i32
    %dma_wait3A_1081 = tpu.memref_slice %arg11[%dma_wait3A_1079, %dma_wait3A_1080] : memref<96x32xf32, #tpu.memory_space<vmem>> -> memref<1x32xf32, #tpu.memory_space<vmem>>
    %dma_wait3A_1082 = arith.constant 0 : i32
    %dma_wait3A_1083 = tpu.memref_slice %arg4[%squeeze3A_918, %dma_wait3A_1082] : memref<100001x32xf32, #tpu.memory_space<hbm>> -> memref<1x32xf32, #tpu.memory_space<hbm>>
    %dma_wait3A_1084 = arith.constant 47 : i32
    %dma_wait3A_1085 = arith.constant 0 : i32
    %dma_wait3A_1086 = tpu.memref_slice %arg11[%dma_wait3A_1084, %dma_wait3A_1085] : memref<96x32xf32, #tpu.memory_space<vmem>> -> memref<1x32xf32, #tpu.memory_space<vmem>>
    %dma_wait3A_1087 = arith.constant 0 : i32
    %dma_wait3A_1088 = tpu.memref_slice %arg4[%squeeze3A_918, %dma_wait3A_1087] : memref<100001x32xf32, #tpu.memory_space<hbm>> -> memref<1x32xf32, #tpu.memory_space<hbm>>
    tpu.wait_dma2 semaphore(%arg13 : memref<!tpu.dma_semaphore, #tpu.memory_space<semaphore_mem>>) src(%dma_wait3A_1088 : memref<1x32xf32, #tpu.memory_space<hbm>>) dst(%dma_wait3A_1086 : memref<1x32xf32, #tpu.memory_space<vmem>>)
    %get3A_1089 = arith.constant 48 : index
    %get3A_1090 = tpu.vector_load %arg10[%get3A_1089] {strides = array<i32>} : memref<96xi32, #tpu.memory_space<vmem>>, vector<16xi32>,
    %get3A_1091 = vector.shape_cast %get3A_1090 : vector<16xi32> to vector<16xi32>
    %slice3A_1092 = vector.extract_strided_slice %get3A_1091 {offsets = [0], sizes = [1], strides = [1]} : vector<16xi32> to vector<1xi32>
    %squeeze3A_1093 = vector.extract %slice3A_1092[0] : i32 from vector<1xi32>
    %dma_start3A_1094 = arith.constant 48 : i32
    %dma_start3A_1095 = arith.constant 0 : i32
    %dma_start3A_1096 = tpu.memref_slice %arg11[%dma_start3A_1094, %dma_start3A_1095] : memref<96x32xf32, #tpu.memory_space<vmem>> -> memref<1x32xf32, #tpu.memory_space<vmem>>
    %dma_start3A_1097 = arith.constant 0 : i32
    %dma_start3A_1098 = tpu.memref_slice %arg4[%squeeze3A_1093, %dma_start3A_1097] : memref<100001x32xf32, #tpu.memory_space<hbm>> -> memref<1x32xf32, #tpu.memory_space<hbm>>
    %dma_start3A_1099 = arith.constant 48 : i32
    %dma_start3A_1100 = arith.constant 0 : i32
    %dma_start3A_1101 = tpu.memref_slice %arg11[%dma_start3A_1099, %dma_start3A_1100] : memref<96x32xf32, #tpu.memory_space<vmem>> -> memref<1x32xf32, #tpu.memory_space<vmem>>
    %dma_start3A_1102 = arith.constant 0 : i32
    %dma_start3A_1103 = tpu.memref_slice %arg4[%squeeze3A_1093, %dma_start3A_1102] : memref<100001x32xf32, #tpu.memory_space<hbm>> -> memref<1x32xf32, #tpu.memory_space<hbm>>
    tpu.enqueue_dma source(%dma_start3A_1103 : memref<1x32xf32, #tpu.memory_space<hbm>>) target(%dma_start3A_1101 : memref<1x32xf32, #tpu.memory_space<vmem>>) target_semaphore(%arg13 : memref<!tpu.dma_semaphore, #tpu.memory_space<semaphore_mem>>)
    %slice3A_1104 = vector.extract_strided_slice %get3A_1091 {offsets = [1], sizes = [1], strides = [1]} : vector<16xi32> to vector<1xi32>
    %squeeze3A_1105 = vector.extract %slice3A_1104[0] : i32 from vector<1xi32>
    %dma_start3A_1106 = arith.constant 49 : i32
    %dma_start3A_1107 = arith.constant 0 : i32
    %dma_start3A_1108 = tpu.memref_slice %arg11[%dma_start3A_1106, %dma_start3A_1107] : memref<96x32xf32, #tpu.memory_space<vmem>> -> memref<1x32xf32, #tpu.memory_space<vmem>>
    %dma_start3A_1109 = arith.constant 0 : i32
    %dma_start3A_1110 = tpu.memref_slice %arg4[%squeeze3A_1105, %dma_start3A_1109] : memref<100001x32xf32, #tpu.memory_space<hbm>> -> memref<1x32xf32, #tpu.memory_space<hbm>>
    %dma_start3A_1111 = arith.constant 49 : i32
    %dma_start3A_1112 = arith.constant 0 : i32
    %dma_start3A_1113 = tpu.memref_slice %arg11[%dma_start3A_1111, %dma_start3A_1112] : memref<96x32xf32, #tpu.memory_space<vmem>> -> memref<1x32xf32, #tpu.memory_space<vmem>>
    %dma_start3A_1114 = arith.constant 0 : i32
    %dma_start3A_1115 = tpu.memref_slice %arg4[%squeeze3A_1105, %dma_start3A_1114] : memref<100001x32xf32, #tpu.memory_space<hbm>> -> memref<1x32xf32, #tpu.memory_space<hbm>>
    tpu.enqueue_dma source(%dma_start3A_1115 : memref<1x32xf32, #tpu.memory_space<hbm>>) target(%dma_start3A_1113 : memref<1x32xf32, #tpu.memory_space<vmem>>) target_semaphore(%arg13 : memref<!tpu.dma_semaphore, #tpu.memory_space<semaphore_mem>>)
    %slice3A_1116 = vector.extract_strided_slice %get3A_1091 {offsets = [2], sizes = [1], strides = [1]} : vector<16xi32> to vector<1xi32>
    %squeeze3A_1117 = vector.extract %slice3A_1116[0] : i32 from vector<1xi32>
    %dma_start3A_1118 = arith.constant 50 : i32
    %dma_start3A_1119 = arith.constant 0 : i32
    %dma_start3A_1120 = tpu.memref_slice %arg11[%dma_start3A_1118, %dma_start3A_1119] : memref<96x32xf32, #tpu.memory_space<vmem>> -> memref<1x32xf32, #tpu.memory_space<vmem>>
    %dma_start3A_1121 = arith.constant 0 : i32
    %dma_start3A_1122 = tpu.memref_slice %arg4[%squeeze3A_1117, %dma_start3A_1121] : memref<100001x32xf32, #tpu.memory_space<hbm>> -> memref<1x32xf32, #tpu.memory_space<hbm>>
    %dma_start3A_1123 = arith.constant 50 : i32
    %dma_start3A_1124 = arith.constant 0 : i32
    %dma_start3A_1125 = tpu.memref_slice %arg11[%dma_start3A_1123, %dma_start3A_1124] : memref<96x32xf32, #tpu.memory_space<vmem>> -> memref<1x32xf32, #tpu.memory_space<vmem>>
    %dma_start3A_1126 = arith.constant 0 : i32
    %dma_start3A_1127 = tpu.memref_slice %arg4[%squeeze3A_1117, %dma_start3A_1126] : memref<100001x32xf32, #tpu.memory_space<hbm>> -> memref<1x32xf32, #tpu.memory_space<hbm>>
    tpu.enqueue_dma source(%dma_start3A_1127 : memref<1x32xf32, #tpu.memory_space<hbm>>) target(%dma_start3A_1125 : memref<1x32xf32, #tpu.memory_space<vmem>>) target_semaphore(%arg13 : memref<!tpu.dma_semaphore, #tpu.memory_space<semaphore_mem>>)
    %slice3A_1128 = vector.extract_strided_slice %get3A_1091 {offsets = [3], sizes = [1], strides = [1]} : vector<16xi32> to vector<1xi32>
    %squeeze3A_1129 = vector.extract %slice3A_1128[0] : i32 from vector<1xi32>
    %dma_start3A_1130 = arith.constant 51 : i32
    %dma_start3A_1131 = arith.constant 0 : i32
    %dma_start3A_1132 = tpu.memref_slice %arg11[%dma_start3A_1130, %dma_start3A_1131] : memref<96x32xf32, #tpu.memory_space<vmem>> -> memref<1x32xf32, #tpu.memory_space<vmem>>
    %dma_start3A_1133 = arith.constant 0 : i32
    %dma_start3A_1134 = tpu.memref_slice %arg4[%squeeze3A_1129, %dma_start3A_1133] : memref<100001x32xf32, #tpu.memory_space<hbm>> -> memref<1x32xf32, #tpu.memory_space<hbm>>
    %dma_start3A_1135 = arith.constant 51 : i32
    %dma_start3A_1136 = arith.constant 0 : i32
    %dma_start3A_1137 = tpu.memref_slice %arg11[%dma_start3A_1135, %dma_start3A_1136] : memref<96x32xf32, #tpu.memory_space<vmem>> -> memref<1x32xf32, #tpu.memory_space<vmem>>
    %dma_start3A_1138 = arith.constant 0 : i32
    %dma_start3A_1139 = tpu.memref_slice %arg4[%squeeze3A_1129, %dma_start3A_1138] : memref<100001x32xf32, #tpu.memory_space<hbm>> -> memref<1x32xf32, #tpu.memory_space<hbm>>
    tpu.enqueue_dma source(%dma_start3A_1139 : memref<1x32xf32, #tpu.memory_space<hbm>>) target(%dma_start3A_1137 : memref<1x32xf32, #tpu.memory_space<vmem>>) target_semaphore(%arg13 : memref<!tpu.dma_semaphore, #tpu.memory_space<semaphore_mem>>)
    %slice3A_1140 = vector.extract_strided_slice %get3A_1091 {offsets = [4], sizes = [1], strides = [1]} : vector<16xi32> to vector<1xi32>
    %squeeze3A_1141 = vector.extract %slice3A_1140[0] : i32 from vector<1xi32>
    %dma_start3A_1142 = arith.constant 52 : i32
    %dma_start3A_1143 = arith.constant 0 : i32
    %dma_start3A_1144 = tpu.memref_slice %arg11[%dma_start3A_1142, %dma_start3A_1143] : memref<96x32xf32, #tpu.memory_space<vmem>> -> memref<1x32xf32, #tpu.memory_space<vmem>>
    %dma_start3A_1145 = arith.constant 0 : i32
    %dma_start3A_1146 = tpu.memref_slice %arg4[%squeeze3A_1141, %dma_start3A_1145] : memref<100001x32xf32, #tpu.memory_space<hbm>> -> memref<1x32xf32, #tpu.memory_space<hbm>>
    %dma_start3A_1147 = arith.constant 52 : i32
    %dma_start3A_1148 = arith.constant 0 : i32
    %dma_start3A_1149 = tpu.memref_slice %arg11[%dma_start3A_1147, %dma_start3A_1148] : memref<96x32xf32, #tpu.memory_space<vmem>> -> memref<1x32xf32, #tpu.memory_space<vmem>>
    %dma_start3A_1150 = arith.constant 0 : i32
    %dma_start3A_1151 = tpu.memref_slice %arg4[%squeeze3A_1141, %dma_start3A_1150] : memref<100001x32xf32, #tpu.memory_space<hbm>> -> memref<1x32xf32, #tpu.memory_space<hbm>>
    tpu.enqueue_dma source(%dma_start3A_1151 : memref<1x32xf32, #tpu.memory_space<hbm>>) target(%dma_start3A_1149 : memref<1x32xf32, #tpu.memory_space<vmem>>) target_semaphore(%arg13 : memref<!tpu.dma_semaphore, #tpu.memory_space<semaphore_mem>>)
    %slice3A_1152 = vector.extract_strided_slice %get3A_1091 {offsets = [5], sizes = [1], strides = [1]} : vector<16xi32> to vector<1xi32>
    %squeeze3A_1153 = vector.extract %slice3A_1152[0] : i32 from vector<1xi32>
    %dma_start3A_1154 = arith.constant 53 : i32
    %dma_start3A_1155 = arith.constant 0 : i32
    %dma_start3A_1156 = tpu.memref_slice %arg11[%dma_start3A_1154, %dma_start3A_1155] : memref<96x32xf32, #tpu.memory_space<vmem>> -> memref<1x32xf32, #tpu.memory_space<vmem>>
    %dma_start3A_1157 = arith.constant 0 : i32
    %dma_start3A_1158 = tpu.memref_slice %arg4[%squeeze3A_1153, %dma_start3A_1157] : memref<100001x32xf32, #tpu.memory_space<hbm>> -> memref<1x32xf32, #tpu.memory_space<hbm>>
    %dma_start3A_1159 = arith.constant 53 : i32
    %dma_start3A_1160 = arith.constant 0 : i32
    %dma_start3A_1161 = tpu.memref_slice %arg11[%dma_start3A_1159, %dma_start3A_1160] : memref<96x32xf32, #tpu.memory_space<vmem>> -> memref<1x32xf32, #tpu.memory_space<vmem>>
    %dma_start3A_1162 = arith.constant 0 : i32
    %dma_start3A_1163 = tpu.memref_slice %arg4[%squeeze3A_1153, %dma_start3A_1162] : memref<100001x32xf32, #tpu.memory_space<hbm>> -> memref<1x32xf32, #tpu.memory_space<hbm>>
    tpu.enqueue_dma source(%dma_start3A_1163 : memref<1x32xf32, #tpu.memory_space<hbm>>) target(%dma_start3A_1161 : memref<1x32xf32, #tpu.memory_space<vmem>>) target_semaphore(%arg13 : memref<!tpu.dma_semaphore, #tpu.memory_space<semaphore_mem>>)
    %slice3A_1164 = vector.extract_strided_slice %get3A_1091 {offsets = [6], sizes = [1], strides = [1]} : vector<16xi32> to vector<1xi32>
    %squeeze3A_1165 = vector.extract %slice3A_1164[0] : i32 from vector<1xi32>
    %dma_start3A_1166 = arith.constant 54 : i32
    %dma_start3A_1167 = arith.constant 0 : i32
    %dma_start3A_1168 = tpu.memref_slice %arg11[%dma_start3A_1166, %dma_start3A_1167] : memref<96x32xf32, #tpu.memory_space<vmem>> -> memref<1x32xf32, #tpu.memory_space<vmem>>
    %dma_start3A_1169 = arith.constant 0 : i32
    %dma_start3A_1170 = tpu.memref_slice %arg4[%squeeze3A_1165, %dma_start3A_1169] : memref<100001x32xf32, #tpu.memory_space<hbm>> -> memref<1x32xf32, #tpu.memory_space<hbm>>
    %dma_start3A_1171 = arith.constant 54 : i32
    %dma_start3A_1172 = arith.constant 0 : i32
    %dma_start3A_1173 = tpu.memref_slice %arg11[%dma_start3A_1171, %dma_start3A_1172] : memref<96x32xf32, #tpu.memory_space<vmem>> -> memref<1x32xf32, #tpu.memory_space<vmem>>
    %dma_start3A_1174 = arith.constant 0 : i32
    %dma_start3A_1175 = tpu.memref_slice %arg4[%squeeze3A_1165, %dma_start3A_1174] : memref<100001x32xf32, #tpu.memory_space<hbm>> -> memref<1x32xf32, #tpu.memory_space<hbm>>
    tpu.enqueue_dma source(%dma_start3A_1175 : memref<1x32xf32, #tpu.memory_space<hbm>>) target(%dma_start3A_1173 : memref<1x32xf32, #tpu.memory_space<vmem>>) target_semaphore(%arg13 : memref<!tpu.dma_semaphore, #tpu.memory_space<semaphore_mem>>)
    %slice3A_1176 = vector.extract_strided_slice %get3A_1091 {offsets = [7], sizes = [1], strides = [1]} : vector<16xi32> to vector<1xi32>
    %squeeze3A_1177 = vector.extract %slice3A_1176[0] : i32 from vector<1xi32>
    %dma_start3A_1178 = arith.constant 55 : i32
    %dma_start3A_1179 = arith.constant 0 : i32
    %dma_start3A_1180 = tpu.memref_slice %arg11[%dma_start3A_1178, %dma_start3A_1179] : memref<96x32xf32, #tpu.memory_space<vmem>> -> memref<1x32xf32, #tpu.memory_space<vmem>>
    %dma_start3A_1181 = arith.constant 0 : i32
    %dma_start3A_1182 = tpu.memref_slice %arg4[%squeeze3A_1177, %dma_start3A_1181] : memref<100001x32xf32, #tpu.memory_space<hbm>> -> memref<1x32xf32, #tpu.memory_space<hbm>>
    %dma_start3A_1183 = arith.constant 55 : i32
    %dma_start3A_1184 = arith.constant 0 : i32
    %dma_start3A_1185 = tpu.memref_slice %arg11[%dma_start3A_1183, %dma_start3A_1184] : memref<96x32xf32, #tpu.memory_space<vmem>> -> memref<1x32xf32, #tpu.memory_space<vmem>>
    %dma_start3A_1186 = arith.constant 0 : i32
    %dma_start3A_1187 = tpu.memref_slice %arg4[%squeeze3A_1177, %dma_start3A_1186] : memref<100001x32xf32, #tpu.memory_space<hbm>> -> memref<1x32xf32, #tpu.memory_space<hbm>>
    tpu.enqueue_dma source(%dma_start3A_1187 : memref<1x32xf32, #tpu.memory_space<hbm>>) target(%dma_start3A_1185 : memref<1x32xf32, #tpu.memory_space<vmem>>) target_semaphore(%arg13 : memref<!tpu.dma_semaphore, #tpu.memory_space<semaphore_mem>>)
    %slice3A_1188 = vector.extract_strided_slice %get3A_1091 {offsets = [8], sizes = [1], strides = [1]} : vector<16xi32> to vector<1xi32>
    %squeeze3A_1189 = vector.extract %slice3A_1188[0] : i32 from vector<1xi32>
    %dma_start3A_1190 = arith.constant 56 : i32
    %dma_start3A_1191 = arith.constant 0 : i32
    %dma_start3A_1192 = tpu.memref_slice %arg11[%dma_start3A_1190, %dma_start3A_1191] : memref<96x32xf32, #tpu.memory_space<vmem>> -> memref<1x32xf32, #tpu.memory_space<vmem>>
    %dma_start3A_1193 = arith.constant 0 : i32
    %dma_start3A_1194 = tpu.memref_slice %arg4[%squeeze3A_1189, %dma_start3A_1193] : memref<100001x32xf32, #tpu.memory_space<hbm>> -> memref<1x32xf32, #tpu.memory_space<hbm>>
    %dma_start3A_1195 = arith.constant 56 : i32
    %dma_start3A_1196 = arith.constant 0 : i32
    %dma_start3A_1197 = tpu.memref_slice %arg11[%dma_start3A_1195, %dma_start3A_1196] : memref<96x32xf32, #tpu.memory_space<vmem>> -> memref<1x32xf32, #tpu.memory_space<vmem>>
    %dma_start3A_1198 = arith.constant 0 : i32
    %dma_start3A_1199 = tpu.memref_slice %arg4[%squeeze3A_1189, %dma_start3A_1198] : memref<100001x32xf32, #tpu.memory_space<hbm>> -> memref<1x32xf32, #tpu.memory_space<hbm>>
    tpu.enqueue_dma source(%dma_start3A_1199 : memref<1x32xf32, #tpu.memory_space<hbm>>) target(%dma_start3A_1197 : memref<1x32xf32, #tpu.memory_space<vmem>>) target_semaphore(%arg13 : memref<!tpu.dma_semaphore, #tpu.memory_space<semaphore_mem>>)
    %slice3A_1200 = vector.extract_strided_slice %get3A_1091 {offsets = [9], sizes = [1], strides = [1]} : vector<16xi32> to vector<1xi32>
    %squeeze3A_1201 = vector.extract %slice3A_1200[0] : i32 from vector<1xi32>
    %dma_start3A_1202 = arith.constant 57 : i32
    %dma_start3A_1203 = arith.constant 0 : i32
    %dma_start3A_1204 = tpu.memref_slice %arg11[%dma_start3A_1202, %dma_start3A_1203] : memref<96x32xf32, #tpu.memory_space<vmem>> -> memref<1x32xf32, #tpu.memory_space<vmem>>
    %dma_start3A_1205 = arith.constant 0 : i32
    %dma_start3A_1206 = tpu.memref_slice %arg4[%squeeze3A_1201, %dma_start3A_1205] : memref<100001x32xf32, #tpu.memory_space<hbm>> -> memref<1x32xf32, #tpu.memory_space<hbm>>
    %dma_start3A_1207 = arith.constant 57 : i32
    %dma_start3A_1208 = arith.constant 0 : i32
    %dma_start3A_1209 = tpu.memref_slice %arg11[%dma_start3A_1207, %dma_start3A_1208] : memref<96x32xf32, #tpu.memory_space<vmem>> -> memref<1x32xf32, #tpu.memory_space<vmem>>
    %dma_start3A_1210 = arith.constant 0 : i32
    %dma_start3A_1211 = tpu.memref_slice %arg4[%squeeze3A_1201, %dma_start3A_1210] : memref<100001x32xf32, #tpu.memory_space<hbm>> -> memref<1x32xf32, #tpu.memory_space<hbm>>
    tpu.enqueue_dma source(%dma_start3A_1211 : memref<1x32xf32, #tpu.memory_space<hbm>>) target(%dma_start3A_1209 : memref<1x32xf32, #tpu.memory_space<vmem>>) target_semaphore(%arg13 : memref<!tpu.dma_semaphore, #tpu.memory_space<semaphore_mem>>)
    %slice3A_1212 = vector.extract_strided_slice %get3A_1091 {offsets = [10], sizes = [1], strides = [1]} : vector<16xi32> to vector<1xi32>
    %squeeze3A_1213 = vector.extract %slice3A_1212[0] : i32 from vector<1xi32>
    %dma_start3A_1214 = arith.constant 58 : i32
    %dma_start3A_1215 = arith.constant 0 : i32
    %dma_start3A_1216 = tpu.memref_slice %arg11[%dma_start3A_1214, %dma_start3A_1215] : memref<96x32xf32, #tpu.memory_space<vmem>> -> memref<1x32xf32, #tpu.memory_space<vmem>>
    %dma_start3A_1217 = arith.constant 0 : i32
    %dma_start3A_1218 = tpu.memref_slice %arg4[%squeeze3A_1213, %dma_start3A_1217] : memref<100001x32xf32, #tpu.memory_space<hbm>> -> memref<1x32xf32, #tpu.memory_space<hbm>>
    %dma_start3A_1219 = arith.constant 58 : i32
    %dma_start3A_1220 = arith.constant 0 : i32
    %dma_start3A_1221 = tpu.memref_slice %arg11[%dma_start3A_1219, %dma_start3A_1220] : memref<96x32xf32, #tpu.memory_space<vmem>> -> memref<1x32xf32, #tpu.memory_space<vmem>>
    %dma_start3A_1222 = arith.constant 0 : i32
    %dma_start3A_1223 = tpu.memref_slice %arg4[%squeeze3A_1213, %dma_start3A_1222] : memref<100001x32xf32, #tpu.memory_space<hbm>> -> memref<1x32xf32, #tpu.memory_space<hbm>>
    tpu.enqueue_dma source(%dma_start3A_1223 : memref<1x32xf32, #tpu.memory_space<hbm>>) target(%dma_start3A_1221 : memref<1x32xf32, #tpu.memory_space<vmem>>) target_semaphore(%arg13 : memref<!tpu.dma_semaphore, #tpu.memory_space<semaphore_mem>>)
    %slice3A_1224 = vector.extract_strided_slice %get3A_1091 {offsets = [11], sizes = [1], strides = [1]} : vector<16xi32> to vector<1xi32>
    %squeeze3A_1225 = vector.extract %slice3A_1224[0] : i32 from vector<1xi32>
    %dma_start3A_1226 = arith.constant 59 : i32
    %dma_start3A_1227 = arith.constant 0 : i32
    %dma_start3A_1228 = tpu.memref_slice %arg11[%dma_start3A_1226, %dma_start3A_1227] : memref<96x32xf32, #tpu.memory_space<vmem>> -> memref<1x32xf32, #tpu.memory_space<vmem>>
    %dma_start3A_1229 = arith.constant 0 : i32
    %dma_start3A_1230 = tpu.memref_slice %arg4[%squeeze3A_1225, %dma_start3A_1229] : memref<100001x32xf32, #tpu.memory_space<hbm>> -> memref<1x32xf32, #tpu.memory_space<hbm>>
    %dma_start3A_1231 = arith.constant 59 : i32
    %dma_start3A_1232 = arith.constant 0 : i32
    %dma_start3A_1233 = tpu.memref_slice %arg11[%dma_start3A_1231, %dma_start3A_1232] : memref<96x32xf32, #tpu.memory_space<vmem>> -> memref<1x32xf32, #tpu.memory_space<vmem>>
    %dma_start3A_1234 = arith.constant 0 : i32
    %dma_start3A_1235 = tpu.memref_slice %arg4[%squeeze3A_1225, %dma_start3A_1234] : memref<100001x32xf32, #tpu.memory_space<hbm>> -> memref<1x32xf32, #tpu.memory_space<hbm>>
    tpu.enqueue_dma source(%dma_start3A_1235 : memref<1x32xf32, #tpu.memory_space<hbm>>) target(%dma_start3A_1233 : memref<1x32xf32, #tpu.memory_space<vmem>>) target_semaphore(%arg13 : memref<!tpu.dma_semaphore, #tpu.memory_space<semaphore_mem>>)
    %slice3A_1236 = vector.extract_strided_slice %get3A_1091 {offsets = [12], sizes = [1], strides = [1]} : vector<16xi32> to vector<1xi32>
    %squeeze3A_1237 = vector.extract %slice3A_1236[0] : i32 from vector<1xi32>
    %dma_start3A_1238 = arith.constant 60 : i32
    %dma_start3A_1239 = arith.constant 0 : i32
    %dma_start3A_1240 = tpu.memref_slice %arg11[%dma_start3A_1238, %dma_start3A_1239] : memref<96x32xf32, #tpu.memory_space<vmem>> -> memref<1x32xf32, #tpu.memory_space<vmem>>
    %dma_start3A_1241 = arith.constant 0 : i32
    %dma_start3A_1242 = tpu.memref_slice %arg4[%squeeze3A_1237, %dma_start3A_1241] : memref<100001x32xf32, #tpu.memory_space<hbm>> -> memref<1x32xf32, #tpu.memory_space<hbm>>
    %dma_start3A_1243 = arith.constant 60 : i32
    %dma_start3A_1244 = arith.constant 0 : i32
    %dma_start3A_1245 = tpu.memref_slice %arg11[%dma_start3A_1243, %dma_start3A_1244] : memref<96x32xf32, #tpu.memory_space<vmem>> -> memref<1x32xf32, #tpu.memory_space<vmem>>
    %dma_start3A_1246 = arith.constant 0 : i32
    %dma_start3A_1247 = tpu.memref_slice %arg4[%squeeze3A_1237, %dma_start3A_1246] : memref<100001x32xf32, #tpu.memory_space<hbm>> -> memref<1x32xf32, #tpu.memory_space<hbm>>
    tpu.enqueue_dma source(%dma_start3A_1247 : memref<1x32xf32, #tpu.memory_space<hbm>>) target(%dma_start3A_1245 : memref<1x32xf32, #tpu.memory_space<vmem>>) target_semaphore(%arg13 : memref<!tpu.dma_semaphore, #tpu.memory_space<semaphore_mem>>)
    %slice3A_1248 = vector.extract_strided_slice %get3A_1091 {offsets = [13], sizes = [1], strides = [1]} : vector<16xi32> to vector<1xi32>
    %squeeze3A_1249 = vector.extract %slice3A_1248[0] : i32 from vector<1xi32>
    %dma_start3A_1250 = arith.constant 61 : i32
    %dma_start3A_1251 = arith.constant 0 : i32
    %dma_start3A_1252 = tpu.memref_slice %arg11[%dma_start3A_1250, %dma_start3A_1251] : memref<96x32xf32, #tpu.memory_space<vmem>> -> memref<1x32xf32, #tpu.memory_space<vmem>>
    %dma_start3A_1253 = arith.constant 0 : i32
    %dma_start3A_1254 = tpu.memref_slice %arg4[%squeeze3A_1249, %dma_start3A_1253] : memref<100001x32xf32, #tpu.memory_space<hbm>> -> memref<1x32xf32, #tpu.memory_space<hbm>>
    %dma_start3A_1255 = arith.constant 61 : i32
    %dma_start3A_1256 = arith.constant 0 : i32
    %dma_start3A_1257 = tpu.memref_slice %arg11[%dma_start3A_1255, %dma_start3A_1256] : memref<96x32xf32, #tpu.memory_space<vmem>> -> memref<1x32xf32, #tpu.memory_space<vmem>>
    %dma_start3A_1258 = arith.constant 0 : i32
    %dma_start3A_1259 = tpu.memref_slice %arg4[%squeeze3A_1249, %dma_start3A_1258] : memref<100001x32xf32, #tpu.memory_space<hbm>> -> memref<1x32xf32, #tpu.memory_space<hbm>>
    tpu.enqueue_dma source(%dma_start3A_1259 : memref<1x32xf32, #tpu.memory_space<hbm>>) target(%dma_start3A_1257 : memref<1x32xf32, #tpu.memory_space<vmem>>) target_semaphore(%arg13 : memref<!tpu.dma_semaphore, #tpu.memory_space<semaphore_mem>>)
    %slice3A_1260 = vector.extract_strided_slice %get3A_1091 {offsets = [14], sizes = [1], strides = [1]} : vector<16xi32> to vector<1xi32>
    %squeeze3A_1261 = vector.extract %slice3A_1260[0] : i32 from vector<1xi32>
    %dma_start3A_1262 = arith.constant 62 : i32
    %dma_start3A_1263 = arith.constant 0 : i32
    %dma_start3A_1264 = tpu.memref_slice %arg11[%dma_start3A_1262, %dma_start3A_1263] : memref<96x32xf32, #tpu.memory_space<vmem>> -> memref<1x32xf32, #tpu.memory_space<vmem>>
    %dma_start3A_1265 = arith.constant 0 : i32
    %dma_start3A_1266 = tpu.memref_slice %arg4[%squeeze3A_1261, %dma_start3A_1265] : memref<100001x32xf32, #tpu.memory_space<hbm>> -> memref<1x32xf32, #tpu.memory_space<hbm>>
    %dma_start3A_1267 = arith.constant 62 : i32
    %dma_start3A_1268 = arith.constant 0 : i32
    %dma_start3A_1269 = tpu.memref_slice %arg11[%dma_start3A_1267, %dma_start3A_1268] : memref<96x32xf32, #tpu.memory_space<vmem>> -> memref<1x32xf32, #tpu.memory_space<vmem>>
    %dma_start3A_1270 = arith.constant 0 : i32
    %dma_start3A_1271 = tpu.memref_slice %arg4[%squeeze3A_1261, %dma_start3A_1270] : memref<100001x32xf32, #tpu.memory_space<hbm>> -> memref<1x32xf32, #tpu.memory_space<hbm>>
    tpu.enqueue_dma source(%dma_start3A_1271 : memref<1x32xf32, #tpu.memory_space<hbm>>) target(%dma_start3A_1269 : memref<1x32xf32, #tpu.memory_space<vmem>>) target_semaphore(%arg13 : memref<!tpu.dma_semaphore, #tpu.memory_space<semaphore_mem>>)
    %slice3A_1272 = vector.extract_strided_slice %get3A_1091 {offsets = [15], sizes = [1], strides = [1]} : vector<16xi32> to vector<1xi32>
    %squeeze3A_1273 = vector.extract %slice3A_1272[0] : i32 from vector<1xi32>
    %dma_start3A_1274 = arith.constant 63 : i32
    %dma_start3A_1275 = arith.constant 0 : i32
    %dma_start3A_1276 = tpu.memref_slice %arg11[%dma_start3A_1274, %dma_start3A_1275] : memref<96x32xf32, #tpu.memory_space<vmem>> -> memref<1x32xf32, #tpu.memory_space<vmem>>
    %dma_start3A_1277 = arith.constant 0 : i32
    %dma_start3A_1278 = tpu.memref_slice %arg4[%squeeze3A_1273, %dma_start3A_1277] : memref<100001x32xf32, #tpu.memory_space<hbm>> -> memref<1x32xf32, #tpu.memory_space<hbm>>
    %dma_start3A_1279 = arith.constant 63 : i32
    %dma_start3A_1280 = arith.constant 0 : i32
    %dma_start3A_1281 = tpu.memref_slice %arg11[%dma_start3A_1279, %dma_start3A_1280] : memref<96x32xf32, #tpu.memory_space<vmem>> -> memref<1x32xf32, #tpu.memory_space<vmem>>
    %dma_start3A_1282 = arith.constant 0 : i32
    %dma_start3A_1283 = tpu.memref_slice %arg4[%squeeze3A_1273, %dma_start3A_1282] : memref<100001x32xf32, #tpu.memory_space<hbm>> -> memref<1x32xf32, #tpu.memory_space<hbm>>
    tpu.enqueue_dma source(%dma_start3A_1283 : memref<1x32xf32, #tpu.memory_space<hbm>>) target(%dma_start3A_1281 : memref<1x32xf32, #tpu.memory_space<vmem>>) target_semaphore(%arg13 : memref<!tpu.dma_semaphore, #tpu.memory_space<semaphore_mem>>)
    %dma_wait3A_1284 = arith.constant 48 : i32
    %dma_wait3A_1285 = arith.constant 0 : i32
    %dma_wait3A_1286 = tpu.memref_slice %arg11[%dma_wait3A_1284, %dma_wait3A_1285] : memref<96x32xf32, #tpu.memory_space<vmem>> -> memref<1x32xf32, #tpu.memory_space<vmem>>
    %dma_wait3A_1287 = arith.constant 0 : i32
    %dma_wait3A_1288 = tpu.memref_slice %arg4[%squeeze3A_1093, %dma_wait3A_1287] : memref<100001x32xf32, #tpu.memory_space<hbm>> -> memref<1x32xf32, #tpu.memory_space<hbm>>
    %dma_wait3A_1289 = arith.constant 48 : i32
    %dma_wait3A_1290 = arith.constant 0 : i32
    %dma_wait3A_1291 = tpu.memref_slice %arg11[%dma_wait3A_1289, %dma_wait3A_1290] : memref<96x32xf32, #tpu.memory_space<vmem>> -> memref<1x32xf32, #tpu.memory_space<vmem>>
    %dma_wait3A_1292 = arith.constant 0 : i32
    %dma_wait3A_1293 = tpu.memref_slice %arg4[%squeeze3A_1093, %dma_wait3A_1292] : memref<100001x32xf32, #tpu.memory_space<hbm>> -> memref<1x32xf32, #tpu.memory_space<hbm>>
    tpu.wait_dma2 semaphore(%arg13 : memref<!tpu.dma_semaphore, #tpu.memory_space<semaphore_mem>>) src(%dma_wait3A_1293 : memref<1x32xf32, #tpu.memory_space<hbm>>) dst(%dma_wait3A_1291 : memref<1x32xf32, #tpu.memory_space<vmem>>)
    %dma_wait3A_1294 = arith.constant 49 : i32
    %dma_wait3A_1295 = arith.constant 0 : i32
    %dma_wait3A_1296 = tpu.memref_slice %arg11[%dma_wait3A_1294, %dma_wait3A_1295] : memref<96x32xf32, #tpu.memory_space<vmem>> -> memref<1x32xf32, #tpu.memory_space<vmem>>
    %dma_wait3A_1297 = arith.constant 0 : i32
    %dma_wait3A_1298 = tpu.memref_slice %arg4[%squeeze3A_1105, %dma_wait3A_1297] : memref<100001x32xf32, #tpu.memory_space<hbm>> -> memref<1x32xf32, #tpu.memory_space<hbm>>
    %dma_wait3A_1299 = arith.constant 49 : i32
    %dma_wait3A_1300 = arith.constant 0 : i32
    %dma_wait3A_1301 = tpu.memref_slice %arg11[%dma_wait3A_1299, %dma_wait3A_1300] : memref<96x32xf32, #tpu.memory_space<vmem>> -> memref<1x32xf32, #tpu.memory_space<vmem>>
    %dma_wait3A_1302 = arith.constant 0 : i32
    %dma_wait3A_1303 = tpu.memref_slice %arg4[%squeeze3A_1105, %dma_wait3A_1302] : memref<100001x32xf32, #tpu.memory_space<hbm>> -> memref<1x32xf32, #tpu.memory_space<hbm>>
    tpu.wait_dma2 semaphore(%arg13 : memref<!tpu.dma_semaphore, #tpu.memory_space<semaphore_mem>>) src(%dma_wait3A_1303 : memref<1x32xf32, #tpu.memory_space<hbm>>) dst(%dma_wait3A_1301 : memref<1x32xf32, #tpu.memory_space<vmem>>)
    %dma_wait3A_1304 = arith.constant 50 : i32
    %dma_wait3A_1305 = arith.constant 0 : i32
    %dma_wait3A_1306 = tpu.memref_slice %arg11[%dma_wait3A_1304, %dma_wait3A_1305] : memref<96x32xf32, #tpu.memory_space<vmem>> -> memref<1x32xf32, #tpu.memory_space<vmem>>
    %dma_wait3A_1307 = arith.constant 0 : i32
    %dma_wait3A_1308 = tpu.memref_slice %arg4[%squeeze3A_1117, %dma_wait3A_1307] : memref<100001x32xf32, #tpu.memory_space<hbm>> -> memref<1x32xf32, #tpu.memory_space<hbm>>
    %dma_wait3A_1309 = arith.constant 50 : i32
    %dma_wait3A_1310 = arith.constant 0 : i32
    %dma_wait3A_1311 = tpu.memref_slice %arg11[%dma_wait3A_1309, %dma_wait3A_1310] : memref<96x32xf32, #tpu.memory_space<vmem>> -> memref<1x32xf32, #tpu.memory_space<vmem>>
    %dma_wait3A_1312 = arith.constant 0 : i32
    %dma_wait3A_1313 = tpu.memref_slice %arg4[%squeeze3A_1117, %dma_wait3A_1312] : memref<100001x32xf32, #tpu.memory_space<hbm>> -> memref<1x32xf32, #tpu.memory_space<hbm>>
    tpu.wait_dma2 semaphore(%arg13 : memref<!tpu.dma_semaphore, #tpu.memory_space<semaphore_mem>>) src(%dma_wait3A_1313 : memref<1x32xf32, #tpu.memory_space<hbm>>) dst(%dma_wait3A_1311 : memref<1x32xf32, #tpu.memory_space<vmem>>)
    %dma_wait3A_1314 = arith.constant 51 : i32
    %dma_wait3A_1315 = arith.constant 0 : i32
    %dma_wait3A_1316 = tpu.memref_slice %arg11[%dma_wait3A_1314, %dma_wait3A_1315] : memref<96x32xf32, #tpu.memory_space<vmem>> -> memref<1x32xf32, #tpu.memory_space<vmem>>
    %dma_wait3A_1317 = arith.constant 0 : i32
    %dma_wait3A_1318 = tpu.memref_slice %arg4[%squeeze3A_1129, %dma_wait3A_1317] : memref<100001x32xf32, #tpu.memory_space<hbm>> -> memref<1x32xf32, #tpu.memory_space<hbm>>
    %dma_wait3A_1319 = arith.constant 51 : i32
    %dma_wait3A_1320 = arith.constant 0 : i32
    %dma_wait3A_1321 = tpu.memref_slice %arg11[%dma_wait3A_1319, %dma_wait3A_1320] : memref<96x32xf32, #tpu.memory_space<vmem>> -> memref<1x32xf32, #tpu.memory_space<vmem>>
    %dma_wait3A_1322 = arith.constant 0 : i32
    %dma_wait3A_1323 = tpu.memref_slice %arg4[%squeeze3A_1129, %dma_wait3A_1322] : memref<100001x32xf32, #tpu.memory_space<hbm>> -> memref<1x32xf32, #tpu.memory_space<hbm>>
    tpu.wait_dma2 semaphore(%arg13 : memref<!tpu.dma_semaphore, #tpu.memory_space<semaphore_mem>>) src(%dma_wait3A_1323 : memref<1x32xf32, #tpu.memory_space<hbm>>) dst(%dma_wait3A_1321 : memref<1x32xf32, #tpu.memory_space<vmem>>)
    %dma_wait3A_1324 = arith.constant 52 : i32
    %dma_wait3A_1325 = arith.constant 0 : i32
    %dma_wait3A_1326 = tpu.memref_slice %arg11[%dma_wait3A_1324, %dma_wait3A_1325] : memref<96x32xf32, #tpu.memory_space<vmem>> -> memref<1x32xf32, #tpu.memory_space<vmem>>
    %dma_wait3A_1327 = arith.constant 0 : i32
    %dma_wait3A_1328 = tpu.memref_slice %arg4[%squeeze3A_1141, %dma_wait3A_1327] : memref<100001x32xf32, #tpu.memory_space<hbm>> -> memref<1x32xf32, #tpu.memory_space<hbm>>
    %dma_wait3A_1329 = arith.constant 52 : i32
    %dma_wait3A_1330 = arith.constant 0 : i32
    %dma_wait3A_1331 = tpu.memref_slice %arg11[%dma_wait3A_1329, %dma_wait3A_1330] : memref<96x32xf32, #tpu.memory_space<vmem>> -> memref<1x32xf32, #tpu.memory_space<vmem>>
    %dma_wait3A_1332 = arith.constant 0 : i32
    %dma_wait3A_1333 = tpu.memref_slice %arg4[%squeeze3A_1141, %dma_wait3A_1332] : memref<100001x32xf32, #tpu.memory_space<hbm>> -> memref<1x32xf32, #tpu.memory_space<hbm>>
    tpu.wait_dma2 semaphore(%arg13 : memref<!tpu.dma_semaphore, #tpu.memory_space<semaphore_mem>>) src(%dma_wait3A_1333 : memref<1x32xf32, #tpu.memory_space<hbm>>) dst(%dma_wait3A_1331 : memref<1x32xf32, #tpu.memory_space<vmem>>)
    %dma_wait3A_1334 = arith.constant 53 : i32
    %dma_wait3A_1335 = arith.constant 0 : i32
    %dma_wait3A_1336 = tpu.memref_slice %arg11[%dma_wait3A_1334, %dma_wait3A_1335] : memref<96x32xf32, #tpu.memory_space<vmem>> -> memref<1x32xf32, #tpu.memory_space<vmem>>
    %dma_wait3A_1337 = arith.constant 0 : i32
    %dma_wait3A_1338 = tpu.memref_slice %arg4[%squeeze3A_1153, %dma_wait3A_1337] : memref<100001x32xf32, #tpu.memory_space<hbm>> -> memref<1x32xf32, #tpu.memory_space<hbm>>
    %dma_wait3A_1339 = arith.constant 53 : i32
    %dma_wait3A_1340 = arith.constant 0 : i32
    %dma_wait3A_1341 = tpu.memref_slice %arg11[%dma_wait3A_1339, %dma_wait3A_1340] : memref<96x32xf32, #tpu.memory_space<vmem>> -> memref<1x32xf32, #tpu.memory_space<vmem>>
    %dma_wait3A_1342 = arith.constant 0 : i32
    %dma_wait3A_1343 = tpu.memref_slice %arg4[%squeeze3A_1153, %dma_wait3A_1342] : memref<100001x32xf32, #tpu.memory_space<hbm>> -> memref<1x32xf32, #tpu.memory_space<hbm>>
    tpu.wait_dma2 semaphore(%arg13 : memref<!tpu.dma_semaphore, #tpu.memory_space<semaphore_mem>>) src(%dma_wait3A_1343 : memref<1x32xf32, #tpu.memory_space<hbm>>) dst(%dma_wait3A_1341 : memref<1x32xf32, #tpu.memory_space<vmem>>)
    %dma_wait3A_1344 = arith.constant 54 : i32
    %dma_wait3A_1345 = arith.constant 0 : i32
    %dma_wait3A_1346 = tpu.memref_slice %arg11[%dma_wait3A_1344, %dma_wait3A_1345] : memref<96x32xf32, #tpu.memory_space<vmem>> -> memref<1x32xf32, #tpu.memory_space<vmem>>
    %dma_wait3A_1347 = arith.constant 0 : i32
    %dma_wait3A_1348 = tpu.memref_slice %arg4[%squeeze3A_1165, %dma_wait3A_1347] : memref<100001x32xf32, #tpu.memory_space<hbm>> -> memref<1x32xf32, #tpu.memory_space<hbm>>
    %dma_wait3A_1349 = arith.constant 54 : i32
    %dma_wait3A_1350 = arith.constant 0 : i32
    %dma_wait3A_1351 = tpu.memref_slice %arg11[%dma_wait3A_1349, %dma_wait3A_1350] : memref<96x32xf32, #tpu.memory_space<vmem>> -> memref<1x32xf32, #tpu.memory_space<vmem>>
    %dma_wait3A_1352 = arith.constant 0 : i32
    %dma_wait3A_1353 = tpu.memref_slice %arg4[%squeeze3A_1165, %dma_wait3A_1352] : memref<100001x32xf32, #tpu.memory_space<hbm>> -> memref<1x32xf32, #tpu.memory_space<hbm>>
    tpu.wait_dma2 semaphore(%arg13 : memref<!tpu.dma_semaphore, #tpu.memory_space<semaphore_mem>>) src(%dma_wait3A_1353 : memref<1x32xf32, #tpu.memory_space<hbm>>) dst(%dma_wait3A_1351 : memref<1x32xf32, #tpu.memory_space<vmem>>)
    %dma_wait3A_1354 = arith.constant 55 : i32
    %dma_wait3A_1355 = arith.constant 0 : i32
    %dma_wait3A_1356 = tpu.memref_slice %arg11[%dma_wait3A_1354, %dma_wait3A_1355] : memref<96x32xf32, #tpu.memory_space<vmem>> -> memref<1x32xf32, #tpu.memory_space<vmem>>
    %dma_wait3A_1357 = arith.constant 0 : i32
    %dma_wait3A_1358 = tpu.memref_slice %arg4[%squeeze3A_1177, %dma_wait3A_1357] : memref<100001x32xf32, #tpu.memory_space<hbm>> -> memref<1x32xf32, #tpu.memory_space<hbm>>
    %dma_wait3A_1359 = arith.constant 55 : i32
    %dma_wait3A_1360 = arith.constant 0 : i32
    %dma_wait3A_1361 = tpu.memref_slice %arg11[%dma_wait3A_1359, %dma_wait3A_1360] : memref<96x32xf32, #tpu.memory_space<vmem>> -> memref<1x32xf32, #tpu.memory_space<vmem>>
    %dma_wait3A_1362 = arith.constant 0 : i32
    %dma_wait3A_1363 = tpu.memref_slice %arg4[%squeeze3A_1177, %dma_wait3A_1362] : memref<100001x32xf32, #tpu.memory_space<hbm>> -> memref<1x32xf32, #tpu.memory_space<hbm>>
    tpu.wait_dma2 semaphore(%arg13 : memref<!tpu.dma_semaphore, #tpu.memory_space<semaphore_mem>>) src(%dma_wait3A_1363 : memref<1x32xf32, #tpu.memory_space<hbm>>) dst(%dma_wait3A_1361 : memref<1x32xf32, #tpu.memory_space<vmem>>)
    %dma_wait3A_1364 = arith.constant 56 : i32
    %dma_wait3A_1365 = arith.constant 0 : i32
    %dma_wait3A_1366 = tpu.memref_slice %arg11[%dma_wait3A_1364, %dma_wait3A_1365] : memref<96x32xf32, #tpu.memory_space<vmem>> -> memref<1x32xf32, #tpu.memory_space<vmem>>
    %dma_wait3A_1367 = arith.constant 0 : i32
    %dma_wait3A_1368 = tpu.memref_slice %arg4[%squeeze3A_1189, %dma_wait3A_1367] : memref<100001x32xf32, #tpu.memory_space<hbm>> -> memref<1x32xf32, #tpu.memory_space<hbm>>
    %dma_wait3A_1369 = arith.constant 56 : i32
    %dma_wait3A_1370 = arith.constant 0 : i32
    %dma_wait3A_1371 = tpu.memref_slice %arg11[%dma_wait3A_1369, %dma_wait3A_1370] : memref<96x32xf32, #tpu.memory_space<vmem>> -> memref<1x32xf32, #tpu.memory_space<vmem>>
    %dma_wait3A_1372 = arith.constant 0 : i32
    %dma_wait3A_1373 = tpu.memref_slice %arg4[%squeeze3A_1189, %dma_wait3A_1372] : memref<100001x32xf32, #tpu.memory_space<hbm>> -> memref<1x32xf32, #tpu.memory_space<hbm>>
    tpu.wait_dma2 semaphore(%arg13 : memref<!tpu.dma_semaphore, #tpu.memory_space<semaphore_mem>>) src(%dma_wait3A_1373 : memref<1x32xf32, #tpu.memory_space<hbm>>) dst(%dma_wait3A_1371 : memref<1x32xf32, #tpu.memory_space<vmem>>)
    %dma_wait3A_1374 = arith.constant 57 : i32
    %dma_wait3A_1375 = arith.constant 0 : i32
    %dma_wait3A_1376 = tpu.memref_slice %arg11[%dma_wait3A_1374, %dma_wait3A_1375] : memref<96x32xf32, #tpu.memory_space<vmem>> -> memref<1x32xf32, #tpu.memory_space<vmem>>
    %dma_wait3A_1377 = arith.constant 0 : i32
    %dma_wait3A_1378 = tpu.memref_slice %arg4[%squeeze3A_1201, %dma_wait3A_1377] : memref<100001x32xf32, #tpu.memory_space<hbm>> -> memref<1x32xf32, #tpu.memory_space<hbm>>
    %dma_wait3A_1379 = arith.constant 57 : i32
    %dma_wait3A_1380 = arith.constant 0 : i32
    %dma_wait3A_1381 = tpu.memref_slice %arg11[%dma_wait3A_1379, %dma_wait3A_1380] : memref<96x32xf32, #tpu.memory_space<vmem>> -> memref<1x32xf32, #tpu.memory_space<vmem>>
    %dma_wait3A_1382 = arith.constant 0 : i32
    %dma_wait3A_1383 = tpu.memref_slice %arg4[%squeeze3A_1201, %dma_wait3A_1382] : memref<100001x32xf32, #tpu.memory_space<hbm>> -> memref<1x32xf32, #tpu.memory_space<hbm>>
    tpu.wait_dma2 semaphore(%arg13 : memref<!tpu.dma_semaphore, #tpu.memory_space<semaphore_mem>>) src(%dma_wait3A_1383 : memref<1x32xf32, #tpu.memory_space<hbm>>) dst(%dma_wait3A_1381 : memref<1x32xf32, #tpu.memory_space<vmem>>)
    %dma_wait3A_1384 = arith.constant 58 : i32
    %dma_wait3A_1385 = arith.constant 0 : i32
    %dma_wait3A_1386 = tpu.memref_slice %arg11[%dma_wait3A_1384, %dma_wait3A_1385] : memref<96x32xf32, #tpu.memory_space<vmem>> -> memref<1x32xf32, #tpu.memory_space<vmem>>
    %dma_wait3A_1387 = arith.constant 0 : i32
    %dma_wait3A_1388 = tpu.memref_slice %arg4[%squeeze3A_1213, %dma_wait3A_1387] : memref<100001x32xf32, #tpu.memory_space<hbm>> -> memref<1x32xf32, #tpu.memory_space<hbm>>
    %dma_wait3A_1389 = arith.constant 58 : i32
    %dma_wait3A_1390 = arith.constant 0 : i32
    %dma_wait3A_1391 = tpu.memref_slice %arg11[%dma_wait3A_1389, %dma_wait3A_1390] : memref<96x32xf32, #tpu.memory_space<vmem>> -> memref<1x32xf32, #tpu.memory_space<vmem>>
    %dma_wait3A_1392 = arith.constant 0 : i32
    %dma_wait3A_1393 = tpu.memref_slice %arg4[%squeeze3A_1213, %dma_wait3A_1392] : memref<100001x32xf32, #tpu.memory_space<hbm>> -> memref<1x32xf32, #tpu.memory_space<hbm>>
    tpu.wait_dma2 semaphore(%arg13 : memref<!tpu.dma_semaphore, #tpu.memory_space<semaphore_mem>>) src(%dma_wait3A_1393 : memref<1x32xf32, #tpu.memory_space<hbm>>) dst(%dma_wait3A_1391 : memref<1x32xf32, #tpu.memory_space<vmem>>)
    %dma_wait3A_1394 = arith.constant 59 : i32
    %dma_wait3A_1395 = arith.constant 0 : i32
    %dma_wait3A_1396 = tpu.memref_slice %arg11[%dma_wait3A_1394, %dma_wait3A_1395] : memref<96x32xf32, #tpu.memory_space<vmem>> -> memref<1x32xf32, #tpu.memory_space<vmem>>
    %dma_wait3A_1397 = arith.constant 0 : i32
    %dma_wait3A_1398 = tpu.memref_slice %arg4[%squeeze3A_1225, %dma_wait3A_1397] : memref<100001x32xf32, #tpu.memory_space<hbm>> -> memref<1x32xf32, #tpu.memory_space<hbm>>
    %dma_wait3A_1399 = arith.constant 59 : i32
    %dma_wait3A_1400 = arith.constant 0 : i32
    %dma_wait3A_1401 = tpu.memref_slice %arg11[%dma_wait3A_1399, %dma_wait3A_1400] : memref<96x32xf32, #tpu.memory_space<vmem>> -> memref<1x32xf32, #tpu.memory_space<vmem>>
    %dma_wait3A_1402 = arith.constant 0 : i32
    %dma_wait3A_1403 = tpu.memref_slice %arg4[%squeeze3A_1225, %dma_wait3A_1402] : memref<100001x32xf32, #tpu.memory_space<hbm>> -> memref<1x32xf32, #tpu.memory_space<hbm>>
    tpu.wait_dma2 semaphore(%arg13 : memref<!tpu.dma_semaphore, #tpu.memory_space<semaphore_mem>>) src(%dma_wait3A_1403 : memref<1x32xf32, #tpu.memory_space<hbm>>) dst(%dma_wait3A_1401 : memref<1x32xf32, #tpu.memory_space<vmem>>)
    %dma_wait3A_1404 = arith.constant 60 : i32
    %dma_wait3A_1405 = arith.constant 0 : i32
    %dma_wait3A_1406 = tpu.memref_slice %arg11[%dma_wait3A_1404, %dma_wait3A_1405] : memref<96x32xf32, #tpu.memory_space<vmem>> -> memref<1x32xf32, #tpu.memory_space<vmem>>
    %dma_wait3A_1407 = arith.constant 0 : i32
    %dma_wait3A_1408 = tpu.memref_slice %arg4[%squeeze3A_1237, %dma_wait3A_1407] : memref<100001x32xf32, #tpu.memory_space<hbm>> -> memref<1x32xf32, #tpu.memory_space<hbm>>
    %dma_wait3A_1409 = arith.constant 60 : i32
    %dma_wait3A_1410 = arith.constant 0 : i32
    %dma_wait3A_1411 = tpu.memref_slice %arg11[%dma_wait3A_1409, %dma_wait3A_1410] : memref<96x32xf32, #tpu.memory_space<vmem>> -> memref<1x32xf32, #tpu.memory_space<vmem>>
    %dma_wait3A_1412 = arith.constant 0 : i32
    %dma_wait3A_1413 = tpu.memref_slice %arg4[%squeeze3A_1237, %dma_wait3A_1412] : memref<100001x32xf32, #tpu.memory_space<hbm>> -> memref<1x32xf32, #tpu.memory_space<hbm>>
    tpu.wait_dma2 semaphore(%arg13 : memref<!tpu.dma_semaphore, #tpu.memory_space<semaphore_mem>>) src(%dma_wait3A_1413 : memref<1x32xf32, #tpu.memory_space<hbm>>) dst(%dma_wait3A_1411 : memref<1x32xf32, #tpu.memory_space<vmem>>)
    %dma_wait3A_1414 = arith.constant 61 : i32
    %dma_wait3A_1415 = arith.constant 0 : i32
    %dma_wait3A_1416 = tpu.memref_slice %arg11[%dma_wait3A_1414, %dma_wait3A_1415] : memref<96x32xf32, #tpu.memory_space<vmem>> -> memref<1x32xf32, #tpu.memory_space<vmem>>
    %dma_wait3A_1417 = arith.constant 0 : i32
    %dma_wait3A_1418 = tpu.memref_slice %arg4[%squeeze3A_1249, %dma_wait3A_1417] : memref<100001x32xf32, #tpu.memory_space<hbm>> -> memref<1x32xf32, #tpu.memory_space<hbm>>
    %dma_wait3A_1419 = arith.constant 61 : i32
    %dma_wait3A_1420 = arith.constant 0 : i32
    %dma_wait3A_1421 = tpu.memref_slice %arg11[%dma_wait3A_1419, %dma_wait3A_1420] : memref<96x32xf32, #tpu.memory_space<vmem>> -> memref<1x32xf32, #tpu.memory_space<vmem>>
    %dma_wait3A_1422 = arith.constant 0 : i32
    %dma_wait3A_1423 = tpu.memref_slice %arg4[%squeeze3A_1249, %dma_wait3A_1422] : memref<100001x32xf32, #tpu.memory_space<hbm>> -> memref<1x32xf32, #tpu.memory_space<hbm>>
    tpu.wait_dma2 semaphore(%arg13 : memref<!tpu.dma_semaphore, #tpu.memory_space<semaphore_mem>>) src(%dma_wait3A_1423 : memref<1x32xf32, #tpu.memory_space<hbm>>) dst(%dma_wait3A_1421 : memref<1x32xf32, #tpu.memory_space<vmem>>)
    %dma_wait3A_1424 = arith.constant 62 : i32
    %dma_wait3A_1425 = arith.constant 0 : i32
    %dma_wait3A_1426 = tpu.memref_slice %arg11[%dma_wait3A_1424, %dma_wait3A_1425] : memref<96x32xf32, #tpu.memory_space<vmem>> -> memref<1x32xf32, #tpu.memory_space<vmem>>
    %dma_wait3A_1427 = arith.constant 0 : i32
    %dma_wait3A_1428 = tpu.memref_slice %arg4[%squeeze3A_1261, %dma_wait3A_1427] : memref<100001x32xf32, #tpu.memory_space<hbm>> -> memref<1x32xf32, #tpu.memory_space<hbm>>
    %dma_wait3A_1429 = arith.constant 62 : i32
    %dma_wait3A_1430 = arith.constant 0 : i32
    %dma_wait3A_1431 = tpu.memref_slice %arg11[%dma_wait3A_1429, %dma_wait3A_1430] : memref<96x32xf32, #tpu.memory_space<vmem>> -> memref<1x32xf32, #tpu.memory_space<vmem>>
    %dma_wait3A_1432 = arith.constant 0 : i32
    %dma_wait3A_1433 = tpu.memref_slice %arg4[%squeeze3A_1261, %dma_wait3A_1432] : memref<100001x32xf32, #tpu.memory_space<hbm>> -> memref<1x32xf32, #tpu.memory_space<hbm>>
    tpu.wait_dma2 semaphore(%arg13 : memref<!tpu.dma_semaphore, #tpu.memory_space<semaphore_mem>>) src(%dma_wait3A_1433 : memref<1x32xf32, #tpu.memory_space<hbm>>) dst(%dma_wait3A_1431 : memref<1x32xf32, #tpu.memory_space<vmem>>)
    %dma_wait3A_1434 = arith.constant 63 : i32
    %dma_wait3A_1435 = arith.constant 0 : i32
    %dma_wait3A_1436 = tpu.memref_slice %arg11[%dma_wait3A_1434, %dma_wait3A_1435] : memref<96x32xf32, #tpu.memory_space<vmem>> -> memref<1x32xf32, #tpu.memory_space<vmem>>
    %dma_wait3A_1437 = arith.constant 0 : i32
    %dma_wait3A_1438 = tpu.memref_slice %arg4[%squeeze3A_1273, %dma_wait3A_1437] : memref<100001x32xf32, #tpu.memory_space<hbm>> -> memref<1x32xf32, #tpu.memory_space<hbm>>
    %dma_wait3A_1439 = arith.constant 63 : i32
    %dma_wait3A_1440 = arith.constant 0 : i32
    %dma_wait3A_1441 = tpu.memref_slice %arg11[%dma_wait3A_1439, %dma_wait3A_1440] : memref<96x32xf32, #tpu.memory_space<vmem>> -> memref<1x32xf32, #tpu.memory_space<vmem>>
    %dma_wait3A_1442 = arith.constant 0 : i32
    %dma_wait3A_1443 = tpu.memref_slice %arg4[%squeeze3A_1273, %dma_wait3A_1442] : memref<100001x32xf32, #tpu.memory_space<hbm>> -> memref<1x32xf32, #tpu.memory_space<hbm>>
    tpu.wait_dma2 semaphore(%arg13 : memref<!tpu.dma_semaphore, #tpu.memory_space<semaphore_mem>>) src(%dma_wait3A_1443 : memref<1x32xf32, #tpu.memory_space<hbm>>) dst(%dma_wait3A_1441 : memref<1x32xf32, #tpu.memory_space<vmem>>)
    %get3A_1444 = arith.constant 64 : index
    %get3A_1445 = tpu.vector_load %arg10[%get3A_1444] {strides = array<i32>} : memref<96xi32, #tpu.memory_space<vmem>>, vector<16xi32>,
    %get3A_1446 = vector.shape_cast %get3A_1445 : vector<16xi32> to vector<16xi32>
    %slice3A_1447 = vector.extract_strided_slice %get3A_1446 {offsets = [0], sizes = [1], strides = [1]} : vector<16xi32> to vector<1xi32>
    %squeeze3A_1448 = vector.extract %slice3A_1447[0] : i32 from vector<1xi32>
    %dma_start3A_1449 = arith.constant 64 : i32
    %dma_start3A_1450 = arith.constant 0 : i32
    %dma_start3A_1451 = tpu.memref_slice %arg11[%dma_start3A_1449, %dma_start3A_1450] : memref<96x32xf32, #tpu.memory_space<vmem>> -> memref<1x32xf32, #tpu.memory_space<vmem>>
    %dma_start3A_1452 = arith.constant 0 : i32
    %dma_start3A_1453 = tpu.memref_slice %arg4[%squeeze3A_1448, %dma_start3A_1452] : memref<100001x32xf32, #tpu.memory_space<hbm>> -> memref<1x32xf32, #tpu.memory_space<hbm>>
    %dma_start3A_1454 = arith.constant 64 : i32
    %dma_start3A_1455 = arith.constant 0 : i32
    %dma_start3A_1456 = tpu.memref_slice %arg11[%dma_start3A_1454, %dma_start3A_1455] : memref<96x32xf32, #tpu.memory_space<vmem>> -> memref<1x32xf32, #tpu.memory_space<vmem>>
    %dma_start3A_1457 = arith.constant 0 : i32
    %dma_start3A_1458 = tpu.memref_slice %arg4[%squeeze3A_1448, %dma_start3A_1457] : memref<100001x32xf32, #tpu.memory_space<hbm>> -> memref<1x32xf32, #tpu.memory_space<hbm>>
    tpu.enqueue_dma source(%dma_start3A_1458 : memref<1x32xf32, #tpu.memory_space<hbm>>) target(%dma_start3A_1456 : memref<1x32xf32, #tpu.memory_space<vmem>>) target_semaphore(%arg13 : memref<!tpu.dma_semaphore, #tpu.memory_space<semaphore_mem>>)
    %slice3A_1459 = vector.extract_strided_slice %get3A_1446 {offsets = [1], sizes = [1], strides = [1]} : vector<16xi32> to vector<1xi32>
    %squeeze3A_1460 = vector.extract %slice3A_1459[0] : i32 from vector<1xi32>
    %dma_start3A_1461 = arith.constant 65 : i32
    %dma_start3A_1462 = arith.constant 0 : i32
    %dma_start3A_1463 = tpu.memref_slice %arg11[%dma_start3A_1461, %dma_start3A_1462] : memref<96x32xf32, #tpu.memory_space<vmem>> -> memref<1x32xf32, #tpu.memory_space<vmem>>
    %dma_start3A_1464 = arith.constant 0 : i32
    %dma_start3A_1465 = tpu.memref_slice %arg4[%squeeze3A_1460, %dma_start3A_1464] : memref<100001x32xf32, #tpu.memory_space<hbm>> -> memref<1x32xf32, #tpu.memory_space<hbm>>
    %dma_start3A_1466 = arith.constant 65 : i32
    %dma_start3A_1467 = arith.constant 0 : i32
    %dma_start3A_1468 = tpu.memref_slice %arg11[%dma_start3A_1466, %dma_start3A_1467] : memref<96x32xf32, #tpu.memory_space<vmem>> -> memref<1x32xf32, #tpu.memory_space<vmem>>
    %dma_start3A_1469 = arith.constant 0 : i32
    %dma_start3A_1470 = tpu.memref_slice %arg4[%squeeze3A_1460, %dma_start3A_1469] : memref<100001x32xf32, #tpu.memory_space<hbm>> -> memref<1x32xf32, #tpu.memory_space<hbm>>
    tpu.enqueue_dma source(%dma_start3A_1470 : memref<1x32xf32, #tpu.memory_space<hbm>>) target(%dma_start3A_1468 : memref<1x32xf32, #tpu.memory_space<vmem>>) target_semaphore(%arg13 : memref<!tpu.dma_semaphore, #tpu.memory_space<semaphore_mem>>)
    %slice3A_1471 = vector.extract_strided_slice %get3A_1446 {offsets = [2], sizes = [1], strides = [1]} : vector<16xi32> to vector<1xi32>
    %squeeze3A_1472 = vector.extract %slice3A_1471[0] : i32 from vector<1xi32>
    %dma_start3A_1473 = arith.constant 66 : i32
    %dma_start3A_1474 = arith.constant 0 : i32
    %dma_start3A_1475 = tpu.memref_slice %arg11[%dma_start3A_1473, %dma_start3A_1474] : memref<96x32xf32, #tpu.memory_space<vmem>> -> memref<1x32xf32, #tpu.memory_space<vmem>>
    %dma_start3A_1476 = arith.constant 0 : i32
    %dma_start3A_1477 = tpu.memref_slice %arg4[%squeeze3A_1472, %dma_start3A_1476] : memref<100001x32xf32, #tpu.memory_space<hbm>> -> memref<1x32xf32, #tpu.memory_space<hbm>>
    %dma_start3A_1478 = arith.constant 66 : i32
    %dma_start3A_1479 = arith.constant 0 : i32
    %dma_start3A_1480 = tpu.memref_slice %arg11[%dma_start3A_1478, %dma_start3A_1479] : memref<96x32xf32, #tpu.memory_space<vmem>> -> memref<1x32xf32, #tpu.memory_space<vmem>>
    %dma_start3A_1481 = arith.constant 0 : i32
    %dma_start3A_1482 = tpu.memref_slice %arg4[%squeeze3A_1472, %dma_start3A_1481] : memref<100001x32xf32, #tpu.memory_space<hbm>> -> memref<1x32xf32, #tpu.memory_space<hbm>>
    tpu.enqueue_dma source(%dma_start3A_1482 : memref<1x32xf32, #tpu.memory_space<hbm>>) target(%dma_start3A_1480 : memref<1x32xf32, #tpu.memory_space<vmem>>) target_semaphore(%arg13 : memref<!tpu.dma_semaphore, #tpu.memory_space<semaphore_mem>>)
    %slice3A_1483 = vector.extract_strided_slice %get3A_1446 {offsets = [3], sizes = [1], strides = [1]} : vector<16xi32> to vector<1xi32>
    %squeeze3A_1484 = vector.extract %slice3A_1483[0] : i32 from vector<1xi32>
    %dma_start3A_1485 = arith.constant 67 : i32
    %dma_start3A_1486 = arith.constant 0 : i32
    %dma_start3A_1487 = tpu.memref_slice %arg11[%dma_start3A_1485, %dma_start3A_1486] : memref<96x32xf32, #tpu.memory_space<vmem>> -> memref<1x32xf32, #tpu.memory_space<vmem>>
    %dma_start3A_1488 = arith.constant 0 : i32
    %dma_start3A_1489 = tpu.memref_slice %arg4[%squeeze3A_1484, %dma_start3A_1488] : memref<100001x32xf32, #tpu.memory_space<hbm>> -> memref<1x32xf32, #tpu.memory_space<hbm>>
    %dma_start3A_1490 = arith.constant 67 : i32
    %dma_start3A_1491 = arith.constant 0 : i32
    %dma_start3A_1492 = tpu.memref_slice %arg11[%dma_start3A_1490, %dma_start3A_1491] : memref<96x32xf32, #tpu.memory_space<vmem>> -> memref<1x32xf32, #tpu.memory_space<vmem>>
    %dma_start3A_1493 = arith.constant 0 : i32
    %dma_start3A_1494 = tpu.memref_slice %arg4[%squeeze3A_1484, %dma_start3A_1493] : memref<100001x32xf32, #tpu.memory_space<hbm>> -> memref<1x32xf32, #tpu.memory_space<hbm>>
    tpu.enqueue_dma source(%dma_start3A_1494 : memref<1x32xf32, #tpu.memory_space<hbm>>) target(%dma_start3A_1492 : memref<1x32xf32, #tpu.memory_space<vmem>>) target_semaphore(%arg13 : memref<!tpu.dma_semaphore, #tpu.memory_space<semaphore_mem>>)
    %slice3A_1495 = vector.extract_strided_slice %get3A_1446 {offsets = [4], sizes = [1], strides = [1]} : vector<16xi32> to vector<1xi32>
    %squeeze3A_1496 = vector.extract %slice3A_1495[0] : i32 from vector<1xi32>
    %dma_start3A_1497 = arith.constant 68 : i32
    %dma_start3A_1498 = arith.constant 0 : i32
    %dma_start3A_1499 = tpu.memref_slice %arg11[%dma_start3A_1497, %dma_start3A_1498] : memref<96x32xf32, #tpu.memory_space<vmem>> -> memref<1x32xf32, #tpu.memory_space<vmem>>
    %dma_start3A_1500 = arith.constant 0 : i32
    %dma_start3A_1501 = tpu.memref_slice %arg4[%squeeze3A_1496, %dma_start3A_1500] : memref<100001x32xf32, #tpu.memory_space<hbm>> -> memref<1x32xf32, #tpu.memory_space<hbm>>
    %dma_start3A_1502 = arith.constant 68 : i32
    %dma_start3A_1503 = arith.constant 0 : i32
    %dma_start3A_1504 = tpu.memref_slice %arg11[%dma_start3A_1502, %dma_start3A_1503] : memref<96x32xf32, #tpu.memory_space<vmem>> -> memref<1x32xf32, #tpu.memory_space<vmem>>
    %dma_start3A_1505 = arith.constant 0 : i32
    %dma_start3A_1506 = tpu.memref_slice %arg4[%squeeze3A_1496, %dma_start3A_1505] : memref<100001x32xf32, #tpu.memory_space<hbm>> -> memref<1x32xf32, #tpu.memory_space<hbm>>
    tpu.enqueue_dma source(%dma_start3A_1506 : memref<1x32xf32, #tpu.memory_space<hbm>>) target(%dma_start3A_1504 : memref<1x32xf32, #tpu.memory_space<vmem>>) target_semaphore(%arg13 : memref<!tpu.dma_semaphore, #tpu.memory_space<semaphore_mem>>)
    %slice3A_1507 = vector.extract_strided_slice %get3A_1446 {offsets = [5], sizes = [1], strides = [1]} : vector<16xi32> to vector<1xi32>
    %squeeze3A_1508 = vector.extract %slice3A_1507[0] : i32 from vector<1xi32>
    %dma_start3A_1509 = arith.constant 69 : i32
    %dma_start3A_1510 = arith.constant 0 : i32
    %dma_start3A_1511 = tpu.memref_slice %arg11[%dma_start3A_1509, %dma_start3A_1510] : memref<96x32xf32, #tpu.memory_space<vmem>> -> memref<1x32xf32, #tpu.memory_space<vmem>>
    %dma_start3A_1512 = arith.constant 0 : i32
    %dma_start3A_1513 = tpu.memref_slice %arg4[%squeeze3A_1508, %dma_start3A_1512] : memref<100001x32xf32, #tpu.memory_space<hbm>> -> memref<1x32xf32, #tpu.memory_space<hbm>>
    %dma_start3A_1514 = arith.constant 69 : i32
    %dma_start3A_1515 = arith.constant 0 : i32
    %dma_start3A_1516 = tpu.memref_slice %arg11[%dma_start3A_1514, %dma_start3A_1515] : memref<96x32xf32, #tpu.memory_space<vmem>> -> memref<1x32xf32, #tpu.memory_space<vmem>>
    %dma_start3A_1517 = arith.constant 0 : i32
    %dma_start3A_1518 = tpu.memref_slice %arg4[%squeeze3A_1508, %dma_start3A_1517] : memref<100001x32xf32, #tpu.memory_space<hbm>> -> memref<1x32xf32, #tpu.memory_space<hbm>>
    tpu.enqueue_dma source(%dma_start3A_1518 : memref<1x32xf32, #tpu.memory_space<hbm>>) target(%dma_start3A_1516 : memref<1x32xf32, #tpu.memory_space<vmem>>) target_semaphore(%arg13 : memref<!tpu.dma_semaphore, #tpu.memory_space<semaphore_mem>>)
    %slice3A_1519 = vector.extract_strided_slice %get3A_1446 {offsets = [6], sizes = [1], strides = [1]} : vector<16xi32> to vector<1xi32>
    %squeeze3A_1520 = vector.extract %slice3A_1519[0] : i32 from vector<1xi32>
    %dma_start3A_1521 = arith.constant 70 : i32
    %dma_start3A_1522 = arith.constant 0 : i32
    %dma_start3A_1523 = tpu.memref_slice %arg11[%dma_start3A_1521, %dma_start3A_1522] : memref<96x32xf32, #tpu.memory_space<vmem>> -> memref<1x32xf32, #tpu.memory_space<vmem>>
    %dma_start3A_1524 = arith.constant 0 : i32
    %dma_start3A_1525 = tpu.memref_slice %arg4[%squeeze3A_1520, %dma_start3A_1524] : memref<100001x32xf32, #tpu.memory_space<hbm>> -> memref<1x32xf32, #tpu.memory_space<hbm>>
    %dma_start3A_1526 = arith.constant 70 : i32
    %dma_start3A_1527 = arith.constant 0 : i32
    %dma_start3A_1528 = tpu.memref_slice %arg11[%dma_start3A_1526, %dma_start3A_1527] : memref<96x32xf32, #tpu.memory_space<vmem>> -> memref<1x32xf32, #tpu.memory_space<vmem>>
    %dma_start3A_1529 = arith.constant 0 : i32
    %dma_start3A_1530 = tpu.memref_slice %arg4[%squeeze3A_1520, %dma_start3A_1529] : memref<100001x32xf32, #tpu.memory_space<hbm>> -> memref<1x32xf32, #tpu.memory_space<hbm>>
    tpu.enqueue_dma source(%dma_start3A_1530 : memref<1x32xf32, #tpu.memory_space<hbm>>) target(%dma_start3A_1528 : memref<1x32xf32, #tpu.memory_space<vmem>>) target_semaphore(%arg13 : memref<!tpu.dma_semaphore, #tpu.memory_space<semaphore_mem>>)
    %slice3A_1531 = vector.extract_strided_slice %get3A_1446 {offsets = [7], sizes = [1], strides = [1]} : vector<16xi32> to vector<1xi32>
    %squeeze3A_1532 = vector.extract %slice3A_1531[0] : i32 from vector<1xi32>
    %dma_start3A_1533 = arith.constant 71 : i32
    %dma_start3A_1534 = arith.constant 0 : i32
    %dma_start3A_1535 = tpu.memref_slice %arg11[%dma_start3A_1533, %dma_start3A_1534] : memref<96x32xf32, #tpu.memory_space<vmem>> -> memref<1x32xf32, #tpu.memory_space<vmem>>
    %dma_start3A_1536 = arith.constant 0 : i32
    %dma_start3A_1537 = tpu.memref_slice %arg4[%squeeze3A_1532, %dma_start3A_1536] : memref<100001x32xf32, #tpu.memory_space<hbm>> -> memref<1x32xf32, #tpu.memory_space<hbm>>
    %dma_start3A_1538 = arith.constant 71 : i32
    %dma_start3A_1539 = arith.constant 0 : i32
    %dma_start3A_1540 = tpu.memref_slice %arg11[%dma_start3A_1538, %dma_start3A_1539] : memref<96x32xf32, #tpu.memory_space<vmem>> -> memref<1x32xf32, #tpu.memory_space<vmem>>
    %dma_start3A_1541 = arith.constant 0 : i32
    %dma_start3A_1542 = tpu.memref_slice %arg4[%squeeze3A_1532, %dma_start3A_1541] : memref<100001x32xf32, #tpu.memory_space<hbm>> -> memref<1x32xf32, #tpu.memory_space<hbm>>
    tpu.enqueue_dma source(%dma_start3A_1542 : memref<1x32xf32, #tpu.memory_space<hbm>>) target(%dma_start3A_1540 : memref<1x32xf32, #tpu.memory_space<vmem>>) target_semaphore(%arg13 : memref<!tpu.dma_semaphore, #tpu.memory_space<semaphore_mem>>)
    %slice3A_1543 = vector.extract_strided_slice %get3A_1446 {offsets = [8], sizes = [1], strides = [1]} : vector<16xi32> to vector<1xi32>
    %squeeze3A_1544 = vector.extract %slice3A_1543[0] : i32 from vector<1xi32>
    %dma_start3A_1545 = arith.constant 72 : i32
    %dma_start3A_1546 = arith.constant 0 : i32
    %dma_start3A_1547 = tpu.memref_slice %arg11[%dma_start3A_1545, %dma_start3A_1546] : memref<96x32xf32, #tpu.memory_space<vmem>> -> memref<1x32xf32, #tpu.memory_space<vmem>>
    %dma_start3A_1548 = arith.constant 0 : i32
    %dma_start3A_1549 = tpu.memref_slice %arg4[%squeeze3A_1544, %dma_start3A_1548] : memref<100001x32xf32, #tpu.memory_space<hbm>> -> memref<1x32xf32, #tpu.memory_space<hbm>>
    %dma_start3A_1550 = arith.constant 72 : i32
    %dma_start3A_1551 = arith.constant 0 : i32
    %dma_start3A_1552 = tpu.memref_slice %arg11[%dma_start3A_1550, %dma_start3A_1551] : memref<96x32xf32, #tpu.memory_space<vmem>> -> memref<1x32xf32, #tpu.memory_space<vmem>>
    %dma_start3A_1553 = arith.constant 0 : i32
    %dma_start3A_1554 = tpu.memref_slice %arg4[%squeeze3A_1544, %dma_start3A_1553] : memref<100001x32xf32, #tpu.memory_space<hbm>> -> memref<1x32xf32, #tpu.memory_space<hbm>>
    tpu.enqueue_dma source(%dma_start3A_1554 : memref<1x32xf32, #tpu.memory_space<hbm>>) target(%dma_start3A_1552 : memref<1x32xf32, #tpu.memory_space<vmem>>) target_semaphore(%arg13 : memref<!tpu.dma_semaphore, #tpu.memory_space<semaphore_mem>>)
    %slice3A_1555 = vector.extract_strided_slice %get3A_1446 {offsets = [9], sizes = [1], strides = [1]} : vector<16xi32> to vector<1xi32>
    %squeeze3A_1556 = vector.extract %slice3A_1555[0] : i32 from vector<1xi32>
    %dma_start3A_1557 = arith.constant 73 : i32
    %dma_start3A_1558 = arith.constant 0 : i32
    %dma_start3A_1559 = tpu.memref_slice %arg11[%dma_start3A_1557, %dma_start3A_1558] : memref<96x32xf32, #tpu.memory_space<vmem>> -> memref<1x32xf32, #tpu.memory_space<vmem>>
    %dma_start3A_1560 = arith.constant 0 : i32
    %dma_start3A_1561 = tpu.memref_slice %arg4[%squeeze3A_1556, %dma_start3A_1560] : memref<100001x32xf32, #tpu.memory_space<hbm>> -> memref<1x32xf32, #tpu.memory_space<hbm>>
    %dma_start3A_1562 = arith.constant 73 : i32
    %dma_start3A_1563 = arith.constant 0 : i32
    %dma_start3A_1564 = tpu.memref_slice %arg11[%dma_start3A_1562, %dma_start3A_1563] : memref<96x32xf32, #tpu.memory_space<vmem>> -> memref<1x32xf32, #tpu.memory_space<vmem>>
    %dma_start3A_1565 = arith.constant 0 : i32
    %dma_start3A_1566 = tpu.memref_slice %arg4[%squeeze3A_1556, %dma_start3A_1565] : memref<100001x32xf32, #tpu.memory_space<hbm>> -> memref<1x32xf32, #tpu.memory_space<hbm>>
    tpu.enqueue_dma source(%dma_start3A_1566 : memref<1x32xf32, #tpu.memory_space<hbm>>) target(%dma_start3A_1564 : memref<1x32xf32, #tpu.memory_space<vmem>>) target_semaphore(%arg13 : memref<!tpu.dma_semaphore, #tpu.memory_space<semaphore_mem>>)
    %slice3A_1567 = vector.extract_strided_slice %get3A_1446 {offsets = [10], sizes = [1], strides = [1]} : vector<16xi32> to vector<1xi32>
    %squeeze3A_1568 = vector.extract %slice3A_1567[0] : i32 from vector<1xi32>
    %dma_start3A_1569 = arith.constant 74 : i32
    %dma_start3A_1570 = arith.constant 0 : i32
    %dma_start3A_1571 = tpu.memref_slice %arg11[%dma_start3A_1569, %dma_start3A_1570] : memref<96x32xf32, #tpu.memory_space<vmem>> -> memref<1x32xf32, #tpu.memory_space<vmem>>
    %dma_start3A_1572 = arith.constant 0 : i32
    %dma_start3A_1573 = tpu.memref_slice %arg4[%squeeze3A_1568, %dma_start3A_1572] : memref<100001x32xf32, #tpu.memory_space<hbm>> -> memref<1x32xf32, #tpu.memory_space<hbm>>
    %dma_start3A_1574 = arith.constant 74 : i32
    %dma_start3A_1575 = arith.constant 0 : i32
    %dma_start3A_1576 = tpu.memref_slice %arg11[%dma_start3A_1574, %dma_start3A_1575] : memref<96x32xf32, #tpu.memory_space<vmem>> -> memref<1x32xf32, #tpu.memory_space<vmem>>
    %dma_start3A_1577 = arith.constant 0 : i32
    %dma_start3A_1578 = tpu.memref_slice %arg4[%squeeze3A_1568, %dma_start3A_1577] : memref<100001x32xf32, #tpu.memory_space<hbm>> -> memref<1x32xf32, #tpu.memory_space<hbm>>
    tpu.enqueue_dma source(%dma_start3A_1578 : memref<1x32xf32, #tpu.memory_space<hbm>>) target(%dma_start3A_1576 : memref<1x32xf32, #tpu.memory_space<vmem>>) target_semaphore(%arg13 : memref<!tpu.dma_semaphore, #tpu.memory_space<semaphore_mem>>)
    %slice3A_1579 = vector.extract_strided_slice %get3A_1446 {offsets = [11], sizes = [1], strides = [1]} : vector<16xi32> to vector<1xi32>
    %squeeze3A_1580 = vector.extract %slice3A_1579[0] : i32 from vector<1xi32>
    %dma_start3A_1581 = arith.constant 75 : i32
    %dma_start3A_1582 = arith.constant 0 : i32
    %dma_start3A_1583 = tpu.memref_slice %arg11[%dma_start3A_1581, %dma_start3A_1582] : memref<96x32xf32, #tpu.memory_space<vmem>> -> memref<1x32xf32, #tpu.memory_space<vmem>>
    %dma_start3A_1584 = arith.constant 0 : i32
    %dma_start3A_1585 = tpu.memref_slice %arg4[%squeeze3A_1580, %dma_start3A_1584] : memref<100001x32xf32, #tpu.memory_space<hbm>> -> memref<1x32xf32, #tpu.memory_space<hbm>>
    %dma_start3A_1586 = arith.constant 75 : i32
    %dma_start3A_1587 = arith.constant 0 : i32
    %dma_start3A_1588 = tpu.memref_slice %arg11[%dma_start3A_1586, %dma_start3A_1587] : memref<96x32xf32, #tpu.memory_space<vmem>> -> memref<1x32xf32, #tpu.memory_space<vmem>>
    %dma_start3A_1589 = arith.constant 0 : i32
    %dma_start3A_1590 = tpu.memref_slice %arg4[%squeeze3A_1580, %dma_start3A_1589] : memref<100001x32xf32, #tpu.memory_space<hbm>> -> memref<1x32xf32, #tpu.memory_space<hbm>>
    tpu.enqueue_dma source(%dma_start3A_1590 : memref<1x32xf32, #tpu.memory_space<hbm>>) target(%dma_start3A_1588 : memref<1x32xf32, #tpu.memory_space<vmem>>) target_semaphore(%arg13 : memref<!tpu.dma_semaphore, #tpu.memory_space<semaphore_mem>>)
    %slice3A_1591 = vector.extract_strided_slice %get3A_1446 {offsets = [12], sizes = [1], strides = [1]} : vector<16xi32> to vector<1xi32>
    %squeeze3A_1592 = vector.extract %slice3A_1591[0] : i32 from vector<1xi32>
    %dma_start3A_1593 = arith.constant 76 : i32
    %dma_start3A_1594 = arith.constant 0 : i32
    %dma_start3A_1595 = tpu.memref_slice %arg11[%dma_start3A_1593, %dma_start3A_1594] : memref<96x32xf32, #tpu.memory_space<vmem>> -> memref<1x32xf32, #tpu.memory_space<vmem>>
    %dma_start3A_1596 = arith.constant 0 : i32
    %dma_start3A_1597 = tpu.memref_slice %arg4[%squeeze3A_1592, %dma_start3A_1596] : memref<100001x32xf32, #tpu.memory_space<hbm>> -> memref<1x32xf32, #tpu.memory_space<hbm>>
    %dma_start3A_1598 = arith.constant 76 : i32
    %dma_start3A_1599 = arith.constant 0 : i32
    %dma_start3A_1600 = tpu.memref_slice %arg11[%dma_start3A_1598, %dma_start3A_1599] : memref<96x32xf32, #tpu.memory_space<vmem>> -> memref<1x32xf32, #tpu.memory_space<vmem>>
    %dma_start3A_1601 = arith.constant 0 : i32
    %dma_start3A_1602 = tpu.memref_slice %arg4[%squeeze3A_1592, %dma_start3A_1601] : memref<100001x32xf32, #tpu.memory_space<hbm>> -> memref<1x32xf32, #tpu.memory_space<hbm>>
    tpu.enqueue_dma source(%dma_start3A_1602 : memref<1x32xf32, #tpu.memory_space<hbm>>) target(%dma_start3A_1600 : memref<1x32xf32, #tpu.memory_space<vmem>>) target_semaphore(%arg13 : memref<!tpu.dma_semaphore, #tpu.memory_space<semaphore_mem>>)
    %slice3A_1603 = vector.extract_strided_slice %get3A_1446 {offsets = [13], sizes = [1], strides = [1]} : vector<16xi32> to vector<1xi32>
    %squeeze3A_1604 = vector.extract %slice3A_1603[0] : i32 from vector<1xi32>
    %dma_start3A_1605 = arith.constant 77 : i32
    %dma_start3A_1606 = arith.constant 0 : i32
    %dma_start3A_1607 = tpu.memref_slice %arg11[%dma_start3A_1605, %dma_start3A_1606] : memref<96x32xf32, #tpu.memory_space<vmem>> -> memref<1x32xf32, #tpu.memory_space<vmem>>
    %dma_start3A_1608 = arith.constant 0 : i32
    %dma_start3A_1609 = tpu.memref_slice %arg4[%squeeze3A_1604, %dma_start3A_1608] : memref<100001x32xf32, #tpu.memory_space<hbm>> -> memref<1x32xf32, #tpu.memory_space<hbm>>
    %dma_start3A_1610 = arith.constant 77 : i32
    %dma_start3A_1611 = arith.constant 0 : i32
    %dma_start3A_1612 = tpu.memref_slice %arg11[%dma_start3A_1610, %dma_start3A_1611] : memref<96x32xf32, #tpu.memory_space<vmem>> -> memref<1x32xf32, #tpu.memory_space<vmem>>
    %dma_start3A_1613 = arith.constant 0 : i32
    %dma_start3A_1614 = tpu.memref_slice %arg4[%squeeze3A_1604, %dma_start3A_1613] : memref<100001x32xf32, #tpu.memory_space<hbm>> -> memref<1x32xf32, #tpu.memory_space<hbm>>
    tpu.enqueue_dma source(%dma_start3A_1614 : memref<1x32xf32, #tpu.memory_space<hbm>>) target(%dma_start3A_1612 : memref<1x32xf32, #tpu.memory_space<vmem>>) target_semaphore(%arg13 : memref<!tpu.dma_semaphore, #tpu.memory_space<semaphore_mem>>)
    %slice3A_1615 = vector.extract_strided_slice %get3A_1446 {offsets = [14], sizes = [1], strides = [1]} : vector<16xi32> to vector<1xi32>
    %squeeze3A_1616 = vector.extract %slice3A_1615[0] : i32 from vector<1xi32>
    %dma_start3A_1617 = arith.constant 78 : i32
    %dma_start3A_1618 = arith.constant 0 : i32
    %dma_start3A_1619 = tpu.memref_slice %arg11[%dma_start3A_1617, %dma_start3A_1618] : memref<96x32xf32, #tpu.memory_space<vmem>> -> memref<1x32xf32, #tpu.memory_space<vmem>>
    %dma_start3A_1620 = arith.constant 0 : i32
    %dma_start3A_1621 = tpu.memref_slice %arg4[%squeeze3A_1616, %dma_start3A_1620] : memref<100001x32xf32, #tpu.memory_space<hbm>> -> memref<1x32xf32, #tpu.memory_space<hbm>>
    %dma_start3A_1622 = arith.constant 78 : i32
    %dma_start3A_1623 = arith.constant 0 : i32
    %dma_start3A_1624 = tpu.memref_slice %arg11[%dma_start3A_1622, %dma_start3A_1623] : memref<96x32xf32, #tpu.memory_space<vmem>> -> memref<1x32xf32, #tpu.memory_space<vmem>>
    %dma_start3A_1625 = arith.constant 0 : i32
    %dma_start3A_1626 = tpu.memref_slice %arg4[%squeeze3A_1616, %dma_start3A_1625] : memref<100001x32xf32, #tpu.memory_space<hbm>> -> memref<1x32xf32, #tpu.memory_space<hbm>>
    tpu.enqueue_dma source(%dma_start3A_1626 : memref<1x32xf32, #tpu.memory_space<hbm>>) target(%dma_start3A_1624 : memref<1x32xf32, #tpu.memory_space<vmem>>) target_semaphore(%arg13 : memref<!tpu.dma_semaphore, #tpu.memory_space<semaphore_mem>>)
    %slice3A_1627 = vector.extract_strided_slice %get3A_1446 {offsets = [15], sizes = [1], strides = [1]} : vector<16xi32> to vector<1xi32>
    %squeeze3A_1628 = vector.extract %slice3A_1627[0] : i32 from vector<1xi32>
    %dma_start3A_1629 = arith.constant 79 : i32
    %dma_start3A_1630 = arith.constant 0 : i32
    %dma_start3A_1631 = tpu.memref_slice %arg11[%dma_start3A_1629, %dma_start3A_1630] : memref<96x32xf32, #tpu.memory_space<vmem>> -> memref<1x32xf32, #tpu.memory_space<vmem>>
    %dma_start3A_1632 = arith.constant 0 : i32
    %dma_start3A_1633 = tpu.memref_slice %arg4[%squeeze3A_1628, %dma_start3A_1632] : memref<100001x32xf32, #tpu.memory_space<hbm>> -> memref<1x32xf32, #tpu.memory_space<hbm>>
    %dma_start3A_1634 = arith.constant 79 : i32
    %dma_start3A_1635 = arith.constant 0 : i32
    %dma_start3A_1636 = tpu.memref_slice %arg11[%dma_start3A_1634, %dma_start3A_1635] : memref<96x32xf32, #tpu.memory_space<vmem>> -> memref<1x32xf32, #tpu.memory_space<vmem>>
    %dma_start3A_1637 = arith.constant 0 : i32
    %dma_start3A_1638 = tpu.memref_slice %arg4[%squeeze3A_1628, %dma_start3A_1637] : memref<100001x32xf32, #tpu.memory_space<hbm>> -> memref<1x32xf32, #tpu.memory_space<hbm>>
    tpu.enqueue_dma source(%dma_start3A_1638 : memref<1x32xf32, #tpu.memory_space<hbm>>) target(%dma_start3A_1636 : memref<1x32xf32, #tpu.memory_space<vmem>>) target_semaphore(%arg13 : memref<!tpu.dma_semaphore, #tpu.memory_space<semaphore_mem>>)
    %dma_wait3A_1639 = arith.constant 64 : i32
    %dma_wait3A_1640 = arith.constant 0 : i32
    %dma_wait3A_1641 = tpu.memref_slice %arg11[%dma_wait3A_1639, %dma_wait3A_1640] : memref<96x32xf32, #tpu.memory_space<vmem>> -> memref<1x32xf32, #tpu.memory_space<vmem>>
    %dma_wait3A_1642 = arith.constant 0 : i32
    %dma_wait3A_1643 = tpu.memref_slice %arg4[%squeeze3A_1448, %dma_wait3A_1642] : memref<100001x32xf32, #tpu.memory_space<hbm>> -> memref<1x32xf32, #tpu.memory_space<hbm>>
    %dma_wait3A_1644 = arith.constant 64 : i32
    %dma_wait3A_1645 = arith.constant 0 : i32
    %dma_wait3A_1646 = tpu.memref_slice %arg11[%dma_wait3A_1644, %dma_wait3A_1645] : memref<96x32xf32, #tpu.memory_space<vmem>> -> memref<1x32xf32, #tpu.memory_space<vmem>>
    %dma_wait3A_1647 = arith.constant 0 : i32
    %dma_wait3A_1648 = tpu.memref_slice %arg4[%squeeze3A_1448, %dma_wait3A_1647] : memref<100001x32xf32, #tpu.memory_space<hbm>> -> memref<1x32xf32, #tpu.memory_space<hbm>>
    tpu.wait_dma2 semaphore(%arg13 : memref<!tpu.dma_semaphore, #tpu.memory_space<semaphore_mem>>) src(%dma_wait3A_1648 : memref<1x32xf32, #tpu.memory_space<hbm>>) dst(%dma_wait3A_1646 : memref<1x32xf32, #tpu.memory_space<vmem>>)
    %dma_wait3A_1649 = arith.constant 65 : i32
    %dma_wait3A_1650 = arith.constant 0 : i32
    %dma_wait3A_1651 = tpu.memref_slice %arg11[%dma_wait3A_1649, %dma_wait3A_1650] : memref<96x32xf32, #tpu.memory_space<vmem>> -> memref<1x32xf32, #tpu.memory_space<vmem>>
    %dma_wait3A_1652 = arith.constant 0 : i32
    %dma_wait3A_1653 = tpu.memref_slice %arg4[%squeeze3A_1460, %dma_wait3A_1652] : memref<100001x32xf32, #tpu.memory_space<hbm>> -> memref<1x32xf32, #tpu.memory_space<hbm>>
    %dma_wait3A_1654 = arith.constant 65 : i32
    %dma_wait3A_1655 = arith.constant 0 : i32
    %dma_wait3A_1656 = tpu.memref_slice %arg11[%dma_wait3A_1654, %dma_wait3A_1655] : memref<96x32xf32, #tpu.memory_space<vmem>> -> memref<1x32xf32, #tpu.memory_space<vmem>>
    %dma_wait3A_1657 = arith.constant 0 : i32
    %dma_wait3A_1658 = tpu.memref_slice %arg4[%squeeze3A_1460, %dma_wait3A_1657] : memref<100001x32xf32, #tpu.memory_space<hbm>> -> memref<1x32xf32, #tpu.memory_space<hbm>>
    tpu.wait_dma2 semaphore(%arg13 : memref<!tpu.dma_semaphore, #tpu.memory_space<semaphore_mem>>) src(%dma_wait3A_1658 : memref<1x32xf32, #tpu.memory_space<hbm>>) dst(%dma_wait3A_1656 : memref<1x32xf32, #tpu.memory_space<vmem>>)
    %dma_wait3A_1659 = arith.constant 66 : i32
    %dma_wait3A_1660 = arith.constant 0 : i32
    %dma_wait3A_1661 = tpu.memref_slice %arg11[%dma_wait3A_1659, %dma_wait3A_1660] : memref<96x32xf32, #tpu.memory_space<vmem>> -> memref<1x32xf32, #tpu.memory_space<vmem>>
    %dma_wait3A_1662 = arith.constant 0 : i32
    %dma_wait3A_1663 = tpu.memref_slice %arg4[%squeeze3A_1472, %dma_wait3A_1662] : memref<100001x32xf32, #tpu.memory_space<hbm>> -> memref<1x32xf32, #tpu.memory_space<hbm>>
    %dma_wait3A_1664 = arith.constant 66 : i32
    %dma_wait3A_1665 = arith.constant 0 : i32
    %dma_wait3A_1666 = tpu.memref_slice %arg11[%dma_wait3A_1664, %dma_wait3A_1665] : memref<96x32xf32, #tpu.memory_space<vmem>> -> memref<1x32xf32, #tpu.memory_space<vmem>>
    %dma_wait3A_1667 = arith.constant 0 : i32
    %dma_wait3A_1668 = tpu.memref_slice %arg4[%squeeze3A_1472, %dma_wait3A_1667] : memref<100001x32xf32, #tpu.memory_space<hbm>> -> memref<1x32xf32, #tpu.memory_space<hbm>>
    tpu.wait_dma2 semaphore(%arg13 : memref<!tpu.dma_semaphore, #tpu.memory_space<semaphore_mem>>) src(%dma_wait3A_1668 : memref<1x32xf32, #tpu.memory_space<hbm>>) dst(%dma_wait3A_1666 : memref<1x32xf32, #tpu.memory_space<vmem>>)
    %dma_wait3A_1669 = arith.constant 67 : i32
    %dma_wait3A_1670 = arith.constant 0 : i32
    %dma_wait3A_1671 = tpu.memref_slice %arg11[%dma_wait3A_1669, %dma_wait3A_1670] : memref<96x32xf32, #tpu.memory_space<vmem>> -> memref<1x32xf32, #tpu.memory_space<vmem>>
    %dma_wait3A_1672 = arith.constant 0 : i32
    %dma_wait3A_1673 = tpu.memref_slice %arg4[%squeeze3A_1484, %dma_wait3A_1672] : memref<100001x32xf32, #tpu.memory_space<hbm>> -> memref<1x32xf32, #tpu.memory_space<hbm>>
    %dma_wait3A_1674 = arith.constant 67 : i32
    %dma_wait3A_1675 = arith.constant 0 : i32
    %dma_wait3A_1676 = tpu.memref_slice %arg11[%dma_wait3A_1674, %dma_wait3A_1675] : memref<96x32xf32, #tpu.memory_space<vmem>> -> memref<1x32xf32, #tpu.memory_space<vmem>>
    %dma_wait3A_1677 = arith.constant 0 : i32
    %dma_wait3A_1678 = tpu.memref_slice %arg4[%squeeze3A_1484, %dma_wait3A_1677] : memref<100001x32xf32, #tpu.memory_space<hbm>> -> memref<1x32xf32, #tpu.memory_space<hbm>>
    tpu.wait_dma2 semaphore(%arg13 : memref<!tpu.dma_semaphore, #tpu.memory_space<semaphore_mem>>) src(%dma_wait3A_1678 : memref<1x32xf32, #tpu.memory_space<hbm>>) dst(%dma_wait3A_1676 : memref<1x32xf32, #tpu.memory_space<vmem>>)
    %dma_wait3A_1679 = arith.constant 68 : i32
    %dma_wait3A_1680 = arith.constant 0 : i32
    %dma_wait3A_1681 = tpu.memref_slice %arg11[%dma_wait3A_1679, %dma_wait3A_1680] : memref<96x32xf32, #tpu.memory_space<vmem>> -> memref<1x32xf32, #tpu.memory_space<vmem>>
    %dma_wait3A_1682 = arith.constant 0 : i32
    %dma_wait3A_1683 = tpu.memref_slice %arg4[%squeeze3A_1496, %dma_wait3A_1682] : memref<100001x32xf32, #tpu.memory_space<hbm>> -> memref<1x32xf32, #tpu.memory_space<hbm>>
    %dma_wait3A_1684 = arith.constant 68 : i32
    %dma_wait3A_1685 = arith.constant 0 : i32
    %dma_wait3A_1686 = tpu.memref_slice %arg11[%dma_wait3A_1684, %dma_wait3A_1685] : memref<96x32xf32, #tpu.memory_space<vmem>> -> memref<1x32xf32, #tpu.memory_space<vmem>>
    %dma_wait3A_1687 = arith.constant 0 : i32
    %dma_wait3A_1688 = tpu.memref_slice %arg4[%squeeze3A_1496, %dma_wait3A_1687] : memref<100001x32xf32, #tpu.memory_space<hbm>> -> memref<1x32xf32, #tpu.memory_space<hbm>>
    tpu.wait_dma2 semaphore(%arg13 : memref<!tpu.dma_semaphore, #tpu.memory_space<semaphore_mem>>) src(%dma_wait3A_1688 : memref<1x32xf32, #tpu.memory_space<hbm>>) dst(%dma_wait3A_1686 : memref<1x32xf32, #tpu.memory_space<vmem>>)
    %dma_wait3A_1689 = arith.constant 69 : i32
    %dma_wait3A_1690 = arith.constant 0 : i32
    %dma_wait3A_1691 = tpu.memref_slice %arg11[%dma_wait3A_1689, %dma_wait3A_1690] : memref<96x32xf32, #tpu.memory_space<vmem>> -> memref<1x32xf32, #tpu.memory_space<vmem>>
    %dma_wait3A_1692 = arith.constant 0 : i32
    %dma_wait3A_1693 = tpu.memref_slice %arg4[%squeeze3A_1508, %dma_wait3A_1692] : memref<100001x32xf32, #tpu.memory_space<hbm>> -> memref<1x32xf32, #tpu.memory_space<hbm>>
    %dma_wait3A_1694 = arith.constant 69 : i32
    %dma_wait3A_1695 = arith.constant 0 : i32
    %dma_wait3A_1696 = tpu.memref_slice %arg11[%dma_wait3A_1694, %dma_wait3A_1695] : memref<96x32xf32, #tpu.memory_space<vmem>> -> memref<1x32xf32, #tpu.memory_space<vmem>>
    %dma_wait3A_1697 = arith.constant 0 : i32
    %dma_wait3A_1698 = tpu.memref_slice %arg4[%squeeze3A_1508, %dma_wait3A_1697] : memref<100001x32xf32, #tpu.memory_space<hbm>> -> memref<1x32xf32, #tpu.memory_space<hbm>>
    tpu.wait_dma2 semaphore(%arg13 : memref<!tpu.dma_semaphore, #tpu.memory_space<semaphore_mem>>) src(%dma_wait3A_1698 : memref<1x32xf32, #tpu.memory_space<hbm>>) dst(%dma_wait3A_1696 : memref<1x32xf32, #tpu.memory_space<vmem>>)
    %dma_wait3A_1699 = arith.constant 70 : i32
    %dma_wait3A_1700 = arith.constant 0 : i32
    %dma_wait3A_1701 = tpu.memref_slice %arg11[%dma_wait3A_1699, %dma_wait3A_1700] : memref<96x32xf32, #tpu.memory_space<vmem>> -> memref<1x32xf32, #tpu.memory_space<vmem>>
    %dma_wait3A_1702 = arith.constant 0 : i32
    %dma_wait3A_1703 = tpu.memref_slice %arg4[%squeeze3A_1520, %dma_wait3A_1702] : memref<100001x32xf32, #tpu.memory_space<hbm>> -> memref<1x32xf32, #tpu.memory_space<hbm>>
    %dma_wait3A_1704 = arith.constant 70 : i32
    %dma_wait3A_1705 = arith.constant 0 : i32
    %dma_wait3A_1706 = tpu.memref_slice %arg11[%dma_wait3A_1704, %dma_wait3A_1705] : memref<96x32xf32, #tpu.memory_space<vmem>> -> memref<1x32xf32, #tpu.memory_space<vmem>>
    %dma_wait3A_1707 = arith.constant 0 : i32
    %dma_wait3A_1708 = tpu.memref_slice %arg4[%squeeze3A_1520, %dma_wait3A_1707] : memref<100001x32xf32, #tpu.memory_space<hbm>> -> memref<1x32xf32, #tpu.memory_space<hbm>>
    tpu.wait_dma2 semaphore(%arg13 : memref<!tpu.dma_semaphore, #tpu.memory_space<semaphore_mem>>) src(%dma_wait3A_1708 : memref<1x32xf32, #tpu.memory_space<hbm>>) dst(%dma_wait3A_1706 : memref<1x32xf32, #tpu.memory_space<vmem>>)
    %dma_wait3A_1709 = arith.constant 71 : i32
    %dma_wait3A_1710 = arith.constant 0 : i32
    %dma_wait3A_1711 = tpu.memref_slice %arg11[%dma_wait3A_1709, %dma_wait3A_1710] : memref<96x32xf32, #tpu.memory_space<vmem>> -> memref<1x32xf32, #tpu.memory_space<vmem>>
    %dma_wait3A_1712 = arith.constant 0 : i32
    %dma_wait3A_1713 = tpu.memref_slice %arg4[%squeeze3A_1532, %dma_wait3A_1712] : memref<100001x32xf32, #tpu.memory_space<hbm>> -> memref<1x32xf32, #tpu.memory_space<hbm>>
    %dma_wait3A_1714 = arith.constant 71 : i32
    %dma_wait3A_1715 = arith.constant 0 : i32
    %dma_wait3A_1716 = tpu.memref_slice %arg11[%dma_wait3A_1714, %dma_wait3A_1715] : memref<96x32xf32, #tpu.memory_space<vmem>> -> memref<1x32xf32, #tpu.memory_space<vmem>>
    %dma_wait3A_1717 = arith.constant 0 : i32
    %dma_wait3A_1718 = tpu.memref_slice %arg4[%squeeze3A_1532, %dma_wait3A_1717] : memref<100001x32xf32, #tpu.memory_space<hbm>> -> memref<1x32xf32, #tpu.memory_space<hbm>>
    tpu.wait_dma2 semaphore(%arg13 : memref<!tpu.dma_semaphore, #tpu.memory_space<semaphore_mem>>) src(%dma_wait3A_1718 : memref<1x32xf32, #tpu.memory_space<hbm>>) dst(%dma_wait3A_1716 : memref<1x32xf32, #tpu.memory_space<vmem>>)
    %dma_wait3A_1719 = arith.constant 72 : i32
    %dma_wait3A_1720 = arith.constant 0 : i32
    %dma_wait3A_1721 = tpu.memref_slice %arg11[%dma_wait3A_1719, %dma_wait3A_1720] : memref<96x32xf32, #tpu.memory_space<vmem>> -> memref<1x32xf32, #tpu.memory_space<vmem>>
    %dma_wait3A_1722 = arith.constant 0 : i32
    %dma_wait3A_1723 = tpu.memref_slice %arg4[%squeeze3A_1544, %dma_wait3A_1722] : memref<100001x32xf32, #tpu.memory_space<hbm>> -> memref<1x32xf32, #tpu.memory_space<hbm>>
    %dma_wait3A_1724 = arith.constant 72 : i32
    %dma_wait3A_1725 = arith.constant 0 : i32
    %dma_wait3A_1726 = tpu.memref_slice %arg11[%dma_wait3A_1724, %dma_wait3A_1725] : memref<96x32xf32, #tpu.memory_space<vmem>> -> memref<1x32xf32, #tpu.memory_space<vmem>>
    %dma_wait3A_1727 = arith.constant 0 : i32
    %dma_wait3A_1728 = tpu.memref_slice %arg4[%squeeze3A_1544, %dma_wait3A_1727] : memref<100001x32xf32, #tpu.memory_space<hbm>> -> memref<1x32xf32, #tpu.memory_space<hbm>>
    tpu.wait_dma2 semaphore(%arg13 : memref<!tpu.dma_semaphore, #tpu.memory_space<semaphore_mem>>) src(%dma_wait3A_1728 : memref<1x32xf32, #tpu.memory_space<hbm>>) dst(%dma_wait3A_1726 : memref<1x32xf32, #tpu.memory_space<vmem>>)
    %dma_wait3A_1729 = arith.constant 73 : i32
    %dma_wait3A_1730 = arith.constant 0 : i32
    %dma_wait3A_1731 = tpu.memref_slice %arg11[%dma_wait3A_1729, %dma_wait3A_1730] : memref<96x32xf32, #tpu.memory_space<vmem>> -> memref<1x32xf32, #tpu.memory_space<vmem>>
    %dma_wait3A_1732 = arith.constant 0 : i32
    %dma_wait3A_1733 = tpu.memref_slice %arg4[%squeeze3A_1556, %dma_wait3A_1732] : memref<100001x32xf32, #tpu.memory_space<hbm>> -> memref<1x32xf32, #tpu.memory_space<hbm>>
    %dma_wait3A_1734 = arith.constant 73 : i32
    %dma_wait3A_1735 = arith.constant 0 : i32
    %dma_wait3A_1736 = tpu.memref_slice %arg11[%dma_wait3A_1734, %dma_wait3A_1735] : memref<96x32xf32, #tpu.memory_space<vmem>> -> memref<1x32xf32, #tpu.memory_space<vmem>>
    %dma_wait3A_1737 = arith.constant 0 : i32
    %dma_wait3A_1738 = tpu.memref_slice %arg4[%squeeze3A_1556, %dma_wait3A_1737] : memref<100001x32xf32, #tpu.memory_space<hbm>> -> memref<1x32xf32, #tpu.memory_space<hbm>>
    tpu.wait_dma2 semaphore(%arg13 : memref<!tpu.dma_semaphore, #tpu.memory_space<semaphore_mem>>) src(%dma_wait3A_1738 : memref<1x32xf32, #tpu.memory_space<hbm>>) dst(%dma_wait3A_1736 : memref<1x32xf32, #tpu.memory_space<vmem>>)
    %dma_wait3A_1739 = arith.constant 74 : i32
    %dma_wait3A_1740 = arith.constant 0 : i32
    %dma_wait3A_1741 = tpu.memref_slice %arg11[%dma_wait3A_1739, %dma_wait3A_1740] : memref<96x32xf32, #tpu.memory_space<vmem>> -> memref<1x32xf32, #tpu.memory_space<vmem>>
    %dma_wait3A_1742 = arith.constant 0 : i32
    %dma_wait3A_1743 = tpu.memref_slice %arg4[%squeeze3A_1568, %dma_wait3A_1742] : memref<100001x32xf32, #tpu.memory_space<hbm>> -> memref<1x32xf32, #tpu.memory_space<hbm>>
    %dma_wait3A_1744 = arith.constant 74 : i32
    %dma_wait3A_1745 = arith.constant 0 : i32
    %dma_wait3A_1746 = tpu.memref_slice %arg11[%dma_wait3A_1744, %dma_wait3A_1745] : memref<96x32xf32, #tpu.memory_space<vmem>> -> memref<1x32xf32, #tpu.memory_space<vmem>>
    %dma_wait3A_1747 = arith.constant 0 : i32
    %dma_wait3A_1748 = tpu.memref_slice %arg4[%squeeze3A_1568, %dma_wait3A_1747] : memref<100001x32xf32, #tpu.memory_space<hbm>> -> memref<1x32xf32, #tpu.memory_space<hbm>>
    tpu.wait_dma2 semaphore(%arg13 : memref<!tpu.dma_semaphore, #tpu.memory_space<semaphore_mem>>) src(%dma_wait3A_1748 : memref<1x32xf32, #tpu.memory_space<hbm>>) dst(%dma_wait3A_1746 : memref<1x32xf32, #tpu.memory_space<vmem>>)
    %dma_wait3A_1749 = arith.constant 75 : i32
    %dma_wait3A_1750 = arith.constant 0 : i32
    %dma_wait3A_1751 = tpu.memref_slice %arg11[%dma_wait3A_1749, %dma_wait3A_1750] : memref<96x32xf32, #tpu.memory_space<vmem>> -> memref<1x32xf32, #tpu.memory_space<vmem>>
    %dma_wait3A_1752 = arith.constant 0 : i32
    %dma_wait3A_1753 = tpu.memref_slice %arg4[%squeeze3A_1580, %dma_wait3A_1752] : memref<100001x32xf32, #tpu.memory_space<hbm>> -> memref<1x32xf32, #tpu.memory_space<hbm>>
    %dma_wait3A_1754 = arith.constant 75 : i32
    %dma_wait3A_1755 = arith.constant 0 : i32
    %dma_wait3A_1756 = tpu.memref_slice %arg11[%dma_wait3A_1754, %dma_wait3A_1755] : memref<96x32xf32, #tpu.memory_space<vmem>> -> memref<1x32xf32, #tpu.memory_space<vmem>>
    %dma_wait3A_1757 = arith.constant 0 : i32
    %dma_wait3A_1758 = tpu.memref_slice %arg4[%squeeze3A_1580, %dma_wait3A_1757] : memref<100001x32xf32, #tpu.memory_space<hbm>> -> memref<1x32xf32, #tpu.memory_space<hbm>>
    tpu.wait_dma2 semaphore(%arg13 : memref<!tpu.dma_semaphore, #tpu.memory_space<semaphore_mem>>) src(%dma_wait3A_1758 : memref<1x32xf32, #tpu.memory_space<hbm>>) dst(%dma_wait3A_1756 : memref<1x32xf32, #tpu.memory_space<vmem>>)
    %dma_wait3A_1759 = arith.constant 76 : i32
    %dma_wait3A_1760 = arith.constant 0 : i32
    %dma_wait3A_1761 = tpu.memref_slice %arg11[%dma_wait3A_1759, %dma_wait3A_1760] : memref<96x32xf32, #tpu.memory_space<vmem>> -> memref<1x32xf32, #tpu.memory_space<vmem>>
    %dma_wait3A_1762 = arith.constant 0 : i32
    %dma_wait3A_1763 = tpu.memref_slice %arg4[%squeeze3A_1592, %dma_wait3A_1762] : memref<100001x32xf32, #tpu.memory_space<hbm>> -> memref<1x32xf32, #tpu.memory_space<hbm>>
    %dma_wait3A_1764 = arith.constant 76 : i32
    %dma_wait3A_1765 = arith.constant 0 : i32
    %dma_wait3A_1766 = tpu.memref_slice %arg11[%dma_wait3A_1764, %dma_wait3A_1765] : memref<96x32xf32, #tpu.memory_space<vmem>> -> memref<1x32xf32, #tpu.memory_space<vmem>>
    %dma_wait3A_1767 = arith.constant 0 : i32
    %dma_wait3A_1768 = tpu.memref_slice %arg4[%squeeze3A_1592, %dma_wait3A_1767] : memref<100001x32xf32, #tpu.memory_space<hbm>> -> memref<1x32xf32, #tpu.memory_space<hbm>>
    tpu.wait_dma2 semaphore(%arg13 : memref<!tpu.dma_semaphore, #tpu.memory_space<semaphore_mem>>) src(%dma_wait3A_1768 : memref<1x32xf32, #tpu.memory_space<hbm>>) dst(%dma_wait3A_1766 : memref<1x32xf32, #tpu.memory_space<vmem>>)
    %dma_wait3A_1769 = arith.constant 77 : i32
    %dma_wait3A_1770 = arith.constant 0 : i32
    %dma_wait3A_1771 = tpu.memref_slice %arg11[%dma_wait3A_1769, %dma_wait3A_1770] : memref<96x32xf32, #tpu.memory_space<vmem>> -> memref<1x32xf32, #tpu.memory_space<vmem>>
    %dma_wait3A_1772 = arith.constant 0 : i32
    %dma_wait3A_1773 = tpu.memref_slice %arg4[%squeeze3A_1604, %dma_wait3A_1772] : memref<100001x32xf32, #tpu.memory_space<hbm>> -> memref<1x32xf32, #tpu.memory_space<hbm>>
    %dma_wait3A_1774 = arith.constant 77 : i32
    %dma_wait3A_1775 = arith.constant 0 : i32
    %dma_wait3A_1776 = tpu.memref_slice %arg11[%dma_wait3A_1774, %dma_wait3A_1775] : memref<96x32xf32, #tpu.memory_space<vmem>> -> memref<1x32xf32, #tpu.memory_space<vmem>>
    %dma_wait3A_1777 = arith.constant 0 : i32
    %dma_wait3A_1778 = tpu.memref_slice %arg4[%squeeze3A_1604, %dma_wait3A_1777] : memref<100001x32xf32, #tpu.memory_space<hbm>> -> memref<1x32xf32, #tpu.memory_space<hbm>>
    tpu.wait_dma2 semaphore(%arg13 : memref<!tpu.dma_semaphore, #tpu.memory_space<semaphore_mem>>) src(%dma_wait3A_1778 : memref<1x32xf32, #tpu.memory_space<hbm>>) dst(%dma_wait3A_1776 : memref<1x32xf32, #tpu.memory_space<vmem>>)
    %dma_wait3A_1779 = arith.constant 78 : i32
    %dma_wait3A_1780 = arith.constant 0 : i32
    %dma_wait3A_1781 = tpu.memref_slice %arg11[%dma_wait3A_1779, %dma_wait3A_1780] : memref<96x32xf32, #tpu.memory_space<vmem>> -> memref<1x32xf32, #tpu.memory_space<vmem>>
    %dma_wait3A_1782 = arith.constant 0 : i32
    %dma_wait3A_1783 = tpu.memref_slice %arg4[%squeeze3A_1616, %dma_wait3A_1782] : memref<100001x32xf32, #tpu.memory_space<hbm>> -> memref<1x32xf32, #tpu.memory_space<hbm>>
    %dma_wait3A_1784 = arith.constant 78 : i32
    %dma_wait3A_1785 = arith.constant 0 : i32
    %dma_wait3A_1786 = tpu.memref_slice %arg11[%dma_wait3A_1784, %dma_wait3A_1785] : memref<96x32xf32, #tpu.memory_space<vmem>> -> memref<1x32xf32, #tpu.memory_space<vmem>>
    %dma_wait3A_1787 = arith.constant 0 : i32
    %dma_wait3A_1788 = tpu.memref_slice %arg4[%squeeze3A_1616, %dma_wait3A_1787] : memref<100001x32xf32, #tpu.memory_space<hbm>> -> memref<1x32xf32, #tpu.memory_space<hbm>>
    tpu.wait_dma2 semaphore(%arg13 : memref<!tpu.dma_semaphore, #tpu.memory_space<semaphore_mem>>) src(%dma_wait3A_1788 : memref<1x32xf32, #tpu.memory_space<hbm>>) dst(%dma_wait3A_1786 : memref<1x32xf32, #tpu.memory_space<vmem>>)
    %dma_wait3A_1789 = arith.constant 79 : i32
    %dma_wait3A_1790 = arith.constant 0 : i32
    %dma_wait3A_1791 = tpu.memref_slice %arg11[%dma_wait3A_1789, %dma_wait3A_1790] : memref<96x32xf32, #tpu.memory_space<vmem>> -> memref<1x32xf32, #tpu.memory_space<vmem>>
    %dma_wait3A_1792 = arith.constant 0 : i32
    %dma_wait3A_1793 = tpu.memref_slice %arg4[%squeeze3A_1628, %dma_wait3A_1792] : memref<100001x32xf32, #tpu.memory_space<hbm>> -> memref<1x32xf32, #tpu.memory_space<hbm>>
    %dma_wait3A_1794 = arith.constant 79 : i32
    %dma_wait3A_1795 = arith.constant 0 : i32
    %dma_wait3A_1796 = tpu.memref_slice %arg11[%dma_wait3A_1794, %dma_wait3A_1795] : memref<96x32xf32, #tpu.memory_space<vmem>> -> memref<1x32xf32, #tpu.memory_space<vmem>>
    %dma_wait3A_1797 = arith.constant 0 : i32
    %dma_wait3A_1798 = tpu.memref_slice %arg4[%squeeze3A_1628, %dma_wait3A_1797] : memref<100001x32xf32, #tpu.memory_space<hbm>> -> memref<1x32xf32, #tpu.memory_space<hbm>>
    tpu.wait_dma2 semaphore(%arg13 : memref<!tpu.dma_semaphore, #tpu.memory_space<semaphore_mem>>) src(%dma_wait3A_1798 : memref<1x32xf32, #tpu.memory_space<hbm>>) dst(%dma_wait3A_1796 : memref<1x32xf32, #tpu.memory_space<vmem>>)
    %get3A_1799 = arith.constant 80 : index
    %get3A_1800 = tpu.vector_load %arg10[%get3A_1799] {strides = array<i32>} : memref<96xi32, #tpu.memory_space<vmem>>, vector<16xi32>,
    %get3A_1801 = vector.shape_cast %get3A_1800 : vector<16xi32> to vector<16xi32>
    %slice3A_1802 = vector.extract_strided_slice %get3A_1801 {offsets = [0], sizes = [1], strides = [1]} : vector<16xi32> to vector<1xi32>
    %squeeze3A_1803 = vector.extract %slice3A_1802[0] : i32 from vector<1xi32>
    %dma_start3A_1804 = arith.constant 80 : i32
    %dma_start3A_1805 = arith.constant 0 : i32
    %dma_start3A_1806 = tpu.memref_slice %arg11[%dma_start3A_1804, %dma_start3A_1805] : memref<96x32xf32, #tpu.memory_space<vmem>> -> memref<1x32xf32, #tpu.memory_space<vmem>>
    %dma_start3A_1807 = arith.constant 0 : i32
    %dma_start3A_1808 = tpu.memref_slice %arg4[%squeeze3A_1803, %dma_start3A_1807] : memref<100001x32xf32, #tpu.memory_space<hbm>> -> memref<1x32xf32, #tpu.memory_space<hbm>>
    %dma_start3A_1809 = arith.constant 80 : i32
    %dma_start3A_1810 = arith.constant 0 : i32
    %dma_start3A_1811 = tpu.memref_slice %arg11[%dma_start3A_1809, %dma_start3A_1810] : memref<96x32xf32, #tpu.memory_space<vmem>> -> memref<1x32xf32, #tpu.memory_space<vmem>>
    %dma_start3A_1812 = arith.constant 0 : i32
    %dma_start3A_1813 = tpu.memref_slice %arg4[%squeeze3A_1803, %dma_start3A_1812] : memref<100001x32xf32, #tpu.memory_space<hbm>> -> memref<1x32xf32, #tpu.memory_space<hbm>>
    tpu.enqueue_dma source(%dma_start3A_1813 : memref<1x32xf32, #tpu.memory_space<hbm>>) target(%dma_start3A_1811 : memref<1x32xf32, #tpu.memory_space<vmem>>) target_semaphore(%arg13 : memref<!tpu.dma_semaphore, #tpu.memory_space<semaphore_mem>>)
    %slice3A_1814 = vector.extract_strided_slice %get3A_1801 {offsets = [1], sizes = [1], strides = [1]} : vector<16xi32> to vector<1xi32>
    %squeeze3A_1815 = vector.extract %slice3A_1814[0] : i32 from vector<1xi32>
    %dma_start3A_1816 = arith.constant 81 : i32
    %dma_start3A_1817 = arith.constant 0 : i32
    %dma_start3A_1818 = tpu.memref_slice %arg11[%dma_start3A_1816, %dma_start3A_1817] : memref<96x32xf32, #tpu.memory_space<vmem>> -> memref<1x32xf32, #tpu.memory_space<vmem>>
    %dma_start3A_1819 = arith.constant 0 : i32
    %dma_start3A_1820 = tpu.memref_slice %arg4[%squeeze3A_1815, %dma_start3A_1819] : memref<100001x32xf32, #tpu.memory_space<hbm>> -> memref<1x32xf32, #tpu.memory_space<hbm>>
    %dma_start3A_1821 = arith.constant 81 : i32
    %dma_start3A_1822 = arith.constant 0 : i32
    %dma_start3A_1823 = tpu.memref_slice %arg11[%dma_start3A_1821, %dma_start3A_1822] : memref<96x32xf32, #tpu.memory_space<vmem>> -> memref<1x32xf32, #tpu.memory_space<vmem>>
    %dma_start3A_1824 = arith.constant 0 : i32
    %dma_start3A_1825 = tpu.memref_slice %arg4[%squeeze3A_1815, %dma_start3A_1824] : memref<100001x32xf32, #tpu.memory_space<hbm>> -> memref<1x32xf32, #tpu.memory_space<hbm>>
    tpu.enqueue_dma source(%dma_start3A_1825 : memref<1x32xf32, #tpu.memory_space<hbm>>) target(%dma_start3A_1823 : memref<1x32xf32, #tpu.memory_space<vmem>>) target_semaphore(%arg13 : memref<!tpu.dma_semaphore, #tpu.memory_space<semaphore_mem>>)
    %slice3A_1826 = vector.extract_strided_slice %get3A_1801 {offsets = [2], sizes = [1], strides = [1]} : vector<16xi32> to vector<1xi32>
    %squeeze3A_1827 = vector.extract %slice3A_1826[0] : i32 from vector<1xi32>
    %dma_start3A_1828 = arith.constant 82 : i32
    %dma_start3A_1829 = arith.constant 0 : i32
    %dma_start3A_1830 = tpu.memref_slice %arg11[%dma_start3A_1828, %dma_start3A_1829] : memref<96x32xf32, #tpu.memory_space<vmem>> -> memref<1x32xf32, #tpu.memory_space<vmem>>
    %dma_start3A_1831 = arith.constant 0 : i32
    %dma_start3A_1832 = tpu.memref_slice %arg4[%squeeze3A_1827, %dma_start3A_1831] : memref<100001x32xf32, #tpu.memory_space<hbm>> -> memref<1x32xf32, #tpu.memory_space<hbm>>
    %dma_start3A_1833 = arith.constant 82 : i32
    %dma_start3A_1834 = arith.constant 0 : i32
    %dma_start3A_1835 = tpu.memref_slice %arg11[%dma_start3A_1833, %dma_start3A_1834] : memref<96x32xf32, #tpu.memory_space<vmem>> -> memref<1x32xf32, #tpu.memory_space<vmem>>
    %dma_start3A_1836 = arith.constant 0 : i32
    %dma_start3A_1837 = tpu.memref_slice %arg4[%squeeze3A_1827, %dma_start3A_1836] : memref<100001x32xf32, #tpu.memory_space<hbm>> -> memref<1x32xf32, #tpu.memory_space<hbm>>
    tpu.enqueue_dma source(%dma_start3A_1837 : memref<1x32xf32, #tpu.memory_space<hbm>>) target(%dma_start3A_1835 : memref<1x32xf32, #tpu.memory_space<vmem>>) target_semaphore(%arg13 : memref<!tpu.dma_semaphore, #tpu.memory_space<semaphore_mem>>)
    %slice3A_1838 = vector.extract_strided_slice %get3A_1801 {offsets = [3], sizes = [1], strides = [1]} : vector<16xi32> to vector<1xi32>
    %squeeze3A_1839 = vector.extract %slice3A_1838[0] : i32 from vector<1xi32>
    %dma_start3A_1840 = arith.constant 83 : i32
    %dma_start3A_1841 = arith.constant 0 : i32
    %dma_start3A_1842 = tpu.memref_slice %arg11[%dma_start3A_1840, %dma_start3A_1841] : memref<96x32xf32, #tpu.memory_space<vmem>> -> memref<1x32xf32, #tpu.memory_space<vmem>>
    %dma_start3A_1843 = arith.constant 0 : i32
    %dma_start3A_1844 = tpu.memref_slice %arg4[%squeeze3A_1839, %dma_start3A_1843] : memref<100001x32xf32, #tpu.memory_space<hbm>> -> memref<1x32xf32, #tpu.memory_space<hbm>>
    %dma_start3A_1845 = arith.constant 83 : i32
    %dma_start3A_1846 = arith.constant 0 : i32
    %dma_start3A_1847 = tpu.memref_slice %arg11[%dma_start3A_1845, %dma_start3A_1846] : memref<96x32xf32, #tpu.memory_space<vmem>> -> memref<1x32xf32, #tpu.memory_space<vmem>>
    %dma_start3A_1848 = arith.constant 0 : i32
    %dma_start3A_1849 = tpu.memref_slice %arg4[%squeeze3A_1839, %dma_start3A_1848] : memref<100001x32xf32, #tpu.memory_space<hbm>> -> memref<1x32xf32, #tpu.memory_space<hbm>>
    tpu.enqueue_dma source(%dma_start3A_1849 : memref<1x32xf32, #tpu.memory_space<hbm>>) target(%dma_start3A_1847 : memref<1x32xf32, #tpu.memory_space<vmem>>) target_semaphore(%arg13 : memref<!tpu.dma_semaphore, #tpu.memory_space<semaphore_mem>>)
    %slice3A_1850 = vector.extract_strided_slice %get3A_1801 {offsets = [4], sizes = [1], strides = [1]} : vector<16xi32> to vector<1xi32>
    %squeeze3A_1851 = vector.extract %slice3A_1850[0] : i32 from vector<1xi32>
    %dma_start3A_1852 = arith.constant 84 : i32
    %dma_start3A_1853 = arith.constant 0 : i32
    %dma_start3A_1854 = tpu.memref_slice %arg11[%dma_start3A_1852, %dma_start3A_1853] : memref<96x32xf32, #tpu.memory_space<vmem>> -> memref<1x32xf32, #tpu.memory_space<vmem>>
    %dma_start3A_1855 = arith.constant 0 : i32
    %dma_start3A_1856 = tpu.memref_slice %arg4[%squeeze3A_1851, %dma_start3A_1855] : memref<100001x32xf32, #tpu.memory_space<hbm>> -> memref<1x32xf32, #tpu.memory_space<hbm>>
    %dma_start3A_1857 = arith.constant 84 : i32
    %dma_start3A_1858 = arith.constant 0 : i32
    %dma_start3A_1859 = tpu.memref_slice %arg11[%dma_start3A_1857, %dma_start3A_1858] : memref<96x32xf32, #tpu.memory_space<vmem>> -> memref<1x32xf32, #tpu.memory_space<vmem>>
    %dma_start3A_1860 = arith.constant 0 : i32
    %dma_start3A_1861 = tpu.memref_slice %arg4[%squeeze3A_1851, %dma_start3A_1860] : memref<100001x32xf32, #tpu.memory_space<hbm>> -> memref<1x32xf32, #tpu.memory_space<hbm>>
    tpu.enqueue_dma source(%dma_start3A_1861 : memref<1x32xf32, #tpu.memory_space<hbm>>) target(%dma_start3A_1859 : memref<1x32xf32, #tpu.memory_space<vmem>>) target_semaphore(%arg13 : memref<!tpu.dma_semaphore, #tpu.memory_space<semaphore_mem>>)
    %slice3A_1862 = vector.extract_strided_slice %get3A_1801 {offsets = [5], sizes = [1], strides = [1]} : vector<16xi32> to vector<1xi32>
    %squeeze3A_1863 = vector.extract %slice3A_1862[0] : i32 from vector<1xi32>
    %dma_start3A_1864 = arith.constant 85 : i32
    %dma_start3A_1865 = arith.constant 0 : i32
    %dma_start3A_1866 = tpu.memref_slice %arg11[%dma_start3A_1864, %dma_start3A_1865] : memref<96x32xf32, #tpu.memory_space<vmem>> -> memref<1x32xf32, #tpu.memory_space<vmem>>
    %dma_start3A_1867 = arith.constant 0 : i32
    %dma_start3A_1868 = tpu.memref_slice %arg4[%squeeze3A_1863, %dma_start3A_1867] : memref<100001x32xf32, #tpu.memory_space<hbm>> -> memref<1x32xf32, #tpu.memory_space<hbm>>
    %dma_start3A_1869 = arith.constant 85 : i32
    %dma_start3A_1870 = arith.constant 0 : i32
    %dma_start3A_1871 = tpu.memref_slice %arg11[%dma_start3A_1869, %dma_start3A_1870] : memref<96x32xf32, #tpu.memory_space<vmem>> -> memref<1x32xf32, #tpu.memory_space<vmem>>
    %dma_start3A_1872 = arith.constant 0 : i32
    %dma_start3A_1873 = tpu.memref_slice %arg4[%squeeze3A_1863, %dma_start3A_1872] : memref<100001x32xf32, #tpu.memory_space<hbm>> -> memref<1x32xf32, #tpu.memory_space<hbm>>
    tpu.enqueue_dma source(%dma_start3A_1873 : memref<1x32xf32, #tpu.memory_space<hbm>>) target(%dma_start3A_1871 : memref<1x32xf32, #tpu.memory_space<vmem>>) target_semaphore(%arg13 : memref<!tpu.dma_semaphore, #tpu.memory_space<semaphore_mem>>)
    %slice3A_1874 = vector.extract_strided_slice %get3A_1801 {offsets = [6], sizes = [1], strides = [1]} : vector<16xi32> to vector<1xi32>
    %squeeze3A_1875 = vector.extract %slice3A_1874[0] : i32 from vector<1xi32>
    %dma_start3A_1876 = arith.constant 86 : i32
    %dma_start3A_1877 = arith.constant 0 : i32
    %dma_start3A_1878 = tpu.memref_slice %arg11[%dma_start3A_1876, %dma_start3A_1877] : memref<96x32xf32, #tpu.memory_space<vmem>> -> memref<1x32xf32, #tpu.memory_space<vmem>>
    %dma_start3A_1879 = arith.constant 0 : i32
    %dma_start3A_1880 = tpu.memref_slice %arg4[%squeeze3A_1875, %dma_start3A_1879] : memref<100001x32xf32, #tpu.memory_space<hbm>> -> memref<1x32xf32, #tpu.memory_space<hbm>>
    %dma_start3A_1881 = arith.constant 86 : i32
    %dma_start3A_1882 = arith.constant 0 : i32
    %dma_start3A_1883 = tpu.memref_slice %arg11[%dma_start3A_1881, %dma_start3A_1882] : memref<96x32xf32, #tpu.memory_space<vmem>> -> memref<1x32xf32, #tpu.memory_space<vmem>>
    %dma_start3A_1884 = arith.constant 0 : i32
    %dma_start3A_1885 = tpu.memref_slice %arg4[%squeeze3A_1875, %dma_start3A_1884] : memref<100001x32xf32, #tpu.memory_space<hbm>> -> memref<1x32xf32, #tpu.memory_space<hbm>>
    tpu.enqueue_dma source(%dma_start3A_1885 : memref<1x32xf32, #tpu.memory_space<hbm>>) target(%dma_start3A_1883 : memref<1x32xf32, #tpu.memory_space<vmem>>) target_semaphore(%arg13 : memref<!tpu.dma_semaphore, #tpu.memory_space<semaphore_mem>>)
    %slice3A_1886 = vector.extract_strided_slice %get3A_1801 {offsets = [7], sizes = [1], strides = [1]} : vector<16xi32> to vector<1xi32>
    %squeeze3A_1887 = vector.extract %slice3A_1886[0] : i32 from vector<1xi32>
    %dma_start3A_1888 = arith.constant 87 : i32
    %dma_start3A_1889 = arith.constant 0 : i32
    %dma_start3A_1890 = tpu.memref_slice %arg11[%dma_start3A_1888, %dma_start3A_1889] : memref<96x32xf32, #tpu.memory_space<vmem>> -> memref<1x32xf32, #tpu.memory_space<vmem>>
    %dma_start3A_1891 = arith.constant 0 : i32
    %dma_start3A_1892 = tpu.memref_slice %arg4[%squeeze3A_1887, %dma_start3A_1891] : memref<100001x32xf32, #tpu.memory_space<hbm>> -> memref<1x32xf32, #tpu.memory_space<hbm>>
    %dma_start3A_1893 = arith.constant 87 : i32
    %dma_start3A_1894 = arith.constant 0 : i32
    %dma_start3A_1895 = tpu.memref_slice %arg11[%dma_start3A_1893, %dma_start3A_1894] : memref<96x32xf32, #tpu.memory_space<vmem>> -> memref<1x32xf32, #tpu.memory_space<vmem>>
    %dma_start3A_1896 = arith.constant 0 : i32
    %dma_start3A_1897 = tpu.memref_slice %arg4[%squeeze3A_1887, %dma_start3A_1896] : memref<100001x32xf32, #tpu.memory_space<hbm>> -> memref<1x32xf32, #tpu.memory_space<hbm>>
    tpu.enqueue_dma source(%dma_start3A_1897 : memref<1x32xf32, #tpu.memory_space<hbm>>) target(%dma_start3A_1895 : memref<1x32xf32, #tpu.memory_space<vmem>>) target_semaphore(%arg13 : memref<!tpu.dma_semaphore, #tpu.memory_space<semaphore_mem>>)
    %slice3A_1898 = vector.extract_strided_slice %get3A_1801 {offsets = [8], sizes = [1], strides = [1]} : vector<16xi32> to vector<1xi32>
    %squeeze3A_1899 = vector.extract %slice3A_1898[0] : i32 from vector<1xi32>
    %dma_start3A_1900 = arith.constant 88 : i32
    %dma_start3A_1901 = arith.constant 0 : i32
    %dma_start3A_1902 = tpu.memref_slice %arg11[%dma_start3A_1900, %dma_start3A_1901] : memref<96x32xf32, #tpu.memory_space<vmem>> -> memref<1x32xf32, #tpu.memory_space<vmem>>
    %dma_start3A_1903 = arith.constant 0 : i32
    %dma_start3A_1904 = tpu.memref_slice %arg4[%squeeze3A_1899, %dma_start3A_1903] : memref<100001x32xf32, #tpu.memory_space<hbm>> -> memref<1x32xf32, #tpu.memory_space<hbm>>
    %dma_start3A_1905 = arith.constant 88 : i32
    %dma_start3A_1906 = arith.constant 0 : i32
    %dma_start3A_1907 = tpu.memref_slice %arg11[%dma_start3A_1905, %dma_start3A_1906] : memref<96x32xf32, #tpu.memory_space<vmem>> -> memref<1x32xf32, #tpu.memory_space<vmem>>
    %dma_start3A_1908 = arith.constant 0 : i32
    %dma_start3A_1909 = tpu.memref_slice %arg4[%squeeze3A_1899, %dma_start3A_1908] : memref<100001x32xf32, #tpu.memory_space<hbm>> -> memref<1x32xf32, #tpu.memory_space<hbm>>
    tpu.enqueue_dma source(%dma_start3A_1909 : memref<1x32xf32, #tpu.memory_space<hbm>>) target(%dma_start3A_1907 : memref<1x32xf32, #tpu.memory_space<vmem>>) target_semaphore(%arg13 : memref<!tpu.dma_semaphore, #tpu.memory_space<semaphore_mem>>)
    %slice3A_1910 = vector.extract_strided_slice %get3A_1801 {offsets = [9], sizes = [1], strides = [1]} : vector<16xi32> to vector<1xi32>
    %squeeze3A_1911 = vector.extract %slice3A_1910[0] : i32 from vector<1xi32>
    %dma_start3A_1912 = arith.constant 89 : i32
    %dma_start3A_1913 = arith.constant 0 : i32
    %dma_start3A_1914 = tpu.memref_slice %arg11[%dma_start3A_1912, %dma_start3A_1913] : memref<96x32xf32, #tpu.memory_space<vmem>> -> memref<1x32xf32, #tpu.memory_space<vmem>>
    %dma_start3A_1915 = arith.constant 0 : i32
    %dma_start3A_1916 = tpu.memref_slice %arg4[%squeeze3A_1911, %dma_start3A_1915] : memref<100001x32xf32, #tpu.memory_space<hbm>> -> memref<1x32xf32, #tpu.memory_space<hbm>>
    %dma_start3A_1917 = arith.constant 89 : i32
    %dma_start3A_1918 = arith.constant 0 : i32
    %dma_start3A_1919 = tpu.memref_slice %arg11[%dma_start3A_1917, %dma_start3A_1918] : memref<96x32xf32, #tpu.memory_space<vmem>> -> memref<1x32xf32, #tpu.memory_space<vmem>>
    %dma_start3A_1920 = arith.constant 0 : i32
    %dma_start3A_1921 = tpu.memref_slice %arg4[%squeeze3A_1911, %dma_start3A_1920] : memref<100001x32xf32, #tpu.memory_space<hbm>> -> memref<1x32xf32, #tpu.memory_space<hbm>>
    tpu.enqueue_dma source(%dma_start3A_1921 : memref<1x32xf32, #tpu.memory_space<hbm>>) target(%dma_start3A_1919 : memref<1x32xf32, #tpu.memory_space<vmem>>) target_semaphore(%arg13 : memref<!tpu.dma_semaphore, #tpu.memory_space<semaphore_mem>>)
    %slice3A_1922 = vector.extract_strided_slice %get3A_1801 {offsets = [10], sizes = [1], strides = [1]} : vector<16xi32> to vector<1xi32>
    %squeeze3A_1923 = vector.extract %slice3A_1922[0] : i32 from vector<1xi32>
    %dma_start3A_1924 = arith.constant 90 : i32
    %dma_start3A_1925 = arith.constant 0 : i32
    %dma_start3A_1926 = tpu.memref_slice %arg11[%dma_start3A_1924, %dma_start3A_1925] : memref<96x32xf32, #tpu.memory_space<vmem>> -> memref<1x32xf32, #tpu.memory_space<vmem>>
    %dma_start3A_1927 = arith.constant 0 : i32
    %dma_start3A_1928 = tpu.memref_slice %arg4[%squeeze3A_1923, %dma_start3A_1927] : memref<100001x32xf32, #tpu.memory_space<hbm>> -> memref<1x32xf32, #tpu.memory_space<hbm>>
    %dma_start3A_1929 = arith.constant 90 : i32
    %dma_start3A_1930 = arith.constant 0 : i32
    %dma_start3A_1931 = tpu.memref_slice %arg11[%dma_start3A_1929, %dma_start3A_1930] : memref<96x32xf32, #tpu.memory_space<vmem>> -> memref<1x32xf32, #tpu.memory_space<vmem>>
    %dma_start3A_1932 = arith.constant 0 : i32
    %dma_start3A_1933 = tpu.memref_slice %arg4[%squeeze3A_1923, %dma_start3A_1932] : memref<100001x32xf32, #tpu.memory_space<hbm>> -> memref<1x32xf32, #tpu.memory_space<hbm>>
    tpu.enqueue_dma source(%dma_start3A_1933 : memref<1x32xf32, #tpu.memory_space<hbm>>) target(%dma_start3A_1931 : memref<1x32xf32, #tpu.memory_space<vmem>>) target_semaphore(%arg13 : memref<!tpu.dma_semaphore, #tpu.memory_space<semaphore_mem>>)
    %slice3A_1934 = vector.extract_strided_slice %get3A_1801 {offsets = [11], sizes = [1], strides = [1]} : vector<16xi32> to vector<1xi32>
    %squeeze3A_1935 = vector.extract %slice3A_1934[0] : i32 from vector<1xi32>
    %dma_start3A_1936 = arith.constant 91 : i32
    %dma_start3A_1937 = arith.constant 0 : i32
    %dma_start3A_1938 = tpu.memref_slice %arg11[%dma_start3A_1936, %dma_start3A_1937] : memref<96x32xf32, #tpu.memory_space<vmem>> -> memref<1x32xf32, #tpu.memory_space<vmem>>
    %dma_start3A_1939 = arith.constant 0 : i32
    %dma_start3A_1940 = tpu.memref_slice %arg4[%squeeze3A_1935, %dma_start3A_1939] : memref<100001x32xf32, #tpu.memory_space<hbm>> -> memref<1x32xf32, #tpu.memory_space<hbm>>
    %dma_start3A_1941 = arith.constant 91 : i32
    %dma_start3A_1942 = arith.constant 0 : i32
    %dma_start3A_1943 = tpu.memref_slice %arg11[%dma_start3A_1941, %dma_start3A_1942] : memref<96x32xf32, #tpu.memory_space<vmem>> -> memref<1x32xf32, #tpu.memory_space<vmem>>
    %dma_start3A_1944 = arith.constant 0 : i32
    %dma_start3A_1945 = tpu.memref_slice %arg4[%squeeze3A_1935, %dma_start3A_1944] : memref<100001x32xf32, #tpu.memory_space<hbm>> -> memref<1x32xf32, #tpu.memory_space<hbm>>
    tpu.enqueue_dma source(%dma_start3A_1945 : memref<1x32xf32, #tpu.memory_space<hbm>>) target(%dma_start3A_1943 : memref<1x32xf32, #tpu.memory_space<vmem>>) target_semaphore(%arg13 : memref<!tpu.dma_semaphore, #tpu.memory_space<semaphore_mem>>)
    %slice3A_1946 = vector.extract_strided_slice %get3A_1801 {offsets = [12], sizes = [1], strides = [1]} : vector<16xi32> to vector<1xi32>
    %squeeze3A_1947 = vector.extract %slice3A_1946[0] : i32 from vector<1xi32>
    %dma_start3A_1948 = arith.constant 92 : i32
    %dma_start3A_1949 = arith.constant 0 : i32
    %dma_start3A_1950 = tpu.memref_slice %arg11[%dma_start3A_1948, %dma_start3A_1949] : memref<96x32xf32, #tpu.memory_space<vmem>> -> memref<1x32xf32, #tpu.memory_space<vmem>>
    %dma_start3A_1951 = arith.constant 0 : i32
    %dma_start3A_1952 = tpu.memref_slice %arg4[%squeeze3A_1947, %dma_start3A_1951] : memref<100001x32xf32, #tpu.memory_space<hbm>> -> memref<1x32xf32, #tpu.memory_space<hbm>>
    %dma_start3A_1953 = arith.constant 92 : i32
    %dma_start3A_1954 = arith.constant 0 : i32
    %dma_start3A_1955 = tpu.memref_slice %arg11[%dma_start3A_1953, %dma_start3A_1954] : memref<96x32xf32, #tpu.memory_space<vmem>> -> memref<1x32xf32, #tpu.memory_space<vmem>>
    %dma_start3A_1956 = arith.constant 0 : i32
    %dma_start3A_1957 = tpu.memref_slice %arg4[%squeeze3A_1947, %dma_start3A_1956] : memref<100001x32xf32, #tpu.memory_space<hbm>> -> memref<1x32xf32, #tpu.memory_space<hbm>>
    tpu.enqueue_dma source(%dma_start3A_1957 : memref<1x32xf32, #tpu.memory_space<hbm>>) target(%dma_start3A_1955 : memref<1x32xf32, #tpu.memory_space<vmem>>) target_semaphore(%arg13 : memref<!tpu.dma_semaphore, #tpu.memory_space<semaphore_mem>>)
    %slice3A_1958 = vector.extract_strided_slice %get3A_1801 {offsets = [13], sizes = [1], strides = [1]} : vector<16xi32> to vector<1xi32>
    %squeeze3A_1959 = vector.extract %slice3A_1958[0] : i32 from vector<1xi32>
    %dma_start3A_1960 = arith.constant 93 : i32
    %dma_start3A_1961 = arith.constant 0 : i32
    %dma_start3A_1962 = tpu.memref_slice %arg11[%dma_start3A_1960, %dma_start3A_1961] : memref<96x32xf32, #tpu.memory_space<vmem>> -> memref<1x32xf32, #tpu.memory_space<vmem>>
    %dma_start3A_1963 = arith.constant 0 : i32
    %dma_start3A_1964 = tpu.memref_slice %arg4[%squeeze3A_1959, %dma_start3A_1963] : memref<100001x32xf32, #tpu.memory_space<hbm>> -> memref<1x32xf32, #tpu.memory_space<hbm>>
    %dma_start3A_1965 = arith.constant 93 : i32
    %dma_start3A_1966 = arith.constant 0 : i32
    %dma_start3A_1967 = tpu.memref_slice %arg11[%dma_start3A_1965, %dma_start3A_1966] : memref<96x32xf32, #tpu.memory_space<vmem>> -> memref<1x32xf32, #tpu.memory_space<vmem>>
    %dma_start3A_1968 = arith.constant 0 : i32
    %dma_start3A_1969 = tpu.memref_slice %arg4[%squeeze3A_1959, %dma_start3A_1968] : memref<100001x32xf32, #tpu.memory_space<hbm>> -> memref<1x32xf32, #tpu.memory_space<hbm>>
    tpu.enqueue_dma source(%dma_start3A_1969 : memref<1x32xf32, #tpu.memory_space<hbm>>) target(%dma_start3A_1967 : memref<1x32xf32, #tpu.memory_space<vmem>>) target_semaphore(%arg13 : memref<!tpu.dma_semaphore, #tpu.memory_space<semaphore_mem>>)
    %slice3A_1970 = vector.extract_strided_slice %get3A_1801 {offsets = [14], sizes = [1], strides = [1]} : vector<16xi32> to vector<1xi32>
    %squeeze3A_1971 = vector.extract %slice3A_1970[0] : i32 from vector<1xi32>
    %dma_start3A_1972 = arith.constant 94 : i32
    %dma_start3A_1973 = arith.constant 0 : i32
    %dma_start3A_1974 = tpu.memref_slice %arg11[%dma_start3A_1972, %dma_start3A_1973] : memref<96x32xf32, #tpu.memory_space<vmem>> -> memref<1x32xf32, #tpu.memory_space<vmem>>
    %dma_start3A_1975 = arith.constant 0 : i32
    %dma_start3A_1976 = tpu.memref_slice %arg4[%squeeze3A_1971, %dma_start3A_1975] : memref<100001x32xf32, #tpu.memory_space<hbm>> -> memref<1x32xf32, #tpu.memory_space<hbm>>
    %dma_start3A_1977 = arith.constant 94 : i32
    %dma_start3A_1978 = arith.constant 0 : i32
    %dma_start3A_1979 = tpu.memref_slice %arg11[%dma_start3A_1977, %dma_start3A_1978] : memref<96x32xf32, #tpu.memory_space<vmem>> -> memref<1x32xf32, #tpu.memory_space<vmem>>
    %dma_start3A_1980 = arith.constant 0 : i32
    %dma_start3A_1981 = tpu.memref_slice %arg4[%squeeze3A_1971, %dma_start3A_1980] : memref<100001x32xf32, #tpu.memory_space<hbm>> -> memref<1x32xf32, #tpu.memory_space<hbm>>
    tpu.enqueue_dma source(%dma_start3A_1981 : memref<1x32xf32, #tpu.memory_space<hbm>>) target(%dma_start3A_1979 : memref<1x32xf32, #tpu.memory_space<vmem>>) target_semaphore(%arg13 : memref<!tpu.dma_semaphore, #tpu.memory_space<semaphore_mem>>)
    %slice3A_1982 = vector.extract_strided_slice %get3A_1801 {offsets = [15], sizes = [1], strides = [1]} : vector<16xi32> to vector<1xi32>
    %squeeze3A_1983 = vector.extract %slice3A_1982[0] : i32 from vector<1xi32>
    %dma_start3A_1984 = arith.constant 95 : i32
    %dma_start3A_1985 = arith.constant 0 : i32
    %dma_start3A_1986 = tpu.memref_slice %arg11[%dma_start3A_1984, %dma_start3A_1985] : memref<96x32xf32, #tpu.memory_space<vmem>> -> memref<1x32xf32, #tpu.memory_space<vmem>>
    %dma_start3A_1987 = arith.constant 0 : i32
    %dma_start3A_1988 = tpu.memref_slice %arg4[%squeeze3A_1983, %dma_start3A_1987] : memref<100001x32xf32, #tpu.memory_space<hbm>> -> memref<1x32xf32, #tpu.memory_space<hbm>>
    %dma_start3A_1989 = arith.constant 95 : i32
    %dma_start3A_1990 = arith.constant 0 : i32
    %dma_start3A_1991 = tpu.memref_slice %arg11[%dma_start3A_1989, %dma_start3A_1990] : memref<96x32xf32, #tpu.memory_space<vmem>> -> memref<1x32xf32, #tpu.memory_space<vmem>>
    %dma_start3A_1992 = arith.constant 0 : i32
    %dma_start3A_1993 = tpu.memref_slice %arg4[%squeeze3A_1983, %dma_start3A_1992] : memref<100001x32xf32, #tpu.memory_space<hbm>> -> memref<1x32xf32, #tpu.memory_space<hbm>>
    tpu.enqueue_dma source(%dma_start3A_1993 : memref<1x32xf32, #tpu.memory_space<hbm>>) target(%dma_start3A_1991 : memref<1x32xf32, #tpu.memory_space<vmem>>) target_semaphore(%arg13 : memref<!tpu.dma_semaphore, #tpu.memory_space<semaphore_mem>>)
    %dma_wait3A_1994 = arith.constant 80 : i32
    %dma_wait3A_1995 = arith.constant 0 : i32
    %dma_wait3A_1996 = tpu.memref_slice %arg11[%dma_wait3A_1994, %dma_wait3A_1995] : memref<96x32xf32, #tpu.memory_space<vmem>> -> memref<1x32xf32, #tpu.memory_space<vmem>>
    %dma_wait3A_1997 = arith.constant 0 : i32
    %dma_wait3A_1998 = tpu.memref_slice %arg4[%squeeze3A_1803, %dma_wait3A_1997] : memref<100001x32xf32, #tpu.memory_space<hbm>> -> memref<1x32xf32, #tpu.memory_space<hbm>>
    %dma_wait3A_1999 = arith.constant 80 : i32
    %dma_wait3A_2000 = arith.constant 0 : i32
    %dma_wait3A_2001 = tpu.memref_slice %arg11[%dma_wait3A_1999, %dma_wait3A_2000] : memref<96x32xf32, #tpu.memory_space<vmem>> -> memref<1x32xf32, #tpu.memory_space<vmem>>
    %dma_wait3A_2002 = arith.constant 0 : i32
    %dma_wait3A_2003 = tpu.memref_slice %arg4[%squeeze3A_1803, %dma_wait3A_2002] : memref<100001x32xf32, #tpu.memory_space<hbm>> -> memref<1x32xf32, #tpu.memory_space<hbm>>
    tpu.wait_dma2 semaphore(%arg13 : memref<!tpu.dma_semaphore, #tpu.memory_space<semaphore_mem>>) src(%dma_wait3A_2003 : memref<1x32xf32, #tpu.memory_space<hbm>>) dst(%dma_wait3A_2001 : memref<1x32xf32, #tpu.memory_space<vmem>>)
    %dma_wait3A_2004 = arith.constant 81 : i32
    %dma_wait3A_2005 = arith.constant 0 : i32
    %dma_wait3A_2006 = tpu.memref_slice %arg11[%dma_wait3A_2004, %dma_wait3A_2005] : memref<96x32xf32, #tpu.memory_space<vmem>> -> memref<1x32xf32, #tpu.memory_space<vmem>>
    %dma_wait3A_2007 = arith.constant 0 : i32
    %dma_wait3A_2008 = tpu.memref_slice %arg4[%squeeze3A_1815, %dma_wait3A_2007] : memref<100001x32xf32, #tpu.memory_space<hbm>> -> memref<1x32xf32, #tpu.memory_space<hbm>>
    %dma_wait3A_2009 = arith.constant 81 : i32
    %dma_wait3A_2010 = arith.constant 0 : i32
    %dma_wait3A_2011 = tpu.memref_slice %arg11[%dma_wait3A_2009, %dma_wait3A_2010] : memref<96x32xf32, #tpu.memory_space<vmem>> -> memref<1x32xf32, #tpu.memory_space<vmem>>
    %dma_wait3A_2012 = arith.constant 0 : i32
    %dma_wait3A_2013 = tpu.memref_slice %arg4[%squeeze3A_1815, %dma_wait3A_2012] : memref<100001x32xf32, #tpu.memory_space<hbm>> -> memref<1x32xf32, #tpu.memory_space<hbm>>
    tpu.wait_dma2 semaphore(%arg13 : memref<!tpu.dma_semaphore, #tpu.memory_space<semaphore_mem>>) src(%dma_wait3A_2013 : memref<1x32xf32, #tpu.memory_space<hbm>>) dst(%dma_wait3A_2011 : memref<1x32xf32, #tpu.memory_space<vmem>>)
    %dma_wait3A_2014 = arith.constant 82 : i32
    %dma_wait3A_2015 = arith.constant 0 : i32
    %dma_wait3A_2016 = tpu.memref_slice %arg11[%dma_wait3A_2014, %dma_wait3A_2015] : memref<96x32xf32, #tpu.memory_space<vmem>> -> memref<1x32xf32, #tpu.memory_space<vmem>>
    %dma_wait3A_2017 = arith.constant 0 : i32
    %dma_wait3A_2018 = tpu.memref_slice %arg4[%squeeze3A_1827, %dma_wait3A_2017] : memref<100001x32xf32, #tpu.memory_space<hbm>> -> memref<1x32xf32, #tpu.memory_space<hbm>>
    %dma_wait3A_2019 = arith.constant 82 : i32
    %dma_wait3A_2020 = arith.constant 0 : i32
    %dma_wait3A_2021 = tpu.memref_slice %arg11[%dma_wait3A_2019, %dma_wait3A_2020] : memref<96x32xf32, #tpu.memory_space<vmem>> -> memref<1x32xf32, #tpu.memory_space<vmem>>
    %dma_wait3A_2022 = arith.constant 0 : i32
    %dma_wait3A_2023 = tpu.memref_slice %arg4[%squeeze3A_1827, %dma_wait3A_2022] : memref<100001x32xf32, #tpu.memory_space<hbm>> -> memref<1x32xf32, #tpu.memory_space<hbm>>
    tpu.wait_dma2 semaphore(%arg13 : memref<!tpu.dma_semaphore, #tpu.memory_space<semaphore_mem>>) src(%dma_wait3A_2023 : memref<1x32xf32, #tpu.memory_space<hbm>>) dst(%dma_wait3A_2021 : memref<1x32xf32, #tpu.memory_space<vmem>>)
    %dma_wait3A_2024 = arith.constant 83 : i32
    %dma_wait3A_2025 = arith.constant 0 : i32
    %dma_wait3A_2026 = tpu.memref_slice %arg11[%dma_wait3A_2024, %dma_wait3A_2025] : memref<96x32xf32, #tpu.memory_space<vmem>> -> memref<1x32xf32, #tpu.memory_space<vmem>>
    %dma_wait3A_2027 = arith.constant 0 : i32
    %dma_wait3A_2028 = tpu.memref_slice %arg4[%squeeze3A_1839, %dma_wait3A_2027] : memref<100001x32xf32, #tpu.memory_space<hbm>> -> memref<1x32xf32, #tpu.memory_space<hbm>>
    %dma_wait3A_2029 = arith.constant 83 : i32
    %dma_wait3A_2030 = arith.constant 0 : i32
    %dma_wait3A_2031 = tpu.memref_slice %arg11[%dma_wait3A_2029, %dma_wait3A_2030] : memref<96x32xf32, #tpu.memory_space<vmem>> -> memref<1x32xf32, #tpu.memory_space<vmem>>
    %dma_wait3A_2032 = arith.constant 0 : i32
    %dma_wait3A_2033 = tpu.memref_slice %arg4[%squeeze3A_1839, %dma_wait3A_2032] : memref<100001x32xf32, #tpu.memory_space<hbm>> -> memref<1x32xf32, #tpu.memory_space<hbm>>
    tpu.wait_dma2 semaphore(%arg13 : memref<!tpu.dma_semaphore, #tpu.memory_space<semaphore_mem>>) src(%dma_wait3A_2033 : memref<1x32xf32, #tpu.memory_space<hbm>>) dst(%dma_wait3A_2031 : memref<1x32xf32, #tpu.memory_space<vmem>>)
    %dma_wait3A_2034 = arith.constant 84 : i32
    %dma_wait3A_2035 = arith.constant 0 : i32
    %dma_wait3A_2036 = tpu.memref_slice %arg11[%dma_wait3A_2034, %dma_wait3A_2035] : memref<96x32xf32, #tpu.memory_space<vmem>> -> memref<1x32xf32, #tpu.memory_space<vmem>>
    %dma_wait3A_2037 = arith.constant 0 : i32
    %dma_wait3A_2038 = tpu.memref_slice %arg4[%squeeze3A_1851, %dma_wait3A_2037] : memref<100001x32xf32, #tpu.memory_space<hbm>> -> memref<1x32xf32, #tpu.memory_space<hbm>>
    %dma_wait3A_2039 = arith.constant 84 : i32
    %dma_wait3A_2040 = arith.constant 0 : i32
    %dma_wait3A_2041 = tpu.memref_slice %arg11[%dma_wait3A_2039, %dma_wait3A_2040] : memref<96x32xf32, #tpu.memory_space<vmem>> -> memref<1x32xf32, #tpu.memory_space<vmem>>
    %dma_wait3A_2042 = arith.constant 0 : i32
    %dma_wait3A_2043 = tpu.memref_slice %arg4[%squeeze3A_1851, %dma_wait3A_2042] : memref<100001x32xf32, #tpu.memory_space<hbm>> -> memref<1x32xf32, #tpu.memory_space<hbm>>
    tpu.wait_dma2 semaphore(%arg13 : memref<!tpu.dma_semaphore, #tpu.memory_space<semaphore_mem>>) src(%dma_wait3A_2043 : memref<1x32xf32, #tpu.memory_space<hbm>>) dst(%dma_wait3A_2041 : memref<1x32xf32, #tpu.memory_space<vmem>>)
    %dma_wait3A_2044 = arith.constant 85 : i32
    %dma_wait3A_2045 = arith.constant 0 : i32
    %dma_wait3A_2046 = tpu.memref_slice %arg11[%dma_wait3A_2044, %dma_wait3A_2045] : memref<96x32xf32, #tpu.memory_space<vmem>> -> memref<1x32xf32, #tpu.memory_space<vmem>>
    %dma_wait3A_2047 = arith.constant 0 : i32
    %dma_wait3A_2048 = tpu.memref_slice %arg4[%squeeze3A_1863, %dma_wait3A_2047] : memref<100001x32xf32, #tpu.memory_space<hbm>> -> memref<1x32xf32, #tpu.memory_space<hbm>>
    %dma_wait3A_2049 = arith.constant 85 : i32
    %dma_wait3A_2050 = arith.constant 0 : i32
    %dma_wait3A_2051 = tpu.memref_slice %arg11[%dma_wait3A_2049, %dma_wait3A_2050] : memref<96x32xf32, #tpu.memory_space<vmem>> -> memref<1x32xf32, #tpu.memory_space<vmem>>
    %dma_wait3A_2052 = arith.constant 0 : i32
    %dma_wait3A_2053 = tpu.memref_slice %arg4[%squeeze3A_1863, %dma_wait3A_2052] : memref<100001x32xf32, #tpu.memory_space<hbm>> -> memref<1x32xf32, #tpu.memory_space<hbm>>
    tpu.wait_dma2 semaphore(%arg13 : memref<!tpu.dma_semaphore, #tpu.memory_space<semaphore_mem>>) src(%dma_wait3A_2053 : memref<1x32xf32, #tpu.memory_space<hbm>>) dst(%dma_wait3A_2051 : memref<1x32xf32, #tpu.memory_space<vmem>>)
    %dma_wait3A_2054 = arith.constant 86 : i32
    %dma_wait3A_2055 = arith.constant 0 : i32
    %dma_wait3A_2056 = tpu.memref_slice %arg11[%dma_wait3A_2054, %dma_wait3A_2055] : memref<96x32xf32, #tpu.memory_space<vmem>> -> memref<1x32xf32, #tpu.memory_space<vmem>>
    %dma_wait3A_2057 = arith.constant 0 : i32
    %dma_wait3A_2058 = tpu.memref_slice %arg4[%squeeze3A_1875, %dma_wait3A_2057] : memref<100001x32xf32, #tpu.memory_space<hbm>> -> memref<1x32xf32, #tpu.memory_space<hbm>>
    %dma_wait3A_2059 = arith.constant 86 : i32
    %dma_wait3A_2060 = arith.constant 0 : i32
    %dma_wait3A_2061 = tpu.memref_slice %arg11[%dma_wait3A_2059, %dma_wait3A_2060] : memref<96x32xf32, #tpu.memory_space<vmem>> -> memref<1x32xf32, #tpu.memory_space<vmem>>
    %dma_wait3A_2062 = arith.constant 0 : i32
    %dma_wait3A_2063 = tpu.memref_slice %arg4[%squeeze3A_1875, %dma_wait3A_2062] : memref<100001x32xf32, #tpu.memory_space<hbm>> -> memref<1x32xf32, #tpu.memory_space<hbm>>
    tpu.wait_dma2 semaphore(%arg13 : memref<!tpu.dma_semaphore, #tpu.memory_space<semaphore_mem>>) src(%dma_wait3A_2063 : memref<1x32xf32, #tpu.memory_space<hbm>>) dst(%dma_wait3A_2061 : memref<1x32xf32, #tpu.memory_space<vmem>>)
    %dma_wait3A_2064 = arith.constant 87 : i32
    %dma_wait3A_2065 = arith.constant 0 : i32
    %dma_wait3A_2066 = tpu.memref_slice %arg11[%dma_wait3A_2064, %dma_wait3A_2065] : memref<96x32xf32, #tpu.memory_space<vmem>> -> memref<1x32xf32, #tpu.memory_space<vmem>>
    %dma_wait3A_2067 = arith.constant 0 : i32
    %dma_wait3A_2068 = tpu.memref_slice %arg4[%squeeze3A_1887, %dma_wait3A_2067] : memref<100001x32xf32, #tpu.memory_space<hbm>> -> memref<1x32xf32, #tpu.memory_space<hbm>>
    %dma_wait3A_2069 = arith.constant 87 : i32
    %dma_wait3A_2070 = arith.constant 0 : i32
    %dma_wait3A_2071 = tpu.memref_slice %arg11[%dma_wait3A_2069, %dma_wait3A_2070] : memref<96x32xf32, #tpu.memory_space<vmem>> -> memref<1x32xf32, #tpu.memory_space<vmem>>
    %dma_wait3A_2072 = arith.constant 0 : i32
    %dma_wait3A_2073 = tpu.memref_slice %arg4[%squeeze3A_1887, %dma_wait3A_2072] : memref<100001x32xf32, #tpu.memory_space<hbm>> -> memref<1x32xf32, #tpu.memory_space<hbm>>
    tpu.wait_dma2 semaphore(%arg13 : memref<!tpu.dma_semaphore, #tpu.memory_space<semaphore_mem>>) src(%dma_wait3A_2073 : memref<1x32xf32, #tpu.memory_space<hbm>>) dst(%dma_wait3A_2071 : memref<1x32xf32, #tpu.memory_space<vmem>>)
    %dma_wait3A_2074 = arith.constant 88 : i32
    %dma_wait3A_2075 = arith.constant 0 : i32
    %dma_wait3A_2076 = tpu.memref_slice %arg11[%dma_wait3A_2074, %dma_wait3A_2075] : memref<96x32xf32, #tpu.memory_space<vmem>> -> memref<1x32xf32, #tpu.memory_space<vmem>>
    %dma_wait3A_2077 = arith.constant 0 : i32
    %dma_wait3A_2078 = tpu.memref_slice %arg4[%squeeze3A_1899, %dma_wait3A_2077] : memref<100001x32xf32, #tpu.memory_space<hbm>> -> memref<1x32xf32, #tpu.memory_space<hbm>>
    %dma_wait3A_2079 = arith.constant 88 : i32
    %dma_wait3A_2080 = arith.constant 0 : i32
    %dma_wait3A_2081 = tpu.memref_slice %arg11[%dma_wait3A_2079, %dma_wait3A_2080] : memref<96x32xf32, #tpu.memory_space<vmem>> -> memref<1x32xf32, #tpu.memory_space<vmem>>
    %dma_wait3A_2082 = arith.constant 0 : i32
    %dma_wait3A_2083 = tpu.memref_slice %arg4[%squeeze3A_1899, %dma_wait3A_2082] : memref<100001x32xf32, #tpu.memory_space<hbm>> -> memref<1x32xf32, #tpu.memory_space<hbm>>
    tpu.wait_dma2 semaphore(%arg13 : memref<!tpu.dma_semaphore, #tpu.memory_space<semaphore_mem>>) src(%dma_wait3A_2083 : memref<1x32xf32, #tpu.memory_space<hbm>>) dst(%dma_wait3A_2081 : memref<1x32xf32, #tpu.memory_space<vmem>>)
    %dma_wait3A_2084 = arith.constant 89 : i32
    %dma_wait3A_2085 = arith.constant 0 : i32
    %dma_wait3A_2086 = tpu.memref_slice %arg11[%dma_wait3A_2084, %dma_wait3A_2085] : memref<96x32xf32, #tpu.memory_space<vmem>> -> memref<1x32xf32, #tpu.memory_space<vmem>>
    %dma_wait3A_2087 = arith.constant 0 : i32
    %dma_wait3A_2088 = tpu.memref_slice %arg4[%squeeze3A_1911, %dma_wait3A_2087] : memref<100001x32xf32, #tpu.memory_space<hbm>> -> memref<1x32xf32, #tpu.memory_space<hbm>>
    %dma_wait3A_2089 = arith.constant 89 : i32
    %dma_wait3A_2090 = arith.constant 0 : i32
    %dma_wait3A_2091 = tpu.memref_slice %arg11[%dma_wait3A_2089, %dma_wait3A_2090] : memref<96x32xf32, #tpu.memory_space<vmem>> -> memref<1x32xf32, #tpu.memory_space<vmem>>
    %dma_wait3A_2092 = arith.constant 0 : i32
    %dma_wait3A_2093 = tpu.memref_slice %arg4[%squeeze3A_1911, %dma_wait3A_2092] : memref<100001x32xf32, #tpu.memory_space<hbm>> -> memref<1x32xf32, #tpu.memory_space<hbm>>
    tpu.wait_dma2 semaphore(%arg13 : memref<!tpu.dma_semaphore, #tpu.memory_space<semaphore_mem>>) src(%dma_wait3A_2093 : memref<1x32xf32, #tpu.memory_space<hbm>>) dst(%dma_wait3A_2091 : memref<1x32xf32, #tpu.memory_space<vmem>>)
    %dma_wait3A_2094 = arith.constant 90 : i32
    %dma_wait3A_2095 = arith.constant 0 : i32
    %dma_wait3A_2096 = tpu.memref_slice %arg11[%dma_wait3A_2094, %dma_wait3A_2095] : memref<96x32xf32, #tpu.memory_space<vmem>> -> memref<1x32xf32, #tpu.memory_space<vmem>>
    %dma_wait3A_2097 = arith.constant 0 : i32
    %dma_wait3A_2098 = tpu.memref_slice %arg4[%squeeze3A_1923, %dma_wait3A_2097] : memref<100001x32xf32, #tpu.memory_space<hbm>> -> memref<1x32xf32, #tpu.memory_space<hbm>>
    %dma_wait3A_2099 = arith.constant 90 : i32
    %dma_wait3A_2100 = arith.constant 0 : i32
    %dma_wait3A_2101 = tpu.memref_slice %arg11[%dma_wait3A_2099, %dma_wait3A_2100] : memref<96x32xf32, #tpu.memory_space<vmem>> -> memref<1x32xf32, #tpu.memory_space<vmem>>
    %dma_wait3A_2102 = arith.constant 0 : i32
    %dma_wait3A_2103 = tpu.memref_slice %arg4[%squeeze3A_1923, %dma_wait3A_2102] : memref<100001x32xf32, #tpu.memory_space<hbm>> -> memref<1x32xf32, #tpu.memory_space<hbm>>
    tpu.wait_dma2 semaphore(%arg13 : memref<!tpu.dma_semaphore, #tpu.memory_space<semaphore_mem>>) src(%dma_wait3A_2103 : memref<1x32xf32, #tpu.memory_space<hbm>>) dst(%dma_wait3A_2101 : memref<1x32xf32, #tpu.memory_space<vmem>>)
    %dma_wait3A_2104 = arith.constant 91 : i32
    %dma_wait3A_2105 = arith.constant 0 : i32
    %dma_wait3A_2106 = tpu.memref_slice %arg11[%dma_wait3A_2104, %dma_wait3A_2105] : memref<96x32xf32, #tpu.memory_space<vmem>> -> memref<1x32xf32, #tpu.memory_space<vmem>>
    %dma_wait3A_2107 = arith.constant 0 : i32
    %dma_wait3A_2108 = tpu.memref_slice %arg4[%squeeze3A_1935, %dma_wait3A_2107] : memref<100001x32xf32, #tpu.memory_space<hbm>> -> memref<1x32xf32, #tpu.memory_space<hbm>>
    %dma_wait3A_2109 = arith.constant 91 : i32
    %dma_wait3A_2110 = arith.constant 0 : i32
    %dma_wait3A_2111 = tpu.memref_slice %arg11[%dma_wait3A_2109, %dma_wait3A_2110] : memref<96x32xf32, #tpu.memory_space<vmem>> -> memref<1x32xf32, #tpu.memory_space<vmem>>
    %dma_wait3A_2112 = arith.constant 0 : i32
    %dma_wait3A_2113 = tpu.memref_slice %arg4[%squeeze3A_1935, %dma_wait3A_2112] : memref<100001x32xf32, #tpu.memory_space<hbm>> -> memref<1x32xf32, #tpu.memory_space<hbm>>
    tpu.wait_dma2 semaphore(%arg13 : memref<!tpu.dma_semaphore, #tpu.memory_space<semaphore_mem>>) src(%dma_wait3A_2113 : memref<1x32xf32, #tpu.memory_space<hbm>>) dst(%dma_wait3A_2111 : memref<1x32xf32, #tpu.memory_space<vmem>>)
    %dma_wait3A_2114 = arith.constant 92 : i32
    %dma_wait3A_2115 = arith.constant 0 : i32
    %dma_wait3A_2116 = tpu.memref_slice %arg11[%dma_wait3A_2114, %dma_wait3A_2115] : memref<96x32xf32, #tpu.memory_space<vmem>> -> memref<1x32xf32, #tpu.memory_space<vmem>>
    %dma_wait3A_2117 = arith.constant 0 : i32
    %dma_wait3A_2118 = tpu.memref_slice %arg4[%squeeze3A_1947, %dma_wait3A_2117] : memref<100001x32xf32, #tpu.memory_space<hbm>> -> memref<1x32xf32, #tpu.memory_space<hbm>>
    %dma_wait3A_2119 = arith.constant 92 : i32
    %dma_wait3A_2120 = arith.constant 0 : i32
    %dma_wait3A_2121 = tpu.memref_slice %arg11[%dma_wait3A_2119, %dma_wait3A_2120] : memref<96x32xf32, #tpu.memory_space<vmem>> -> memref<1x32xf32, #tpu.memory_space<vmem>>
    %dma_wait3A_2122 = arith.constant 0 : i32
    %dma_wait3A_2123 = tpu.memref_slice %arg4[%squeeze3A_1947, %dma_wait3A_2122] : memref<100001x32xf32, #tpu.memory_space<hbm>> -> memref<1x32xf32, #tpu.memory_space<hbm>>
    tpu.wait_dma2 semaphore(%arg13 : memref<!tpu.dma_semaphore, #tpu.memory_space<semaphore_mem>>) src(%dma_wait3A_2123 : memref<1x32xf32, #tpu.memory_space<hbm>>) dst(%dma_wait3A_2121 : memref<1x32xf32, #tpu.memory_space<vmem>>)
    %dma_wait3A_2124 = arith.constant 93 : i32
    %dma_wait3A_2125 = arith.constant 0 : i32
    %dma_wait3A_2126 = tpu.memref_slice %arg11[%dma_wait3A_2124, %dma_wait3A_2125] : memref<96x32xf32, #tpu.memory_space<vmem>> -> memref<1x32xf32, #tpu.memory_space<vmem>>
    %dma_wait3A_2127 = arith.constant 0 : i32
    %dma_wait3A_2128 = tpu.memref_slice %arg4[%squeeze3A_1959, %dma_wait3A_2127] : memref<100001x32xf32, #tpu.memory_space<hbm>> -> memref<1x32xf32, #tpu.memory_space<hbm>>
    %dma_wait3A_2129 = arith.constant 93 : i32
    %dma_wait3A_2130 = arith.constant 0 : i32
    %dma_wait3A_2131 = tpu.memref_slice %arg11[%dma_wait3A_2129, %dma_wait3A_2130] : memref<96x32xf32, #tpu.memory_space<vmem>> -> memref<1x32xf32, #tpu.memory_space<vmem>>
    %dma_wait3A_2132 = arith.constant 0 : i32
    %dma_wait3A_2133 = tpu.memref_slice %arg4[%squeeze3A_1959, %dma_wait3A_2132] : memref<100001x32xf32, #tpu.memory_space<hbm>> -> memref<1x32xf32, #tpu.memory_space<hbm>>
    tpu.wait_dma2 semaphore(%arg13 : memref<!tpu.dma_semaphore, #tpu.memory_space<semaphore_mem>>) src(%dma_wait3A_2133 : memref<1x32xf32, #tpu.memory_space<hbm>>) dst(%dma_wait3A_2131 : memref<1x32xf32, #tpu.memory_space<vmem>>)
    %dma_wait3A_2134 = arith.constant 94 : i32
    %dma_wait3A_2135 = arith.constant 0 : i32
    %dma_wait3A_2136 = tpu.memref_slice %arg11[%dma_wait3A_2134, %dma_wait3A_2135] : memref<96x32xf32, #tpu.memory_space<vmem>> -> memref<1x32xf32, #tpu.memory_space<vmem>>
    %dma_wait3A_2137 = arith.constant 0 : i32
    %dma_wait3A_2138 = tpu.memref_slice %arg4[%squeeze3A_1971, %dma_wait3A_2137] : memref<100001x32xf32, #tpu.memory_space<hbm>> -> memref<1x32xf32, #tpu.memory_space<hbm>>
    %dma_wait3A_2139 = arith.constant 94 : i32
    %dma_wait3A_2140 = arith.constant 0 : i32
    %dma_wait3A_2141 = tpu.memref_slice %arg11[%dma_wait3A_2139, %dma_wait3A_2140] : memref<96x32xf32, #tpu.memory_space<vmem>> -> memref<1x32xf32, #tpu.memory_space<vmem>>
    %dma_wait3A_2142 = arith.constant 0 : i32
    %dma_wait3A_2143 = tpu.memref_slice %arg4[%squeeze3A_1971, %dma_wait3A_2142] : memref<100001x32xf32, #tpu.memory_space<hbm>> -> memref<1x32xf32, #tpu.memory_space<hbm>>
    tpu.wait_dma2 semaphore(%arg13 : memref<!tpu.dma_semaphore, #tpu.memory_space<semaphore_mem>>) src(%dma_wait3A_2143 : memref<1x32xf32, #tpu.memory_space<hbm>>) dst(%dma_wait3A_2141 : memref<1x32xf32, #tpu.memory_space<vmem>>)
    %dma_wait3A_2144 = arith.constant 95 : i32
    %dma_wait3A_2145 = arith.constant 0 : i32
    %dma_wait3A_2146 = tpu.memref_slice %arg11[%dma_wait3A_2144, %dma_wait3A_2145] : memref<96x32xf32, #tpu.memory_space<vmem>> -> memref<1x32xf32, #tpu.memory_space<vmem>>
    %dma_wait3A_2147 = arith.constant 0 : i32
    %dma_wait3A_2148 = tpu.memref_slice %arg4[%squeeze3A_1983, %dma_wait3A_2147] : memref<100001x32xf32, #tpu.memory_space<hbm>> -> memref<1x32xf32, #tpu.memory_space<hbm>>
    %dma_wait3A_2149 = arith.constant 95 : i32
    %dma_wait3A_2150 = arith.constant 0 : i32
    %dma_wait3A_2151 = tpu.memref_slice %arg11[%dma_wait3A_2149, %dma_wait3A_2150] : memref<96x32xf32, #tpu.memory_space<vmem>> -> memref<1x32xf32, #tpu.memory_space<vmem>>
    %dma_wait3A_2152 = arith.constant 0 : i32
    %dma_wait3A_2153 = tpu.memref_slice %arg4[%squeeze3A_1983, %dma_wait3A_2152] : memref<100001x32xf32, #tpu.memory_space<hbm>> -> memref<1x32xf32, #tpu.memory_space<hbm>>
    tpu.wait_dma2 semaphore(%arg13 : memref<!tpu.dma_semaphore, #tpu.memory_space<semaphore_mem>>) src(%dma_wait3A_2153 : memref<1x32xf32, #tpu.memory_space<hbm>>) dst(%dma_wait3A_2151 : memref<1x32xf32, #tpu.memory_space<vmem>>)
    "tpu.region"() ({
      %run_scoped3A = tpu.sem_alloc : memref<!tpu.dma_semaphore, #tpu.memory_space<semaphore_mem>>
      %dma_start3A_2178 = arith.constant 0 : i32
      %dma_start3A_2179 = tpu.memref_slice %arg7[%mul3A_4, %dma_start3A_2178] : memref<3072x32xf32, #tpu.memory_space<hbm>> -> memref<96x32xf32, #tpu.memory_space<hbm>>
      %dma_start3A_2180 = arith.constant 0 : i32
      %dma_start3A_2181 = tpu.memref_slice %arg7[%mul3A_4, %dma_start3A_2180] : memref<3072x32xf32, #tpu.memory_space<hbm>> -> memref<96x32xf32, #tpu.memory_space<hbm>>
      tpu.enqueue_dma source(%arg11 : memref<96x32xf32, #tpu.memory_space<vmem>>) target(%dma_start3A_2181 : memref<96x32xf32, #tpu.memory_space<hbm>>) target_semaphore(%run_scoped3A : memref<!tpu.dma_semaphore, #tpu.memory_space<semaphore_mem>>)
      %dma_wait3A_2182 = arith.constant 0 : i32
      %dma_wait3A_2183 = tpu.memref_slice %arg7[%mul3A_4, %dma_wait3A_2182] : memref<3072x32xf32, #tpu.memory_space<hbm>> -> memref<96x32xf32, #tpu.memory_space<hbm>>
      %dma_wait3A_2184 = arith.constant 0 : i32
      %dma_wait3A_2185 = tpu.memref_slice %arg7[%mul3A_4, %dma_wait3A_2184] : memref<3072x32xf32, #tpu.memory_space<hbm>> -> memref<96x32xf32, #tpu.memory_space<hbm>>
      tpu.wait_dma2 semaphore(%run_scoped3A : memref<!tpu.dma_semaphore, #tpu.memory_space<semaphore_mem>>) src(%arg11 : memref<96x32xf32, #tpu.memory_space<vmem>>) dst(%dma_wait3A_2185 : memref<96x32xf32, #tpu.memory_space<hbm>>)
      tpu.yield
    }) : () -> ()
    %dma_wait3A_2154 = arith.constant 0 : i32
    %dma_wait3A_2155 = arith.constant 0 : i32
    %dma_wait3A_2156 = tpu.memref_slice %arg9[%dma_wait3A_2154, %dma_wait3A_2155] : memref<320x256xf32, #tpu.memory_space<vmem>> -> memref<128x256xf32, #tpu.memory_space<vmem>>
    %dma_wait3A_2157 = arith.constant 0 : i32
    %dma_wait3A_2158 = tpu.memref_slice %arg8[%dma_wait3A_2157] : memref<320xi32, #tpu.memory_space<vmem>> -> memref<128xi32, #tpu.memory_space<vmem>>
    %dma_wait3A_2159 = arith.constant 0 : i32
    %dma_wait3A_2160 = arith.constant 0 : i32
    %dma_wait3A_2161 = tpu.memref_slice %arg2[%dma_wait3A_2159, %dma_wait3A_2160] : memref<20001x256xf32, #tpu.memory_space<hbm>> -> memref<20001x256xf32, #tpu.memory_space<hbm>>
    tpu.wait_indirect_dma semaphore(%arg12 : memref<!tpu.dma_semaphore, #tpu.memory_space<semaphore_mem>>) src(%dma_wait3A_2161 : memref<20001x256xf32, #tpu.memory_space<hbm>>) dst(%dma_wait3A_2156 : memref<128x256xf32, #tpu.memory_space<vmem>>)
    %dma_wait3A_2162 = arith.constant 128 : i32
    %dma_wait3A_2163 = arith.constant 0 : i32
    %dma_wait3A_2164 = tpu.memref_slice %arg9[%dma_wait3A_2162, %dma_wait3A_2163] : memref<320x256xf32, #tpu.memory_space<vmem>> -> memref<128x256xf32, #tpu.memory_space<vmem>>
    %dma_wait3A_2165 = arith.constant 128 : i32
    %dma_wait3A_2166 = tpu.memref_slice %arg8[%dma_wait3A_2165] : memref<320xi32, #tpu.memory_space<vmem>> -> memref<128xi32, #tpu.memory_space<vmem>>
    %dma_wait3A_2167 = arith.constant 0 : i32
    %dma_wait3A_2168 = arith.constant 0 : i32
    %dma_wait3A_2169 = tpu.memref_slice %arg2[%dma_wait3A_2167, %dma_wait3A_2168] : memref<20001x256xf32, #tpu.memory_space<hbm>> -> memref<20001x256xf32, #tpu.memory_space<hbm>>
    tpu.wait_indirect_dma semaphore(%arg12 : memref<!tpu.dma_semaphore, #tpu.memory_space<semaphore_mem>>) src(%dma_wait3A_2169 : memref<20001x256xf32, #tpu.memory_space<hbm>>) dst(%dma_wait3A_2164 : memref<128x256xf32, #tpu.memory_space<vmem>>)
    %dma_wait3A_2170 = arith.constant 256 : i32
    %dma_wait3A_2171 = arith.constant 0 : i32
    %dma_wait3A_2172 = tpu.memref_slice %arg9[%dma_wait3A_2170, %dma_wait3A_2171] : memref<320x256xf32, #tpu.memory_space<vmem>> -> memref<64x256xf32, #tpu.memory_space<vmem>>
    %dma_wait3A_2173 = arith.constant 256 : i32
    %dma_wait3A_2174 = tpu.memref_slice %arg8[%dma_wait3A_2173] : memref<320xi32, #tpu.memory_space<vmem>> -> memref<64xi32, #tpu.memory_space<vmem>>
    %dma_wait3A_2175 = arith.constant 0 : i32
    %dma_wait3A_2176 = arith.constant 0 : i32
    %dma_wait3A_2177 = tpu.memref_slice %arg2[%dma_wait3A_2175, %dma_wait3A_2176] : memref<20001x256xf32, #tpu.memory_space<hbm>> -> memref<20001x256xf32, #tpu.memory_space<hbm>>
    tpu.wait_indirect_dma semaphore(%arg12 : memref<!tpu.dma_semaphore, #tpu.memory_space<semaphore_mem>>) src(%dma_wait3A_2177 : memref<20001x256xf32, #tpu.memory_space<hbm>>) dst(%dma_wait3A_2172 : memref<64x256xf32, #tpu.memory_space<vmem>>)
    "tpu.region"() ({
      %run_scoped3A = tpu.sem_alloc : memref<!tpu.dma_semaphore, #tpu.memory_space<semaphore_mem>>
      %dma_start3A_2178 = arith.constant 0 : i32
      %dma_start3A_2179 = tpu.memref_slice %arg6[%mul3A_2, %dma_start3A_2178] : memref<10240x256xf32, #tpu.memory_space<hbm>> -> memref<320x256xf32, #tpu.memory_space<hbm>>
      %dma_start3A_2180 = arith.constant 0 : i32
      %dma_start3A_2181 = tpu.memref_slice %arg6[%mul3A_2, %dma_start3A_2180] : memref<10240x256xf32, #tpu.memory_space<hbm>> -> memref<320x256xf32, #tpu.memory_space<hbm>>
      tpu.enqueue_dma source(%arg9 : memref<320x256xf32, #tpu.memory_space<vmem>>) target(%dma_start3A_2181 : memref<320x256xf32, #tpu.memory_space<hbm>>) target_semaphore(%run_scoped3A : memref<!tpu.dma_semaphore, #tpu.memory_space<semaphore_mem>>)
      %dma_wait3A_2182 = arith.constant 0 : i32
      %dma_wait3A_2183 = tpu.memref_slice %arg6[%mul3A_2, %dma_wait3A_2182] : memref<10240x256xf32, #tpu.memory_space<hbm>> -> memref<320x256xf32, #tpu.memory_space<hbm>>
      %dma_wait3A_2184 = arith.constant 0 : i32
      %dma_wait3A_2185 = tpu.memref_slice %arg6[%mul3A_2, %dma_wait3A_2184] : memref<10240x256xf32, #tpu.memory_space<hbm>> -> memref<320x256xf32, #tpu.memory_space<hbm>>
      tpu.wait_dma2 semaphore(%run_scoped3A : memref<!tpu.dma_semaphore, #tpu.memory_space<semaphore_mem>>) src(%arg9 : memref<320x256xf32, #tpu.memory_space<vmem>>) dst(%dma_wait3A_2185 : memref<320x256xf32, #tpu.memory_space<hbm>>)
      tpu.yield
    }) : () -> ()
    return
  }
}

module attributes {stable_mosaic.version = 14 : i64} {
  func.func @_score_body(%arg0: i32, %arg1: memref<512x1xi32, #tpu.memory_space<vmem>>, %arg2: memref<512x1xi32, #tpu.memory_space<vmem>>, %arg3: memref<512x1xi32, #tpu.memory_space<vmem>>, %arg4: memref<512x256xf32, #tpu.memory_space<vmem>>, %arg5: memref<512x128xf32, #tpu.memory_space<vmem>>, %arg6: memref<512x1xf32, #tpu.memory_space<vmem>>) attributes {dimension_semantics = [#tpu.dimension_semantics<arbitrary>], iteration_bounds = array<i64: 8>, scalar_prefetch = 0 : i64, scratch_operands = 0 : i64, tpu.core_type = #tpu.core_type<tc>, window_params = [{transform_indices = @transform_0, window_bounds = array<i64: 512, 1>}, {transform_indices = @transform_1, window_bounds = array<i64: 512, 1>}, {transform_indices = @transform_2, window_bounds = array<i64: 512, 1>}, {pipeline_mode = #tpu.pipeline_mode<synchronous>, transform_indices = @transform_3, window_bounds = array<i64: 512, 256>}, {pipeline_mode = #tpu.pipeline_mode<synchronous>, transform_indices = @transform_4, window_bounds = array<i64: 512, 128>}, {transform_indices = @transform_5, window_bounds = array<i64: 512, 1>}]} {
    %iota3A = tpu.iota {dimensions = array<i32: 1>} : vector<512x512xi32>
    %get3A = arith.constant 0 : index
    %get3A_0 = arith.constant 0 : index
    %get3A_1 = vector.load %arg1[%get3A, %get3A_0] : memref<512x1xi32, #tpu.memory_space<vmem>>, vector<512x1xi32>
    %eq3A = vector.broadcast %get3A_1 : vector<512x1xi32> to vector<512x512xi32>
    %eq3A_2 = arith.cmpi eq, %eq3A, %iota3A : vector<512x512xi32>
    %jit3A = arith.constant 1.000000e+00 : f32
    %jit3A_3 = arith.constant 0.000000e+00 : f32
    %broadcast_in_dim3A = vector.broadcast %jit3A : f32 to vector<512x512xf32>
    %broadcast_in_dim3A_4 = vector.broadcast %jit3A_3 : f32 to vector<512x512xf32>
    %select_n3A = arith.select %eq3A_2, %broadcast_in_dim3A, %broadcast_in_dim3A_4 : vector<512x512xi1>, vector<512x512xf32>
    %get3A_5 = arith.constant 0 : index
    %get3A_6 = arith.constant 0 : index
    %get3A_7 = vector.load %arg4[%get3A_5, %get3A_6] : memref<512x256xf32, #tpu.memory_space<vmem>>, vector<512x256xf32>
    %dot_general3A = arith.constant dense<0.000000e+00> : vector<512x256xf32>
    %dot_general3A_8 = tpu.matmul %select_n3A, %get3A_7, %dot_general3A {dimension_numbers = #tpu.dot_dimension_numbers<[1], [0], [0], [1], [0, 0, 1, 1], [], []>, transpose_lhs_hint = false} : vector<512x512xf32>, vector<512x256xf32>, vector<512x256xf32> -> vector<512x256xf32>
    %get3A_9 = arith.constant 0 : index
    %get3A_10 = arith.constant 0 : index
    %get3A_11 = vector.load %arg2[%get3A_9, %get3A_10] : memref<512x1xi32, #tpu.memory_space<vmem>>, vector<512x1xi32>
    %eq3A_12 = vector.broadcast %get3A_11 : vector<512x1xi32> to vector<512x512xi32>
    %eq3A_13 = arith.cmpi eq, %eq3A_12, %iota3A : vector<512x512xi32>
    %jit3A_14 = arith.constant 1.000000e+00 : f32
    %jit3A_15 = arith.constant 0.000000e+00 : f32
    %broadcast_in_dim3A_16 = vector.broadcast %jit3A_14 : f32 to vector<512x512xf32>
    %broadcast_in_dim3A_17 = vector.broadcast %jit3A_15 : f32 to vector<512x512xf32>
    %select_n3A_18 = arith.select %eq3A_13, %broadcast_in_dim3A_16, %broadcast_in_dim3A_17 : vector<512x512xi1>, vector<512x512xf32>
    %get3A_19 = arith.constant 0 : index
    %get3A_20 = arith.constant 0 : index
    %get3A_21 = vector.load %arg4[%get3A_19, %get3A_20] : memref<512x256xf32, #tpu.memory_space<vmem>>, vector<512x256xf32>
    %dot_general3A_22 = arith.constant dense<0.000000e+00> : vector<512x256xf32>
    %dot_general3A_23 = tpu.matmul %select_n3A_18, %get3A_21, %dot_general3A_22 {dimension_numbers = #tpu.dot_dimension_numbers<[1], [0], [0], [1], [0, 0, 1, 1], [], []>, transpose_lhs_hint = false} : vector<512x512xf32>, vector<512x256xf32>, vector<512x256xf32> -> vector<512x256xf32>
    %get3A_24 = arith.constant 0 : index
    %get3A_25 = arith.constant 0 : index
    %get3A_26 = vector.load %arg3[%get3A_24, %get3A_25] : memref<512x1xi32, #tpu.memory_space<vmem>>, vector<512x1xi32>
    %eq3A_27 = vector.broadcast %get3A_26 : vector<512x1xi32> to vector<512x512xi32>
    %eq3A_28 = arith.cmpi eq, %eq3A_27, %iota3A : vector<512x512xi32>
    %jit3A_29 = arith.constant 1.000000e+00 : f32
    %jit3A_30 = arith.constant 0.000000e+00 : f32
    %broadcast_in_dim3A_31 = vector.broadcast %jit3A_29 : f32 to vector<512x512xf32>
    %broadcast_in_dim3A_32 = vector.broadcast %jit3A_30 : f32 to vector<512x512xf32>
    %select_n3A_33 = arith.select %eq3A_28, %broadcast_in_dim3A_31, %broadcast_in_dim3A_32 : vector<512x512xi1>, vector<512x512xf32>
    %get3A_34 = arith.constant 0 : index
    %get3A_35 = arith.constant 0 : index
    %get3A_36 = vector.load %arg5[%get3A_34, %get3A_35] : memref<512x128xf32, #tpu.memory_space<vmem>>, vector<512x128xf32>
    %dot_general3A_37 = arith.constant dense<0.000000e+00> : vector<512x128xf32>
    %dot_general3A_38 = tpu.matmul %select_n3A_33, %get3A_36, %dot_general3A_37 {dimension_numbers = #tpu.dot_dimension_numbers<[1], [0], [0], [1], [0, 0, 1, 1], [], []>, transpose_lhs_hint = false} : vector<512x512xf32>, vector<512x128xf32>, vector<512x128xf32> -> vector<512x128xf32>
    %mul3A = arith.constant 28.7231331 : f32
    %mul3A_39 = vector.broadcast %mul3A : f32 to vector<512x128xf32>
    %mul3A_40 = arith.mulf %dot_general3A_38, %mul3A_39 : vector<512x128xf32>
    %cos3A = math.cos %mul3A_40 : vector<512x128xf32>
    %sin3A = math.sin %mul3A_40 : vector<512x128xf32>
    %slice3A = vector.extract_strided_slice %dot_general3A_8 {offsets = [0, 0], sizes = [512, 128], strides = [1, 1]} : vector<512x256xf32> to vector<512x128xf32>
    %slice3A_41 = vector.extract_strided_slice %dot_general3A_8 {offsets = [0, 128], sizes = [512, 128], strides = [1, 1]} : vector<512x256xf32> to vector<512x128xf32>
    %slice3A_42 = vector.extract_strided_slice %dot_general3A_23 {offsets = [0, 0], sizes = [512, 128], strides = [1, 1]} : vector<512x256xf32> to vector<512x128xf32>
    %slice3A_43 = vector.extract_strided_slice %dot_general3A_23 {offsets = [0, 128], sizes = [512, 128], strides = [1, 1]} : vector<512x256xf32> to vector<512x128xf32>
    %mul3A_44 = arith.mulf %slice3A, %cos3A : vector<512x128xf32>
    %mul3A_45 = arith.mulf %slice3A_41, %sin3A : vector<512x128xf32>
    %sub3A = arith.subf %mul3A_44, %mul3A_45 : vector<512x128xf32>
    %sub3A_46 = arith.subf %sub3A, %slice3A_42 : vector<512x128xf32>
    %mul3A_47 = arith.mulf %slice3A, %sin3A : vector<512x128xf32>
    %mul3A_48 = arith.mulf %slice3A_41, %cos3A : vector<512x128xf32>
    %add3A = arith.addf %mul3A_47, %mul3A_48 : vector<512x128xf32>
    %sub3A_49 = arith.subf %add3A, %slice3A_43 : vector<512x128xf32>
    %integer_pow3A = arith.mulf %sub3A_46, %sub3A_46 : vector<512x128xf32>
    %integer_pow3A_50 = arith.mulf %sub3A_49, %sub3A_49 : vector<512x128xf32>
    %add3A_51 = arith.addf %integer_pow3A, %integer_pow3A_50 : vector<512x128xf32>
    %add3A_52 = arith.constant 9.99999996E-13 : f32
    %add3A_53 = vector.broadcast %add3A_52 : f32 to vector<512x128xf32>
    %add3A_54 = arith.addf %add3A_51, %add3A_53 : vector<512x128xf32>
    %sqrt3A = math.sqrt %add3A_54 : vector<512x128xf32>
    %reduce_sum3A = arith.constant dense<0.000000e+00> : vector<512xf32>
    %reduce_sum3A_55 = vector.multi_reduction <add>, %sqrt3A, %reduce_sum3A [1] : vector<512x128xf32> to vector<512xf32>
    %broadcast_in_dim3A_56 = vector.shape_cast %reduce_sum3A_55 : vector<512xf32> to vector<512x1xf32>
    %sub3A_57 = arith.constant 1.200000e+01 : f32
    %sub3A_58 = vector.broadcast %sub3A_57 : f32 to vector<512x1xf32>
    %sub3A_59 = arith.subf %sub3A_58, %broadcast_in_dim3A_56 : vector<512x1xf32>
    %swap3A = arith.constant 0 : index
    %swap3A_60 = arith.constant 0 : index
    %swap3A_61 = vector.load %arg6[%swap3A, %swap3A_60] : memref<512x1xf32, #tpu.memory_space<vmem>>, vector<512x1xf32>
    tpu.vector_store %arg6[%swap3A, %swap3A_60], %sub3A_59 {strides = array<i32>} : memref<512x1xf32, #tpu.memory_space<vmem>>, vector<512x1xf32>,
    return
  }
  func.func @transform_0(%arg0: i32) -> (i32, i32) {
    %c0_i32 = arith.constant 0 : i32
    %c0_i32_0 = arith.constant 0 : i32
    return %arg0, %c0_i32 : i32, i32
  }
  func.func @transform_1(%arg0: i32) -> (i32, i32) {
    %c0_i32 = arith.constant 0 : i32
    %c0_i32_0 = arith.constant 0 : i32
    return %arg0, %c0_i32 : i32, i32
  }
  func.func @transform_2(%arg0: i32) -> (i32, i32) {
    %c0_i32 = arith.constant 0 : i32
    %c0_i32_0 = arith.constant 0 : i32
    return %arg0, %c0_i32 : i32, i32
  }
  func.func @transform_3(%arg0: i32) -> (i32, i32) {
    %c0_i32 = arith.constant 0 : i32
    %c0_i32_0 = arith.constant 0 : i32
    %c0_i32_1 = arith.constant 0 : i32
    return %c0_i32, %c0_i32_0 : i32, i32
  }
  func.func @transform_4(%arg0: i32) -> (i32, i32) {
    %c0_i32 = arith.constant 0 : i32
    %c0_i32_0 = arith.constant 0 : i32
    %c0_i32_1 = arith.constant 0 : i32
    return %c0_i32, %c0_i32_0 : i32, i32
  }
  func.func @transform_5(%arg0: i32) -> (i32, i32) {
    %c0_i32 = arith.constant 0 : i32
    %c0_i32_0 = arith.constant 0 : i32
    return %arg0, %c0_i32 : i32, i32
  }
}

module attributes {stable_mosaic.version = 14 : i64} {
  func.func @_encode_body(%arg0: i32, %arg1: memref<320x256xf32, #tpu.memory_space<vmem>>, %arg2: memref<96x32xf32, #tpu.memory_space<vmem>>, %arg3: memref<416x256xf32, #tpu.memory_space<vmem>>, %arg4: memref<416x96xf32, #tpu.memory_space<vmem>>, %arg5: memref<416x320xf32, #tpu.memory_space<vmem>>, %arg6: memref<416x416xbf16, #tpu.memory_space<vmem>>, %arg7: memref<16x416xf32, #tpu.memory_space<vmem>>, %arg8: memref<32x256xf32, #tpu.memory_space<vmem>>, %arg9: memref<256x256xbf16, #tpu.memory_space<vmem>>, %arg10: memref<256x256xbf16, #tpu.memory_space<vmem>>, %arg11: memref<256x256xbf16, #tpu.memory_space<vmem>>, %arg12: memref<256x256xbf16, #tpu.memory_space<vmem>>, %arg13: memref<256x1024xbf16, #tpu.memory_space<vmem>>, %arg14: memref<1024x256xbf16, #tpu.memory_space<vmem>>, %arg15: memref<16x256xf32, #tpu.memory_space<vmem>>) attributes {dimension_semantics = [#tpu.dimension_semantics<arbitrary>], iteration_bounds = array<i64: 32>, scalar_prefetch = 0 : i64, scratch_operands = 0 : i64, tpu.core_type = #tpu.core_type<tc>, window_params = [{transform_indices = @transform_0, window_bounds = array<i64: 320, 256>}, {transform_indices = @transform_1, window_bounds = array<i64: 96, 32>}, {pipeline_mode = #tpu.pipeline_mode<synchronous>, transform_indices = @transform_2, window_bounds = array<i64: 416, 256>}, {pipeline_mode = #tpu.pipeline_mode<synchronous>, transform_indices = @transform_3, window_bounds = array<i64: 416, 96>}, {pipeline_mode = #tpu.pipeline_mode<synchronous>, transform_indices = @transform_4, window_bounds = array<i64: 416, 320>}, {pipeline_mode = #tpu.pipeline_mode<synchronous>, transform_indices = @transform_5, window_bounds = array<i64: 416, 416>}, {pipeline_mode = #tpu.pipeline_mode<synchronous>, transform_indices = @transform_6, window_bounds = array<i64: 16, 416>}, {pipeline_mode = #tpu.pipeline_mode<synchronous>, transform_indices = @transform_7, window_bounds = array<i64: 32, 256>}, {pipeline_mode = #tpu.pipeline_mode<synchronous>, transform_indices = @transform_8, window_bounds = array<i64: 256, 256>}, {pipeline_mode = #tpu.pipeline_mode<synchronous>, transform_indices = @transform_9, window_bounds = array<i64: 256, 256>}, {pipeline_mode = #tpu.pipeline_mode<synchronous>, transform_indices = @transform_10, window_bounds = array<i64: 256, 256>}, {pipeline_mode = #tpu.pipeline_mode<synchronous>, transform_indices = @transform_11, window_bounds = array<i64: 256, 256>}, {pipeline_mode = #tpu.pipeline_mode<synchronous>, transform_indices = @transform_12, window_bounds = array<i64: 256, 1024>}, {pipeline_mode = #tpu.pipeline_mode<synchronous>, transform_indices = @transform_13, window_bounds = array<i64: 1024, 256>}, {transform_indices = @transform_14, window_bounds = array<i64: 16, 256>}]} {
    %get3A = arith.constant 0 : index
    %get3A_0 = arith.constant 0 : index
    %get3A_1 = vector.load %arg2[%get3A, %get3A_0] : memref<96x32xf32, #tpu.memory_space<vmem>>, vector<96x32xf32>
    %get3A_2 = arith.constant 0 : index
    %get3A_3 = arith.constant 0 : index
    %get3A_4 = vector.load %arg8[%get3A_2, %get3A_3] : memref<32x256xf32, #tpu.memory_space<vmem>>, vector<32x256xf32>
    %dot_general3A = arith.constant dense<0.000000e+00> : vector<96x256xf32>
    %dot_general3A_5 = tpu.matmul %get3A_1, %get3A_4, %dot_general3A {dimension_numbers = #tpu.dot_dimension_numbers<[1], [0], [0], [1], [0, 0, 1, 1], [], []>, transpose_lhs_hint = false} : vector<96x32xf32>, vector<32x256xf32>, vector<96x256xf32> -> vector<96x256xf32>
    %get3A_6 = arith.constant 0 : index
    %get3A_7 = arith.constant 0 : index
    %get3A_8 = vector.load %arg4[%get3A_6, %get3A_7] : memref<416x96xf32, #tpu.memory_space<vmem>>, vector<416x96xf32>
    %dot_general3A_9 = arith.constant dense<0.000000e+00> : vector<416x256xf32>
    %dot_general3A_10 = tpu.matmul %get3A_8, %dot_general3A_5, %dot_general3A_9 {dimension_numbers = #tpu.dot_dimension_numbers<[1], [0], [0], [1], [0, 0, 1, 1], [], []>, transpose_lhs_hint = false} : vector<416x96xf32>, vector<96x256xf32>, vector<416x256xf32> -> vector<416x256xf32>
    %get3A_11 = arith.constant 0 : index
    %get3A_12 = arith.constant 0 : index
    %get3A_13 = vector.load %arg5[%get3A_11, %get3A_12] : memref<416x320xf32, #tpu.memory_space<vmem>>, vector<416x320xf32>
    %get3A_14 = arith.constant 0 : index
    %get3A_15 = arith.constant 0 : index
    %get3A_16 = vector.load %arg1[%get3A_14, %get3A_15] : memref<320x256xf32, #tpu.memory_space<vmem>>, vector<320x256xf32>
    %dot_general3A_17 = arith.constant dense<0.000000e+00> : vector<416x256xf32>
    %dot_general3A_18 = tpu.matmul %get3A_13, %get3A_16, %dot_general3A_17 {dimension_numbers = #tpu.dot_dimension_numbers<[1], [0], [0], [1], [0, 0, 1, 1], [], []>, transpose_lhs_hint = false} : vector<416x320xf32>, vector<320x256xf32>, vector<416x256xf32> -> vector<416x256xf32>
    %add3A = arith.addf %dot_general3A_10, %dot_general3A_18 : vector<416x256xf32>
    %get3A_19 = arith.constant 0 : index
    %get3A_20 = arith.constant 0 : index
    %get3A_21 = vector.load %arg3[%get3A_19, %get3A_20] : memref<416x256xf32, #tpu.memory_space<vmem>>, vector<416x256xf32>
    %add3A_22 = arith.addf %add3A, %get3A_21 : vector<416x256xf32>
    %convert_element_type3A = arith.truncf %add3A_22 : vector<416x256xf32> to vector<416x256xbf16>
    %get3A_23 = arith.constant 0 : index
    %get3A_24 = arith.constant 0 : index
    %get3A_25 = vector.load %arg9[%get3A_23, %get3A_24] : memref<256x256xbf16, #tpu.memory_space<vmem>>, vector<256x256xbf16>
    %dot_general3A_26 = arith.constant dense<0.000000e+00> : vector<416x256xf32>
    %dot_general3A_27 = tpu.matmul %convert_element_type3A, %get3A_25, %dot_general3A_26 {dimension_numbers = #tpu.dot_dimension_numbers<[1], [0], [0], [1], [0, 0, 1, 1], [], []>, transpose_lhs_hint = false} : vector<416x256xbf16>, vector<256x256xbf16>, vector<416x256xf32> -> vector<416x256xf32>
    %convert_element_type3A_28 = arith.truncf %dot_general3A_27 : vector<416x256xf32> to vector<416x256xbf16>
    %get3A_29 = arith.constant 0 : index
    %get3A_30 = arith.constant 0 : index
    %get3A_31 = vector.load %arg10[%get3A_29, %get3A_30] : memref<256x256xbf16, #tpu.memory_space<vmem>>, vector<256x256xbf16>
    %dot_general3A_32 = arith.constant dense<0.000000e+00> : vector<416x256xf32>
    %dot_general3A_33 = tpu.matmul %convert_element_type3A, %get3A_31, %dot_general3A_32 {dimension_numbers = #tpu.dot_dimension_numbers<[1], [0], [0], [1], [0, 0, 1, 1], [], []>, transpose_lhs_hint = false} : vector<416x256xbf16>, vector<256x256xbf16>, vector<416x256xf32> -> vector<416x256xf32>
    %convert_element_type3A_34 = arith.truncf %dot_general3A_33 : vector<416x256xf32> to vector<416x256xbf16>
    %get3A_35 = arith.constant 0 : index
    %get3A_36 = arith.constant 0 : index
    %get3A_37 = vector.load %arg11[%get3A_35, %get3A_36] : memref<256x256xbf16, #tpu.memory_space<vmem>>, vector<256x256xbf16>
    %dot_general3A_38 = arith.constant dense<0.000000e+00> : vector<416x256xf32>
    %dot_general3A_39 = tpu.matmul %convert_element_type3A, %get3A_37, %dot_general3A_38 {dimension_numbers = #tpu.dot_dimension_numbers<[1], [0], [0], [1], [0, 0, 1, 1], [], []>, transpose_lhs_hint = false} : vector<416x256xbf16>, vector<256x256xbf16>, vector<416x256xf32> -> vector<416x256xf32>
    %convert_element_type3A_40 = arith.truncf %dot_general3A_39 : vector<416x256xf32> to vector<416x256xbf16>
    %get3A_41 = arith.constant 0 : index
    %get3A_42 = arith.constant 0 : index
    %get3A_43 = vector.load %arg6[%get3A_41, %get3A_42] : memref<416x416xbf16, #tpu.memory_space<vmem>>, vector<416x416xbf16>
    %broadcast_in_dim3A = arith.constant 1.000000e+00 : bf16
    %broadcast_in_dim3A_44 = vector.broadcast %broadcast_in_dim3A : bf16 to vector<416x1xbf16>
    %slice3A = vector.extract_strided_slice %convert_element_type3A_28 {offsets = [0, 0], sizes = [416, 32], strides = [1, 1]} : vector<416x256xbf16> to vector<416x32xbf16>
    %slice3A_45 = vector.extract_strided_slice %convert_element_type3A_34 {offsets = [0, 0], sizes = [416, 32], strides = [1, 1]} : vector<416x256xbf16> to vector<416x32xbf16>
    %dot_general3A_46 = arith.constant dense<0.000000e+00> : vector<416x416xf32>
    %dot_general3A_47 = tpu.matmul %slice3A, %slice3A_45, %dot_general3A_46 {dimension_numbers = #tpu.dot_dimension_numbers<[1], [1], [0], [0], [0, 0, 1, 0], [], []>, transpose_lhs_hint = false} : vector<416x32xbf16>, vector<416x32xbf16>, vector<416x416xf32> -> vector<416x416xf32>
    %convert_element_type3A_48 = arith.truncf %dot_general3A_47 : vector<416x416xf32> to vector<416x416xbf16>
    %add3A_49 = arith.addf %convert_element_type3A_48, %get3A_43 : vector<416x416xbf16>
    %reduce_max3A = arith.constant dense<0xFF80> : vector<416xbf16>
    %reduce_max3A_50 = vector.multi_reduction <maximumf>, %add3A_49, %reduce_max3A [1] : vector<416x416xbf16> to vector<416xbf16>
    %broadcast_in_dim3A_51 = vector.shape_cast %reduce_max3A_50 : vector<416xbf16> to vector<416x1xbf16>
    %sub3A = vector.broadcast %broadcast_in_dim3A_51 : vector<416x1xbf16> to vector<416x416xbf16>
    %sub3A_52 = arith.subf %add3A_49, %sub3A : vector<416x416xbf16>
    %exp3A = math.exp %sub3A_52 : vector<416x416xbf16>
    %slice3A_53 = vector.extract_strided_slice %convert_element_type3A_40 {offsets = [0, 0], sizes = [416, 32], strides = [1, 1]} : vector<416x256xbf16> to vector<416x32xbf16>
    %concatenate3A = tpu.concatenate %slice3A_53, %broadcast_in_dim3A_44 in 1 : vector<416x32xbf16>, vector<416x1xbf16> -> vector<416x33xbf16>
    %dot_general3A_54 = arith.constant dense<0.000000e+00> : vector<416x33xf32>
    %dot_general3A_55 = tpu.matmul %exp3A, %concatenate3A, %dot_general3A_54 {dimension_numbers = #tpu.dot_dimension_numbers<[1], [0], [0], [1], [0, 0, 1, 1], [], []>, transpose_lhs_hint = false} : vector<416x416xbf16>, vector<416x33xbf16>, vector<416x33xf32> -> vector<416x33xf32>
    %slice3A_56 = vector.extract_strided_slice %dot_general3A_55 {offsets = [0, 0], sizes = [416, 32], strides = [1, 1]} : vector<416x33xf32> to vector<416x32xf32>
    %slice3A_57 = vector.extract_strided_slice %dot_general3A_55 {offsets = [0, 32], sizes = [416, 1], strides = [1, 1]} : vector<416x33xf32> to vector<416x1xf32>
    %integer_pow3A = arith.constant 1.000000e+00 : f32
    %integer_pow3A_58 = vector.broadcast %integer_pow3A : f32 to vector<416x1xf32>
    %integer_pow3A_59 = arith.divf %integer_pow3A_58, %slice3A_57 : vector<416x1xf32>
    %mul3A = vector.broadcast %integer_pow3A_59 : vector<416x1xf32> to vector<416x32xf32>
    %mul3A_60 = arith.mulf %slice3A_56, %mul3A : vector<416x32xf32>
    %slice3A_61 = vector.extract_strided_slice %convert_element_type3A_28 {offsets = [0, 32], sizes = [416, 32], strides = [1, 1]} : vector<416x256xbf16> to vector<416x32xbf16>
    %slice3A_62 = vector.extract_strided_slice %convert_element_type3A_34 {offsets = [0, 32], sizes = [416, 32], strides = [1, 1]} : vector<416x256xbf16> to vector<416x32xbf16>
    %dot_general3A_63 = arith.constant dense<0.000000e+00> : vector<416x416xf32>
    %dot_general3A_64 = tpu.matmul %slice3A_61, %slice3A_62, %dot_general3A_63 {dimension_numbers = #tpu.dot_dimension_numbers<[1], [1], [0], [0], [0, 0, 1, 0], [], []>, transpose_lhs_hint = false} : vector<416x32xbf16>, vector<416x32xbf16>, vector<416x416xf32> -> vector<416x416xf32>
    %convert_element_type3A_65 = arith.truncf %dot_general3A_64 : vector<416x416xf32> to vector<416x416xbf16>
    %add3A_66 = arith.addf %convert_element_type3A_65, %get3A_43 : vector<416x416xbf16>
    %reduce_max3A_67 = arith.constant dense<0xFF80> : vector<416xbf16>
    %reduce_max3A_68 = vector.multi_reduction <maximumf>, %add3A_66, %reduce_max3A_67 [1] : vector<416x416xbf16> to vector<416xbf16>
    %broadcast_in_dim3A_69 = vector.shape_cast %reduce_max3A_68 : vector<416xbf16> to vector<416x1xbf16>
    %sub3A_70 = vector.broadcast %broadcast_in_dim3A_69 : vector<416x1xbf16> to vector<416x416xbf16>
    %sub3A_71 = arith.subf %add3A_66, %sub3A_70 : vector<416x416xbf16>
    %exp3A_72 = math.exp %sub3A_71 : vector<416x416xbf16>
    %slice3A_73 = vector.extract_strided_slice %convert_element_type3A_40 {offsets = [0, 32], sizes = [416, 32], strides = [1, 1]} : vector<416x256xbf16> to vector<416x32xbf16>
    %concatenate3A_74 = tpu.concatenate %slice3A_73, %broadcast_in_dim3A_44 in 1 : vector<416x32xbf16>, vector<416x1xbf16> -> vector<416x33xbf16>
    %dot_general3A_75 = arith.constant dense<0.000000e+00> : vector<416x33xf32>
    %dot_general3A_76 = tpu.matmul %exp3A_72, %concatenate3A_74, %dot_general3A_75 {dimension_numbers = #tpu.dot_dimension_numbers<[1], [0], [0], [1], [0, 0, 1, 1], [], []>, transpose_lhs_hint = false} : vector<416x416xbf16>, vector<416x33xbf16>, vector<416x33xf32> -> vector<416x33xf32>
    %slice3A_77 = vector.extract_strided_slice %dot_general3A_76 {offsets = [0, 0], sizes = [416, 32], strides = [1, 1]} : vector<416x33xf32> to vector<416x32xf32>
    %slice3A_78 = vector.extract_strided_slice %dot_general3A_76 {offsets = [0, 32], sizes = [416, 1], strides = [1, 1]} : vector<416x33xf32> to vector<416x1xf32>
    %integer_pow3A_79 = arith.constant 1.000000e+00 : f32
    %integer_pow3A_80 = vector.broadcast %integer_pow3A_79 : f32 to vector<416x1xf32>
    %integer_pow3A_81 = arith.divf %integer_pow3A_80, %slice3A_78 : vector<416x1xf32>
    %mul3A_82 = vector.broadcast %integer_pow3A_81 : vector<416x1xf32> to vector<416x32xf32>
    %mul3A_83 = arith.mulf %slice3A_77, %mul3A_82 : vector<416x32xf32>
    %slice3A_84 = vector.extract_strided_slice %convert_element_type3A_28 {offsets = [0, 64], sizes = [416, 32], strides = [1, 1]} : vector<416x256xbf16> to vector<416x32xbf16>
    %slice3A_85 = vector.extract_strided_slice %convert_element_type3A_34 {offsets = [0, 64], sizes = [416, 32], strides = [1, 1]} : vector<416x256xbf16> to vector<416x32xbf16>
    %dot_general3A_86 = arith.constant dense<0.000000e+00> : vector<416x416xf32>
    %dot_general3A_87 = tpu.matmul %slice3A_84, %slice3A_85, %dot_general3A_86 {dimension_numbers = #tpu.dot_dimension_numbers<[1], [1], [0], [0], [0, 0, 1, 0], [], []>, transpose_lhs_hint = false} : vector<416x32xbf16>, vector<416x32xbf16>, vector<416x416xf32> -> vector<416x416xf32>
    %convert_element_type3A_88 = arith.truncf %dot_general3A_87 : vector<416x416xf32> to vector<416x416xbf16>
    %add3A_89 = arith.addf %convert_element_type3A_88, %get3A_43 : vector<416x416xbf16>
    %reduce_max3A_90 = arith.constant dense<0xFF80> : vector<416xbf16>
    %reduce_max3A_91 = vector.multi_reduction <maximumf>, %add3A_89, %reduce_max3A_90 [1] : vector<416x416xbf16> to vector<416xbf16>
    %broadcast_in_dim3A_92 = vector.shape_cast %reduce_max3A_91 : vector<416xbf16> to vector<416x1xbf16>
    %sub3A_93 = vector.broadcast %broadcast_in_dim3A_92 : vector<416x1xbf16> to vector<416x416xbf16>
    %sub3A_94 = arith.subf %add3A_89, %sub3A_93 : vector<416x416xbf16>
    %exp3A_95 = math.exp %sub3A_94 : vector<416x416xbf16>
    %slice3A_96 = vector.extract_strided_slice %convert_element_type3A_40 {offsets = [0, 64], sizes = [416, 32], strides = [1, 1]} : vector<416x256xbf16> to vector<416x32xbf16>
    %concatenate3A_97 = tpu.concatenate %slice3A_96, %broadcast_in_dim3A_44 in 1 : vector<416x32xbf16>, vector<416x1xbf16> -> vector<416x33xbf16>
    %dot_general3A_98 = arith.constant dense<0.000000e+00> : vector<416x33xf32>
    %dot_general3A_99 = tpu.matmul %exp3A_95, %concatenate3A_97, %dot_general3A_98 {dimension_numbers = #tpu.dot_dimension_numbers<[1], [0], [0], [1], [0, 0, 1, 1], [], []>, transpose_lhs_hint = false} : vector<416x416xbf16>, vector<416x33xbf16>, vector<416x33xf32> -> vector<416x33xf32>
    %slice3A_100 = vector.extract_strided_slice %dot_general3A_99 {offsets = [0, 0], sizes = [416, 32], strides = [1, 1]} : vector<416x33xf32> to vector<416x32xf32>
    %slice3A_101 = vector.extract_strided_slice %dot_general3A_99 {offsets = [0, 32], sizes = [416, 1], strides = [1, 1]} : vector<416x33xf32> to vector<416x1xf32>
    %integer_pow3A_102 = arith.constant 1.000000e+00 : f32
    %integer_pow3A_103 = vector.broadcast %integer_pow3A_102 : f32 to vector<416x1xf32>
    %integer_pow3A_104 = arith.divf %integer_pow3A_103, %slice3A_101 : vector<416x1xf32>
    %mul3A_105 = vector.broadcast %integer_pow3A_104 : vector<416x1xf32> to vector<416x32xf32>
    %mul3A_106 = arith.mulf %slice3A_100, %mul3A_105 : vector<416x32xf32>
    %slice3A_107 = vector.extract_strided_slice %convert_element_type3A_28 {offsets = [0, 96], sizes = [416, 32], strides = [1, 1]} : vector<416x256xbf16> to vector<416x32xbf16>
    %slice3A_108 = vector.extract_strided_slice %convert_element_type3A_34 {offsets = [0, 96], sizes = [416, 32], strides = [1, 1]} : vector<416x256xbf16> to vector<416x32xbf16>
    %dot_general3A_109 = arith.constant dense<0.000000e+00> : vector<416x416xf32>
    %dot_general3A_110 = tpu.matmul %slice3A_107, %slice3A_108, %dot_general3A_109 {dimension_numbers = #tpu.dot_dimension_numbers<[1], [1], [0], [0], [0, 0, 1, 0], [], []>, transpose_lhs_hint = false} : vector<416x32xbf16>, vector<416x32xbf16>, vector<416x416xf32> -> vector<416x416xf32>
    %convert_element_type3A_111 = arith.truncf %dot_general3A_110 : vector<416x416xf32> to vector<416x416xbf16>
    %add3A_112 = arith.addf %convert_element_type3A_111, %get3A_43 : vector<416x416xbf16>
    %reduce_max3A_113 = arith.constant dense<0xFF80> : vector<416xbf16>
    %reduce_max3A_114 = vector.multi_reduction <maximumf>, %add3A_112, %reduce_max3A_113 [1] : vector<416x416xbf16> to vector<416xbf16>
    %broadcast_in_dim3A_115 = vector.shape_cast %reduce_max3A_114 : vector<416xbf16> to vector<416x1xbf16>
    %sub3A_116 = vector.broadcast %broadcast_in_dim3A_115 : vector<416x1xbf16> to vector<416x416xbf16>
    %sub3A_117 = arith.subf %add3A_112, %sub3A_116 : vector<416x416xbf16>
    %exp3A_118 = math.exp %sub3A_117 : vector<416x416xbf16>
    %slice3A_119 = vector.extract_strided_slice %convert_element_type3A_40 {offsets = [0, 96], sizes = [416, 32], strides = [1, 1]} : vector<416x256xbf16> to vector<416x32xbf16>
    %concatenate3A_120 = tpu.concatenate %slice3A_119, %broadcast_in_dim3A_44 in 1 : vector<416x32xbf16>, vector<416x1xbf16> -> vector<416x33xbf16>
    %dot_general3A_121 = arith.constant dense<0.000000e+00> : vector<416x33xf32>
    %dot_general3A_122 = tpu.matmul %exp3A_118, %concatenate3A_120, %dot_general3A_121 {dimension_numbers = #tpu.dot_dimension_numbers<[1], [0], [0], [1], [0, 0, 1, 1], [], []>, transpose_lhs_hint = false} : vector<416x416xbf16>, vector<416x33xbf16>, vector<416x33xf32> -> vector<416x33xf32>
    %slice3A_123 = vector.extract_strided_slice %dot_general3A_122 {offsets = [0, 0], sizes = [416, 32], strides = [1, 1]} : vector<416x33xf32> to vector<416x32xf32>
    %slice3A_124 = vector.extract_strided_slice %dot_general3A_122 {offsets = [0, 32], sizes = [416, 1], strides = [1, 1]} : vector<416x33xf32> to vector<416x1xf32>
    %integer_pow3A_125 = arith.constant 1.000000e+00 : f32
    %integer_pow3A_126 = vector.broadcast %integer_pow3A_125 : f32 to vector<416x1xf32>
    %integer_pow3A_127 = arith.divf %integer_pow3A_126, %slice3A_124 : vector<416x1xf32>
    %mul3A_128 = vector.broadcast %integer_pow3A_127 : vector<416x1xf32> to vector<416x32xf32>
    %mul3A_129 = arith.mulf %slice3A_123, %mul3A_128 : vector<416x32xf32>
    %slice3A_130 = vector.extract_strided_slice %convert_element_type3A_28 {offsets = [0, 128], sizes = [416, 32], strides = [1, 1]} : vector<416x256xbf16> to vector<416x32xbf16>
    %slice3A_131 = vector.extract_strided_slice %convert_element_type3A_34 {offsets = [0, 128], sizes = [416, 32], strides = [1, 1]} : vector<416x256xbf16> to vector<416x32xbf16>
    %dot_general3A_132 = arith.constant dense<0.000000e+00> : vector<416x416xf32>
    %dot_general3A_133 = tpu.matmul %slice3A_130, %slice3A_131, %dot_general3A_132 {dimension_numbers = #tpu.dot_dimension_numbers<[1], [1], [0], [0], [0, 0, 1, 0], [], []>, transpose_lhs_hint = false} : vector<416x32xbf16>, vector<416x32xbf16>, vector<416x416xf32> -> vector<416x416xf32>
    %convert_element_type3A_134 = arith.truncf %dot_general3A_133 : vector<416x416xf32> to vector<416x416xbf16>
    %add3A_135 = arith.addf %convert_element_type3A_134, %get3A_43 : vector<416x416xbf16>
    %reduce_max3A_136 = arith.constant dense<0xFF80> : vector<416xbf16>
    %reduce_max3A_137 = vector.multi_reduction <maximumf>, %add3A_135, %reduce_max3A_136 [1] : vector<416x416xbf16> to vector<416xbf16>
    %broadcast_in_dim3A_138 = vector.shape_cast %reduce_max3A_137 : vector<416xbf16> to vector<416x1xbf16>
    %sub3A_139 = vector.broadcast %broadcast_in_dim3A_138 : vector<416x1xbf16> to vector<416x416xbf16>
    %sub3A_140 = arith.subf %add3A_135, %sub3A_139 : vector<416x416xbf16>
    %exp3A_141 = math.exp %sub3A_140 : vector<416x416xbf16>
    %slice3A_142 = vector.extract_strided_slice %convert_element_type3A_40 {offsets = [0, 128], sizes = [416, 32], strides = [1, 1]} : vector<416x256xbf16> to vector<416x32xbf16>
    %concatenate3A_143 = tpu.concatenate %slice3A_142, %broadcast_in_dim3A_44 in 1 : vector<416x32xbf16>, vector<416x1xbf16> -> vector<416x33xbf16>
    %dot_general3A_144 = arith.constant dense<0.000000e+00> : vector<416x33xf32>
    %dot_general3A_145 = tpu.matmul %exp3A_141, %concatenate3A_143, %dot_general3A_144 {dimension_numbers = #tpu.dot_dimension_numbers<[1], [0], [0], [1], [0, 0, 1, 1], [], []>, transpose_lhs_hint = false} : vector<416x416xbf16>, vector<416x33xbf16>, vector<416x33xf32> -> vector<416x33xf32>
    %slice3A_146 = vector.extract_strided_slice %dot_general3A_145 {offsets = [0, 0], sizes = [416, 32], strides = [1, 1]} : vector<416x33xf32> to vector<416x32xf32>
    %slice3A_147 = vector.extract_strided_slice %dot_general3A_145 {offsets = [0, 32], sizes = [416, 1], strides = [1, 1]} : vector<416x33xf32> to vector<416x1xf32>
    %integer_pow3A_148 = arith.constant 1.000000e+00 : f32
    %integer_pow3A_149 = vector.broadcast %integer_pow3A_148 : f32 to vector<416x1xf32>
    %integer_pow3A_150 = arith.divf %integer_pow3A_149, %slice3A_147 : vector<416x1xf32>
    %mul3A_151 = vector.broadcast %integer_pow3A_150 : vector<416x1xf32> to vector<416x32xf32>
    %mul3A_152 = arith.mulf %slice3A_146, %mul3A_151 : vector<416x32xf32>
    %slice3A_153 = vector.extract_strided_slice %convert_element_type3A_28 {offsets = [0, 160], sizes = [416, 32], strides = [1, 1]} : vector<416x256xbf16> to vector<416x32xbf16>
    %slice3A_154 = vector.extract_strided_slice %convert_element_type3A_34 {offsets = [0, 160], sizes = [416, 32], strides = [1, 1]} : vector<416x256xbf16> to vector<416x32xbf16>
    %dot_general3A_155 = arith.constant dense<0.000000e+00> : vector<416x416xf32>
    %dot_general3A_156 = tpu.matmul %slice3A_153, %slice3A_154, %dot_general3A_155 {dimension_numbers = #tpu.dot_dimension_numbers<[1], [1], [0], [0], [0, 0, 1, 0], [], []>, transpose_lhs_hint = false} : vector<416x32xbf16>, vector<416x32xbf16>, vector<416x416xf32> -> vector<416x416xf32>
    %convert_element_type3A_157 = arith.truncf %dot_general3A_156 : vector<416x416xf32> to vector<416x416xbf16>
    %add3A_158 = arith.addf %convert_element_type3A_157, %get3A_43 : vector<416x416xbf16>
    %reduce_max3A_159 = arith.constant dense<0xFF80> : vector<416xbf16>
    %reduce_max3A_160 = vector.multi_reduction <maximumf>, %add3A_158, %reduce_max3A_159 [1] : vector<416x416xbf16> to vector<416xbf16>
    %broadcast_in_dim3A_161 = vector.shape_cast %reduce_max3A_160 : vector<416xbf16> to vector<416x1xbf16>
    %sub3A_162 = vector.broadcast %broadcast_in_dim3A_161 : vector<416x1xbf16> to vector<416x416xbf16>
    %sub3A_163 = arith.subf %add3A_158, %sub3A_162 : vector<416x416xbf16>
    %exp3A_164 = math.exp %sub3A_163 : vector<416x416xbf16>
    %slice3A_165 = vector.extract_strided_slice %convert_element_type3A_40 {offsets = [0, 160], sizes = [416, 32], strides = [1, 1]} : vector<416x256xbf16> to vector<416x32xbf16>
    %concatenate3A_166 = tpu.concatenate %slice3A_165, %broadcast_in_dim3A_44 in 1 : vector<416x32xbf16>, vector<416x1xbf16> -> vector<416x33xbf16>
    %dot_general3A_167 = arith.constant dense<0.000000e+00> : vector<416x33xf32>
    %dot_general3A_168 = tpu.matmul %exp3A_164, %concatenate3A_166, %dot_general3A_167 {dimension_numbers = #tpu.dot_dimension_numbers<[1], [0], [0], [1], [0, 0, 1, 1], [], []>, transpose_lhs_hint = false} : vector<416x416xbf16>, vector<416x33xbf16>, vector<416x33xf32> -> vector<416x33xf32>
    %slice3A_169 = vector.extract_strided_slice %dot_general3A_168 {offsets = [0, 0], sizes = [416, 32], strides = [1, 1]} : vector<416x33xf32> to vector<416x32xf32>
    %slice3A_170 = vector.extract_strided_slice %dot_general3A_168 {offsets = [0, 32], sizes = [416, 1], strides = [1, 1]} : vector<416x33xf32> to vector<416x1xf32>
    %integer_pow3A_171 = arith.constant 1.000000e+00 : f32
    %integer_pow3A_172 = vector.broadcast %integer_pow3A_171 : f32 to vector<416x1xf32>
    %integer_pow3A_173 = arith.divf %integer_pow3A_172, %slice3A_170 : vector<416x1xf32>
    %mul3A_174 = vector.broadcast %integer_pow3A_173 : vector<416x1xf32> to vector<416x32xf32>
    %mul3A_175 = arith.mulf %slice3A_169, %mul3A_174 : vector<416x32xf32>
    %slice3A_176 = vector.extract_strided_slice %convert_element_type3A_28 {offsets = [0, 192], sizes = [416, 32], strides = [1, 1]} : vector<416x256xbf16> to vector<416x32xbf16>
    %slice3A_177 = vector.extract_strided_slice %convert_element_type3A_34 {offsets = [0, 192], sizes = [416, 32], strides = [1, 1]} : vector<416x256xbf16> to vector<416x32xbf16>
    %dot_general3A_178 = arith.constant dense<0.000000e+00> : vector<416x416xf32>
    %dot_general3A_179 = tpu.matmul %slice3A_176, %slice3A_177, %dot_general3A_178 {dimension_numbers = #tpu.dot_dimension_numbers<[1], [1], [0], [0], [0, 0, 1, 0], [], []>, transpose_lhs_hint = false} : vector<416x32xbf16>, vector<416x32xbf16>, vector<416x416xf32> -> vector<416x416xf32>
    %convert_element_type3A_180 = arith.truncf %dot_general3A_179 : vector<416x416xf32> to vector<416x416xbf16>
    %add3A_181 = arith.addf %convert_element_type3A_180, %get3A_43 : vector<416x416xbf16>
    %reduce_max3A_182 = arith.constant dense<0xFF80> : vector<416xbf16>
    %reduce_max3A_183 = vector.multi_reduction <maximumf>, %add3A_181, %reduce_max3A_182 [1] : vector<416x416xbf16> to vector<416xbf16>
    %broadcast_in_dim3A_184 = vector.shape_cast %reduce_max3A_183 : vector<416xbf16> to vector<416x1xbf16>
    %sub3A_185 = vector.broadcast %broadcast_in_dim3A_184 : vector<416x1xbf16> to vector<416x416xbf16>
    %sub3A_186 = arith.subf %add3A_181, %sub3A_185 : vector<416x416xbf16>
    %exp3A_187 = math.exp %sub3A_186 : vector<416x416xbf16>
    %slice3A_188 = vector.extract_strided_slice %convert_element_type3A_40 {offsets = [0, 192], sizes = [416, 32], strides = [1, 1]} : vector<416x256xbf16> to vector<416x32xbf16>
    %concatenate3A_189 = tpu.concatenate %slice3A_188, %broadcast_in_dim3A_44 in 1 : vector<416x32xbf16>, vector<416x1xbf16> -> vector<416x33xbf16>
    %dot_general3A_190 = arith.constant dense<0.000000e+00> : vector<416x33xf32>
    %dot_general3A_191 = tpu.matmul %exp3A_187, %concatenate3A_189, %dot_general3A_190 {dimension_numbers = #tpu.dot_dimension_numbers<[1], [0], [0], [1], [0, 0, 1, 1], [], []>, transpose_lhs_hint = false} : vector<416x416xbf16>, vector<416x33xbf16>, vector<416x33xf32> -> vector<416x33xf32>
    %slice3A_192 = vector.extract_strided_slice %dot_general3A_191 {offsets = [0, 0], sizes = [416, 32], strides = [1, 1]} : vector<416x33xf32> to vector<416x32xf32>
    %slice3A_193 = vector.extract_strided_slice %dot_general3A_191 {offsets = [0, 32], sizes = [416, 1], strides = [1, 1]} : vector<416x33xf32> to vector<416x1xf32>
    %integer_pow3A_194 = arith.constant 1.000000e+00 : f32
    %integer_pow3A_195 = vector.broadcast %integer_pow3A_194 : f32 to vector<416x1xf32>
    %integer_pow3A_196 = arith.divf %integer_pow3A_195, %slice3A_193 : vector<416x1xf32>
    %mul3A_197 = vector.broadcast %integer_pow3A_196 : vector<416x1xf32> to vector<416x32xf32>
    %mul3A_198 = arith.mulf %slice3A_192, %mul3A_197 : vector<416x32xf32>
    %slice3A_199 = vector.extract_strided_slice %convert_element_type3A_28 {offsets = [0, 224], sizes = [416, 32], strides = [1, 1]} : vector<416x256xbf16> to vector<416x32xbf16>
    %slice3A_200 = vector.extract_strided_slice %convert_element_type3A_34 {offsets = [0, 224], sizes = [416, 32], strides = [1, 1]} : vector<416x256xbf16> to vector<416x32xbf16>
    %dot_general3A_201 = arith.constant dense<0.000000e+00> : vector<416x416xf32>
    %dot_general3A_202 = tpu.matmul %slice3A_199, %slice3A_200, %dot_general3A_201 {dimension_numbers = #tpu.dot_dimension_numbers<[1], [1], [0], [0], [0, 0, 1, 0], [], []>, transpose_lhs_hint = false} : vector<416x32xbf16>, vector<416x32xbf16>, vector<416x416xf32> -> vector<416x416xf32>
    %convert_element_type3A_203 = arith.truncf %dot_general3A_202 : vector<416x416xf32> to vector<416x416xbf16>
    %add3A_204 = arith.addf %convert_element_type3A_203, %get3A_43 : vector<416x416xbf16>
    %reduce_max3A_205 = arith.constant dense<0xFF80> : vector<416xbf16>
    %reduce_max3A_206 = vector.multi_reduction <maximumf>, %add3A_204, %reduce_max3A_205 [1] : vector<416x416xbf16> to vector<416xbf16>
    %broadcast_in_dim3A_207 = vector.shape_cast %reduce_max3A_206 : vector<416xbf16> to vector<416x1xbf16>
    %sub3A_208 = vector.broadcast %broadcast_in_dim3A_207 : vector<416x1xbf16> to vector<416x416xbf16>
    %sub3A_209 = arith.subf %add3A_204, %sub3A_208 : vector<416x416xbf16>
    %exp3A_210 = math.exp %sub3A_209 : vector<416x416xbf16>
    %slice3A_211 = vector.extract_strided_slice %convert_element_type3A_40 {offsets = [0, 224], sizes = [416, 32], strides = [1, 1]} : vector<416x256xbf16> to vector<416x32xbf16>
    %concatenate3A_212 = tpu.concatenate %slice3A_211, %broadcast_in_dim3A_44 in 1 : vector<416x32xbf16>, vector<416x1xbf16> -> vector<416x33xbf16>
    %dot_general3A_213 = arith.constant dense<0.000000e+00> : vector<416x33xf32>
    %dot_general3A_214 = tpu.matmul %exp3A_210, %concatenate3A_212, %dot_general3A_213 {dimension_numbers = #tpu.dot_dimension_numbers<[1], [0], [0], [1], [0, 0, 1, 1], [], []>, transpose_lhs_hint = false} : vector<416x416xbf16>, vector<416x33xbf16>, vector<416x33xf32> -> vector<416x33xf32>
    %slice3A_215 = vector.extract_strided_slice %dot_general3A_214 {offsets = [0, 0], sizes = [416, 32], strides = [1, 1]} : vector<416x33xf32> to vector<416x32xf32>
    %slice3A_216 = vector.extract_strided_slice %dot_general3A_214 {offsets = [0, 32], sizes = [416, 1], strides = [1, 1]} : vector<416x33xf32> to vector<416x1xf32>
    %integer_pow3A_217 = arith.constant 1.000000e+00 : f32
    %integer_pow3A_218 = vector.broadcast %integer_pow3A_217 : f32 to vector<416x1xf32>
    %integer_pow3A_219 = arith.divf %integer_pow3A_218, %slice3A_216 : vector<416x1xf32>
    %mul3A_220 = vector.broadcast %integer_pow3A_219 : vector<416x1xf32> to vector<416x32xf32>
    %mul3A_221 = arith.mulf %slice3A_215, %mul3A_220 : vector<416x32xf32>
    %concatenate3A_222 = tpu.concatenate %mul3A_60, %mul3A_83, %mul3A_106, %mul3A_129, %mul3A_152, %mul3A_175, %mul3A_198, %mul3A_221 in 1 : vector<416x32xf32>, vector<416x32xf32>, vector<416x32xf32>, vector<416x32xf32>, vector<416x32xf32>, vector<416x32xf32>, vector<416x32xf32>, vector<416x32xf32> -> vector<416x256xf32>
    %convert_element_type3A_223 = arith.truncf %concatenate3A_222 : vector<416x256xf32> to vector<416x256xbf16>
    %get3A_224 = arith.constant 0 : index
    %get3A_225 = arith.constant 0 : index
    %get3A_226 = vector.load %arg12[%get3A_224, %get3A_225] : memref<256x256xbf16, #tpu.memory_space<vmem>>, vector<256x256xbf16>
    %dot_general3A_227 = arith.constant dense<0.000000e+00> : vector<416x256xf32>
    %dot_general3A_228 = tpu.matmul %convert_element_type3A_223, %get3A_226, %dot_general3A_227 {dimension_numbers = #tpu.dot_dimension_numbers<[1], [0], [0], [1], [0, 0, 1, 1], [], []>, transpose_lhs_hint = false} : vector<416x256xbf16>, vector<256x256xbf16>, vector<416x256xf32> -> vector<416x256xf32>
    %add3A_229 = arith.addf %add3A_22, %dot_general3A_228 : vector<416x256xf32>
    %reduce_sum3A = arith.constant dense<0.000000e+00> : vector<416xf32>
    %reduce_sum3A_230 = vector.multi_reduction <add>, %add3A_229, %reduce_sum3A [1] : vector<416x256xf32> to vector<416xf32>
    %broadcast_in_dim3A_231 = vector.shape_cast %reduce_sum3A_230 : vector<416xf32> to vector<416x1xf32>
    %div3A = arith.constant 2.560000e+02 : f32
    %div3A_232 = vector.broadcast %div3A : f32 to vector<416x1xf32>
    %div3A_233 = arith.divf %broadcast_in_dim3A_231, %div3A_232 : vector<416x1xf32>
    %sub3A_234 = vector.broadcast %div3A_233 : vector<416x1xf32> to vector<416x256xf32>
    %sub3A_235 = arith.subf %add3A_229, %sub3A_234 : vector<416x256xf32>
    %mul3A_236 = arith.mulf %sub3A_235, %sub3A_235 : vector<416x256xf32>
    %reduce_sum3A_237 = arith.constant dense<0.000000e+00> : vector<416xf32>
    %reduce_sum3A_238 = vector.multi_reduction <add>, %mul3A_236, %reduce_sum3A_237 [1] : vector<416x256xf32> to vector<416xf32>
    %broadcast_in_dim3A_239 = vector.shape_cast %reduce_sum3A_238 : vector<416xf32> to vector<416x1xf32>
    %div3A_240 = arith.constant 2.560000e+02 : f32
    %div3A_241 = vector.broadcast %div3A_240 : f32 to vector<416x1xf32>
    %div3A_242 = arith.divf %broadcast_in_dim3A_239, %div3A_241 : vector<416x1xf32>
    %add3A_243 = arith.constant 9.99999974E-6 : f32
    %add3A_244 = vector.broadcast %add3A_243 : f32 to vector<416x1xf32>
    %add3A_245 = arith.addf %div3A_242, %add3A_244 : vector<416x1xf32>
    %rsqrt3A = math.rsqrt %add3A_245 : vector<416x1xf32>
    %mul3A_246 = vector.broadcast %rsqrt3A : vector<416x1xf32> to vector<416x256xf32>
    %mul3A_247 = arith.mulf %sub3A_235, %mul3A_246 : vector<416x256xf32>
    %convert_element_type3A_248 = arith.truncf %mul3A_247 : vector<416x256xf32> to vector<416x256xbf16>
    %get3A_249 = arith.constant 0 : index
    %get3A_250 = arith.constant 0 : index
    %get3A_251 = vector.load %arg13[%get3A_249, %get3A_250] : memref<256x1024xbf16, #tpu.memory_space<vmem>>, vector<256x1024xbf16>
    %dot_general3A_252 = arith.constant dense<0.000000e+00> : vector<416x1024xf32>
    %dot_general3A_253 = tpu.matmul %convert_element_type3A_248, %get3A_251, %dot_general3A_252 {dimension_numbers = #tpu.dot_dimension_numbers<[1], [0], [0], [1], [0, 0, 1, 1], [], []>, transpose_lhs_hint = false} : vector<416x256xbf16>, vector<256x1024xbf16>, vector<416x1024xf32> -> vector<416x1024xf32>
    %max3A = arith.constant 0.000000e+00 : f32
    %max3A_254 = vector.broadcast %max3A : f32 to vector<416x1024xf32>
    %max3A_255 = arith.maximumf %dot_general3A_253, %max3A_254 : vector<416x1024xf32>
    %convert_element_type3A_256 = arith.truncf %max3A_255 : vector<416x1024xf32> to vector<416x1024xbf16>
    %get3A_257 = arith.constant 0 : index
    %get3A_258 = arith.constant 0 : index
    %get3A_259 = vector.load %arg14[%get3A_257, %get3A_258] : memref<1024x256xbf16, #tpu.memory_space<vmem>>, vector<1024x256xbf16>
    %dot_general3A_260 = arith.constant dense<0.000000e+00> : vector<416x256xf32>
    %dot_general3A_261 = tpu.matmul %convert_element_type3A_256, %get3A_259, %dot_general3A_260 {dimension_numbers = #tpu.dot_dimension_numbers<[1], [0], [0], [1], [0, 0, 1, 1], [], []>, transpose_lhs_hint = false} : vector<416x1024xbf16>, vector<1024x256xbf16>, vector<416x256xf32> -> vector<416x256xf32>
    %add3A_262 = arith.addf %mul3A_247, %dot_general3A_261 : vector<416x256xf32>
    %reduce_sum3A_263 = arith.constant dense<0.000000e+00> : vector<416xf32>
    %reduce_sum3A_264 = vector.multi_reduction <add>, %add3A_262, %reduce_sum3A_263 [1] : vector<416x256xf32> to vector<416xf32>
    %broadcast_in_dim3A_265 = vector.shape_cast %reduce_sum3A_264 : vector<416xf32> to vector<416x1xf32>
    %div3A_266 = arith.constant 2.560000e+02 : f32
    %div3A_267 = vector.broadcast %div3A_266 : f32 to vector<416x1xf32>
    %div3A_268 = arith.divf %broadcast_in_dim3A_265, %div3A_267 : vector<416x1xf32>
    %sub3A_269 = vector.broadcast %div3A_268 : vector<416x1xf32> to vector<416x256xf32>
    %sub3A_270 = arith.subf %add3A_262, %sub3A_269 : vector<416x256xf32>
    %mul3A_271 = arith.mulf %sub3A_270, %sub3A_270 : vector<416x256xf32>
    %reduce_sum3A_272 = arith.constant dense<0.000000e+00> : vector<416xf32>
    %reduce_sum3A_273 = vector.multi_reduction <add>, %mul3A_271, %reduce_sum3A_272 [1] : vector<416x256xf32> to vector<416xf32>
    %broadcast_in_dim3A_274 = vector.shape_cast %reduce_sum3A_273 : vector<416xf32> to vector<416x1xf32>
    %div3A_275 = arith.constant 2.560000e+02 : f32
    %div3A_276 = vector.broadcast %div3A_275 : f32 to vector<416x1xf32>
    %div3A_277 = arith.divf %broadcast_in_dim3A_274, %div3A_276 : vector<416x1xf32>
    %add3A_278 = arith.constant 9.99999974E-6 : f32
    %add3A_279 = vector.broadcast %add3A_278 : f32 to vector<416x1xf32>
    %add3A_280 = arith.addf %div3A_277, %add3A_279 : vector<416x1xf32>
    %rsqrt3A_281 = math.rsqrt %add3A_280 : vector<416x1xf32>
    %mul3A_282 = vector.broadcast %rsqrt3A_281 : vector<416x1xf32> to vector<416x256xf32>
    %mul3A_283 = arith.mulf %sub3A_270, %mul3A_282 : vector<416x256xf32>
    %get3A_284 = arith.constant 0 : index
    %get3A_285 = arith.constant 0 : index
    %get3A_286 = vector.load %arg7[%get3A_284, %get3A_285] : memref<16x416xf32, #tpu.memory_space<vmem>>, vector<16x416xf32>
    %dot_general3A_287 = arith.constant dense<0.000000e+00> : vector<16x256xf32>
    %dot_general3A_288 = tpu.matmul %get3A_286, %mul3A_283, %dot_general3A_287 {dimension_numbers = #tpu.dot_dimension_numbers<[1], [0], [0], [1], [0, 0, 1, 1], [], []>, transpose_lhs_hint = false} : vector<16x416xf32>, vector<416x256xf32>, vector<16x256xf32> -> vector<16x256xf32>
    %swap3A = arith.constant 0 : index
    %swap3A_289 = arith.constant 0 : index
    %swap3A_290 = vector.load %arg15[%swap3A, %swap3A_289] : memref<16x256xf32, #tpu.memory_space<vmem>>, vector<16x256xf32>
    tpu.vector_store %arg15[%swap3A, %swap3A_289], %dot_general3A_288 {strides = array<i32>} : memref<16x256xf32, #tpu.memory_space<vmem>>, vector<16x256xf32>,
    return
  }
  func.func @transform_0(%arg0: i32) -> (i32, i32) {
    %c0_i32 = arith.constant 0 : i32
    %c0_i32_0 = arith.constant 0 : i32
    return %arg0, %c0_i32 : i32, i32
  }
  func.func @transform_1(%arg0: i32) -> (i32, i32) {
    %c0_i32 = arith.constant 0 : i32
    %c0_i32_0 = arith.constant 0 : i32
    return %arg0, %c0_i32 : i32, i32
  }
  func.func @transform_2(%arg0: i32) -> (i32, i32) {
    %c0_i32 = arith.constant 0 : i32
    %c0_i32_0 = arith.constant 0 : i32
    %c0_i32_1 = arith.constant 0 : i32
    return %c0_i32, %c0_i32_0 : i32, i32
  }
  func.func @transform_3(%arg0: i32) -> (i32, i32) {
    %c0_i32 = arith.constant 0 : i32
    %c0_i32_0 = arith.constant 0 : i32
    %c0_i32_1 = arith.constant 0 : i32
    return %c0_i32, %c0_i32_0 : i32, i32
  }
  func.func @transform_4(%arg0: i32) -> (i32, i32) {
    %c0_i32 = arith.constant 0 : i32
    %c0_i32_0 = arith.constant 0 : i32
    %c0_i32_1 = arith.constant 0 : i32
    return %c0_i32, %c0_i32_0 : i32, i32
  }
  func.func @transform_5(%arg0: i32) -> (i32, i32) {
    %c0_i32 = arith.constant 0 : i32
    %c0_i32_0 = arith.constant 0 : i32
    %c0_i32_1 = arith.constant 0 : i32
    return %c0_i32, %c0_i32_0 : i32, i32
  }
  func.func @transform_6(%arg0: i32) -> (i32, i32) {
    %c0_i32 = arith.constant 0 : i32
    %c0_i32_0 = arith.constant 0 : i32
    %c0_i32_1 = arith.constant 0 : i32
    return %c0_i32, %c0_i32_0 : i32, i32
  }
  func.func @transform_7(%arg0: i32) -> (i32, i32) {
    %c0_i32 = arith.constant 0 : i32
    %c0_i32_0 = arith.constant 0 : i32
    %c0_i32_1 = arith.constant 0 : i32
    return %c0_i32, %c0_i32_0 : i32, i32
  }
  func.func @transform_8(%arg0: i32) -> (i32, i32) {
    %c0_i32 = arith.constant 0 : i32
    %c0_i32_0 = arith.constant 0 : i32
    %c0_i32_1 = arith.constant 0 : i32
    return %c0_i32, %c0_i32_0 : i32, i32
  }
  func.func @transform_9(%arg0: i32) -> (i32, i32) {
    %c0_i32 = arith.constant 0 : i32
    %c0_i32_0 = arith.constant 0 : i32
    %c0_i32_1 = arith.constant 0 : i32
    return %c0_i32, %c0_i32_0 : i32, i32
  }
  func.func @transform_10(%arg0: i32) -> (i32, i32) {
    %c0_i32 = arith.constant 0 : i32
    %c0_i32_0 = arith.constant 0 : i32
    %c0_i32_1 = arith.constant 0 : i32
    return %c0_i32, %c0_i32_0 : i32, i32
  }
  func.func @transform_11(%arg0: i32) -> (i32, i32) {
    %c0_i32 = arith.constant 0 : i32
    %c0_i32_0 = arith.constant 0 : i32
    %c0_i32_1 = arith.constant 0 : i32
    return %c0_i32, %c0_i32_0 : i32, i32
  }
  func.func @transform_12(%arg0: i32) -> (i32, i32) {
    %c0_i32 = arith.constant 0 : i32
    %c0_i32_0 = arith.constant 0 : i32
    %c0_i32_1 = arith.constant 0 : i32
    return %c0_i32, %c0_i32_0 : i32, i32
  }
  func.func @transform_13(%arg0: i32) -> (i32, i32) {
    %c0_i32 = arith.constant 0 : i32
    %c0_i32_0 = arith.constant 0 : i32
    %c0_i32_1 = arith.constant 0 : i32
    return %c0_i32, %c0_i32_0 : i32, i32
  }
  func.func @transform_14(%arg0: i32) -> (i32, i32) {
    %c0_i32 = arith.constant 0 : i32
    %c0_i32_0 = arith.constant 0 : i32
    return %arg0, %c0_i32 : i32, i32
  }
}

</mosaic_0001>

<sc_bundles>
// kernel: kernel.5.cloned.1.call-start
scs
__scs_entry_jumppad:
0x0: {  	(pc) =	sbr.rel $0x88, $3  }
0x1: {  	(tag) =	ssettag $0x0;
	lr =	simm.s32 $0x1  }
0x2: {  	[smem:$0x3F92] =	sst lr;
	_ =	strace $0xD0000000  }
0x3: {  	_ = 	snop  }
0x4: {  	_ = 	snop  }
0x5: {  	_ = 	snop  }
0x6: {  	_ = 	snop  }
0x7: {  	_ = 	snop  }
__scs_overlays_trampoline_lowered:
0x8: {  	[smem:$0x3FA1] =	sst s0  }
0x9: {  	[smem:$0x3FA2] =	sst s1  }
0xa: {  	[smem:$0x3FA3] =	sst s2  }
0xb: {  	[smem:$0x3FA4] =	sst s3  }
0xc: {  	[smem:$0x3FA5] =	sst s4  }
0xd: {  	[smem:$0x3FA6] =	sst s5  }
0xe: {  	[smem:$0x3FA7] =	sst s6  }
0xf: {  	[smem:$0x3FA8] =	sst s7  }
0x10: {  	[smem:$0x3FA9] =	sst s8  }
0x11: {  	[smem:$0x3FAA] =	sst s9;
	s0 =	simm.s32 @!p0 $0x0  }
0x12: {  	s1 =	sld [smem:$0x3F90];
	s0 =	simm.s32 @p0 $0x1  }
0x13: {  	[smem:$0x3FAB] =	sst s0;
	s0 =	simm.s32 @!p1 $0x0  }
0x14: {  	s2 =	sld [smem:$0x3F8F];
	s0 =	simm.s32 @p1 $0x1  }
0x15: {  	[smem:$0x3FAC] =	sst s0;
	s0 =	simm.s32 @!p2 $0x0  }
0x16: {  	s3 =	sld [smem:$0x3FDB];
	s0 =	simm.s32 @p2 $0x1  }
0x17: {  	s4 =	simm.s32 $0x1BF5;
	[smem:$0x3FAE] =	sst s0  }
0x18: {  	s0 =	sld [smem:$0x3F91];
	_ =	swait.ge [sflag:s4], $0x0  }
0x19: {  	s7 =	sld [smem:$0x3F92]  }
0x1a: {  	s8 =	sadd.s32 $0xFFFFE003, lr  }
0x1b: {  	s9 =	sadd.s32 $0xFFFFFEF7, lr;
	s5 =	simm.s32 $0xFFFFFFFF;
	p2 =	slt.u32 s8, $0xFFFFF086  }
0x1c: {  	p1 =	slt.u32 s9, $0xF7A;
	s5 =	simm.s32 @!p2 $0x0  }
0x1d: {  	s5 =	simm.s32 @p1 $0x1;
	p0 =	seq.s32 s7, s2  }
0x1e: {  	s7 =	smul.u32 @!p0 $0xF7A, s2;
	p2 =	seq.s32 @!p0 s5, $0x0  }
0x1f: {  	s9 =	smul.u32 $0xF7A, s1;
	s8 =	simm.s32 @!p0 $0x1BF5;
	p2 =	por !p2, p0  }
0x20: {  	[sflag:s8] =	ssyncset.s32 @!p0 $0xFFFFF086;
	s6 =	sadd.s32 @!p0 s3, s7;
	s7 =	simm.s32 @!p0 $0x108  }
0x21: {  	s3 =	sadd.s32 s3, s9;
	s6 =	sadd.s32 @!p0 $0x88, s6;
	s7 =	simm.s32 @p2 $0x1082  }
0x22: {  	[simem:s7], [sflag:s8] =	dma.local @!p0 [hbm:s6], $0xF7A  }
0x23: {  	s9 =	sor.u32 $0xD0000000, s2;
	s6 =	simm.s32 $0x108;
	_ =	swait.ge @!p0 [sflag:s8], $0x0  }
0x24: {  	s3 =	sadd.s32 $0x88, s3;
	s6 =	simm.s32 @!p1 $0x1082;
	[sflag:s4] =	ssyncset.s32 $0xFFFFF086  }
0x25: {  	[simem:s6], [sflag:s4] =	dma.local [hbm:s3], $0xF7A  }
0x26: {  	[smem:$0x3F92] =	sst s1;
	(tag) =	ssettag s2;
	_ =	strace s9  }
0x27: {  	s1 =	sld [smem:$0x3FA2]  }
0x28: {  	s2 =	sld [smem:$0x3FA3]  }
0x29: {  	s4 =	sld [smem:$0x3FA5]  }
0x2a: {  	p0 =	seq.s32 s5, $0x0;
	s5 =	sld [smem:$0x3FA6]  }
0x2b: {  	s6 =	sld [smem:$0x3FA7]  }
0x2c: {  	s7 =	sld [smem:$0x3FA8]  }
0x2d: {  	s3 =	simm.s32 $0x108;
	s8 =	sld [smem:$0x3FA9]  }
0x2e: {  	s3 =	simm.s32 @!p0 $0x1082;
	s9 =	sld [smem:$0x3FAA]  }
0x2f: {  	lr =	sadd.s32 s0, s3;
	s0 =	sld [smem:$0x3FA1]  }
0x30: {  	s3 =	sld [smem:$0x3FA4]  }
0x31: {  	[smem:$0x3FAD] =	sst s10  }
0x32: {  	s10 =	sld [smem:$0x3FAB];
	_ =	sdelay $0x3  }
0x33: {  	p0 =	seq.s32 s10, $0x1;
	s10 =	sld [smem:$0x3FAD];
	_ =	sdelay $0x3  }
0x34: {  	[smem:$0x3FAD] =	sst s10  }
0x35: {  	s10 =	sld [smem:$0x3FAC];
	_ =	sdelay $0x3  }
0x36: {  	p1 =	seq.s32 s10, $0x1;
	s10 =	sld [smem:$0x3FAD];
	_ =	sdelay $0x3  }
0x37: {  	[smem:$0x3FAD] =	sst s10  }
0x38: {  	s10 =	sld [smem:$0x3FAE]  }
0x39: {  	_ = 	snop;
	(pc) =	sbr.ind lr, $3  }
0x3a: {  	_ = 	snop  }
0x3b: {  	_ = 	snop  }
0x3c: {  	p2 =	seq.s32 s10, $0x1;
	s10 =	sld [smem:$0x3FAD]  }
0x3d: {  	_ =	shalt  }
0x3e: {  	_ =	shalt  }
0x3f: {  	_ =	shalt  }
0x40: {  	_ =	shalt  }
0x41: {  	_ =	shalt  }
0x42: {  	_ =	shalt  }
0x43: {  	_ =	shalt  }
0x44: {  	_ =	shalt  }
0x45: {  	_ =	shalt  }
0x46: {  	_ =	shalt  }
0x47: {  	_ =	shalt  }
0x48: {  	_ =	shalt  }
0x49: {  	_ =	shalt  }
0x4a: {  	_ =	shalt  }
0x4b: {  	_ =	shalt  }
0x4c: {  	_ =	shalt  }
0x4d: {  	_ =	shalt  }
0x4e: {  	_ =	shalt  }
0x4f: {  	_ =	shalt  }
0x50: {  	_ =	shalt  }
0x51: {  	_ =	shalt  }
0x52: {  	_ =	shalt  }
0x53: {  	_ =	shalt  }
0x54: {  	_ =	shalt  }
0x55: {  	_ =	shalt  }
0x56: {  	_ =	shalt  }
0x57: {  	_ =	shalt  }
0x58: {  	_ =	shalt  }
0x59: {  	_ =	shalt  }
0x5a: {  	_ =	shalt  }
0x5b: {  	_ =	shalt  }
0x5c: {  	_ =	shalt  }
0x5d: {  	_ =	shalt  }
0x5e: {  	_ =	shalt  }
0x5f: {  	_ =	shalt  }
0x60: {  	_ =	shalt  }
0x61: {  	_ =	shalt  }
0x62: {  	_ =	shalt  }
0x63: {  	_ =	shalt  }
0x64: {  	_ =	shalt  }
0x65: {  	_ =	shalt  }
0x66: {  	_ =	shalt  }
0x67: {  	_ =	shalt  }
0x68: {  	_ =	shalt  }
0x69: {  	_ =	shalt  }
0x6a: {  	_ =	shalt  }
0x6b: {  	_ =	shalt  }
0x6c: {  	_ =	shalt  }
0x6d: {  	_ =	shalt  }
0x6e: {  	_ =	shalt  }
0x6f: {  	_ =	shalt  }
0x70: {  	_ =	shalt  }
0x71: {  	_ =	shalt  }
0x72: {  	_ =	shalt  }
0x73: {  	_ =	shalt  }
0x74: {  	_ =	shalt  }
0x75: {  	_ =	shalt  }
0x76: {  	_ =	shalt  }
0x77: {  	_ =	shalt  }
0x78: {  	_ =	shalt  }
0x79: {  	_ =	shalt  }
0x7a: {  	_ =	shalt  }
0x7b: {  	_ =	shalt  }
0x7c: {  	_ =	shalt  }
0x7d: {  	_ =	shalt  }
0x7e: {  	_ =	shalt  }
0x7f: {  	_ =	shalt  }
0x80: {  	_ =	shalt  }
0x81: {  	_ =	shalt  }
0x82: {  	_ =	shalt  }
0x83: {  	_ =	shalt  }
0x84: {  	_ =	shalt  }
0x85: {  	_ =	shalt  }
0x86: {  	_ =	shalt  }
0x87: {  	_ =	shalt  }
.Lfunc_end0:
.L_simem_size_0:
called_computation_lowered:
.L_overlay_start_0:
0x88: {  	s2 =	sld [smem:$0x3FD9]  }
0x89: {  	s3 =	sld [smem:$0x3FFE];
	_ =	sdelay $0x1  }
0x8a: {  	s1 =	srdreg.scid  }
0x8b: {  	s0 =	sand.u32 $0x1, s1  }
0x8c: {  	s17 =	sshll.u32 s0, $0xA;
	s2 =	sadd.s32 s3, s2  }
0x8d: {  	s2 =	sadd.s32 s2, s17  }
0x8e: {  	[smem:$0x3FB9] =	sst s2  }
0x8f: {  	_ = 	snop  }
0x90: {  	s2 =	sld [smem:$0x3FC5]  }
0x91: {  	s18 =	sld [smem:$0x3FD0];
	(tm) =	ssettm $0x1  }
0x92: {  	s4 =	sld [smem:$0x3FFB];
	_ =	sdelay $0x3  }
0x93: {  	_ =	strace s4  }
0x94: {  	s4 =	sld [smem:$0x3FFC];
	_ =	sdelay $0x3  }
0x95: {  	_ =	strace s4  }
0x96: {  	s4 =	sld [smem:$0x3FFD];
	_ =	sdelay $0x3  }
0x97: {  	_ =	strace s4  }
0x98: {  	_ =	strace $0x8FFFFFFF  }
0x99: {  	s19 =	sld [smem:$0x3FDB];
	_ =	sdelay $0x1  }
0x9a: {  	s5 =	simm.s32 $_scs_section_size  }
0x9b: {  	s6 =	simm.s32 $_size__tile_overlayer_lowered;
	s7 =	simm.s32 $_tile_overlayer_lowered  }
0x9c: {  	s22 =	simm.s32 $0x1BFF;
	s21 =	sshll.u32 s7, $0x1;
	s4 =	sadd.s32 s5, s19  }
0x9d: {  	s8 =	simm.s32 $0x0;
	s20 =	sshll.u32 s6, $0x1;
	s6 =	sadd.s32 s21, s4  }
0x9e: {  	[timem:s8], [sflag:s22] =	dma.local [hbm:s6], s20  }
0x9f: {  	_ =	swait.ge [sflag:s22], s20  }
0xa0: {  	s5 =	ssub.s32 $0x0, s20;
	[sflag:s22] =	ssyncset.done $0x0  }
0xa1: {  	[sflag:s22] =	ssyncadd.s32 s5;
	_ =	sdelay $0x1  }
0xa2: {  	s23 =	simm.s32 $0x1B8B  }
0xa3: {  	_ =	swait.ge [sflag:s23], $0x1  }
0xa4: {  	[sflag:s23] =	ssyncset.done $0x0  }
0xa5: {  	s25 =	simm.s32 $0x1B8E;
	s24 =	sld [smem:$0x3FFE];
	[sflag:s23] =	ssyncadd.s32 $0xFFFFFFFF  }
0xa6: {  	s26 =	simm.s32 $execute0_lowered;
	[smem:$0x3FD2] =	sst s25  }
0xa7: {  	s6 =	sshll.u32 s26, $0x1;
	_ =	strace $0x80000046;
	[dreg:$0x1] =	wrdreg $0xFFFFFFFF  }
0xa8: {  	s28 =	simm.s32 $_size_execute0_lowered;
	s4 =	sadd.s32 s4, s6;
	[dreg:$0x0] =	wrdreg $0x0  }
0xa9: {  	s6 =	sshll.u32 s28, $0x1;
	[dreg:$0x2] =	wrdreg s4  }
0xaa: {  	[dreg:$0x3] =	wrdreg s6  }
0xab: {  	[dreg:$0x4] =	wrdreg $0xC0  }
0xac: {  	_ =	task [dreg:s8], $0x5FFFF  }
0xad: {  	[dreg:$0x1] =	wrdreg $0xFFFFFFFF  }
0xae: {  	[dreg:$0x0] =	wrdreg $0x60  }
0xaf: {  	[dreg:$0x2] =	wrdreg s2  }
0xb0: {  	[dreg:$0x3] =	wrdreg s24  }
0xb1: {  	[dreg:$0x4] =	wrdreg s18  }
0xb2: {  	[dreg:$0x5] =	wrdreg $0x9  }
0xb3: {  	_ =	task.clear_ibuf [dreg:s8], $0x6FFFF;
	_ =	strace $0x90000046  }
0xb4: {  	s29 =	simm.s32 $0x9;
	_ =	strace $0x80000048  }
0xb5: {  	_ =	swait.ge [sflag:s29], $0x1  }
0xb6: {  	[sflag:s29] =	ssyncadd.s32 $0xFFFFFFFF  }
0xb7: {  	_ =	strace $0x90000048  }
0xb8: {  	_ =	sfence  }
0xb9: {  	s30 =	sld [smem:$0x0];
	_ =	sdelay $0x2  }
0xba: {  	s31 =	sshll.u32 s1, $0xD;
	s1 =	sshrl.u32 s1, $0x2  }
0xbb: {  	s3 =	sand.u32 $0x4000, s31;
	s1 =	sadd.s32 s1, s30  }
0xbc: {  	s0 =	sor.u32 s3, s0;
	s1 =	sshll.u32 s1, $0x11  }
0xbd: {  	s0 =	sor.u32 s1, s0  }
0xbe: {  	s0 =	sadd.s32 $0x8F2B, s0  }
0xbf: {  	[sflag:s0] =	ssyncadd.remote.s32 $0x1  }
0xc0: {  	_ =	sfence.sel $0xFFFF  }
0xc1: {  	[dreg:$0x0] =	wrdreg $0xFFFFFFFF;
	(pc) =	sbr.abs _section_cstart, $3  }
0xc2: {  	[dreg:$0x1] =	wrdreg $0xFFFFFFFF  }
0xc3: {  	_ =	task.clear_ibuf [dreg:s8], $0x2FFFF;
	_ =	strace $0x9FFFFFFF  }
0xc4: {  	(tm) =	ssettm $0x7FFFFFFF  }
0xc5: {  	_ =	shalt  }
tec
execute0_lowered:
.L_overlay_start_1:
0x0: {  	(tag) =	ssettag $0x1  }
0x1: {  	s1 =	rddreg [dreg:$0x0]  }
0x2: {  	s4 =	rddreg [dreg:$0x1]  }
0x3: {  	s2 =	srdreg.scid;
	s7 =	rddreg [dreg:$0x2]  }
0x4: {  	s3 =	simm.s32 $0x0;
	s5 =	sand.u32 $0x1, s2;
	s2 =	rddreg [dreg:$0x3]  }
0x5: {  	s15 =	simm.s32 $0x14180;
	[smem:$0x7FF] =	sst s3  }
0x6: {  	s16 =	simm.s32 $0x980;
	_ =	strace $0x80000047;
	[dreg:$0x8] =	wrdreg s15  }
0x7: {  	s17 =	simm.s32 $0x1180;
	[dreg:$0x9] =	wrdreg s16  }
0x8: {  	s18 =	simm.s32 $0x1980;
	[dreg:$0xa] =	wrdreg s17  }
0x9: {  	s19 =	simm.s32 $0x2180;
	[dreg:$0xb] =	wrdreg s18  }
0xa: {  	s20 =	simm.s32 $0x2980;
	[dreg:$0xc] =	wrdreg s19  }
0xb: {  	s21 =	simm.s32 $0x3180;
	[dreg:$0xd] =	wrdreg s20  }
0xc: {  	s22 =	simm.s32 $0x3980;
	[dreg:$0xe] =	wrdreg s21  }
0xd: {  	s23 =	simm.s32 $0x4180;
	[dreg:$0xf] =	wrdreg s22  }
0xe: {  	s24 =	simm.s32 $0x4980;
	[dreg:$0x10] =	wrdreg s23  }
0xf: {  	s25 =	simm.s32 $0x5180;
	[dreg:$0x11] =	wrdreg s24  }
0x10: {  	s26 =	simm.s32 $0x5980;
	[dreg:$0x12] =	wrdreg s25  }
0x11: {  	s28 =	simm.s32 $0x6180;
	[dreg:$0x13] =	wrdreg s26  }
0x12: {  	s29 =	simm.s32 $0x6980;
	[dreg:$0x14] =	wrdreg s28  }
0x13: {  	s30 =	simm.s32 $0x7180;
	[dreg:$0x15] =	wrdreg s29  }
0x14: {  	s31 =	simm.s32 $0x7980;
	[dreg:$0x16] =	wrdreg s30  }
0x15: {  	s0 =	stileid.u32;
	s11 =	simm.s32 $0xA180;
	[dreg:$0x17] =	wrdreg s31  }
0x16: {  	s12 =	simm.s32 $0xA980;
	s13 =	sshll.u32 s0, $0x1;
	[dreg:$0x1c] =	wrdreg s11  }
0x17: {  	s6 =	sor.u32 s5, s13;
	[dreg:$0x1d] =	wrdreg s12;
	s13 =	simm.s32 $0xB180  }
0x18: {  	s15 =	simm.s32 $0xC180;
	[dreg:$0x1e] =	wrdreg s13  }
0x19: {  	s16 =	simm.s32 $0xC980;
	[smem:$0x78F] =	sst s15  }
0x1a: {  	s17 =	simm.s32 $0xD180;
	[smem:$0x790] =	sst s16  }
0x1b: {  	s18 =	simm.s32 $0xD980;
	[smem:$0x791] =	sst s17  }
0x1c: {  	s19 =	simm.s32 $0xE180;
	[smem:$0x792] =	sst s18  }
0x1d: {  	s20 =	simm.s32 $0xE980;
	[smem:$0x793] =	sst s19  }
0x1e: {  	s21 =	simm.s32 $0xF180;
	[smem:$0x794] =	sst s20  }
0x1f: {  	s22 =	simm.s32 $0xF980;
	[smem:$0x795] =	sst s21  }
0x20: {  	s23 =	simm.s32 $0x10180;
	[smem:$0x796] =	sst s22  }
0x21: {  	s24 =	simm.s32 $0x10980;
	[smem:$0x797] =	sst s23  }
0x22: {  	s25 =	simm.s32 $0x11180;
	[smem:$0x798] =	sst s24  }
0x23: {  	s26 =	simm.s32 $0x11980;
	[smem:$0x799] =	sst s25  }
0x24: {  	s28 =	simm.s32 $0x12180;
	[smem:$0x79A] =	sst s26  }
0x25: {  	s29 =	simm.s32 $0x12980;
	[smem:$0x79B] =	sst s28  }
0x26: {  	s30 =	simm.s32 $0x13180;
	[smem:$0x79C] =	sst s29  }
0x27: {  	s31 =	simm.s32 $0x13980;
	[smem:$0x79D] =	sst s30  }
0x28: {  	s11 =	simm.s32 $0x14480;
	[smem:$0x79E] =	sst s31  }
0x29: {  	s12 =	simm.s32 $0x14500;
	[smem:$0x7A3] =	sst s11  }
0x2a: {  	[smem:$0x7A4] =	sst s12;
	s13 =	simm.s32 $0x14580  }
0x2b: {  	s15 =	simm.s32 $0x14680;
	[smem:$0x7A5] =	sst s13  }
0x2c: {  	s16 =	simm.s32 $0x14700;
	[smem:$0x7A7] =	sst s15  }
0x2d: {  	s17 =	simm.s32 $0x14780;
	[smem:$0x7A8] =	sst s16  }
0x2e: {  	s18 =	simm.s32 $0x14800;
	[smem:$0x7A9] =	sst s17  }
0x2f: {  	s19 =	simm.s32 $0x14880;
	[smem:$0x7AA] =	sst s18  }
0x30: {  	s20 =	simm.s32 $0x14900;
	[smem:$0x7AB] =	sst s19  }
0x31: {  	s21 =	simm.s32 $0x14980;
	[smem:$0x7AC] =	sst s20  }
0x32: {  	s22 =	simm.s32 $0x14A00;
	[smem:$0x7AD] =	sst s21  }
0x33: {  	s23 =	simm.s32 $0x14A80;
	[smem:$0x7AE] =	sst s22  }
0x34: {  	s24 =	simm.s32 $0x14B00;
	[smem:$0x7AF] =	sst s23  }
0x35: {  	s25 =	simm.s32 $0x14B80;
	[smem:$0x7B0] =	sst s24  }
0x36: {  	s26 =	simm.s32 $0x14C00;
	[smem:$0x7B1] =	sst s25  }
0x37: {  	s28 =	simm.s32 $0x14C80;
	[smem:$0x7B2] =	sst s26  }
0x38: {  	s29 =	simm.s32 $0x14D00;
	[smem:$0x7B3] =	sst s28  }
0x39: {  	s30 =	simm.s32 $0x14D80;
	[smem:$0x7B4] =	sst s29  }
0x3a: {  	s31 =	simm.s32 $0x14E00;
	[smem:$0x7B5] =	sst s30  }
0x3b: {  	s11 =	simm.s32 $0x15080;
	[smem:$0x7B6] =	sst s31  }
0x3c: {  	s12 =	simm.s32 $0x15100;
	[smem:$0x7BB] =	sst s11  }
0x3d: {  	[smem:$0x7BC] =	sst s12;
	s13 =	simm.s32 $0x15180  }
0x3e: {  	s15 =	simm.s32 $0x15280;
	[smem:$0x7BD] =	sst s13  }
0x3f: {  	s16 =	simm.s32 $0x15300;
	[smem:$0x7BF] =	sst s15  }
0x40: {  	s17 =	simm.s32 $0x15380;
	[smem:$0x7C0] =	sst s16  }
0x41: {  	s18 =	simm.s32 $0x15400;
	[smem:$0x7C1] =	sst s17  }
0x42: {  	s19 =	simm.s32 $0x15480;
	[smem:$0x7C2] =	sst s18  }
0x43: {  	s20 =	simm.s32 $0x15500;
	[smem:$0x7C3] =	sst s19  }
0x44: {  	s21 =	simm.s32 $0x15580;
	[smem:$0x7C4] =	sst s20  }
0x45: {  	s22 =	simm.s32 $0x15600;
	[smem:$0x7C5] =	sst s21  }
0x46: {  	s23 =	simm.s32 $0x15680;
	[smem:$0x7C6] =	sst s22  }
0x47: {  	s24 =	simm.s32 $0x15700;
	[smem:$0x7C7] =	sst s23  }
0x48: {  	s25 =	simm.s32 $0x15780;
	[smem:$0x7C8] =	sst s24  }
0x49: {  	s26 =	simm.s32 $0x15800;
	[smem:$0x7C9] =	sst s25  }
0x4a: {  	s28 =	simm.s32 $0x15880;
	[smem:$0x7CA] =	sst s26  }
0x4b: {  	s29 =	simm.s32 $0x15900;
	[smem:$0x7CB] =	sst s28  }
0x4c: {  	s30 =	simm.s32 $0x15980;
	[smem:$0x7CC] =	sst s29  }
0x4d: {  	s31 =	simm.s32 $0x15A00;
	[smem:$0x7CD] =	sst s30  }
0x4e: {  	s10 =	smul.u32 $0xC, s6;
	s11 =	simm.s32 $0x15C80;
	[smem:$0x7CE] =	sst s31  }
0x4f: {  	s12 =	simm.s32 $0x15D00;
	[smem:$0x7D3] =	sst s11  }
0x50: {  	s7 =	sadd.s32 s7, s10;
	[smem:$0x7D4] =	sst s12  }
0x51: {  	s10 =	simm.s32 $0x9980;
	[dreg:$0x5] =	wrdreg s7  }
0x52: {  	s13 =	simm.s32 $0x15D80;
	[dreg:$0x1b] =	wrdreg s10  }
0x53: {  	s15 =	simm.s32 $0x15E80;
	[smem:$0x7D5] =	sst s13  }
0x54: {  	s16 =	simm.s32 $0x15F00;
	[smem:$0x7D7] =	sst s15  }
0x55: {  	s17 =	simm.s32 $0x15F80;
	[smem:$0x7D8] =	sst s16  }
0x56: {  	s18 =	simm.s32 $0x16000;
	[smem:$0x7D9] =	sst s17  }
0x57: {  	s19 =	simm.s32 $0x16080;
	[smem:$0x7DA] =	sst s18  }
0x58: {  	s20 =	simm.s32 $0x16100;
	[smem:$0x7DB] =	sst s19  }
0x59: {  	s21 =	simm.s32 $0x16180;
	[smem:$0x7DC] =	sst s20  }
0x5a: {  	s22 =	simm.s32 $0x16200;
	[smem:$0x7DD] =	sst s21  }
0x5b: {  	s23 =	simm.s32 $0x16280;
	[smem:$0x7DE] =	sst s22  }
0x5c: {  	s24 =	simm.s32 $0x16300;
	[smem:$0x7DF] =	sst s23  }
0x5d: {  	s25 =	simm.s32 $0x16380;
	[smem:$0x7E0] =	sst s24  }
0x5e: {  	s26 =	simm.s32 $0x16400;
	[smem:$0x7E1] =	sst s25  }
0x5f: {  	s28 =	simm.s32 $0x16480;
	[smem:$0x7E2] =	sst s26  }
0x60: {  	s29 =	simm.s32 $0x16500;
	[smem:$0x7E3] =	sst s28  }
0x61: {  	s8 =	smul.u32 $0x28, s6;
	s30 =	simm.s32 $0x16580;
	[smem:$0x7E4] =	sst s29  }
0x62: {  	s9 =	smul.u32 $0x600, s6;
	s31 =	simm.s32 $0x16600;
	[smem:$0x7E5] =	sst s30  }
0x63: {  	s6 =	smul.u32 $0x2800, s6;
	s11 =	simm.s32 $0x16880;
	[smem:$0x7E6] =	sst s31  }
0x64: {  	s8 =	sadd.s32 s8, s4;
	s12 =	simm.s32 $0x16900;
	[smem:$0x7EB] =	sst s11  }
0x65: {  	s9 =	sadd.s32 s9, s4;
	s8 =	sadd.s32 $0x18A000, s8;
	[smem:$0x7EC] =	sst s12  }
0x66: {  	s6 =	sadd.s32 s6, s4;
	s14 =	sadd.s32 $0x1DA600, s9;
	[dreg:$0x4] =	wrdreg s8  }
0x67: {  	s6 =	sadd.s32 $0x18A600, s6;
	[dreg:$0x6] =	wrdreg s14  }
0x68: {  	s7 =	simm.s32 $0x8180;
	[dreg:$0x7] =	wrdreg s6  }
0x69: {  	s9 =	simm.s32 $0x9180;
	[dreg:$0x18] =	wrdreg s7  }
0x6a: {  	s10 =	simm.s32 $0x14400;
	[dreg:$0x1a] =	wrdreg s9  }
0x6b: {  	s13 =	simm.s32 $0x16980;
	[smem:$0x7A2] =	sst s10  }
0x6c: {  	s15 =	simm.s32 $0x16A80;
	[smem:$0x7ED] =	sst s13  }
0x6d: {  	s16 =	simm.s32 $0x16B00;
	[smem:$0x7EF] =	sst s15  }
0x6e: {  	s17 =	simm.s32 $0x16B80;
	[smem:$0x7F0] =	sst s16  }
0x6f: {  	s18 =	simm.s32 $0x16C00;
	[smem:$0x7F1] =	sst s17  }
0x70: {  	s19 =	simm.s32 $0x16C80;
	[smem:$0x7F2] =	sst s18  }
0x71: {  	s20 =	simm.s32 $0x16D00;
	[smem:$0x7F3] =	sst s19  }
0x72: {  	s21 =	simm.s32 $0x16D80;
	[smem:$0x7F4] =	sst s20  }
0x73: {  	s22 =	simm.s32 $0x16E00;
	[smem:$0x7F5] =	sst s21  }
0x74: {  	s23 =	simm.s32 $0x16E80;
	[smem:$0x7F6] =	sst s22  }
0x75: {  	s25 =	simm.s32 $0x16F00;
	[smem:$0x7F7] =	sst s23  }
0x76: {  	s26 =	simm.s32 $0x16F80;
	[smem:$0x7F8] =	sst s25  }
0x77: {  	s28 =	simm.s32 $0x17000;
	[smem:$0x7F9] =	sst s26  }
0x78: {  	s29 =	simm.s32 $0x17080;
	[smem:$0x7FA] =	sst s28  }
0x79: {  	s30 =	simm.s32 $0x17100;
	[smem:$0x7FB] =	sst s29  }
0x7a: {  	s31 =	simm.s32 $0x17180;
	[smem:$0x7FC] =	sst s30  }
0x7b: {  	s8 =	simm.s32 $0x8980;
	[smem:$0x7FD] =	sst s31  }
0x7c: {  	s14 =	simm.s32 $0xB980;
	[dreg:$0x19] =	wrdreg s8  }
0x7d: {  	s7 =	simm.s32 $0x14280;
	[dreg:$0x1f] =	wrdreg s14  }
0x7e: {  	s9 =	simm.s32 $0x14380;
	[smem:$0x79F] =	sst s7  }
0x7f: {  	s10 =	simm.s32 $0x15000;
	[smem:$0x7A1] =	sst s9  }
0x80: {  	s8 =	simm.s32 $0x14300;
	[smem:$0x7BA] =	sst s10  }
0x81: {  	s14 =	simm.s32 $0x14600;
	[smem:$0x7A0] =	sst s8  }
0x82: {  	s7 =	simm.s32 $0x14E80;
	[smem:$0x7A6] =	sst s14  }
0x83: {  	s9 =	simm.s32 $0x14F80;
	[smem:$0x7B7] =	sst s7  }
0x84: {  	s10 =	simm.s32 $0x15C00;
	[smem:$0x7B9] =	sst s9  }
0x85: {  	s8 =	simm.s32 $0x14F00;
	[smem:$0x7D2] =	sst s10  }
0x86: {  	s14 =	simm.s32 $0x15200;
	[smem:$0x7B8] =	sst s8  }
0x87: {  	s7 =	simm.s32 $0x15A80;
	[smem:$0x7BE] =	sst s14  }
0x88: {  	s5 =	ssub.s32 $0x2, s5;
	s9 =	simm.s32 $0x15B80;
	[smem:$0x7CF] =	sst s7  }
0x89: {  	s4 =	sadd.s32 $0x3400, s4;
	s10 =	simm.s32 $0x16800;
	[smem:$0x7D1] =	sst s9  }
0x8a: {  	s24 =	sshrl.u32 s5, $0x1;
	s8 =	simm.s32 $0x15B00;
	[smem:$0x7EA] =	sst s10  }
0x8b: {  	s5 =	ssub.s32 s5, s24;
	s14 =	simm.s32 $0x15E00;
	[smem:$0x7D0] =	sst s8  }
0x8c: {  	s6 =	simm.s32 $0x3;
	s7 =	simm.s32 $0x16680;
	[smem:$0x7D6] =	sst s14  }
0x8d: {  	s5 =	smax.u32 s5, $0x1;
	s9 =	simm.s32 $0x16780;
	[smem:$0x7E7] =	sst s7  }
0x8e: {  	v2 =	vlaneseq.u32;
	s10 =	simm.s32 $0x1;
	s8 =	simm.s32 $0x16700;
	[smem:$0x7E9] =	sst s9  }
0x8f: {  	vm0 =	vmmov $0xffff;
	v1 =	vshrl.u32 v2, $0x3;
	s14 =	simm.s32 $0x16A00;
	s7 =	simm.s32 $0x180;
	[smem:$0x7E8] =	sst s8  }
0x90: {  	v0 =	vand.u32 $0x7, v2;
	v2 =	vor.u32 $0x8, v2;
	v1 =	vmul.u32 $0x8, v1;
	s9 =	simm.s32 $0x2;
	[smem:$0x7EE] =	sst s14;
	s8 =	simm.s32 $0x14200  }
.LBB2_1:
0x91: {  	s11 =	rddreg [dreg:$0x4]  }
0x92: {  	[tilespmem:s3], [sflag:$0x3] =	stream.linear.gather [hbm4b:s11+s3], $0x140, $0x38;
	[tilespmem:$0x17200] =	vst v63  }
0x93: {  	_ =	swait.ge [sflag:s6], $0x140  }
0x94: {  	s15 =	rddreg [dreg:$0x5];
	[sflag:s6] =	ssyncset.done $0x0  }
0x95: {  	s12 =	rddreg [dreg:$0x8];
	[sflag:s6] =	ssyncadd.s32 $0xFFFFFEC0  }
0x96: {  	[tilespmem:s12], [sflag:$0x3] =	stream.linear.gather [hbm4b:s15+s3], $0x60, $0x38;
	[tilespmem:$0x17200] =	vst v63  }
0x97: {  	_ =	swait.ge [sflag:s6], $0x60  }
0x98: {  	[sflag:s6] =	ssyncset.done $0x0  }
0x99: {  	[sflag:s6] =	ssyncadd.s32 $0xFFFFFFA0  }
0x9a: {  	v3 =	vld [tilespmem:$0x0];
	_ =	sdelay $0x4  }
0x9b: {  	v4 =	vshll.u32 v3, $0x1  }
0x9c: {  	v3 =	vand.u32 $0x7, v3;
	v4 =	vand.u32 $0xFFFFFFF0, v4  }
0x9d: {  	v3 =	vor.u32 v3, v4  }
0x9e: {  	v4 =	vperm.xlane v3, v0;
	_ =	sdelay $0x1  }
0x9f: {  	v3 =	vperm.xlane v3, v2;
	v4 =	vadd.s32 v1, v4;
	_ =	sdelay $0x1  }
0xa0: {  	v3 =	vadd.s32 v1, v3;
	_ =	sdelay $0x2  }
0xa1: {  	[tilespmem:s7], [sflag:$0x1] =	stream.indirect_vreg.gather [hbm4b:s1+s3], $0x80, v4, vm0, $0xb8;
	[tilespmem:$0x17200] =	vst v63  }
0xa2: {  	s16 =	rddreg [dreg:$0x9]  }
0xa3: {  	[tilespmem:s16], [sflag:$0x1] =	stream.indirect_vreg.gather [hbm4b:s1+s3], $0x80, v3, vm0, $0xb8;
	[tilespmem:$0x17200] =	vst v63  }
0xa4: {  	v3 =	vld [tilespmem:$0x10];
	_ =	sdelay $0x4  }
0xa5: {  	v45 =	vshll.u32 v3, $0x1  }
0xa6: {  	v3 =	vand.u32 $0x7, v3;
	v4 =	vand.u32 $0xFFFFFFF0, v45  }
0xa7: {  	v3 =	vor.u32 v3, v4  }
0xa8: {  	v4 =	vperm.xlane v3, v0;
	_ =	sdelay $0x1  }
0xa9: {  	v3 =	vperm.xlane v3, v2;
	v4 =	vadd.s32 v1, v4;
	_ =	sdelay $0x1  }
0xaa: {  	v3 =	vadd.s32 v1, v3;
	_ =	sdelay $0x1  }
0xab: {  	s17 =	rddreg [dreg:$0xa]  }
0xac: {  	[tilespmem:s17], [sflag:$0x1] =	stream.indirect_vreg.gather [hbm4b:s1+s3], $0x80, v4, vm0, $0xb8;
	[tilespmem:$0x17200] =	vst v63  }
0xad: {  	s18 =	rddreg [dreg:$0xb]  }
0xae: {  	[tilespmem:s18], [sflag:$0x1] =	stream.indirect_vreg.gather [hbm4b:s1+s3], $0x80, v3, vm0, $0xb8;
	[tilespmem:$0x17200] =	vst v63  }
0xaf: {  	v3 =	vld [tilespmem:$0x20];
	_ =	sdelay $0x4  }
0xb0: {  	v46 =	vshll.u32 v3, $0x1  }
0xb1: {  	v3 =	vand.u32 $0x7, v3;
	v4 =	vand.u32 $0xFFFFFFF0, v46  }
0xb2: {  	v3 =	vor.u32 v3, v4  }
0xb3: {  	v4 =	vperm.xlane v3, v0;
	_ =	sdelay $0x1  }
0xb4: {  	v3 =	vperm.xlane v3, v2;
	v4 =	vadd.s32 v1, v4;
	_ =	sdelay $0x1  }
0xb5: {  	v3 =	vadd.s32 v1, v3;
	_ =	sdelay $0x1  }
0xb6: {  	s19 =	rddreg [dreg:$0xc]  }
0xb7: {  	[tilespmem:s19], [sflag:$0x1] =	stream.indirect_vreg.gather [hbm4b:s1+s3], $0x80, v4, vm0, $0xb8;
	[tilespmem:$0x17200] =	vst v63  }
0xb8: {  	s20 =	rddreg [dreg:$0xd]  }
0xb9: {  	[tilespmem:s20], [sflag:$0x1] =	stream.indirect_vreg.gather [hbm4b:s1+s3], $0x80, v3, vm0, $0xb8;
	[tilespmem:$0x17200] =	vst v63  }
0xba: {  	v3 =	vld [tilespmem:$0x30];
	_ =	sdelay $0x4  }
0xbb: {  	v47 =	vshll.u32 v3, $0x1  }
0xbc: {  	v3 =	vand.u32 $0x7, v3;
	v4 =	vand.u32 $0xFFFFFFF0, v47  }
0xbd: {  	v3 =	vor.u32 v3, v4  }
0xbe: {  	v4 =	vperm.xlane v3, v0;
	_ =	sdelay $0x1  }
0xbf: {  	v3 =	vperm.xlane v3, v2;
	v4 =	vadd.s32 v1, v4;
	_ =	sdelay $0x1  }
0xc0: {  	v3 =	vadd.s32 v1, v3;
	_ =	sdelay $0x1  }
0xc1: {  	s21 =	rddreg [dreg:$0xe]  }
0xc2: {  	[tilespmem:s21], [sflag:$0x1] =	stream.indirect_vreg.gather [hbm4b:s1+s3], $0x80, v4, vm0, $0xb8;
	[tilespmem:$0x17200] =	vst v63  }
0xc3: {  	s22 =	rddreg [dreg:$0xf]  }
0xc4: {  	[tilespmem:s22], [sflag:$0x1] =	stream.indirect_vreg.gather [hbm4b:s1+s3], $0x80, v3, vm0, $0xb8;
	[tilespmem:$0x17200] =	vst v63  }
0xc5: {  	v3 =	vld [tilespmem:$0x40];
	_ =	sdelay $0x4  }
0xc6: {  	v48 =	vshll.u32 v3, $0x1  }
0xc7: {  	v3 =	vand.u32 $0x7, v3;
	v4 =	vand.u32 $0xFFFFFFF0, v48  }
0xc8: {  	v3 =	vor.u32 v3, v4  }
0xc9: {  	v4 =	vperm.xlane v3, v0;
	_ =	sdelay $0x1  }
0xca: {  	v3 =	vperm.xlane v3, v2;
	v4 =	vadd.s32 v1, v4;
	_ =	sdelay $0x1  }
0xcb: {  	v3 =	vadd.s32 v1, v3;
	_ =	sdelay $0x1  }
0xcc: {  	s23 =	rddreg [dreg:$0x10]  }
0xcd: {  	[tilespmem:s23], [sflag:$0x1] =	stream.indirect_vreg.gather [hbm4b:s1+s3], $0x80, v4, vm0, $0xb8;
	[tilespmem:$0x17200] =	vst v63  }
0xce: {  	s24 =	rddreg [dreg:$0x11]  }
0xcf: {  	[tilespmem:s24], [sflag:$0x1] =	stream.indirect_vreg.gather [hbm4b:s1+s3], $0x80, v3, vm0, $0xb8;
	[tilespmem:$0x17200] =	vst v63  }
0xd0: {  	v3 =	vld [tilespmem:$0x50];
	_ =	sdelay $0x4  }
0xd1: {  	v49 =	vshll.u32 v3, $0x1  }
0xd2: {  	v3 =	vand.u32 $0x7, v3;
	v4 =	vand.u32 $0xFFFFFFF0, v49  }
0xd3: {  	v3 =	vor.u32 v3, v4  }
0xd4: {  	v4 =	vperm.xlane v3, v0;
	_ =	sdelay $0x1  }
0xd5: {  	v3 =	vperm.xlane v3, v2;
	v4 =	vadd.s32 v1, v4;
	_ =	sdelay $0x1  }
0xd6: {  	v3 =	vadd.s32 v1, v3;
	_ =	sdelay $0x1  }
0xd7: {  	s25 =	rddreg [dreg:$0x12]  }
0xd8: {  	[tilespmem:s25], [sflag:$0x1] =	stream.indirect_vreg.gather [hbm4b:s1+s3], $0x80, v4, vm0, $0xb8;
	[tilespmem:$0x17200] =	vst v63  }
0xd9: {  	s26 =	rddreg [dreg:$0x13]  }
0xda: {  	[tilespmem:s26], [sflag:$0x1] =	stream.indirect_vreg.gather [hbm4b:s1+s3], $0x80, v3, vm0, $0xb8;
	[tilespmem:$0x17200] =	vst v63  }
0xdb: {  	v3 =	vld [tilespmem:$0x60];
	_ =	sdelay $0x4  }
0xdc: {  	v50 =	vshll.u32 v3, $0x1  }
0xdd: {  	v3 =	vand.u32 $0x7, v3;
	v4 =	vand.u32 $0xFFFFFFF0, v50  }
0xde: {  	v3 =	vor.u32 v3, v4  }
0xdf: {  	v4 =	vperm.xlane v3, v0;
	_ =	sdelay $0x1  }
0xe0: {  	v3 =	vperm.xlane v3, v2;
	v4 =	vadd.s32 v1, v4;
	_ =	sdelay $0x1  }
0xe1: {  	v3 =	vadd.s32 v1, v3;
	_ =	sdelay $0x1  }
0xe2: {  	s28 =	rddreg [dreg:$0x14]  }
0xe3: {  	[tilespmem:s28], [sflag:$0x1] =	stream.indirect_vreg.gather [hbm4b:s1+s3], $0x80, v4, vm0, $0xb8;
	[tilespmem:$0x17200] =	vst v63  }
0xe4: {  	s29 =	rddreg [dreg:$0x15]  }
0xe5: {  	[tilespmem:s29], [sflag:$0x1] =	stream.indirect_vreg.gather [hbm4b:s1+s3], $0x80, v3, vm0, $0xb8;
	[tilespmem:$0x17200] =	vst v63  }
0xe6: {  	v3 =	vld [tilespmem:$0x70];
	_ =	sdelay $0x4  }
0xe7: {  	v51 =	vshll.u32 v3, $0x1  }
0xe8: {  	v3 =	vand.u32 $0x7, v3;
	v4 =	vand.u32 $0xFFFFFFF0, v51  }
0xe9: {  	v3 =	vor.u32 v3, v4  }
0xea: {  	v4 =	vperm.xlane v3, v0;
	_ =	sdelay $0x1  }
0xeb: {  	v3 =	vperm.xlane v3, v2;
	v4 =	vadd.s32 v1, v4;
	_ =	sdelay $0x1  }
0xec: {  	v3 =	vadd.s32 v1, v3;
	_ =	sdelay $0x1  }
0xed: {  	s30 =	rddreg [dreg:$0x16]  }
0xee: {  	[tilespmem:s30], [sflag:$0x1] =	stream.indirect_vreg.gather [hbm4b:s1+s3], $0x80, v4, vm0, $0xb8;
	[tilespmem:$0x17200] =	vst v63  }
0xef: {  	s31 =	rddreg [dreg:$0x17]  }
0xf0: {  	[tilespmem:s31], [sflag:$0x1] =	stream.indirect_vreg.gather [hbm4b:s1+s3], $0x80, v3, vm0, $0xb8;
	[tilespmem:$0x17200] =	vst v63  }
0xf1: {  	v3 =	vld [tilespmem:$0x80];
	_ =	sdelay $0x4  }
0xf2: {  	v52 =	vshll.u32 v3, $0x1  }
0xf3: {  	v3 =	vand.u32 $0x7, v3;
	v4 =	vand.u32 $0xFFFFFFF0, v52  }
0xf4: {  	v3 =	vor.u32 v3, v4  }
0xf5: {  	v4 =	vperm.xlane v3, v0;
	_ =	sdelay $0x1  }
0xf6: {  	v3 =	vperm.xlane v3, v2;
	v4 =	vadd.s32 v1, v4;
	_ =	sdelay $0x1  }
0xf7: {  	v3 =	vadd.s32 v1, v3;
	_ =	sdelay $0x1  }
0xf8: {  	s13 =	rddreg [dreg:$0x18]  }
0xf9: {  	[tilespmem:s13], [sflag:$0x1] =	stream.indirect_vreg.gather [hbm4b:s1+s3], $0x80, v4, vm0, $0xb8;
	[tilespmem:$0x17200] =	vst v63  }
0xfa: {  	s14 =	rddreg [dreg:$0x19]  }
0xfb: {  	[tilespmem:s14], [sflag:$0x1] =	stream.indirect_vreg.gather [hbm4b:s1+s3], $0x80, v3, vm0, $0xb8;
	[tilespmem:$0x17200] =	vst v63  }
0xfc: {  	v3 =	vld [tilespmem:$0x90];
	_ =	sdelay $0x4  }
0xfd: {  	v53 =	vshll.u32 v3, $0x1  }
0xfe: {  	v3 =	vand.u32 $0x7, v3;
	v4 =	vand.u32 $0xFFFFFFF0, v53  }
0xff: {  	v3 =	vor.u32 v3, v4  }
0x100: {  	v4 =	vperm.xlane v3, v0;
	_ =	sdelay $0x1  }
0x101: {  	v3 =	vperm.xlane v3, v2;
	v4 =	vadd.s32 v1, v4;
	_ =	sdelay $0x1  }
0x102: {  	v3 =	vadd.s32 v1, v3;
	_ =	sdelay $0x1  }
0x103: {  	s15 =	rddreg [dreg:$0x1a]  }
0x104: {  	[tilespmem:s15], [sflag:$0x1] =	stream.indirect_vreg.gather [hbm4b:s1+s3], $0x80, v4, vm0, $0xb8;
	[tilespmem:$0x17200] =	vst v63  }
0x105: {  	s16 =	rddreg [dreg:$0x1b]  }
0x106: {  	[tilespmem:s16], [sflag:$0x1] =	stream.indirect_vreg.gather [hbm4b:s1+s3], $0x80, v3, vm0, $0xb8;
	[tilespmem:$0x17200] =	vst v63  }
0x107: {  	v3 =	vld [tilespmem:$0xA0];
	_ =	sdelay $0x4  }
0x108: {  	v54 =	vshll.u32 v3, $0x1  }
0x109: {  	v3 =	vand.u32 $0x7, v3;
	v4 =	vand.u32 $0xFFFFFFF0, v54  }
0x10a: {  	v3 =	vor.u32 v3, v4  }
0x10b: {  	v4 =	vperm.xlane v3, v0;
	_ =	sdelay $0x1  }
0x10c: {  	v3 =	vperm.xlane v3, v2;
	v4 =	vadd.s32 v1, v4;
	_ =	sdelay $0x1  }
0x10d: {  	v3 =	vadd.s32 v1, v3;
	_ =	sdelay $0x1  }
0x10e: {  	s17 =	rddreg [dreg:$0x1c]  }
0x10f: {  	[tilespmem:s17], [sflag:$0x1] =	stream.indirect_vreg.gather [hbm4b:s1+s3], $0x80, v4, vm0, $0xb8;
	[tilespmem:$0x17200] =	vst v63  }
0x110: {  	s18 =	rddreg [dreg:$0x1d]  }
0x111: {  	[tilespmem:s18], [sflag:$0x1] =	stream.indirect_vreg.gather [hbm4b:s1+s3], $0x80, v3, vm0, $0xb8;
	[tilespmem:$0x17200] =	vst v63  }
0x112: {  	v3 =	vld [tilespmem:$0xB0];
	_ =	sdelay $0x4  }
0x113: {  	v55 =	vshll.u32 v3, $0x1  }
0x114: {  	v3 =	vand.u32 $0x7, v3;
	v4 =	vand.u32 $0xFFFFFFF0, v55  }
0x115: {  	v3 =	vor.u32 v3, v4  }
0x116: {  	v4 =	vperm.xlane v3, v0;
	_ =	sdelay $0x1  }
0x117: {  	v3 =	vperm.xlane v3, v2;
	v4 =	vadd.s32 v1, v4;
	_ =	sdelay $0x1  }
0x118: {  	v3 =	vadd.s32 v1, v3;
	_ =	sdelay $0x1  }
0x119: {  	s19 =	rddreg [dreg:$0x1e]  }
0x11a: {  	[tilespmem:s19], [sflag:$0x1] =	stream.indirect_vreg.gather [hbm4b:s1+s3], $0x80, v4, vm0, $0xb8;
	[tilespmem:$0x17200] =	vst v63  }
0x11b: {  	s20 =	rddreg [dreg:$0x1f]  }
0x11c: {  	[tilespmem:s20], [sflag:$0x1] =	stream.indirect_vreg.gather [hbm4b:s1+s3], $0x80, v3, vm0, $0xb8;
	[tilespmem:$0x17200] =	vst v63  }
0x11d: {  	v3 =	vld [tilespmem:$0xC0];
	_ =	sdelay $0x4  }
0x11e: {  	v56 =	vshll.u32 v3, $0x1  }
0x11f: {  	v3 =	vand.u32 $0x7, v3;
	v4 =	vand.u32 $0xFFFFFFF0, v56  }
0x120: {  	v3 =	vor.u32 v3, v4  }
0x121: {  	v4 =	vperm.xlane v3, v0;
	_ =	sdelay $0x1  }
0x122: {  	v3 =	vperm.xlane v3, v2;
	v4 =	vadd.s32 v1, v4;
	_ =	sdelay $0x1  }
0x123: {  	s21 =	sld [smem:$0x78F];
	v3 =	vadd.s32 v1, v3;
	_ =	sdelay $0x1  }
0x124: {  	s22 =	sld [smem:$0x790]  }
0x125: {  	[tilespmem:s21], [sflag:$0x1] =	stream.indirect_vreg.gather [hbm4b:s1+s3], $0x80, v4, vm0, $0xb8;
	[tilespmem:$0x17200] =	vst v63  }
0x126: {  	_ = 	snop  }
0x127: {  	[tilespmem:s22], [sflag:$0x1] =	stream.indirect_vreg.gather [hbm4b:s1+s3], $0x80, v3, vm0, $0xb8;
	[tilespmem:$0x17200] =	vst v63  }
0x128: {  	v3 =	vld [tilespmem:$0xD0];
	_ =	sdelay $0x4  }
0x129: {  	v57 =	vshll.u32 v3, $0x1  }
0x12a: {  	v3 =	vand.u32 $0x7, v3;
	v4 =	vand.u32 $0xFFFFFFF0, v57  }
0x12b: {  	v3 =	vor.u32 v3, v4  }
0x12c: {  	v4 =	vperm.xlane v3, v0;
	_ =	sdelay $0x1  }
0x12d: {  	v3 =	vperm.xlane v3, v2;
	v4 =	vadd.s32 v1, v4;
	_ =	sdelay $0x1  }
0x12e: {  	s23 =	sld [smem:$0x791];
	v3 =	vadd.s32 v1, v3;
	_ =	sdelay $0x1  }
0x12f: {  	s24 =	sld [smem:$0x792]  }
0x130: {  	[tilespmem:s23], [sflag:$0x1] =	stream.indirect_vreg.gather [hbm4b:s1+s3], $0x80, v4, vm0, $0xb8;
	[tilespmem:$0x17200] =	vst v63  }
0x131: {  	_ = 	snop  }
0x132: {  	[tilespmem:s24], [sflag:$0x1] =	stream.indirect_vreg.gather [hbm4b:s1+s3], $0x80, v3, vm0, $0xb8;
	[tilespmem:$0x17200] =	vst v63  }
0x133: {  	v3 =	vld [tilespmem:$0xE0];
	_ =	sdelay $0x4  }
0x134: {  	v58 =	vshll.u32 v3, $0x1  }
0x135: {  	v3 =	vand.u32 $0x7, v3;
	v4 =	vand.u32 $0xFFFFFFF0, v58  }
0x136: {  	v3 =	vor.u32 v3, v4  }
0x137: {  	v4 =	vperm.xlane v3, v0;
	_ =	sdelay $0x1  }
0x138: {  	v3 =	vperm.xlane v3, v2;
	v4 =	vadd.s32 v1, v4;
	_ =	sdelay $0x1  }
0x139: {  	s25 =	sld [smem:$0x793];
	v3 =	vadd.s32 v1, v3;
	_ =	sdelay $0x1  }
0x13a: {  	s26 =	sld [smem:$0x794]  }
0x13b: {  	[tilespmem:s25], [sflag:$0x1] =	stream.indirect_vreg.gather [hbm4b:s1+s3], $0x80, v4, vm0, $0xb8;
	[tilespmem:$0x17200] =	vst v63  }
0x13c: {  	_ = 	snop  }
0x13d: {  	[tilespmem:s26], [sflag:$0x1] =	stream.indirect_vreg.gather [hbm4b:s1+s3], $0x80, v3, vm0, $0xb8;
	[tilespmem:$0x17200] =	vst v63  }
0x13e: {  	v3 =	vld [tilespmem:$0xF0];
	_ =	sdelay $0x4  }
0x13f: {  	v59 =	vshll.u32 v3, $0x1  }
0x140: {  	v3 =	vand.u32 $0x7, v3;
	v4 =	vand.u32 $0xFFFFFFF0, v59  }
0x141: {  	v3 =	vor.u32 v3, v4  }
0x142: {  	v4 =	vperm.xlane v3, v0;
	_ =	sdelay $0x1  }
0x143: {  	v3 =	vperm.xlane v3, v2;
	v4 =	vadd.s32 v1, v4;
	_ =	sdelay $0x1  }
0x144: {  	s28 =	sld [smem:$0x795];
	v3 =	vadd.s32 v1, v3;
	_ =	sdelay $0x1  }
0x145: {  	s29 =	sld [smem:$0x796]  }
0x146: {  	[tilespmem:s28], [sflag:$0x1] =	stream.indirect_vreg.gather [hbm4b:s1+s3], $0x80, v4, vm0, $0xb8;
	[tilespmem:$0x17200] =	vst v63  }
0x147: {  	_ = 	snop  }
0x148: {  	[tilespmem:s29], [sflag:$0x1] =	stream.indirect_vreg.gather [hbm4b:s1+s3], $0x80, v3, vm0, $0xb8;
	[tilespmem:$0x17200] =	vst v63  }
0x149: {  	v3 =	vld [tilespmem:$0x100];
	_ =	sdelay $0x4  }
0x14a: {  	v60 =	vshll.u32 v3, $0x1  }
0x14b: {  	v3 =	vand.u32 $0x7, v3;
	v4 =	vand.u32 $0xFFFFFFF0, v60  }
0x14c: {  	v3 =	vor.u32 v3, v4  }
0x14d: {  	v4 =	vperm.xlane v3, v0;
	_ =	sdelay $0x1  }
0x14e: {  	v3 =	vperm.xlane v3, v2;
	v4 =	vadd.s32 v1, v4;
	_ =	sdelay $0x1  }
0x14f: {  	s30 =	sld [smem:$0x797];
	v3 =	vadd.s32 v1, v3;
	_ =	sdelay $0x1  }
0x150: {  	s31 =	sld [smem:$0x798]  }
0x151: {  	[tilespmem:s30], [sflag:$0x1] =	stream.indirect_vreg.gather [hbm4b:s1+s3], $0x80, v4, vm0, $0xb8;
	[tilespmem:$0x17200] =	vst v63  }
0x152: {  	_ = 	snop  }
0x153: {  	[tilespmem:s31], [sflag:$0x1] =	stream.indirect_vreg.gather [hbm4b:s1+s3], $0x80, v3, vm0, $0xb8;
	[tilespmem:$0x17200] =	vst v63  }
0x154: {  	v3 =	vld [tilespmem:$0x110];
	_ =	sdelay $0x4  }
0x155: {  	v61 =	vshll.u32 v3, $0x1  }
0x156: {  	v3 =	vand.u32 $0x7, v3;
	v4 =	vand.u32 $0xFFFFFFF0, v61  }
0x157: {  	v3 =	vor.u32 v3, v4  }
0x158: {  	v4 =	vperm.xlane v3, v0;
	_ =	sdelay $0x1  }
0x159: {  	v3 =	vperm.xlane v3, v2;
	v4 =	vadd.s32 v1, v4;
	_ =	sdelay $0x1  }
0x15a: {  	s12 =	sld [smem:$0x799];
	v3 =	vadd.s32 v1, v3;
	_ =	sdelay $0x1  }
0x15b: {  	s13 =	sld [smem:$0x79A]  }
0x15c: {  	[tilespmem:s12], [sflag:$0x1] =	stream.indirect_vreg.gather [hbm4b:s1+s3], $0x80, v4, vm0, $0xb8;
	[tilespmem:$0x17200] =	vst v63  }
0x15d: {  	_ = 	snop  }
0x15e: {  	[tilespmem:s13], [sflag:$0x1] =	stream.indirect_vreg.gather [hbm4b:s1+s3], $0x80, v3, vm0, $0xb8;
	[tilespmem:$0x17200] =	vst v63  }
0x15f: {  	v3 =	vld [tilespmem:$0x120];
	_ =	sdelay $0x4  }
0x160: {  	v62 =	vshll.u32 v3, $0x1  }
0x161: {  	v3 =	vand.u32 $0x7, v3;
	v4 =	vand.u32 $0xFFFFFFF0, v62  }
0x162: {  	v3 =	vor.u32 v3, v4  }
0x163: {  	v4 =	vperm.xlane v3, v0;
	_ =	sdelay $0x1  }
0x164: {  	v3 =	vperm.xlane v3, v2;
	v4 =	vadd.s32 v1, v4;
	_ =	sdelay $0x1  }
0x165: {  	s14 =	sld [smem:$0x79B];
	v3 =	vadd.s32 v1, v3;
	_ =	sdelay $0x1  }
0x166: {  	s15 =	sld [smem:$0x79C]  }
0x167: {  	[tilespmem:s14], [sflag:$0x1] =	stream.indirect_vreg.gather [hbm4b:s1+s3], $0x80, v4, vm0, $0xb8;
	[tilespmem:$0x17200] =	vst v63  }
0x168: {  	_ = 	snop  }
0x169: {  	[tilespmem:s15], [sflag:$0x1] =	stream.indirect_vreg.gather [hbm4b:s1+s3], $0x80, v3, vm0, $0xb8;
	[tilespmem:$0x17200] =	vst v63  }
0x16a: {  	v3 =	vld [tilespmem:$0x130];
	_ =	sdelay $0x4  }
0x16b: {  	v63 =	vshll.u32 v3, $0x1  }
0x16c: {  	v3 =	vand.u32 $0x7, v3;
	v4 =	vand.u32 $0xFFFFFFF0, v63  }
0x16d: {  	v3 =	vor.u32 v3, v4  }
0x16e: {  	v4 =	vperm.xlane v3, v0;
	_ =	sdelay $0x1  }
0x16f: {  	v3 =	vperm.xlane v3, v2;
	v4 =	vadd.s32 v1, v4;
	_ =	sdelay $0x1  }
0x170: {  	s16 =	sld [smem:$0x79D];
	v3 =	vadd.s32 v1, v3;
	_ =	sdelay $0x1  }
0x171: {  	s17 =	sld [smem:$0x79E]  }
0x172: {  	[tilespmem:s16], [sflag:$0x1] =	stream.indirect_vreg.gather [hbm4b:s1+s3], $0x80, v4, vm0, $0xb8;
	[tilespmem:$0x17200] =	vst v63  }
0x173: {  	_ = 	snop  }
0x174: {  	[tilespmem:s17], [sflag:$0x1] =	stream.indirect_vreg.gather [hbm4b:s1+s3], $0x80, v3, vm0, $0xb8;
	[tilespmem:$0x17200] =	vst v63  }
0x175: {  	v3 =	vld [tilespmem:$0x14180];
	_ =	sdelay $0x4  }
0x176: {  	v3 =	vshll.u32 v3, $0x4  }
0x177: {  	(v2sf) =	vpush v3, $0x0;
	_ =	sdelay $0x1  }
0x178: {  	(v2sf) =	vpush v3, $0x1;
	_ =	sdelay $0x1  }
0x179: {  	(v2sf) =	vpush v3, $0x2;
	_ =	sdelay $0x2  }
0x17a: {  	(v2sf) =	vpush v3, $0x3;
	_ =	sdelay $0x7  }
0x17b: {  	s18 =	spop (v2sf);
	(v2sf) =	vpush v3, $0x4;
	_ =	sdelay $0x1  }
0x17c: {  	s19 =	spop (v2sf);
	(v2sf) =	vpush v3, $0x5;
	_ =	sdelay $0x1  }
0x17d: {  	s21 =	spop (v2sf);
	(v2sf) =	vpush v3, $0x6;
	_ =	sdelay $0x1  }
0x17e: {  	s11 =	sand.u32 $0x1FFFFFF0, s18  }
0x17f: {  	s20 =	sld [smem:$0x79F];
	s11 =	sadd.s32 s4, s11;
	s23 =	spop (v2sf);
	(v2sf) =	vpush v3, $0x7  }
0x180: {  	[tilespmem:s8], [sflag:$0x2] =	stream.linear.gather [hbm4b:s11+s3], $0x80, $0x38;
	[tilespmem:$0x17200] =	vst v63  }
0x181: {  	s11 =	sand.u32 $0x1FFFFFF0, s19  }
0x182: {  	s22 =	sld [smem:$0x7A0];
	s11 =	sadd.s32 s4, s11  }
0x183: {  	[tilespmem:s20], [sflag:$0x2] =	stream.linear.gather [hbm4b:s11+s3], $0x80, $0x38;
	[tilespmem:$0x17200] =	vst v63  }
0x184: {  	s11 =	sand.u32 $0x1FFFFFF0, s21  }
0x185: {  	s11 =	sadd.s32 s4, s11  }
0x186: {  	[tilespmem:s22], [sflag:$0x2] =	stream.linear.gather [hbm4b:s11+s3], $0x80, $0x38;
	[tilespmem:$0x17200] =	vst v63  }
0x187: {  	s24 =	sld [smem:$0x7A1];
	s25 =	spop (v2sf);
	(v2sf) =	vpush v3, $0x8  }
0x188: {  	s11 =	sand.u32 $0x1FFFFFF0, s23  }
0x189: {  	s26 =	sld [smem:$0x7A2];
	s11 =	sadd.s32 s4, s11;
	s28 =	spop (v2sf);
	(v2sf) =	vpush v3, $0x9  }
0x18a: {  	[tilespmem:s24], [sflag:$0x2] =	stream.linear.gather [hbm4b:s11+s3], $0x80, $0x38;
	[tilespmem:$0x17200] =	vst v63  }
0x18b: {  	s11 =	sand.u32 $0x1FFFFFF0, s25;
	s30 =	spop (v2sf);
	(v2sf) =	vpush v3, $0xA  }
0x18c: {  	s11 =	sadd.s32 s4, s11  }
0x18d: {  	[tilespmem:s26], [sflag:$0x2] =	stream.linear.gather [hbm4b:s11+s3], $0x80, $0x38;
	[tilespmem:$0x17200] =	vst v63  }
0x18e: {  	s29 =	sld [smem:$0x7A3];
	s13 =	spop (v2sf);
	(v2sf) =	vpush v3, $0xB  }
0x18f: {  	s11 =	sand.u32 $0x1FFFFFF0, s28  }
0x190: {  	s31 =	sld [smem:$0x7A4];
	s11 =	sadd.s32 s4, s11  }
0x191: {  	[tilespmem:s29], [sflag:$0x2] =	stream.linear.gather [hbm4b:s11+s3], $0x80, $0x38;
	[tilespmem:$0x17200] =	vst v63  }
0x192: {  	s11 =	sand.u32 $0x1FFFFFF0, s30  }
0x193: {  	s14 =	sld [smem:$0x7A5];
	s11 =	sadd.s32 s4, s11  }
0x194: {  	[tilespmem:s31], [sflag:$0x2] =	stream.linear.gather [hbm4b:s11+s3], $0x80, $0x38;
	[tilespmem:$0x17200] =	vst v63  }
0x195: {  	s11 =	sand.u32 $0x1FFFFFF0, s13  }
0x196: {  	s11 =	sadd.s32 s4, s11;
	s15 =	spop (v2sf);
	(v2sf) =	vpush v3, $0xC  }
0x197: {  	[tilespmem:s14], [sflag:$0x2] =	stream.linear.gather [hbm4b:s11+s3], $0x80, $0x38;
	[tilespmem:$0x17200] =	vst v63  }
0x198: {  	s16 =	sld [smem:$0x7A6];
	s17 =	spop (v2sf);
	(v2sf) =	vpush v3, $0xD  }
0x199: {  	s11 =	sand.u32 $0x1FFFFFF0, s15  }
0x19a: {  	s18 =	sld [smem:$0x7A7];
	s11 =	sadd.s32 s4, s11;
	s19 =	spop (v2sf)  }
0x19b: {  	(v2sf) =	vpush v3, $0xE;
	[tilespmem:s16], [sflag:$0x2] =	stream.linear.gather [hbm4b:s11+s3], $0x80, $0x38;
	[tilespmem:$0x17200] =	vst v63  }
0x19c: {  	s11 =	sand.u32 $0x1FFFFFF0, s17  }
0x19d: {  	s20 =	sld [smem:$0x7A8];
	s21 =	spop (v2sf);
	s11 =	sadd.s32 s4, s11  }
0x19e: {  	(v2sf) =	vpush v3, $0xF;
	[tilespmem:s18], [sflag:$0x2] =	stream.linear.gather [hbm4b:s11+s3], $0x80, $0x38;
	[tilespmem:$0x17200] =	vst v63  }
0x19f: {  	s11 =	sand.u32 $0x1FFFFFF0, s19  }
0x1a0: {  	s22 =	sld [smem:$0x7A9];
	s11 =	sadd.s32 s4, s11  }
0x1a1: {  	[tilespmem:s20], [sflag:$0x2] =	stream.linear.gather [hbm4b:s11+s3], $0x80, $0x38;
	[tilespmem:$0x17200] =	vst v63  }
0x1a2: {  	s11 =	sand.u32 $0x1FFFFFF0, s21  }
0x1a3: {  	s11 =	sadd.s32 s4, s11  }
0x1a4: {  	[tilespmem:s22], [sflag:$0x2] =	stream.linear.gather [hbm4b:s11+s3], $0x80, $0x38;
	[tilespmem:$0x17200] =	vst v63  }
0x1a5: {  	s24 =	sld [smem:$0x7AA];
	s23 =	spop (v2sf)  }
0x1a6: {  	s11 =	sand.u32 $0x1FFFFFF0, s23  }
0x1a7: {  	s26 =	sld [smem:$0x7AB];
	s25 =	spop (v2sf);
	s11 =	sadd.s32 s4, s11  }
0x1a8: {  	[tilespmem:s24], [sflag:$0x2] =	stream.linear.gather [hbm4b:s11+s3], $0x80, $0x38;
	[tilespmem:$0x17200] =	vst v63  }
0x1a9: {  	s11 =	sand.u32 $0x1FFFFFF0, s25  }
0x1aa: {  	s29 =	sld [smem:$0x7AC];
	s28 =	spop (v2sf);
	s11 =	sadd.s32 s4, s11  }
0x1ab: {  	[tilespmem:s26], [sflag:$0x2] =	stream.linear.gather [hbm4b:s11+s3], $0x80, $0x38;
	[tilespmem:$0x17200] =	vst v63  }
0x1ac: {  	s11 =	sand.u32 $0x1FFFFFF0, s28  }
0x1ad: {  	s31 =	sld [smem:$0x7AD];
	s30 =	spop (v2sf);
	s11 =	sadd.s32 s4, s11  }
0x1ae: {  	[tilespmem:s29], [sflag:$0x2] =	stream.linear.gather [hbm4b:s11+s3], $0x80, $0x38;
	[tilespmem:$0x17200] =	vst v63  }
0x1af: {  	s11 =	sand.u32 $0x1FFFFFF0, s30  }
0x1b0: {  	s11 =	sadd.s32 s4, s11  }
0x1b1: {  	[tilespmem:s31], [sflag:$0x2] =	stream.linear.gather [hbm4b:s11+s3], $0x80, $0x38;
	[tilespmem:$0x17200] =	vst v63  }
0x1b2: {  	_ =	swait.ge [sflag:s9], $0x80  }
0x1b3: {  	[sflag:s9] =	ssyncset.done $0x0  }
0x1b4: {  	[sflag:s9] =	ssyncadd.s32 $0xFFFFFF80  }
0x1b5: {  	_ =	swait.ge [sflag:s9], $0x80  }
0x1b6: {  	[sflag:s9] =	ssyncset.done $0x0  }
0x1b7: {  	[sflag:s9] =	ssyncadd.s32 $0xFFFFFF80  }
0x1b8: {  	_ =	swait.ge [sflag:s9], $0x80  }
0x1b9: {  	[sflag:s9] =	ssyncset.done $0x0  }
0x1ba: {  	[sflag:s9] =	ssyncadd.s32 $0xFFFFFF80  }
0x1bb: {  	_ =	swait.ge [sflag:s9], $0x80  }
0x1bc: {  	[sflag:s9] =	ssyncset.done $0x0  }
0x1bd: {  	[sflag:s9] =	ssyncadd.s32 $0xFFFFFF80  }
0x1be: {  	_ =	swait.ge [sflag:s9], $0x80  }
0x1bf: {  	[sflag:s9] =	ssyncset.done $0x0  }
0x1c0: {  	[sflag:s9] =	ssyncadd.s32 $0xFFFFFF80  }
0x1c1: {  	_ =	swait.ge [sflag:s9], $0x80  }
0x1c2: {  	[sflag:s9] =	ssyncset.done $0x0  }
0x1c3: {  	[sflag:s9] =	ssyncadd.s32 $0xFFFFFF80  }
0x1c4: {  	_ =	swait.ge [sflag:s9], $0x80  }
0x1c5: {  	[sflag:s9] =	ssyncset.done $0x0  }
0x1c6: {  	[sflag:s9] =	ssyncadd.s32 $0xFFFFFF80  }
0x1c7: {  	_ =	swait.ge [sflag:s9], $0x80  }
0x1c8: {  	[sflag:s9] =	ssyncset.done $0x0  }
0x1c9: {  	[sflag:s9] =	ssyncadd.s32 $0xFFFFFF80  }
0x1ca: {  	_ =	swait.ge [sflag:s9], $0x80  }
0x1cb: {  	[sflag:s9] =	ssyncset.done $0x0  }
0x1cc: {  	[sflag:s9] =	ssyncadd.s32 $0xFFFFFF80  }
0x1cd: {  	_ =	swait.ge [sflag:s9], $0x80  }
0x1ce: {  	[sflag:s9] =	ssyncset.done $0x0  }
0x1cf: {  	[sflag:s9] =	ssyncadd.s32 $0xFFFFFF80  }
0x1d0: {  	_ =	swait.ge [sflag:s9], $0x80  }
0x1d1: {  	[sflag:s9] =	ssyncset.done $0x0  }
0x1d2: {  	[sflag:s9] =	ssyncadd.s32 $0xFFFFFF80  }
0x1d3: {  	_ =	swait.ge [sflag:s9], $0x80  }
0x1d4: {  	[sflag:s9] =	ssyncset.done $0x0  }
0x1d5: {  	[sflag:s9] =	ssyncadd.s32 $0xFFFFFF80  }
0x1d6: {  	_ =	swait.ge [sflag:s9], $0x80  }
0x1d7: {  	[sflag:s9] =	ssyncset.done $0x0  }
0x1d8: {  	[sflag:s9] =	ssyncadd.s32 $0xFFFFFF80  }
0x1d9: {  	_ =	swait.ge [sflag:s9], $0x80  }
0x1da: {  	[sflag:s9] =	ssyncset.done $0x0  }
0x1db: {  	[sflag:s9] =	ssyncadd.s32 $0xFFFFFF80  }
0x1dc: {  	_ =	swait.ge [sflag:s9], $0x80  }
0x1dd: {  	[sflag:s9] =	ssyncset.done $0x0  }
0x1de: {  	[sflag:s9] =	ssyncadd.s32 $0xFFFFFF80  }
0x1df: {  	_ =	swait.ge [sflag:s9], $0x80  }
0x1e0: {  	[sflag:s9] =	ssyncset.done $0x0  }
0x1e1: {  	[sflag:s9] =	ssyncadd.s32 $0xFFFFFF80  }
0x1e2: {  	v3 =	vld [tilespmem:$0x14190];
	_ =	sdelay $0x4  }
0x1e3: {  	v3 =	vshll.u32 v3, $0x4  }
0x1e4: {  	(v2sf) =	vpush v3, $0x0;
	_ =	sdelay $0x1  }
0x1e5: {  	(v2sf) =	vpush v3, $0x1;
	_ =	sdelay $0x1  }
0x1e6: {  	(v2sf) =	vpush v3, $0x2;
	_ =	sdelay $0x2  }
0x1e7: {  	(v2sf) =	vpush v3, $0x3;
	_ =	sdelay $0x7  }
0x1e8: {  	s13 =	spop (v2sf);
	(v2sf) =	vpush v3, $0x4;
	_ =	sdelay $0x1  }
0x1e9: {  	s15 =	spop (v2sf);
	(v2sf) =	vpush v3, $0x5;
	_ =	sdelay $0x1  }
0x1ea: {  	s17 =	spop (v2sf);
	(v2sf) =	vpush v3, $0x6  }
0x1eb: {  	s14 =	sld [smem:$0x7AE]  }
0x1ec: {  	s11 =	sand.u32 $0x1FFFFFF0, s13  }
0x1ed: {  	s16 =	sld [smem:$0x7AF];
	s11 =	sadd.s32 s4, s11;
	s19 =	spop (v2sf);
	(v2sf) =	vpush v3, $0x7  }
0x1ee: {  	[tilespmem:s14], [sflag:$0x2] =	stream.linear.gather [hbm4b:s11+s3], $0x80, $0x38;
	[tilespmem:$0x17200] =	vst v63  }
0x1ef: {  	s11 =	sand.u32 $0x1FFFFFF0, s15  }
0x1f0: {  	s18 =	sld [smem:$0x7B0];
	s11 =	sadd.s32 s4, s11  }
0x1f1: {  	[tilespmem:s16], [sflag:$0x2] =	stream.linear.gather [hbm4b:s11+s3], $0x80, $0x38;
	[tilespmem:$0x17200] =	vst v63  }
0x1f2: {  	s11 =	sand.u32 $0x1FFFFFF0, s17  }
0x1f3: {  	s11 =	sadd.s32 s4, s11  }
0x1f4: {  	[tilespmem:s18], [sflag:$0x2] =	stream.linear.gather [hbm4b:s11+s3], $0x80, $0x38;
	[tilespmem:$0x17200] =	vst v63  }
0x1f5: {  	s20 =	sld [smem:$0x7B1];
	s21 =	spop (v2sf);
	(v2sf) =	vpush v3, $0x8  }
0x1f6: {  	s11 =	sand.u32 $0x1FFFFFF0, s19  }
0x1f7: {  	s22 =	sld [smem:$0x7B2];
	s11 =	sadd.s32 s4, s11;
	s23 =	spop (v2sf);
	(v2sf) =	vpush v3, $0x9  }
0x1f8: {  	[tilespmem:s20], [sflag:$0x2] =	stream.linear.gather [hbm4b:s11+s3], $0x80, $0x38;
	[tilespmem:$0x17200] =	vst v63  }
0x1f9: {  	s11 =	sand.u32 $0x1FFFFFF0, s21;
	s25 =	spop (v2sf);
	(v2sf) =	vpush v3, $0xA  }
0x1fa: {  	s11 =	sadd.s32 s4, s11  }
0x1fb: {  	[tilespmem:s22], [sflag:$0x2] =	stream.linear.gather [hbm4b:s11+s3], $0x80, $0x38;
	[tilespmem:$0x17200] =	vst v63  }
0x1fc: {  	s24 =	sld [smem:$0x7B3];
	s28 =	spop (v2sf);
	(v2sf) =	vpush v3, $0xB  }
0x1fd: {  	s11 =	sand.u32 $0x1FFFFFF0, s23  }
0x1fe: {  	s26 =	sld [smem:$0x7B4];
	s11 =	sadd.s32 s4, s11  }
0x1ff: {  	[tilespmem:s24], [sflag:$0x2] =	stream.linear.gather [hbm4b:s11+s3], $0x80, $0x38;
	[tilespmem:$0x17200] =	vst v63  }
0x200: {  	s11 =	sand.u32 $0x1FFFFFF0, s25  }
0x201: {  	s29 =	sld [smem:$0x7B5];
	s11 =	sadd.s32 s4, s11  }
0x202: {  	[tilespmem:s26], [sflag:$0x2] =	stream.linear.gather [hbm4b:s11+s3], $0x80, $0x38;
	[tilespmem:$0x17200] =	vst v63  }
0x203: {  	s11 =	sand.u32 $0x1FFFFFF0, s28  }
0x204: {  	s11 =	sadd.s32 s4, s11;
	s30 =	spop (v2sf);
	(v2sf) =	vpush v3, $0xC  }
0x205: {  	[tilespmem:s29], [sflag:$0x2] =	stream.linear.gather [hbm4b:s11+s3], $0x80, $0x38;
	[tilespmem:$0x17200] =	vst v63  }
0x206: {  	s31 =	sld [smem:$0x7B6];
	s13 =	spop (v2sf);
	(v2sf) =	vpush v3, $0xD  }
0x207: {  	s11 =	sand.u32 $0x1FFFFFF0, s30  }
0x208: {  	s14 =	sld [smem:$0x7B7];
	s11 =	sadd.s32 s4, s11;
	s15 =	spop (v2sf)  }
0x209: {  	(v2sf) =	vpush v3, $0xE;
	[tilespmem:s31], [sflag:$0x2] =	stream.linear.gather [hbm4b:s11+s3], $0x80, $0x38;
	[tilespmem:$0x17200] =	vst v63  }
0x20a: {  	s11 =	sand.u32 $0x1FFFFFF0, s13  }
0x20b: {  	s16 =	sld [smem:$0x7B8];
	s17 =	spop (v2sf);
	s11 =	sadd.s32 s4, s11  }
0x20c: {  	(v2sf) =	vpush v3, $0xF;
	[tilespmem:s14], [sflag:$0x2] =	stream.linear.gather [hbm4b:s11+s3], $0x80, $0x38;
	[tilespmem:$0x17200] =	vst v63  }
0x20d: {  	s11 =	sand.u32 $0x1FFFFFF0, s15  }
0x20e: {  	s18 =	sld [smem:$0x7B9];
	s11 =	sadd.s32 s4, s11  }
0x20f: {  	[tilespmem:s16], [sflag:$0x2] =	stream.linear.gather [hbm4b:s11+s3], $0x80, $0x38;
	[tilespmem:$0x17200] =	vst v63  }
0x210: {  	s11 =	sand.u32 $0x1FFFFFF0, s17  }
0x211: {  	s11 =	sadd.s32 s4, s11  }
0x212: {  	[tilespmem:s18], [sflag:$0x2] =	stream.linear.gather [hbm4b:s11+s3], $0x80, $0x38;
	[tilespmem:$0x17200] =	vst v63  }
0x213: {  	s20 =	sld [smem:$0x7BA];
	s19 =	spop (v2sf)  }
0x214: {  	s11 =	sand.u32 $0x1FFFFFF0, s19  }
0x215: {  	s22 =	sld [smem:$0x7BB];
	s21 =	spop (v2sf);
	s11 =	sadd.s32 s4, s11  }
0x216: {  	[tilespmem:s20], [sflag:$0x2] =	stream.linear.gather [hbm4b:s11+s3], $0x80, $0x38;
	[tilespmem:$0x17200] =	vst v63  }
0x217: {  	s11 =	sand.u32 $0x1FFFFFF0, s21  }
0x218: {  	s24 =	sld [smem:$0x7BC];
	s23 =	spop (v2sf);
	s11 =	sadd.s32 s4, s11  }
0x219: {  	[tilespmem:s22], [sflag:$0x2] =	stream.linear.gather [hbm4b:s11+s3], $0x80, $0x38;
	[tilespmem:$0x17200] =	vst v63  }
0x21a: {  	s11 =	sand.u32 $0x1FFFFFF0, s23  }
0x21b: {  	s26 =	sld [smem:$0x7BD];
	s25 =	spop (v2sf);
	s11 =	sadd.s32 s4, s11  }
0x21c: {  	[tilespmem:s24], [sflag:$0x2] =	stream.linear.gather [hbm4b:s11+s3], $0x80, $0x38;
	[tilespmem:$0x17200] =	vst v63  }
0x21d: {  	s11 =	sand.u32 $0x1FFFFFF0, s25  }
0x21e: {  	s11 =	sadd.s32 s4, s11  }
0x21f: {  	[tilespmem:s26], [sflag:$0x2] =	stream.linear.gather [hbm4b:s11+s3], $0x80, $0x38;
	[tilespmem:$0x17200] =	vst v63  }
0x220: {  	_ =	swait.ge [sflag:s9], $0x80  }
0x221: {  	[sflag:s9] =	ssyncset.done $0x0  }
0x222: {  	[sflag:s9] =	ssyncadd.s32 $0xFFFFFF80  }
0x223: {  	_ =	swait.ge [sflag:s9], $0x80  }
0x224: {  	[sflag:s9] =	ssyncset.done $0x0  }
0x225: {  	[sflag:s9] =	ssyncadd.s32 $0xFFFFFF80  }
0x226: {  	_ =	swait.ge [sflag:s9], $0x80  }
0x227: {  	[sflag:s9] =	ssyncset.done $0x0  }
0x228: {  	[sflag:s9] =	ssyncadd.s32 $0xFFFFFF80  }
0x229: {  	_ =	swait.ge [sflag:s9], $0x80  }
0x22a: {  	[sflag:s9] =	ssyncset.done $0x0  }
0x22b: {  	[sflag:s9] =	ssyncadd.s32 $0xFFFFFF80  }
0x22c: {  	_ =	swait.ge [sflag:s9], $0x80  }
0x22d: {  	[sflag:s9] =	ssyncset.done $0x0  }
0x22e: {  	[sflag:s9] =	ssyncadd.s32 $0xFFFFFF80  }
0x22f: {  	_ =	swait.ge [sflag:s9], $0x80  }
0x230: {  	[sflag:s9] =	ssyncset.done $0x0  }
0x231: {  	[sflag:s9] =	ssyncadd.s32 $0xFFFFFF80  }
0x232: {  	_ =	swait.ge [sflag:s9], $0x80  }
0x233: {  	[sflag:s9] =	ssyncset.done $0x0  }
0x234: {  	[sflag:s9] =	ssyncadd.s32 $0xFFFFFF80  }
0x235: {  	_ =	swait.ge [sflag:s9], $0x80  }
0x236: {  	[sflag:s9] =	ssyncset.done $0x0  }
0x237: {  	[sflag:s9] =	ssyncadd.s32 $0xFFFFFF80  }
0x238: {  	_ =	swait.ge [sflag:s9], $0x80  }
0x239: {  	[sflag:s9] =	ssyncset.done $0x0  }
0x23a: {  	[sflag:s9] =	ssyncadd.s32 $0xFFFFFF80  }
0x23b: {  	_ =	swait.ge [sflag:s9], $0x80  }
0x23c: {  	[sflag:s9] =	ssyncset.done $0x0  }
0x23d: {  	[sflag:s9] =	ssyncadd.s32 $0xFFFFFF80  }
0x23e: {  	_ =	swait.ge [sflag:s9], $0x80  }
0x23f: {  	[sflag:s9] =	ssyncset.done $0x0  }
0x240: {  	[sflag:s9] =	ssyncadd.s32 $0xFFFFFF80  }
0x241: {  	_ =	swait.ge [sflag:s9], $0x80  }
0x242: {  	[sflag:s9] =	ssyncset.done $0x0  }
0x243: {  	[sflag:s9] =	ssyncadd.s32 $0xFFFFFF80  }
0x244: {  	_ =	swait.ge [sflag:s9], $0x80  }
0x245: {  	[sflag:s9] =	ssyncset.done $0x0  }
0x246: {  	[sflag:s9] =	ssyncadd.s32 $0xFFFFFF80  }
0x247: {  	_ =	swait.ge [sflag:s9], $0x80  }
0x248: {  	[sflag:s9] =	ssyncset.done $0x0  }
0x249: {  	[sflag:s9] =	ssyncadd.s32 $0xFFFFFF80  }
0x24a: {  	_ =	swait.ge [sflag:s9], $0x80  }
0x24b: {  	[sflag:s9] =	ssyncset.done $0x0  }
0x24c: {  	[sflag:s9] =	ssyncadd.s32 $0xFFFFFF80  }
0x24d: {  	_ =	swait.ge [sflag:s9], $0x80  }
0x24e: {  	[sflag:s9] =	ssyncset.done $0x0  }
0x24f: {  	[sflag:s9] =	ssyncadd.s32 $0xFFFFFF80  }
0x250: {  	v3 =	vld [tilespmem:$0x141A0];
	_ =	sdelay $0x4  }
0x251: {  	v3 =	vshll.u32 v3, $0x4  }
0x252: {  	(v2sf) =	vpush v3, $0x0;
	_ =	sdelay $0x1  }
0x253: {  	(v2sf) =	vpush v3, $0x1;
	_ =	sdelay $0x1  }
0x254: {  	(v2sf) =	vpush v3, $0x2;
	_ =	sdelay $0x2  }
0x255: {  	(v2sf) =	vpush v3, $0x3;
	_ =	sdelay $0x7  }
0x256: {  	s28 =	spop (v2sf);
	(v2sf) =	vpush v3, $0x4;
	_ =	sdelay $0x1  }
0x257: {  	s30 =	spop (v2sf);
	(v2sf) =	vpush v3, $0x5;
	_ =	sdelay $0x1  }
0x258: {  	s13 =	spop (v2sf);
	(v2sf) =	vpush v3, $0x6  }
0x259: {  	s29 =	sld [smem:$0x7BE]  }
0x25a: {  	s11 =	sand.u32 $0x1FFFFFF0, s28  }
0x25b: {  	s31 =	sld [smem:$0x7BF];
	s11 =	sadd.s32 s4, s11;
	s15 =	spop (v2sf);
	(v2sf) =	vpush v3, $0x7  }
0x25c: {  	[tilespmem:s29], [sflag:$0x2] =	stream.linear.gather [hbm4b:s11+s3], $0x80, $0x38;
	[tilespmem:$0x17200] =	vst v63  }
0x25d: {  	s11 =	sand.u32 $0x1FFFFFF0, s30  }
0x25e: {  	s14 =	sld [smem:$0x7C0];
	s11 =	sadd.s32 s4, s11  }
0x25f: {  	[tilespmem:s31], [sflag:$0x2] =	stream.linear.gather [hbm4b:s11+s3], $0x80, $0x38;
	[tilespmem:$0x17200] =	vst v63  }
0x260: {  	s11 =	sand.u32 $0x1FFFFFF0, s13  }
0x261: {  	s11 =	sadd.s32 s4, s11  }
0x262: {  	[tilespmem:s14], [sflag:$0x2] =	stream.linear.gather [hbm4b:s11+s3], $0x80, $0x38;
	[tilespmem:$0x17200] =	vst v63  }
0x263: {  	s16 =	sld [smem:$0x7C1];
	s17 =	spop (v2sf);
	(v2sf) =	vpush v3, $0x8  }
0x264: {  	s11 =	sand.u32 $0x1FFFFFF0, s15  }
0x265: {  	s18 =	sld [smem:$0x7C2];
	s11 =	sadd.s32 s4, s11;
	s19 =	spop (v2sf);
	(v2sf) =	vpush v3, $0x9  }
0x266: {  	[tilespmem:s16], [sflag:$0x2] =	stream.linear.gather [hbm4b:s11+s3], $0x80, $0x38;
	[tilespmem:$0x17200] =	vst v63  }
0x267: {  	s11 =	sand.u32 $0x1FFFFFF0, s17;
	s21 =	spop (v2sf);
	(v2sf) =	vpush v3, $0xA  }
0x268: {  	s11 =	sadd.s32 s4, s11  }
0x269: {  	[tilespmem:s18], [sflag:$0x2] =	stream.linear.gather [hbm4b:s11+s3], $0x80, $0x38;
	[tilespmem:$0x17200] =	vst v63  }
0x26a: {  	s20 =	sld [smem:$0x7C3];
	s23 =	spop (v2sf);
	(v2sf) =	vpush v3, $0xB  }
0x26b: {  	s11 =	sand.u32 $0x1FFFFFF0, s19  }
0x26c: {  	s22 =	sld [smem:$0x7C4];
	s11 =	sadd.s32 s4, s11  }
0x26d: {  	[tilespmem:s20], [sflag:$0x2] =	stream.linear.gather [hbm4b:s11+s3], $0x80, $0x38;
	[tilespmem:$0x17200] =	vst v63  }
0x26e: {  	s11 =	sand.u32 $0x1FFFFFF0, s21  }
0x26f: {  	s24 =	sld [smem:$0x7C5];
	s11 =	sadd.s32 s4, s11  }
0x270: {  	[tilespmem:s22], [sflag:$0x2] =	stream.linear.gather [hbm4b:s11+s3], $0x80, $0x38;
	[tilespmem:$0x17200] =	vst v63  }
0x271: {  	s11 =	sand.u32 $0x1FFFFFF0, s23  }
0x272: {  	s11 =	sadd.s32 s4, s11;
	s25 =	spop (v2sf);
	(v2sf) =	vpush v3, $0xC  }
0x273: {  	[tilespmem:s24], [sflag:$0x2] =	stream.linear.gather [hbm4b:s11+s3], $0x80, $0x38;
	[tilespmem:$0x17200] =	vst v63  }
0x274: {  	s26 =	sld [smem:$0x7C6];
	s28 =	spop (v2sf);
	(v2sf) =	vpush v3, $0xD  }
0x275: {  	s11 =	sand.u32 $0x1FFFFFF0, s25  }
0x276: {  	s29 =	sld [smem:$0x7C7];
	s11 =	sadd.s32 s4, s11;
	s30 =	spop (v2sf)  }
0x277: {  	(v2sf) =	vpush v3, $0xE;
	[tilespmem:s26], [sflag:$0x2] =	stream.linear.gather [hbm4b:s11+s3], $0x80, $0x38;
	[tilespmem:$0x17200] =	vst v63  }
0x278: {  	s11 =	sand.u32 $0x1FFFFFF0, s28  }
0x279: {  	s31 =	sld [smem:$0x7C8];
	s13 =	spop (v2sf);
	s11 =	sadd.s32 s4, s11  }
0x27a: {  	(v2sf) =	vpush v3, $0xF;
	[tilespmem:s29], [sflag:$0x2] =	stream.linear.gather [hbm4b:s11+s3], $0x80, $0x38;
	[tilespmem:$0x17200] =	vst v63  }
0x27b: {  	s11 =	sand.u32 $0x1FFFFFF0, s30  }
0x27c: {  	s14 =	sld [smem:$0x7C9];
	s11 =	sadd.s32 s4, s11  }
0x27d: {  	[tilespmem:s31], [sflag:$0x2] =	stream.linear.gather [hbm4b:s11+s3], $0x80, $0x38;
	[tilespmem:$0x17200] =	vst v63  }
0x27e: {  	s11 =	sand.u32 $0x1FFFFFF0, s13  }
0x27f: {  	s11 =	sadd.s32 s4, s11  }
0x280: {  	[tilespmem:s14], [sflag:$0x2] =	stream.linear.gather [hbm4b:s11+s3], $0x80, $0x38;
	[tilespmem:$0x17200] =	vst v63  }
0x281: {  	s16 =	sld [smem:$0x7CA];
	s15 =	spop (v2sf)  }
0x282: {  	s11 =	sand.u32 $0x1FFFFFF0, s15  }
0x283: {  	s18 =	sld [smem:$0x7CB];
	s17 =	spop (v2sf);
	s11 =	sadd.s32 s4, s11  }
0x284: {  	[tilespmem:s16], [sflag:$0x2] =	stream.linear.gather [hbm4b:s11+s3], $0x80, $0x38;
	[tilespmem:$0x17200] =	vst v63  }
0x285: {  	s11 =	sand.u32 $0x1FFFFFF0, s17  }
0x286: {  	s20 =	sld [smem:$0x7CC];
	s19 =	spop (v2sf);
	s11 =	sadd.s32 s4, s11  }
0x287: {  	[tilespmem:s18], [sflag:$0x2] =	stream.linear.gather [hbm4b:s11+s3], $0x80, $0x38;
	[tilespmem:$0x17200] =	vst v63  }
0x288: {  	s11 =	sand.u32 $0x1FFFFFF0, s19  }
0x289: {  	s22 =	sld [smem:$0x7CD];
	s21 =	spop (v2sf);
	s11 =	sadd.s32 s4, s11  }
0x28a: {  	[tilespmem:s20], [sflag:$0x2] =	stream.linear.gather [hbm4b:s11+s3], $0x80, $0x38;
	[tilespmem:$0x17200] =	vst v63  }
0x28b: {  	s11 =	sand.u32 $0x1FFFFFF0, s21  }
0x28c: {  	s11 =	sadd.s32 s4, s11  }
0x28d: {  	[tilespmem:s22], [sflag:$0x2] =	stream.linear.gather [hbm4b:s11+s3], $0x80, $0x38;
	[tilespmem:$0x17200] =	vst v63  }
0x28e: {  	_ =	swait.ge [sflag:s9], $0x80  }
0x28f: {  	[sflag:s9] =	ssyncset.done $0x0  }
0x290: {  	[sflag:s9] =	ssyncadd.s32 $0xFFFFFF80  }
0x291: {  	_ =	swait.ge [sflag:s9], $0x80  }
0x292: {  	[sflag:s9] =	ssyncset.done $0x0  }
0x293: {  	[sflag:s9] =	ssyncadd.s32 $0xFFFFFF80  }
0x294: {  	_ =	swait.ge [sflag:s9], $0x80  }
0x295: {  	[sflag:s9] =	ssyncset.done $0x0  }
0x296: {  	[sflag:s9] =	ssyncadd.s32 $0xFFFFFF80  }
0x297: {  	_ =	swait.ge [sflag:s9], $0x80  }
0x298: {  	[sflag:s9] =	ssyncset.done $0x0  }
0x299: {  	[sflag:s9] =	ssyncadd.s32 $0xFFFFFF80  }
0x29a: {  	_ =	swait.ge [sflag:s9], $0x80  }
0x29b: {  	[sflag:s9] =	ssyncset.done $0x0  }
0x29c: {  	[sflag:s9] =	ssyncadd.s32 $0xFFFFFF80  }
0x29d: {  	_ =	swait.ge [sflag:s9], $0x80  }
0x29e: {  	[sflag:s9] =	ssyncset.done $0x0  }
0x29f: {  	[sflag:s9] =	ssyncadd.s32 $0xFFFFFF80  }
0x2a0: {  	_ =	swait.ge [sflag:s9], $0x80  }
0x2a1: {  	[sflag:s9] =	ssyncset.done $0x0  }
0x2a2: {  	[sflag:s9] =	ssyncadd.s32 $0xFFFFFF80  }
0x2a3: {  	_ =	swait.ge [sflag:s9], $0x80  }
0x2a4: {  	[sflag:s9] =	ssyncset.done $0x0  }
0x2a5: {  	[sflag:s9] =	ssyncadd.s32 $0xFFFFFF80  }
0x2a6: {  	_ =	swait.ge [sflag:s9], $0x80  }
0x2a7: {  	[sflag:s9] =	ssyncset.done $0x0  }
0x2a8: {  	[sflag:s9] =	ssyncadd.s32 $0xFFFFFF80  }
0x2a9: {  	_ =	swait.ge [sflag:s9], $0x80  }
0x2aa: {  	[sflag:s9] =	ssyncset.done $0x0  }
0x2ab: {  	[sflag:s9] =	ssyncadd.s32 $0xFFFFFF80  }
0x2ac: {  	_ =	swait.ge [sflag:s9], $0x80  }
0x2ad: {  	[sflag:s9] =	ssyncset.done $0x0  }
0x2ae: {  	[sflag:s9] =	ssyncadd.s32 $0xFFFFFF80  }
0x2af: {  	_ =	swait.ge [sflag:s9], $0x80  }
0x2b0: {  	[sflag:s9] =	ssyncset.done $0x0  }
0x2b1: {  	[sflag:s9] =	ssyncadd.s32 $0xFFFFFF80  }
0x2b2: {  	_ =	swait.ge [sflag:s9], $0x80  }
0x2b3: {  	[sflag:s9] =	ssyncset.done $0x0  }
0x2b4: {  	[sflag:s9] =	ssyncadd.s32 $0xFFFFFF80  }
0x2b5: {  	_ =	swait.ge [sflag:s9], $0x80  }
0x2b6: {  	[sflag:s9] =	ssyncset.done $0x0  }
0x2b7: {  	[sflag:s9] =	ssyncadd.s32 $0xFFFFFF80  }
0x2b8: {  	_ =	swait.ge [sflag:s9], $0x80  }
0x2b9: {  	[sflag:s9] =	ssyncset.done $0x0  }
0x2ba: {  	[sflag:s9] =	ssyncadd.s32 $0xFFFFFF80  }
0x2bb: {  	_ =	swait.ge [sflag:s9], $0x80  }
0x2bc: {  	[sflag:s9] =	ssyncset.done $0x0  }
0x2bd: {  	[sflag:s9] =	ssyncadd.s32 $0xFFFFFF80  }
0x2be: {  	v3 =	vld [tilespmem:$0x141B0];
	_ =	sdelay $0x4  }
0x2bf: {  	v3 =	vshll.u32 v3, $0x4  }
0x2c0: {  	(v2sf) =	vpush v3, $0x0;
	_ =	sdelay $0x1  }
0x2c1: {  	(v2sf) =	vpush v3, $0x1;
	_ =	sdelay $0x1  }
0x2c2: {  	(v2sf) =	vpush v3, $0x2;
	_ =	sdelay $0x2  }
0x2c3: {  	(v2sf) =	vpush v3, $0x3;
	_ =	sdelay $0x7  }
0x2c4: {  	s23 =	spop (v2sf);
	(v2sf) =	vpush v3, $0x4;
	_ =	sdelay $0x1  }
0x2c5: {  	s25 =	spop (v2sf);
	(v2sf) =	vpush v3, $0x5;
	_ =	sdelay $0x1  }
0x2c6: {  	s28 =	spop (v2sf);
	(v2sf) =	vpush v3, $0x6  }
0x2c7: {  	s24 =	sld [smem:$0x7CE]  }
0x2c8: {  	s11 =	sand.u32 $0x1FFFFFF0, s23  }
0x2c9: {  	s26 =	sld [smem:$0x7CF];
	s11 =	sadd.s32 s4, s11;
	s30 =	spop (v2sf);
	(v2sf) =	vpush v3, $0x7  }
0x2ca: {  	[tilespmem:s24], [sflag:$0x2] =	stream.linear.gather [hbm4b:s11+s3], $0x80, $0x38;
	[tilespmem:$0x17200] =	vst v63  }
0x2cb: {  	s11 =	sand.u32 $0x1FFFFFF0, s25  }
0x2cc: {  	s29 =	sld [smem:$0x7D0];
	s11 =	sadd.s32 s4, s11  }
0x2cd: {  	[tilespmem:s26], [sflag:$0x2] =	stream.linear.gather [hbm4b:s11+s3], $0x80, $0x38;
	[tilespmem:$0x17200] =	vst v63  }
0x2ce: {  	s11 =	sand.u32 $0x1FFFFFF0, s28  }
0x2cf: {  	s11 =	sadd.s32 s4, s11  }
0x2d0: {  	[tilespmem:s29], [sflag:$0x2] =	stream.linear.gather [hbm4b:s11+s3], $0x80, $0x38;
	[tilespmem:$0x17200] =	vst v63  }
0x2d1: {  	s31 =	sld [smem:$0x7D1];
	s13 =	spop (v2sf);
	(v2sf) =	vpush v3, $0x8  }
0x2d2: {  	s11 =	sand.u32 $0x1FFFFFF0, s30  }
0x2d3: {  	s14 =	sld [smem:$0x7D2];
	s11 =	sadd.s32 s4, s11;
	s15 =	spop (v2sf);
	(v2sf) =	vpush v3, $0x9  }
0x2d4: {  	[tilespmem:s31], [sflag:$0x2] =	stream.linear.gather [hbm4b:s11+s3], $0x80, $0x38;
	[tilespmem:$0x17200] =	vst v63  }
0x2d5: {  	s11 =	sand.u32 $0x1FFFFFF0, s13;
	s17 =	spop (v2sf);
	(v2sf) =	vpush v3, $0xA  }
0x2d6: {  	s11 =	sadd.s32 s4, s11  }
0x2d7: {  	[tilespmem:s14], [sflag:$0x2] =	stream.linear.gather [hbm4b:s11+s3], $0x80, $0x38;
	[tilespmem:$0x17200] =	vst v63  }
0x2d8: {  	s16 =	sld [smem:$0x7D3];
	s19 =	spop (v2sf);
	(v2sf) =	vpush v3, $0xB  }
0x2d9: {  	s11 =	sand.u32 $0x1FFFFFF0, s15  }
0x2da: {  	s18 =	sld [smem:$0x7D4];
	s11 =	sadd.s32 s4, s11  }
0x2db: {  	[tilespmem:s16], [sflag:$0x2] =	stream.linear.gather [hbm4b:s11+s3], $0x80, $0x38;
	[tilespmem:$0x17200] =	vst v63  }
0x2dc: {  	s11 =	sand.u32 $0x1FFFFFF0, s17  }
0x2dd: {  	s20 =	sld [smem:$0x7D5];
	s11 =	sadd.s32 s4, s11  }
0x2de: {  	[tilespmem:s18], [sflag:$0x2] =	stream.linear.gather [hbm4b:s11+s3], $0x80, $0x38;
	[tilespmem:$0x17200] =	vst v63  }
0x2df: {  	s11 =	sand.u32 $0x1FFFFFF0, s19  }
0x2e0: {  	s11 =	sadd.s32 s4, s11;
	s21 =	spop (v2sf);
	(v2sf) =	vpush v3, $0xC  }
0x2e1: {  	[tilespmem:s20], [sflag:$0x2] =	stream.linear.gather [hbm4b:s11+s3], $0x80, $0x38;
	[tilespmem:$0x17200] =	vst v63  }
0x2e2: {  	s22 =	sld [smem:$0x7D6];
	s23 =	spop (v2sf);
	(v2sf) =	vpush v3, $0xD  }
0x2e3: {  	s11 =	sand.u32 $0x1FFFFFF0, s21  }
0x2e4: {  	s24 =	sld [smem:$0x7D7];
	s11 =	sadd.s32 s4, s11;
	s25 =	spop (v2sf)  }
0x2e5: {  	(v2sf) =	vpush v3, $0xE;
	[tilespmem:s22], [sflag:$0x2] =	stream.linear.gather [hbm4b:s11+s3], $0x80, $0x38;
	[tilespmem:$0x17200] =	vst v63  }
0x2e6: {  	s11 =	sand.u32 $0x1FFFFFF0, s23  }
0x2e7: {  	s26 =	sld [smem:$0x7D8];
	s28 =	spop (v2sf);
	s11 =	sadd.s32 s4, s11  }
0x2e8: {  	(v2sf) =	vpush v3, $0xF;
	[tilespmem:s24], [sflag:$0x2] =	stream.linear.gather [hbm4b:s11+s3], $0x80, $0x38;
	[tilespmem:$0x17200] =	vst v63  }
0x2e9: {  	s11 =	sand.u32 $0x1FFFFFF0, s25  }
0x2ea: {  	s29 =	sld [smem:$0x7D9];
	s11 =	sadd.s32 s4, s11  }
0x2eb: {  	[tilespmem:s26], [sflag:$0x2] =	stream.linear.gather [hbm4b:s11+s3], $0x80, $0x38;
	[tilespmem:$0x17200] =	vst v63  }
0x2ec: {  	s11 =	sand.u32 $0x1FFFFFF0, s28  }
0x2ed: {  	s11 =	sadd.s32 s4, s11  }
0x2ee: {  	[tilespmem:s29], [sflag:$0x2] =	stream.linear.gather [hbm4b:s11+s3], $0x80, $0x38;
	[tilespmem:$0x17200] =	vst v63  }
0x2ef: {  	s31 =	sld [smem:$0x7DA];
	s30 =	spop (v2sf)  }
0x2f0: {  	s11 =	sand.u32 $0x1FFFFFF0, s30  }
0x2f1: {  	s14 =	sld [smem:$0x7DB];
	s13 =	spop (v2sf);
	s11 =	sadd.s32 s4, s11  }
0x2f2: {  	[tilespmem:s31], [sflag:$0x2] =	stream.linear.gather [hbm4b:s11+s3], $0x80, $0x38;
	[tilespmem:$0x17200] =	vst v63  }
0x2f3: {  	s11 =	sand.u32 $0x1FFFFFF0, s13  }
0x2f4: {  	s16 =	sld [smem:$0x7DC];
	s15 =	spop (v2sf);
	s11 =	sadd.s32 s4, s11  }
0x2f5: {  	[tilespmem:s14], [sflag:$0x2] =	stream.linear.gather [hbm4b:s11+s3], $0x80, $0x38;
	[tilespmem:$0x17200] =	vst v63  }
0x2f6: {  	s11 =	sand.u32 $0x1FFFFFF0, s15  }
0x2f7: {  	s18 =	sld [smem:$0x7DD];
	s17 =	spop (v2sf);
	s11 =	sadd.s32 s4, s11  }
0x2f8: {  	[tilespmem:s16], [sflag:$0x2] =	stream.linear.gather [hbm4b:s11+s3], $0x80, $0x38;
	[tilespmem:$0x17200] =	vst v63  }
0x2f9: {  	s11 =	sand.u32 $0x1FFFFFF0, s17  }
0x2fa: {  	s11 =	sadd.s32 s4, s11  }
0x2fb: {  	[tilespmem:s18], [sflag:$0x2] =	stream.linear.gather [hbm4b:s11+s3], $0x80, $0x38;
	[tilespmem:$0x17200] =	vst v63  }
0x2fc: {  	_ =	swait.ge [sflag:s9], $0x80  }
0x2fd: {  	[sflag:s9] =	ssyncset.done $0x0  }
0x2fe: {  	[sflag:s9] =	ssyncadd.s32 $0xFFFFFF80  }
0x2ff: {  	_ =	swait.ge [sflag:s9], $0x80  }
0x300: {  	[sflag:s9] =	ssyncset.done $0x0  }
0x301: {  	[sflag:s9] =	ssyncadd.s32 $0xFFFFFF80  }
0x302: {  	_ =	swait.ge [sflag:s9], $0x80  }
0x303: {  	[sflag:s9] =	ssyncset.done $0x0  }
0x304: {  	[sflag:s9] =	ssyncadd.s32 $0xFFFFFF80  }
0x305: {  	_ =	swait.ge [sflag:s9], $0x80  }
0x306: {  	[sflag:s9] =	ssyncset.done $0x0  }
0x307: {  	[sflag:s9] =	ssyncadd.s32 $0xFFFFFF80  }
0x308: {  	_ =	swait.ge [sflag:s9], $0x80  }
0x309: {  	[sflag:s9] =	ssyncset.done $0x0  }
0x30a: {  	[sflag:s9] =	ssyncadd.s32 $0xFFFFFF80  }
0x30b: {  	_ =	swait.ge [sflag:s9], $0x80  }
0x30c: {  	[sflag:s9] =	ssyncset.done $0x0  }
0x30d: {  	[sflag:s9] =	ssyncadd.s32 $0xFFFFFF80  }
0x30e: {  	_ =	swait.ge [sflag:s9], $0x80  }
0x30f: {  	[sflag:s9] =	ssyncset.done $0x0  }
0x310: {  	[sflag:s9] =	ssyncadd.s32 $0xFFFFFF80  }
0x311: {  	_ =	swait.ge [sflag:s9], $0x80  }
0x312: {  	[sflag:s9] =	ssyncset.done $0x0  }
0x313: {  	[sflag:s9] =	ssyncadd.s32 $0xFFFFFF80  }
0x314: {  	_ =	swait.ge [sflag:s9], $0x80  }
0x315: {  	[sflag:s9] =	ssyncset.done $0x0  }
0x316: {  	[sflag:s9] =	ssyncadd.s32 $0xFFFFFF80  }
0x317: {  	_ =	swait.ge [sflag:s9], $0x80  }
0x318: {  	[sflag:s9] =	ssyncset.done $0x0  }
0x319: {  	[sflag:s9] =	ssyncadd.s32 $0xFFFFFF80  }
0x31a: {  	_ =	swait.ge [sflag:s9], $0x80  }
0x31b: {  	[sflag:s9] =	ssyncset.done $0x0  }
0x31c: {  	[sflag:s9] =	ssyncadd.s32 $0xFFFFFF80  }
0x31d: {  	_ =	swait.ge [sflag:s9], $0x80  }
0x31e: {  	[sflag:s9] =	ssyncset.done $0x0  }
0x31f: {  	[sflag:s9] =	ssyncadd.s32 $0xFFFFFF80  }
0x320: {  	_ =	swait.ge [sflag:s9], $0x80  }
0x321: {  	[sflag:s9] =	ssyncset.done $0x0  }
0x322: {  	[sflag:s9] =	ssyncadd.s32 $0xFFFFFF80  }
0x323: {  	_ =	swait.ge [sflag:s9], $0x80  }
0x324: {  	[sflag:s9] =	ssyncset.done $0x0  }
0x325: {  	[sflag:s9] =	ssyncadd.s32 $0xFFFFFF80  }
0x326: {  	_ =	swait.ge [sflag:s9], $0x80  }
0x327: {  	[sflag:s9] =	ssyncset.done $0x0  }
0x328: {  	[sflag:s9] =	ssyncadd.s32 $0xFFFFFF80  }
0x329: {  	_ =	swait.ge [sflag:s9], $0x80  }
0x32a: {  	[sflag:s9] =	ssyncset.done $0x0  }
0x32b: {  	[sflag:s9] =	ssyncadd.s32 $0xFFFFFF80  }
0x32c: {  	v3 =	vld [tilespmem:$0x141C0];
	_ =	sdelay $0x4  }
0x32d: {  	v3 =	vshll.u32 v3, $0x4  }
0x32e: {  	(v2sf) =	vpush v3, $0x0;
	_ =	sdelay $0x1  }
0x32f: {  	(v2sf) =	vpush v3, $0x1;
	_ =	sdelay $0x1  }
0x330: {  	(v2sf) =	vpush v3, $0x2;
	_ =	sdelay $0x2  }
0x331: {  	(v2sf) =	vpush v3, $0x3;
	_ =	sdelay $0x7  }
0x332: {  	s19 =	spop (v2sf);
	(v2sf) =	vpush v3, $0x4;
	_ =	sdelay $0x1  }
0x333: {  	s21 =	spop (v2sf);
	(v2sf) =	vpush v3, $0x5;
	_ =	sdelay $0x1  }
0x334: {  	s23 =	spop (v2sf);
	(v2sf) =	vpush v3, $0x6  }
0x335: {  	s20 =	sld [smem:$0x7DE]  }
0x336: {  	s11 =	sand.u32 $0x1FFFFFF0, s19  }
0x337: {  	s22 =	sld [smem:$0x7DF];
	s11 =	sadd.s32 s4, s11;
	s25 =	spop (v2sf);
	(v2sf) =	vpush v3, $0x7  }
0x338: {  	[tilespmem:s20], [sflag:$0x2] =	stream.linear.gather [hbm4b:s11+s3], $0x80, $0x38;
	[tilespmem:$0x17200] =	vst v63  }
0x339: {  	s11 =	sand.u32 $0x1FFFFFF0, s21  }
0x33a: {  	s24 =	sld [smem:$0x7E0];
	s11 =	sadd.s32 s4, s11  }
0x33b: {  	[tilespmem:s22], [sflag:$0x2] =	stream.linear.gather [hbm4b:s11+s3], $0x80, $0x38;
	[tilespmem:$0x17200] =	vst v63  }
0x33c: {  	s11 =	sand.u32 $0x1FFFFFF0, s23  }
0x33d: {  	s11 =	sadd.s32 s4, s11  }
0x33e: {  	[tilespmem:s24], [sflag:$0x2] =	stream.linear.gather [hbm4b:s11+s3], $0x80, $0x38;
	[tilespmem:$0x17200] =	vst v63  }
0x33f: {  	s26 =	sld [smem:$0x7E1];
	s28 =	spop (v2sf);
	(v2sf) =	vpush v3, $0x8  }
0x340: {  	s11 =	sand.u32 $0x1FFFFFF0, s25  }
0x341: {  	s29 =	sld [smem:$0x7E2];
	s11 =	sadd.s32 s4, s11;
	s30 =	spop (v2sf);
	(v2sf) =	vpush v3, $0x9  }
0x342: {  	[tilespmem:s26], [sflag:$0x2] =	stream.linear.gather [hbm4b:s11+s3], $0x80, $0x38;
	[tilespmem:$0x17200] =	vst v63  }
0x343: {  	s11 =	sand.u32 $0x1FFFFFF0, s28;
	s13 =	spop (v2sf);
	(v2sf) =	vpush v3, $0xA  }
0x344: {  	s11 =	sadd.s32 s4, s11  }
0x345: {  	[tilespmem:s29], [sflag:$0x2] =	stream.linear.gather [hbm4b:s11+s3], $0x80, $0x38;
	[tilespmem:$0x17200] =	vst v63  }
0x346: {  	s31 =	sld [smem:$0x7E3];
	s15 =	spop (v2sf);
	(v2sf) =	vpush v3, $0xB  }
0x347: {  	s11 =	sand.u32 $0x1FFFFFF0, s30  }
0x348: {  	s14 =	sld [smem:$0x7E4];
	s11 =	sadd.s32 s4, s11  }
0x349: {  	[tilespmem:s31], [sflag:$0x2] =	stream.linear.gather [hbm4b:s11+s3], $0x80, $0x38;
	[tilespmem:$0x17200] =	vst v63  }
0x34a: {  	s11 =	sand.u32 $0x1FFFFFF0, s13  }
0x34b: {  	s16 =	sld [smem:$0x7E5];
	s11 =	sadd.s32 s4, s11  }
0x34c: {  	[tilespmem:s14], [sflag:$0x2] =	stream.linear.gather [hbm4b:s11+s3], $0x80, $0x38;
	[tilespmem:$0x17200] =	vst v63  }
0x34d: {  	s11 =	sand.u32 $0x1FFFFFF0, s15  }
0x34e: {  	s11 =	sadd.s32 s4, s11;
	s17 =	spop (v2sf);
	(v2sf) =	vpush v3, $0xC  }
0x34f: {  	[tilespmem:s16], [sflag:$0x2] =	stream.linear.gather [hbm4b:s11+s3], $0x80, $0x38;
	[tilespmem:$0x17200] =	vst v63  }
0x350: {  	s18 =	sld [smem:$0x7E6];
	s19 =	spop (v2sf);
	(v2sf) =	vpush v3, $0xD  }
0x351: {  	s11 =	sand.u32 $0x1FFFFFF0, s17  }
0x352: {  	s20 =	sld [smem:$0x7E7];
	s11 =	sadd.s32 s4, s11;
	s21 =	spop (v2sf)  }
0x353: {  	(v2sf) =	vpush v3, $0xE;
	[tilespmem:s18], [sflag:$0x2] =	stream.linear.gather [hbm4b:s11+s3], $0x80, $0x38;
	[tilespmem:$0x17200] =	vst v63  }
0x354: {  	s11 =	sand.u32 $0x1FFFFFF0, s19  }
0x355: {  	s22 =	sld [smem:$0x7E8];
	s23 =	spop (v2sf);
	s11 =	sadd.s32 s4, s11  }
0x356: {  	(v2sf) =	vpush v3, $0xF;
	[tilespmem:s20], [sflag:$0x2] =	stream.linear.gather [hbm4b:s11+s3], $0x80, $0x38;
	[tilespmem:$0x17200] =	vst v63  }
0x357: {  	s11 =	sand.u32 $0x1FFFFFF0, s21  }
0x358: {  	s24 =	sld [smem:$0x7E9];
	s11 =	sadd.s32 s4, s11  }
0x359: {  	[tilespmem:s22], [sflag:$0x2] =	stream.linear.gather [hbm4b:s11+s3], $0x80, $0x38;
	[tilespmem:$0x17200] =	vst v63  }
0x35a: {  	s11 =	sand.u32 $0x1FFFFFF0, s23  }
0x35b: {  	s11 =	sadd.s32 s4, s11  }
0x35c: {  	[tilespmem:s24], [sflag:$0x2] =	stream.linear.gather [hbm4b:s11+s3], $0x80, $0x38;
	[tilespmem:$0x17200] =	vst v63  }
0x35d: {  	s26 =	sld [smem:$0x7EA];
	s25 =	spop (v2sf)  }
0x35e: {  	s11 =	sand.u32 $0x1FFFFFF0, s25  }
0x35f: {  	s29 =	sld [smem:$0x7EB];
	s28 =	spop (v2sf);
	s11 =	sadd.s32 s4, s11  }
0x360: {  	[tilespmem:s26], [sflag:$0x2] =	stream.linear.gather [hbm4b:s11+s3], $0x80, $0x38;
	[tilespmem:$0x17200] =	vst v63  }
0x361: {  	s11 =	sand.u32 $0x1FFFFFF0, s28  }
0x362: {  	s31 =	sld [smem:$0x7EC];
	s30 =	spop (v2sf);
	s11 =	sadd.s32 s4, s11  }
0x363: {  	[tilespmem:s29], [sflag:$0x2] =	stream.linear.gather [hbm4b:s11+s3], $0x80, $0x38;
	[tilespmem:$0x17200] =	vst v63  }
0x364: {  	s11 =	sand.u32 $0x1FFFFFF0, s30  }
0x365: {  	s14 =	sld [smem:$0x7ED];
	s13 =	spop (v2sf);
	s11 =	sadd.s32 s4, s11  }
0x366: {  	[tilespmem:s31], [sflag:$0x2] =	stream.linear.gather [hbm4b:s11+s3], $0x80, $0x38;
	[tilespmem:$0x17200] =	vst v63  }
0x367: {  	s11 =	sand.u32 $0x1FFFFFF0, s13  }
0x368: {  	s11 =	sadd.s32 s4, s11  }
0x369: {  	[tilespmem:s14], [sflag:$0x2] =	stream.linear.gather [hbm4b:s11+s3], $0x80, $0x38;
	[tilespmem:$0x17200] =	vst v63  }
0x36a: {  	_ =	swait.ge [sflag:s9], $0x80  }
0x36b: {  	[sflag:s9] =	ssyncset.done $0x0  }
0x36c: {  	[sflag:s9] =	ssyncadd.s32 $0xFFFFFF80  }
0x36d: {  	_ =	swait.ge [sflag:s9], $0x80  }
0x36e: {  	[sflag:s9] =	ssyncset.done $0x0  }
0x36f: {  	[sflag:s9] =	ssyncadd.s32 $0xFFFFFF80  }
0x370: {  	_ =	swait.ge [sflag:s9], $0x80  }
0x371: {  	[sflag:s9] =	ssyncset.done $0x0  }
0x372: {  	[sflag:s9] =	ssyncadd.s32 $0xFFFFFF80  }
0x373: {  	_ =	swait.ge [sflag:s9], $0x80  }
0x374: {  	[sflag:s9] =	ssyncset.done $0x0  }
0x375: {  	[sflag:s9] =	ssyncadd.s32 $0xFFFFFF80  }
0x376: {  	_ =	swait.ge [sflag:s9], $0x80  }
0x377: {  	[sflag:s9] =	ssyncset.done $0x0  }
0x378: {  	[sflag:s9] =	ssyncadd.s32 $0xFFFFFF80  }
0x379: {  	_ =	swait.ge [sflag:s9], $0x80  }
0x37a: {  	[sflag:s9] =	ssyncset.done $0x0  }
0x37b: {  	[sflag:s9] =	ssyncadd.s32 $0xFFFFFF80  }
0x37c: {  	_ =	swait.ge [sflag:s9], $0x80  }
0x37d: {  	[sflag:s9] =	ssyncset.done $0x0  }
0x37e: {  	[sflag:s9] =	ssyncadd.s32 $0xFFFFFF80  }
0x37f: {  	_ =	swait.ge [sflag:s9], $0x80  }
0x380: {  	[sflag:s9] =	ssyncset.done $0x0  }
0x381: {  	[sflag:s9] =	ssyncadd.s32 $0xFFFFFF80  }
0x382: {  	_ =	swait.ge [sflag:s9], $0x80  }
0x383: {  	[sflag:s9] =	ssyncset.done $0x0  }
0x384: {  	[sflag:s9] =	ssyncadd.s32 $0xFFFFFF80  }
0x385: {  	_ =	swait.ge [sflag:s9], $0x80  }
0x386: {  	[sflag:s9] =	ssyncset.done $0x0  }
0x387: {  	[sflag:s9] =	ssyncadd.s32 $0xFFFFFF80  }
0x388: {  	_ =	swait.ge [sflag:s9], $0x80  }
0x389: {  	[sflag:s9] =	ssyncset.done $0x0  }
0x38a: {  	[sflag:s9] =	ssyncadd.s32 $0xFFFFFF80  }
0x38b: {  	_ =	swait.ge [sflag:s9], $0x80  }
0x38c: {  	[sflag:s9] =	ssyncset.done $0x0  }
0x38d: {  	[sflag:s9] =	ssyncadd.s32 $0xFFFFFF80  }
0x38e: {  	_ =	swait.ge [sflag:s9], $0x80  }
0x38f: {  	[sflag:s9] =	ssyncset.done $0x0  }
0x390: {  	[sflag:s9] =	ssyncadd.s32 $0xFFFFFF80  }
0x391: {  	_ =	swait.ge [sflag:s9], $0x80  }
0x392: {  	[sflag:s9] =	ssyncset.done $0x0  }
0x393: {  	[sflag:s9] =	ssyncadd.s32 $0xFFFFFF80  }
0x394: {  	_ =	swait.ge [sflag:s9], $0x80  }
0x395: {  	[sflag:s9] =	ssyncset.done $0x0  }
0x396: {  	[sflag:s9] =	ssyncadd.s32 $0xFFFFFF80  }
0x397: {  	_ =	swait.ge [sflag:s9], $0x80  }
0x398: {  	[sflag:s9] =	ssyncset.done $0x0  }
0x399: {  	[sflag:s9] =	ssyncadd.s32 $0xFFFFFF80  }
0x39a: {  	v3 =	vld [tilespmem:$0x141D0];
	_ =	sdelay $0x4  }
0x39b: {  	v3 =	vshll.u32 v3, $0x4  }
0x39c: {  	(v2sf) =	vpush v3, $0x0;
	_ =	sdelay $0x1  }
0x39d: {  	(v2sf) =	vpush v3, $0x1;
	_ =	sdelay $0x1  }
0x39e: {  	(v2sf) =	vpush v3, $0x2;
	_ =	sdelay $0x2  }
0x39f: {  	(v2sf) =	vpush v3, $0x3;
	_ =	sdelay $0x7  }
0x3a0: {  	s15 =	spop (v2sf);
	(v2sf) =	vpush v3, $0x4;
	_ =	sdelay $0x1  }
0x3a1: {  	s17 =	spop (v2sf);
	(v2sf) =	vpush v3, $0x5;
	_ =	sdelay $0x1  }
0x3a2: {  	s19 =	spop (v2sf);
	(v2sf) =	vpush v3, $0x6  }
0x3a3: {  	s16 =	sld [smem:$0x7EE]  }
0x3a4: {  	s11 =	sand.u32 $0x1FFFFFF0, s15  }
0x3a5: {  	s18 =	sld [smem:$0x7EF];
	s11 =	sadd.s32 s4, s11;
	s21 =	spop (v2sf);
	(v2sf) =	vpush v3, $0x7  }
0x3a6: {  	[tilespmem:s16], [sflag:$0x2] =	stream.linear.gather [hbm4b:s11+s3], $0x80, $0x38;
	[tilespmem:$0x17200] =	vst v63  }
0x3a7: {  	s11 =	sand.u32 $0x1FFFFFF0, s17  }
0x3a8: {  	s20 =	sld [smem:$0x7F0];
	s11 =	sadd.s32 s4, s11  }
0x3a9: {  	[tilespmem:s18], [sflag:$0x2] =	stream.linear.gather [hbm4b:s11+s3], $0x80, $0x38;
	[tilespmem:$0x17200] =	vst v63  }
0x3aa: {  	s11 =	sand.u32 $0x1FFFFFF0, s19  }
0x3ab: {  	s11 =	sadd.s32 s4, s11  }
0x3ac: {  	[tilespmem:s20], [sflag:$0x2] =	stream.linear.gather [hbm4b:s11+s3], $0x80, $0x38;
	[tilespmem:$0x17200] =	vst v63  }
0x3ad: {  	s22 =	sld [smem:$0x7F1];
	s23 =	spop (v2sf);
	(v2sf) =	vpush v3, $0x8  }
0x3ae: {  	s11 =	sand.u32 $0x1FFFFFF0, s21  }
0x3af: {  	s24 =	sld [smem:$0x7F2];
	s11 =	sadd.s32 s4, s11;
	s25 =	spop (v2sf);
	(v2sf) =	vpush v3, $0x9  }
0x3b0: {  	[tilespmem:s22], [sflag:$0x2] =	stream.linear.gather [hbm4b:s11+s3], $0x80, $0x38;
	[tilespmem:$0x17200] =	vst v63  }
0x3b1: {  	s11 =	sand.u32 $0x1FFFFFF0, s23;
	s28 =	spop (v2sf);
	(v2sf) =	vpush v3, $0xA  }
0x3b2: {  	s11 =	sadd.s32 s4, s11  }
0x3b3: {  	[tilespmem:s24], [sflag:$0x2] =	stream.linear.gather [hbm4b:s11+s3], $0x80, $0x38;
	[tilespmem:$0x17200] =	vst v63  }
0x3b4: {  	s26 =	sld [smem:$0x7F3];
	s30 =	spop (v2sf);
	(v2sf) =	vpush v3, $0xB  }
0x3b5: {  	s11 =	sand.u32 $0x1FFFFFF0, s25  }
0x3b6: {  	s29 =	sld [smem:$0x7F4];
	s11 =	sadd.s32 s4, s11  }
0x3b7: {  	[tilespmem:s26], [sflag:$0x2] =	stream.linear.gather [hbm4b:s11+s3], $0x80, $0x38;
	[tilespmem:$0x17200] =	vst v63  }
0x3b8: {  	s11 =	sand.u32 $0x1FFFFFF0, s28  }
0x3b9: {  	s31 =	sld [smem:$0x7F5];
	s11 =	sadd.s32 s4, s11  }
0x3ba: {  	[tilespmem:s29], [sflag:$0x2] =	stream.linear.gather [hbm4b:s11+s3], $0x80, $0x38;
	[tilespmem:$0x17200] =	vst v63  }
0x3bb: {  	s11 =	sand.u32 $0x1FFFFFF0, s30  }
0x3bc: {  	s11 =	sadd.s32 s4, s11;
	s13 =	spop (v2sf);
	(v2sf) =	vpush v3, $0xC  }
0x3bd: {  	[tilespmem:s31], [sflag:$0x2] =	stream.linear.gather [hbm4b:s11+s3], $0x80, $0x38;
	[tilespmem:$0x17200] =	vst v63  }
0x3be: {  	s14 =	sld [smem:$0x7F6];
	s15 =	spop (v2sf);
	(v2sf) =	vpush v3, $0xD  }
0x3bf: {  	s11 =	sand.u32 $0x1FFFFFF0, s13  }
0x3c0: {  	s16 =	sld [smem:$0x7F7];
	s11 =	sadd.s32 s4, s11;
	s17 =	spop (v2sf)  }
0x3c1: {  	(v2sf) =	vpush v3, $0xE;
	[tilespmem:s14], [sflag:$0x2] =	stream.linear.gather [hbm4b:s11+s3], $0x80, $0x38;
	[tilespmem:$0x17200] =	vst v63  }
0x3c2: {  	s11 =	sand.u32 $0x1FFFFFF0, s15  }
0x3c3: {  	s18 =	sld [smem:$0x7F8];
	s19 =	spop (v2sf);
	s11 =	sadd.s32 s4, s11  }
0x3c4: {  	(v2sf) =	vpush v3, $0xF;
	[tilespmem:s16], [sflag:$0x2] =	stream.linear.gather [hbm4b:s11+s3], $0x80, $0x38;
	[tilespmem:$0x17200] =	vst v63  }
0x3c5: {  	s11 =	sand.u32 $0x1FFFFFF0, s17  }
0x3c6: {  	s20 =	sld [smem:$0x7F9];
	s11 =	sadd.s32 s4, s11  }
0x3c7: {  	[tilespmem:s18], [sflag:$0x2] =	stream.linear.gather [hbm4b:s11+s3], $0x80, $0x38;
	[tilespmem:$0x17200] =	vst v63  }
0x3c8: {  	s11 =	sand.u32 $0x1FFFFFF0, s19  }
0x3c9: {  	s11 =	sadd.s32 s4, s11  }
0x3ca: {  	[tilespmem:s20], [sflag:$0x2] =	stream.linear.gather [hbm4b:s11+s3], $0x80, $0x38;
	[tilespmem:$0x17200] =	vst v63  }
0x3cb: {  	s22 =	sld [smem:$0x7FA];
	s21 =	spop (v2sf)  }
0x3cc: {  	s11 =	sand.u32 $0x1FFFFFF0, s21  }
0x3cd: {  	s24 =	sld [smem:$0x7FB];
	s23 =	spop (v2sf);
	s11 =	sadd.s32 s4, s11  }
0x3ce: {  	[tilespmem:s22], [sflag:$0x2] =	stream.linear.gather [hbm4b:s11+s3], $0x80, $0x38;
	[tilespmem:$0x17200] =	vst v63  }
0x3cf: {  	s11 =	sand.u32 $0x1FFFFFF0, s23  }
0x3d0: {  	s26 =	sld [smem:$0x7FC];
	s25 =	spop (v2sf);
	s11 =	sadd.s32 s4, s11  }
0x3d1: {  	[tilespmem:s24], [sflag:$0x2] =	stream.linear.gather [hbm4b:s11+s3], $0x80, $0x38;
	[tilespmem:$0x17200] =	vst v63  }
0x3d2: {  	s11 =	sand.u32 $0x1FFFFFF0, s25  }
0x3d3: {  	s29 =	sld [smem:$0x7FD];
	s28 =	spop (v2sf);
	s11 =	sadd.s32 s4, s11  }
0x3d4: {  	[tilespmem:s26], [sflag:$0x2] =	stream.linear.gather [hbm4b:s11+s3], $0x80, $0x38;
	[tilespmem:$0x17200] =	vst v63  }
0x3d5: {  	s11 =	sand.u32 $0x1FFFFFF0, s28  }
0x3d6: {  	s11 =	sadd.s32 s4, s11  }
0x3d7: {  	[tilespmem:s29], [sflag:$0x2] =	stream.linear.gather [hbm4b:s11+s3], $0x80, $0x38;
	[tilespmem:$0x17200] =	vst v63  }
0x3d8: {  	_ =	swait.ge [sflag:s9], $0x80  }
0x3d9: {  	[sflag:s9] =	ssyncset.done $0x0  }
0x3da: {  	[sflag:s9] =	ssyncadd.s32 $0xFFFFFF80  }
0x3db: {  	_ =	swait.ge [sflag:s9], $0x80  }
0x3dc: {  	[sflag:s9] =	ssyncset.done $0x0  }
0x3dd: {  	[sflag:s9] =	ssyncadd.s32 $0xFFFFFF80  }
0x3de: {  	_ =	swait.ge [sflag:s9], $0x80  }
0x3df: {  	[sflag:s9] =	ssyncset.done $0x0  }
0x3e0: {  	[sflag:s9] =	ssyncadd.s32 $0xFFFFFF80  }
0x3e1: {  	_ =	swait.ge [sflag:s9], $0x80  }
0x3e2: {  	[sflag:s9] =	ssyncset.done $0x0  }
0x3e3: {  	[sflag:s9] =	ssyncadd.s32 $0xFFFFFF80  }
0x3e4: {  	_ =	swait.ge [sflag:s9], $0x80  }
0x3e5: {  	[sflag:s9] =	ssyncset.done $0x0  }
0x3e6: {  	[sflag:s9] =	ssyncadd.s32 $0xFFFFFF80  }
0x3e7: {  	_ =	swait.ge [sflag:s9], $0x80  }
0x3e8: {  	[sflag:s9] =	ssyncset.done $0x0  }
0x3e9: {  	[sflag:s9] =	ssyncadd.s32 $0xFFFFFF80  }
0x3ea: {  	_ =	swait.ge [sflag:s9], $0x80  }
0x3eb: {  	[sflag:s9] =	ssyncset.done $0x0  }
0x3ec: {  	[sflag:s9] =	ssyncadd.s32 $0xFFFFFF80  }
0x3ed: {  	_ =	swait.ge [sflag:s9], $0x80  }
0x3ee: {  	[sflag:s9] =	ssyncset.done $0x0  }
0x3ef: {  	[sflag:s9] =	ssyncadd.s32 $0xFFFFFF80  }
0x3f0: {  	_ =	swait.ge [sflag:s9], $0x80  }
0x3f1: {  	[sflag:s9] =	ssyncset.done $0x0  }
0x3f2: {  	[sflag:s9] =	ssyncadd.s32 $0xFFFFFF80  }
0x3f3: {  	_ =	swait.ge [sflag:s9], $0x80  }
0x3f4: {  	[sflag:s9] =	ssyncset.done $0x0  }
0x3f5: {  	[sflag:s9] =	ssyncadd.s32 $0xFFFFFF80  }
0x3f6: {  	_ =	swait.ge [sflag:s9], $0x80  }
0x3f7: {  	[sflag:s9] =	ssyncset.done $0x0  }
0x3f8: {  	[sflag:s9] =	ssyncadd.s32 $0xFFFFFF80  }
0x3f9: {  	_ =	swait.ge [sflag:s9], $0x80  }
0x3fa: {  	[sflag:s9] =	ssyncset.done $0x0  }
0x3fb: {  	[sflag:s9] =	ssyncadd.s32 $0xFFFFFF80  }
0x3fc: {  	_ =	swait.ge [sflag:s9], $0x80  }
0x3fd: {  	[sflag:s9] =	ssyncset.done $0x0  }
0x3fe: {  	[sflag:s9] =	ssyncadd.s32 $0xFFFFFF80  }
0x3ff: {  	_ =	swait.ge [sflag:s9], $0x80  }
0x400: {  	[sflag:s9] =	ssyncset.done $0x0  }
0x401: {  	[sflag:s9] =	ssyncadd.s32 $0xFFFFFF80  }
0x402: {  	_ =	swait.ge [sflag:s9], $0x80  }
0x403: {  	[sflag:s9] =	ssyncset.done $0x0  }
0x404: {  	[sflag:s9] =	ssyncadd.s32 $0xFFFFFF80  }
0x405: {  	_ =	swait.ge [sflag:s9], $0x80  }
0x406: {  	[sflag:s9] =	ssyncset.done $0x0  }
0x407: {  	s30 =	rddreg [dreg:$0x6];
	[sflag:s9] =	ssyncadd.s32 $0xFFFFFF80  }
0x408: {  	[hbm4b:s30+s3] =	stream.linear.scatter [tilespmem:s8], [sflag:$0x3], $0x3000, $0x38;
	[tilespmem:$0x17200] =	vst v63  }
0x409: {  	_ =	swait.ge [sflag:s6], $0x3000  }
0x40a: {  	[sflag:s6] =	ssyncset.done $0x0  }
0x40b: {  	[sflag:s6] =	ssyncadd.s32 $0xFFFFD000  }
0x40c: {  	_ =	swait.ge [sflag:s10], $0x8000  }
0x40d: {  	[sflag:s10] =	ssyncset.done $0x0  }
0x40e: {  	[sflag:s10] =	ssyncadd.s32 $0xFFFF8000  }
0x40f: {  	_ =	swait.ge [sflag:s10], $0x8000  }
0x410: {  	[sflag:s10] =	ssyncset.done $0x0  }
0x411: {  	[sflag:s10] =	ssyncadd.s32 $0xFFFF8000  }
0x412: {  	_ =	swait.ge [sflag:s10], $0x4000  }
0x413: {  	p0 =	sne.s32 s5, $0x1;
	[sflag:s10] =	ssyncset.done $0x0  }
.Ltmp0:
0x414: {  	s31 =	rddreg [dreg:$0x7];
	[sflag:s10] =	ssyncadd.s32 $0xFFFFC000;
	(pc) =	sbr.rel @p0 .LBB2_1-.Ltmp0, $4  }
0x415: {  	[hbm4b:s31+s3] =	stream.linear.scatter [tilespmem:s7], [sflag:$0x3], $0x14000, $0x38;
	[tilespmem:$0x17200] =	vst v63  }
0x416: {  	_ =	swait.ge [sflag:s6], $0x14000  }
0x417: {  	[sflag:s6] =	ssyncset.done $0x0  }
0x418: {  	s5 =	sadd.s32 $0xFFFFFFFF, s5;
	[sflag:s6] =	ssyncadd.s32 $0xFFFEC000  }
0x419: {  	_ =	sfence.sel $0x180000  }
0x41a: {  	[bflag:$0x0] =	sbarrier.arrive $0xFFFF  }
0x41b: {  	p0 =	sne.s32 s0, $0x0;
	_ =	strace $0x90000047  }
0x41c: {  	s0 =	sadd.s32 @!p0 $0x100000, s2;
	[bflag:$0x2] =	sbarrier.arrive $0xFFFF  }
0x41d: {  	[sflag:s0] =	ssyncadd.tile.s32 @!p0 $0x1;
	_ =	shalt  }
.Lfunc_end2:
_tile_overlayer_lowered:
.L_overlay_start_2:
0x41e: {  	(tag) =	ssettag $0x2  }
0x41f: {  	s0 =	rddreg [dreg:$0x0];
	s2 =	stileid.u32  }
0x420: {  	s1 =	rddreg [dreg:$0x1];
	p0 =	sne.s32 s2, $0x0  }
0x421: {  	s3 =	rddreg [dreg:$0x2];
	[bflag:$0x3] =	sbarrier.arrive $0xFFFF;
	s2 =	simm.s32 @!p0 $0x1C03  }
0x422: {  	[timem:s3], [sflag:s2] =	dma.local @!p0 [hbm:s0], s1  }
0x423: {  	s0 =	simm.s32 @!p0 $0x3  }
0x424: {  	_ =	swait.ge @!p0 [sflag:s0], s1  }
0x425: {  	s1 =	ssub.s32 @!p0 $0x0, s1;
	[sflag:s0] =	ssyncset.done @!p0 $0x0  }
0x426: {  	[sflag:s0] =	ssyncadd.s32 @!p0 s1  }
0x427: {  	[bflag:$0x3] =	sbarrier.arrive $0xFFFF  }
0x428: {  	_ =	shalt  }

</sc_bundles>
